<compile_context>
chip_gen: v7x
topology: tpu7x:2x2x1
jax: 0.10.2.dev20260603
libtpu: 0.0.44.dev20260713+nightly
codegen_flags: <defaults>
</compile_context>

<pallas_src>
import jax
import jax.numpy as jnp
from jax import lax
from jax.experimental import pallas as pl
from jax.experimental.pallas import tpu as pltpu
from jax.experimental.pallas import tpu_sc as plsc

N = 10000
E = 160000
F = 256
P = 4
FC = 128
NCHUNK = (F * P) // FC
NSC = 2
NSUB = 16
NW = NSC * NSUB
EPW = E // NW
B = 128
NB = -(-EPW // B)
EPW_PAD = NB * B
SROWS = 10240
TRASH = N
ZROWS = SROWS // NSUB
ZB = 32
BN = 1000
GRID = N // BN

_MESH = dict(core_axis_name="c", subcore_axis_name="s", num_cores=NSC,
             num_subcores=NSUB)


def _sc_deg_body(cols_hbm, ones_hbm, zeros_hbm, out_hbm,
                 cols_v, ones_v, zb_v, deg_sp):
  c = lax.axis_index("c")
  s = lax.axis_index("s")
  wid = c * NSUB + s
  pltpu.sync_copy(zeros_hbm, zb_v)
  pltpu.sync_copy(ones_hbm, ones_v)
  pltpu.sync_copy(cols_hbm.at[wid], cols_v)

  def zero(i, carry):
    pltpu.sync_copy(zb_v, deg_sp.at[pl.ds(s * ZROWS + i * ZB, ZB)])
    return carry

  lax.fori_loop(0, ZROWS // ZB, zero, 0)
  plsc.subcore_barrier()

  def batch(b, carry):
    pltpu.sync_copy(ones_v, deg_sp.at[cols_v.at[b]], add=True)
    return carry

  lax.fori_loop(0, NB, batch, 0)
  plsc.subcore_barrier()
  pltpu.sync_copy(deg_sp.at[pl.ds(s * ZROWS, ZROWS)],
                  out_hbm.at[c, pl.ds(s * ZROWS, ZROWS)])


def _sc_deg(cols_p, ones16, zeros16):
  k = pl.kernel(
      _sc_deg_body,
      out_type=jax.ShapeDtypeStruct((NSC, SROWS, 16), jnp.float32),
      mesh=plsc.VectorSubcoreMesh(**_MESH),
      compiler_params=pltpu.CompilerParams(use_tc_tiling_on_sc=False),
      scratch_types=[
          pltpu.VMEM((NB, B), jnp.int32),
          pltpu.VMEM((B, 16), jnp.float32),
          pltpu.VMEM((ZB, 16), jnp.float32),
          pltpu.VMEM_SHARED((SROWS, 16), jnp.float32),
      ],
  )
  return k(cols_p, ones16, zeros16)


def _sc_spmm_body(xs_hbm, rows8_hbm, cols_hbm, zeros_hbm, out_hbm,
                  rowsc_v, cols_v, g0_v, g1_v, zb_v, s_sp, sem0, sem1):
  c = lax.axis_index("c")
  s = lax.axis_index("s")
  wid = c * NSUB + s
  pltpu.sync_copy(zeros_hbm, zb_v)
  pltpu.sync_copy(cols_hbm.at[wid], cols_v)

  def gather(b, buf, sem):
    pltpu.async_copy(xs_hbm.at[rowsc_v.at[b]], buf, sem)

  def gwait(buf, sem):
    pltpu.make_async_copy(xs_hbm.at[rowsc_v.at[0]], buf, sem).wait()

  def zero(i, carry):
    pltpu.sync_copy(zb_v, s_sp.at[pl.ds(s * ZROWS + i * ZB, ZB)])
    return carry

  pltpu.sync_copy(rows8_hbm.at[0, wid], rowsc_v)
  gather(0, g0_v, sem0)
  gather(1, g1_v, sem1)
  lax.fori_loop(0, ZROWS // ZB, zero, 0)
  plsc.subcore_barrier()

  for chunk in range(NCHUNK):
    def pair(i, carry):
      b0 = 2 * i
      gwait(g0_v, sem0)
      pltpu.sync_copy(g0_v, s_sp.at[cols_v.at[b0]], add=True)

      @pl.when(b0 + 2 < NB)
      def _():
        gather(b0 + 2, g0_v, sem0)

      gwait(g1_v, sem1)
      pltpu.sync_copy(g1_v, s_sp.at[cols_v.at[b0 + 1]], add=True)

      @pl.when(b0 + 3 < NB)
      def _():
        gather(b0 + 3, g1_v, sem1)

      return carry

    lax.fori_loop(0, NB // 2, pair, 0)

    if chunk + 1 < NCHUNK:
      pltpu.sync_copy(rows8_hbm.at[chunk + 1, wid], rowsc_v)
      gather(0, g0_v, sem0)
      gather(1, g1_v, sem1)

    plsc.subcore_barrier()
    pltpu.sync_copy(s_sp.at[pl.ds(s * ZROWS, ZROWS)],
                    out_hbm.at[c, chunk, pl.ds(s * ZROWS, ZROWS)])
    if chunk + 1 < NCHUNK:
      lax.fori_loop(0, ZROWS // ZB, zero, 0)
    plsc.subcore_barrier()


def _sc_spmm(xs_flat, rows8_p, cols_p, zeros128):
  k = pl.kernel(
      _sc_spmm_body,
      out_type=jax.ShapeDtypeStruct((NSC, NCHUNK, SROWS, FC), jnp.float32),
      mesh=plsc.VectorSubcoreMesh(**_MESH),
      scratch_types=[
          pltpu.VMEM((NB, B), jnp.int32),
          pltpu.VMEM((NB, B), jnp.int32),
          pltpu.VMEM((B, FC), jnp.float32),
          pltpu.VMEM((B, FC), jnp.float32),
          pltpu.VMEM((ZB, FC), jnp.float32),
          pltpu.VMEM_SHARED((SROWS, FC), jnp.float32),
          pltpu.SemaphoreType.DMA,
          pltpu.SemaphoreType.DMA,
      ],
  )
  return k(xs_flat, rows8_p, cols_p, zeros128)


def _tc_scale_body(xt_ref, degp_ref, xs_ref, dinv_ref):
  d = degp_ref[0, :, 0:1] + degp_ref[1, :, 0:1] + 1.0
  dinv = lax.rsqrt(d)
  dinv_ref[...] = dinv
  xs_ref[...] = xt_ref[...] * dinv[None, :, :]


def _tc_scale(xt8, degp):
  return pl.pallas_call(
      _tc_scale_body,
      grid=(GRID,),
      in_specs=[
          pl.BlockSpec((NCHUNK, BN, FC), lambda i: (0, i, 0)),
          pl.BlockSpec((NSC, BN, 16), lambda i: (0, i, 0)),
      ],
      out_specs=[
          pl.BlockSpec((NCHUNK, BN, FC), lambda i: (0, i, 0)),
          pl.BlockSpec((BN, 1), lambda i: (i, 0)),
      ],
      out_shape=[
          jax.ShapeDtypeStruct((NCHUNK, N, FC), jnp.float32),
          jax.ShapeDtypeStruct((N, 1), jnp.float32),
      ],
  )(xt8, degp)


def _tc_final_body(sp_ref, xt_ref, dinv_ref, att_ref, wz_ref, bz_ref,
                   lzw_ref, lzb_ref, wh_ref, bh_ref, lhw_ref, lhb_ref,
                   out_ref, mz_s, mh_s, cz_s, ch_s):
  prec = lax.Precision.HIGHEST

  @pl.when(pl.program_id(0) == 0)
  def _():
    mz_s[...] = jnp.dot(wz_ref[...], lzw_ref[0:F, :],
                        preferred_element_type=jnp.float32, precision=prec)
    mh_s[...] = jnp.dot(wh_ref[...], lhw_ref[0:F, :],
                        preferred_element_type=jnp.float32, precision=prec)
    cz_s[...] = jnp.dot(bz_ref[...], lzw_ref[0:F, :],
                        preferred_element_type=jnp.float32,
                        precision=prec) + lzb_ref[...]
    ch_s[...] = jnp.dot(bh_ref[...], lhw_ref[0:F, :],
                        preferred_element_type=jnp.float32,
                        precision=prec) + lhb_ref[...]

  att = att_ref[...]
  e = jnp.exp(att - jnp.max(att, axis=1, keepdims=True))
  probs = e / jnp.sum(e, axis=1, keepdims=True)
  dinv = dinv_ref[...]
  s8 = sp_ref[0] + sp_ref[1] + xt_ref[...]

  prec_big = lax.Precision.DEFAULT
  acc = jnp.zeros((BN, F), jnp.float32)
  for p in range(P):
    wp = 0.5 * jnp.sum(probs[:, p:p + 1])
    yp = jnp.concatenate([s8[2 * p], s8[2 * p + 1]], axis=-1) * dinv
    az = jnp.dot(yp, mz_s[...], preferred_element_type=jnp.float32,
                 precision=prec_big) + cz_s[...]
    ah = jnp.dot(yp, mh_s[...], preferred_element_type=jnp.float32,
                 precision=prec_big) + ch_s[...]
    sig = 1.0 / (1.0 + jnp.exp(-az))
    acc = acc + wp * ((1.0 - sig) * jnp.tanh(ah))
  out_ref[...] = acc


def _tc_final(sp, xt8, dinv, attention, Wz, bz, lzW, lzb, Wh, bh, lhW, lhb):
  def full(shape):
    return pl.BlockSpec(shape, lambda i, _s=shape: tuple(0 for _ in _s))

  return pl.pallas_call(
      _tc_final_body,
      grid=(GRID,),
      in_specs=[
          pl.BlockSpec((NSC, NCHUNK, BN, FC), lambda i: (0, 0, i, 0)),
          pl.BlockSpec((NCHUNK, BN, FC), lambda i: (0, i, 0)),
          pl.BlockSpec((BN, 1), lambda i: (i, 0)),
          full((2, P)),
          full((F, F)),
          full((1, F)),
          full((2 * F, F)),
          full((1, F)),
          full((F, F)),
          full((1, F)),
          full((2 * F, F)),
          full((1, F)),
      ],
      out_specs=pl.BlockSpec((BN, F), lambda i: (i, 0)),
      out_shape=jax.ShapeDtypeStruct((N, F), jnp.float32),
      scratch_shapes=[
          pltpu.VMEM((F, F), jnp.float32),
          pltpu.VMEM((F, F), jnp.float32),
          pltpu.VMEM((1, F), jnp.float32),
          pltpu.VMEM((1, F), jnp.float32),
      ],
  )(sp, xt8, dinv, attention, Wz, bz, lzW, lzb, Wh, bh, lhW, lhb)


def kernel(X, edge_index, attention, Wz, bz, lzW, lzb, Wr, br, lrW, lrb,
           Wh, bh, lhW, lhb):
  del Wr, br, lrW, lrb
  rows = edge_index[0].reshape(NW, EPW)
  cols = edge_index[1].reshape(NW, EPW)
  pad = EPW_PAD - EPW
  pad_rows = ((jnp.arange(NW, dtype=jnp.int32)[:, None] * 997 +
               jnp.arange(pad, dtype=jnp.int32)[None, :] * 131) % N)
  pad_cols = (TRASH +
              (jnp.arange(NW, dtype=jnp.int32)[:, None] * 7 +
               jnp.arange(pad, dtype=jnp.int32)[None, :]) % (SROWS - N))
  rows_p = jnp.concatenate([rows, pad_rows], axis=1).reshape(NW, NB, B)
  cols_p = jnp.concatenate([cols, pad_cols], axis=1).reshape(NW, NB, B)
  rows8_p = (rows_p[None] +
             (jnp.arange(NCHUNK, dtype=jnp.int32) * N)[:, None, None, None])

  xt8 = (X.transpose(2, 0, 1)
         .reshape(P, N, 2, FC)
         .transpose(0, 2, 1, 3)
         .reshape(NCHUNK, N, FC))

  ones16 = jnp.ones((B, 16), jnp.float32)
  zeros16 = jnp.zeros((ZB, 16), jnp.float32)
  zeros128 = jnp.zeros((ZB, FC), jnp.float32)

  degp = _sc_deg(cols_p, ones16, zeros16)
  xs, dinv = _tc_scale(xt8, degp)
  sp = _sc_spmm(xs.reshape(NCHUNK * N, FC), rows8_p, cols_p, zeros128)
  return _tc_final(sp, xs, dinv, attention, Wz, bz.reshape(1, F), lzW,
                   lzb.reshape(1, F), Wh, bh.reshape(1, F), lhW,
                   lhb.reshape(1, F))

# --- scband reference (transcript-rebuilt; emitter-appended) ---
"""Pipeline reference for scband-matgcn-48928267436252 (READ-ONLY COPY).

The authoritative reference and input builder live on the scoring server;
editing this copy changes nothing except your own understanding.
"""

import jax, jax.numpy as jnp
import numpy as np

N = 10000
E = 160000
F_IN = 256
F_OUT = 256
PERIODS = 4
HEADS = 2


def gcn_conv(x, edge_index, W, b):
    # GCNConv with add_self_loops=True, improved=False, symmetric normalization
    n = x.shape[0]
    loop = jnp.arange(n, dtype=edge_index.dtype)
    row = jnp.concatenate([edge_index[0], loop])
    col = jnp.concatenate([edge_index[1], loop])
    ew = jnp.ones(row.shape[0], dtype=x.dtype)
    deg = jnp.zeros((n,), dtype=x.dtype).at[col].add(ew)
    dinv = jnp.where(deg > 0, jax.lax.rsqrt(jnp.maximum(deg, 1e-12)), 0.0)
    norm = dinv[row] * ew * dinv[col]
    xw = x @ W
    msg = xw[row] * norm[:, None]
    out = jnp.zeros((n, W.shape[1]), dtype=x.dtype).at[col].add(msg)
    return out + b


def tgcn_cell(Xt, edge_index, H, Wz, bz, lzW, lzb, Wr, br, lrW, lrb, Wh, bh, lhW, lhb):
    Z = jax.nn.sigmoid(jnp.concatenate([gcn_conv(Xt, edge_index, Wz, bz), H], axis=1) @ lzW + lzb)
    R = jax.nn.sigmoid(jnp.concatenate([gcn_conv(Xt, edge_index, Wr, br), H], axis=1) @ lrW + lrb)
    H_tilde = jnp.tanh(jnp.concatenate([gcn_conv(Xt, edge_index, Wh, bh), H * R], axis=1) @ lhW + lhb)
    return Z * H + (1.0 - Z) * H_tilde


def setup_inputs(seed: int = 0):
    key = jax.random.key(seed)
    ks = jax.random.split(key, 20)
    X = jax.random.normal(ks[0], (N, F_IN, PERIODS), dtype=jnp.float32)
    edge_index = jax.random.randint(ks[1], (2, E), 0, N, dtype=jnp.int32)
    attention = jax.random.uniform(ks[2], (HEADS, PERIODS), dtype=jnp.float32)
    s1 = float(1.0 / np.sqrt(F_IN))
    s2 = float(1.0 / np.sqrt(2 * F_OUT))
    Wz = jax.random.uniform(ks[3], (F_IN, F_OUT), jnp.float32, -s1, s1)
    bz = jax.random.uniform(ks[4], (F_OUT,), jnp.float32, -s1, s1)
    lzW = jax.random.uniform(ks[5], (2 * F_OUT, F_OUT), jnp.float32, -s2, s2)
    lzb = jax.random.uniform(ks[6], (F_OUT,), jnp.float32, -s2, s2)
    Wr = jax.random.uniform(ks[7], (F_IN, F_OUT), jnp.float32, -s1, s1)
    br = jax.random.uniform(ks[8], (F_OUT,), jnp.float32, -s1, s1)
    lrW = jax.random.uniform(ks[9], (2 * F_OUT, F_OUT), jnp.float32, -s2, s2)
    lrb = jax.random.uniform(ks[10], (F_OUT,), jnp.float32, -s2, s2)
    Wh = jax.random.uniform(ks[11], (F_IN, F_OUT), jnp.float32, -s1, s1)
    bh = jax.random.uniform(ks[12], (F_OUT,), jnp.float32, -s1, s1)
    lhW = jax.random.uniform(ks[13], (2 * F_OUT, F_OUT), jnp.float32, -s2, s2)
    lhb = jax.random.uniform(ks[14], (F_OUT,), jnp.float32, -s2, s2)
    return {"X": X, "edge_index": edge_index, "attention": attention,
            "Wz": Wz, "bz": bz, "lzW": lzW, "lzb": lzb,
            "Wr": Wr, "br": br, "lrW": lrW, "lrb": lrb,
            "Wh": Wh, "bh": bh, "lhW": lhW, "lhb": lhb}


def reference(X, edge_index, attention, Wz, bz, lzW, lzb, Wr, br, lrW, lrb, Wh, bh, lhW, lhb):
    H_accum = jnp.zeros((N, F_OUT), dtype=X.dtype)
    for head in range(HEADS):
        probs = jax.nn.softmax(attention[head])
        H_head = jnp.zeros((N, F_OUT), dtype=X.dtype)
        H0 = jnp.zeros((N, F_OUT), dtype=X.dtype)  # H=None -> zeros
        for p in range(PERIODS):
            H_head = H_head + probs[p] * tgcn_cell(X[:, :, p], edge_index, H0, Wz, bz, lzW, lzb, Wr, br, lrW, lrb, Wh, bh, lhW, lhb)
        H_accum = H_accum + H_head
    return H_accum / HEADS

if __name__ == "__main__":
    import jax
    _d = setup_inputs()
    print(jax.jit(kernel)(*tuple(_d.values())))

</pallas_src>

<mosaic_0001>
#map = affine_map<(d0, d1) -> (0, 0, 0)>
#map1 = affine_map<(d0, d1) -> (0, 0)>
module attributes {stable_mosaic.version = 14 : i64} {
  func.func @_sc_deg_body(%arg0: i32, %arg1: i32, %arg2: memref<32x40x128xi32, #tpu.memory_space<hbm>>, %arg3: memref<128x16xf32, #tpu.memory_space<hbm>>, %arg4: memref<32x16xf32, #tpu.memory_space<hbm>>, %arg5: memref<2x10240x16xf32, #tpu.memory_space<hbm>>, %arg6: memref<40x128xi32, #tpu.memory_space<vmem>>, %arg7: memref<128x16xf32, #tpu.memory_space<vmem>>, %arg8: memref<32x16xf32, #tpu.memory_space<vmem>>, %arg9: memref<10240x16xf32, #tpu.memory_space<vmem_shared>>) attributes {dimension_semantics = [#tpu.dimension_semantics<core_parallel>, #tpu.dimension_semantics<subcore_parallel>], iteration_bounds = array<i64: 2, 16>, scalar_prefetch = 0 : i64, scratch_operands = 4 : i64, tpu.core_type = #tpu.core_type<sc_vector_subcore>, window_params = [{transform_indices = #map}, {transform_indices = #map1}, {transform_indices = #map1}, {transform_indices = #map}]} {
    %mul3A = arith.constant 16 : i32
    %mul3A_0 = arith.muli %arg0, %mul3A : i32
    %add3A = arith.addi %mul3A_0, %arg1 : i32
    "tpu.region"() ({
      %run_scoped3A = tpu.sem_alloc : memref<!tpu.dma_semaphore, #tpu.memory_space<semaphore_mem>>
      tpu.enqueue_dma source(%arg4 : memref<32x16xf32, #tpu.memory_space<hbm>>) target(%arg8 : memref<32x16xf32, #tpu.memory_space<vmem>>) target_semaphore(%run_scoped3A : memref<!tpu.dma_semaphore, #tpu.memory_space<semaphore_mem>>)
      tpu.wait_dma2 semaphore(%run_scoped3A : memref<!tpu.dma_semaphore, #tpu.memory_space<semaphore_mem>>) src(%arg4 : memref<32x16xf32, #tpu.memory_space<hbm>>) dst(%arg8 : memref<32x16xf32, #tpu.memory_space<vmem>>)
      tpu.yield
    }) : () -> ()
    "tpu.region"() ({
      %run_scoped3A = tpu.sem_alloc : memref<!tpu.dma_semaphore, #tpu.memory_space<semaphore_mem>>
      tpu.enqueue_dma source(%arg3 : memref<128x16xf32, #tpu.memory_space<hbm>>) target(%arg7 : memref<128x16xf32, #tpu.memory_space<vmem>>) target_semaphore(%run_scoped3A : memref<!tpu.dma_semaphore, #tpu.memory_space<semaphore_mem>>)
      tpu.wait_dma2 semaphore(%run_scoped3A : memref<!tpu.dma_semaphore, #tpu.memory_space<semaphore_mem>>) src(%arg3 : memref<128x16xf32, #tpu.memory_space<hbm>>) dst(%arg7 : memref<128x16xf32, #tpu.memory_space<vmem>>)
      tpu.yield
    }) : () -> ()
    "tpu.region"() ({
      %run_scoped3A = tpu.sem_alloc : memref<!tpu.dma_semaphore, #tpu.memory_space<semaphore_mem>>
      %dma_start3A = arith.constant 0 : i32
      %dma_start3A_17 = arith.constant 0 : i32
      %dma_start3A_18 = tpu.memref_slice %arg2[%add3A, %dma_start3A, %dma_start3A_17] : memref<32x40x128xi32, #tpu.memory_space<hbm>> -> memref<1x40x128xi32, #tpu.memory_space<hbm>>
      %dma_start3A_19 = tpu.memref_squeeze %dma_start3A_18 : memref<1x40x128xi32, #tpu.memory_space<hbm>> -> memref<40x128xi32, #tpu.memory_space<hbm>>
      %dma_start3A_20 = arith.constant 0 : i32
      %dma_start3A_21 = arith.constant 0 : i32
      %dma_start3A_22 = tpu.memref_slice %arg2[%add3A, %dma_start3A_20, %dma_start3A_21] : memref<32x40x128xi32, #tpu.memory_space<hbm>> -> memref<1x40x128xi32, #tpu.memory_space<hbm>>
      %dma_start3A_23 = tpu.memref_squeeze %dma_start3A_22 : memref<1x40x128xi32, #tpu.memory_space<hbm>> -> memref<40x128xi32, #tpu.memory_space<hbm>>
      tpu.enqueue_dma source(%dma_start3A_23 : memref<40x128xi32, #tpu.memory_space<hbm>>) target(%arg6 : memref<40x128xi32, #tpu.memory_space<vmem>>) target_semaphore(%run_scoped3A : memref<!tpu.dma_semaphore, #tpu.memory_space<semaphore_mem>>)
      %dma_wait3A = arith.constant 0 : i32
      %dma_wait3A_24 = arith.constant 0 : i32
      %dma_wait3A_25 = tpu.memref_slice %arg2[%add3A, %dma_wait3A, %dma_wait3A_24] : memref<32x40x128xi32, #tpu.memory_space<hbm>> -> memref<1x40x128xi32, #tpu.memory_space<hbm>>
      %dma_wait3A_26 = tpu.memref_squeeze %dma_wait3A_25 : memref<1x40x128xi32, #tpu.memory_space<hbm>> -> memref<40x128xi32, #tpu.memory_space<hbm>>
      %dma_wait3A_27 = arith.constant 0 : i32
      %dma_wait3A_28 = arith.constant 0 : i32
      %dma_wait3A_29 = tpu.memref_slice %arg2[%add3A, %dma_wait3A_27, %dma_wait3A_28] : memref<32x40x128xi32, #tpu.memory_space<hbm>> -> memref<1x40x128xi32, #tpu.memory_space<hbm>>
      %dma_wait3A_30 = tpu.memref_squeeze %dma_wait3A_29 : memref<1x40x128xi32, #tpu.memory_space<hbm>> -> memref<40x128xi32, #tpu.memory_space<hbm>>
      tpu.wait_dma2 semaphore(%run_scoped3A : memref<!tpu.dma_semaphore, #tpu.memory_space<semaphore_mem>>) src(%dma_wait3A_30 : memref<40x128xi32, #tpu.memory_space<hbm>>) dst(%arg6 : memref<40x128xi32, #tpu.memory_space<vmem>>)
      tpu.yield
    }) : () -> ()
    %scan3A = arith.constant 0 : i32
    %scan3A_1 = arith.constant 0 : i32
    %scan3A_2 = arith.constant 20 : i32
    %scan3A_3 = arith.addi %scan3A_1, %scan3A_2 : i32
    %scan3A_4 = arith.constant 1 : i32
    scf.for %scan3A_17 = %scan3A_1 to %scan3A_3 step %scan3A_4  : i32 {
      %mul3A_18 = arith.constant 640 : i32
      %mul3A_19 = arith.muli %arg1, %mul3A_18 : i32
      %mul3A_20 = arith.constant 32 : i32
      %mul3A_21 = arith.muli %scan3A_17, %mul3A_20 : i32
      %add3A_22 = arith.addi %mul3A_19, %mul3A_21 : i32
      "tpu.region"() ({
        %run_scoped3A = tpu.sem_alloc : memref<!tpu.dma_semaphore, #tpu.memory_space<semaphore_mem>>
        %dma_start3A = arith.constant 0 : i32
        %dma_start3A_23 = tpu.memref_slice %arg9[%add3A_22, %dma_start3A] : memref<10240x16xf32, #tpu.memory_space<vmem_shared>> -> memref<32x16xf32, #tpu.memory_space<vmem_shared>>
        %dma_start3A_24 = arith.constant 0 : i32
        %dma_start3A_25 = tpu.memref_slice %arg9[%add3A_22, %dma_start3A_24] : memref<10240x16xf32, #tpu.memory_space<vmem_shared>> -> memref<32x16xf32, #tpu.memory_space<vmem_shared>>
        tpu.enqueue_dma source(%arg8 : memref<32x16xf32, #tpu.memory_space<vmem>>) target(%dma_start3A_25 : memref<32x16xf32, #tpu.memory_space<vmem_shared>>) target_semaphore(%run_scoped3A : memref<!tpu.dma_semaphore, #tpu.memory_space<semaphore_mem>>)
        %dma_wait3A = arith.constant 0 : i32
        %dma_wait3A_26 = tpu.memref_slice %arg9[%add3A_22, %dma_wait3A] : memref<10240x16xf32, #tpu.memory_space<vmem_shared>> -> memref<32x16xf32, #tpu.memory_space<vmem_shared>>
        %dma_wait3A_27 = arith.constant 0 : i32
        %dma_wait3A_28 = tpu.memref_slice %arg9[%add3A_22, %dma_wait3A_27] : memref<10240x16xf32, #tpu.memory_space<vmem_shared>> -> memref<32x16xf32, #tpu.memory_space<vmem_shared>>
        tpu.wait_dma2 semaphore(%run_scoped3A : memref<!tpu.dma_semaphore, #tpu.memory_space<semaphore_mem>>) src(%arg8 : memref<32x16xf32, #tpu.memory_space<vmem>>) dst(%dma_wait3A_28 : memref<32x16xf32, #tpu.memory_space<vmem_shared>>)
        tpu.yield
      }) : () -> ()
    }
    %scan3A_5 = arith.constant 20 : i32
    %barrier3A = arith.constant 0 : index
    tpu.barrier barrier_id(%barrier3A)
    %scan3A_6 = arith.constant 0 : i32
    %scan3A_7 = arith.constant 0 : i32
    %scan3A_8 = arith.constant 40 : i32
    %scan3A_9 = arith.addi %scan3A_7, %scan3A_8 : i32
    %scan3A_10 = arith.constant 1 : i32
    scf.for %scan3A_17 = %scan3A_7 to %scan3A_9 step %scan3A_10  : i32 {
      "tpu.region"() ({
        %run_scoped3A = tpu.sem_alloc : memref<!tpu.dma_semaphore, #tpu.memory_space<semaphore_mem>>
        %dma_start3A = arith.constant 0 : i32
        %dma_start3A_18 = tpu.memref_slice %arg6[%scan3A_17, %dma_start3A] : memref<40x128xi32, #tpu.memory_space<vmem>> -> memref<1x128xi32, #tpu.memory_space<vmem>>
        %dma_start3A_19 = tpu.memref_squeeze %dma_start3A_18 : memref<1x128xi32, #tpu.memory_space<vmem>> -> memref<128xi32, #tpu.memory_space<vmem>>
        %dma_start3A_20 = arith.constant 0 : i32
        %dma_start3A_21 = arith.constant 0 : i32
        %dma_start3A_22 = tpu.memref_slice %arg9[%dma_start3A_20, %dma_start3A_21] : memref<10240x16xf32, #tpu.memory_space<vmem_shared>> -> memref<10240x16xf32, #tpu.memory_space<vmem_shared>>
        tpu.enqueue_indirect_dma source(%arg7 : memref<128x16xf32, #tpu.memory_space<vmem>>) target(%dma_start3A_22 : memref<10240x16xf32, #tpu.memory_space<vmem_shared>>) offsets(%dma_start3A_19 : memref<128xi32, #tpu.memory_space<vmem>>) semaphore(%run_scoped3A : memref<!tpu.dma_semaphore, #tpu.memory_space<semaphore_mem>>) {add = true}
        %dma_wait3A = arith.constant 0 : i32
        %dma_wait3A_23 = tpu.memref_slice %arg6[%scan3A_17, %dma_wait3A] : memref<40x128xi32, #tpu.memory_space<vmem>> -> memref<1x128xi32, #tpu.memory_space<vmem>>
        %dma_wait3A_24 = tpu.memref_squeeze %dma_wait3A_23 : memref<1x128xi32, #tpu.memory_space<vmem>> -> memref<128xi32, #tpu.memory_space<vmem>>
        %dma_wait3A_25 = arith.constant 0 : i32
        %dma_wait3A_26 = arith.constant 0 : i32
        %dma_wait3A_27 = tpu.memref_slice %arg9[%dma_wait3A_25, %dma_wait3A_26] : memref<10240x16xf32, #tpu.memory_space<vmem_shared>> -> memref<10240x16xf32, #tpu.memory_space<vmem_shared>>
        tpu.wait_indirect_dma semaphore(%run_scoped3A : memref<!tpu.dma_semaphore, #tpu.memory_space<semaphore_mem>>) src(%arg7 : memref<128x16xf32, #tpu.memory_space<vmem>>) dst(%dma_wait3A_27 : memref<10240x16xf32, #tpu.memory_space<vmem_shared>>)
        tpu.yield
      }) : () -> ()
    }
    %scan3A_11 = arith.constant 40 : i32
    %barrier3A_12 = arith.constant 0 : index
    tpu.barrier barrier_id(%barrier3A_12)
    %mul3A_13 = arith.constant 640 : i32
    %mul3A_14 = arith.muli %arg1, %mul3A_13 : i32
    %mul3A_15 = arith.constant 640 : i32
    %mul3A_16 = arith.muli %arg1, %mul3A_15 : i32
    "tpu.region"() ({
      %run_scoped3A = tpu.sem_alloc : memref<!tpu.dma_semaphore, #tpu.memory_space<semaphore_mem>>
      %dma_start3A = arith.constant 0 : i32
      %dma_start3A_17 = tpu.memref_slice %arg5[%arg0, %mul3A_16, %dma_start3A] : memref<2x10240x16xf32, #tpu.memory_space<hbm>> -> memref<1x640x16xf32, #tpu.memory_space<hbm>>
      %dma_start3A_18 = tpu.memref_squeeze %dma_start3A_17 : memref<1x640x16xf32, #tpu.memory_space<hbm>> -> memref<640x16xf32, #tpu.memory_space<hbm>>
      %dma_start3A_19 = arith.constant 0 : i32
      %dma_start3A_20 = tpu.memref_slice %arg9[%mul3A_14, %dma_start3A_19] : memref<10240x16xf32, #tpu.memory_space<vmem_shared>> -> memref<640x16xf32, #tpu.memory_space<vmem_shared>>
      tpu.enqueue_dma source(%dma_start3A_20 : memref<640x16xf32, #tpu.memory_space<vmem_shared>>) target(%dma_start3A_18 : memref<640x16xf32, #tpu.memory_space<hbm>>) target_semaphore(%run_scoped3A : memref<!tpu.dma_semaphore, #tpu.memory_space<semaphore_mem>>)
      %dma_wait3A = arith.constant 0 : i32
      %dma_wait3A_21 = tpu.memref_slice %arg5[%arg0, %mul3A_16, %dma_wait3A] : memref<2x10240x16xf32, #tpu.memory_space<hbm>> -> memref<1x640x16xf32, #tpu.memory_space<hbm>>
      %dma_wait3A_22 = tpu.memref_squeeze %dma_wait3A_21 : memref<1x640x16xf32, #tpu.memory_space<hbm>> -> memref<640x16xf32, #tpu.memory_space<hbm>>
      %dma_wait3A_23 = arith.constant 0 : i32
      %dma_wait3A_24 = tpu.memref_slice %arg9[%mul3A_14, %dma_wait3A_23] : memref<10240x16xf32, #tpu.memory_space<vmem_shared>> -> memref<640x16xf32, #tpu.memory_space<vmem_shared>>
      tpu.wait_dma2 semaphore(%run_scoped3A : memref<!tpu.dma_semaphore, #tpu.memory_space<semaphore_mem>>) src(%dma_wait3A_24 : memref<640x16xf32, #tpu.memory_space<vmem_shared>>) dst(%dma_wait3A_22 : memref<640x16xf32, #tpu.memory_space<hbm>>)
      tpu.yield
    }) : () -> ()
    return
  }
}

#map = affine_map<(d0, d1) -> (0, 0)>
#map1 = affine_map<(d0, d1) -> (0, 0, 0, 0)>
#map2 = affine_map<(d0, d1) -> (0, 0, 0)>
module attributes {stable_mosaic.version = 14 : i64} {
  func.func @_sc_spmm_body(%arg0: i32, %arg1: i32, %arg2: memref<80000x128xf32, #tpu.memory_space<hbm>>, %arg3: memref<8x32x40x128xi32, #tpu.memory_space<hbm>>, %arg4: memref<32x40x128xi32, #tpu.memory_space<hbm>>, %arg5: memref<32x128xf32, #tpu.memory_space<hbm>>, %arg6: memref<2x8x10240x128xf32, #tpu.memory_space<hbm>>, %arg7: memref<40x128xi32, #tpu.memory_space<vmem>>, %arg8: memref<40x128xi32, #tpu.memory_space<vmem>>, %arg9: memref<128x128xf32, #tpu.memory_space<vmem>>, %arg10: memref<128x128xf32, #tpu.memory_space<vmem>>, %arg11: memref<32x128xf32, #tpu.memory_space<vmem>>, %arg12: memref<10240x128xf32, #tpu.memory_space<vmem_shared>>, %arg13: memref<!tpu.dma_semaphore, #tpu.memory_space<semaphore_mem>>, %arg14: memref<!tpu.dma_semaphore, #tpu.memory_space<semaphore_mem>>) attributes {dimension_semantics = [#tpu.dimension_semantics<core_parallel>, #tpu.dimension_semantics<subcore_parallel>], iteration_bounds = array<i64: 2, 16>, scalar_prefetch = 0 : i64, scratch_operands = 8 : i64, tpu.core_type = #tpu.core_type<sc_vector_subcore>, window_params = [{transform_indices = #map}, {transform_indices = #map1}, {transform_indices = #map2}, {transform_indices = #map}, {transform_indices = #map1}]} {
    %mul3A = arith.constant 16 : i32
    %mul3A_0 = arith.muli %arg0, %mul3A : i32
    %add3A = arith.addi %mul3A_0, %arg1 : i32
    "tpu.region"() ({
      %run_scoped3A_270 = tpu.sem_alloc : memref<!tpu.dma_semaphore, #tpu.memory_space<semaphore_mem>>
      tpu.enqueue_dma source(%arg5 : memref<32x128xf32, #tpu.memory_space<hbm>>) target(%arg11 : memref<32x128xf32, #tpu.memory_space<vmem>>) target_semaphore(%run_scoped3A_270 : memref<!tpu.dma_semaphore, #tpu.memory_space<semaphore_mem>>)
      tpu.wait_dma2 semaphore(%run_scoped3A_270 : memref<!tpu.dma_semaphore, #tpu.memory_space<semaphore_mem>>) src(%arg5 : memref<32x128xf32, #tpu.memory_space<hbm>>) dst(%arg11 : memref<32x128xf32, #tpu.memory_space<vmem>>)
      tpu.yield
    }) : () -> ()
    "tpu.region"() ({
      %run_scoped3A_270 = tpu.sem_alloc : memref<!tpu.dma_semaphore, #tpu.memory_space<semaphore_mem>>
      %dma_start3A_271 = arith.constant 0 : i32
      %dma_start3A_272 = arith.constant 0 : i32
      %dma_start3A_273 = tpu.memref_slice %arg4[%add3A, %dma_start3A_271, %dma_start3A_272] : memref<32x40x128xi32, #tpu.memory_space<hbm>> -> memref<1x40x128xi32, #tpu.memory_space<hbm>>
      %dma_start3A_274 = tpu.memref_squeeze %dma_start3A_273 : memref<1x40x128xi32, #tpu.memory_space<hbm>> -> memref<40x128xi32, #tpu.memory_space<hbm>>
      %dma_start3A_275 = arith.constant 0 : i32
      %dma_start3A_276 = arith.constant 0 : i32
      %dma_start3A_277 = tpu.memref_slice %arg4[%add3A, %dma_start3A_275, %dma_start3A_276] : memref<32x40x128xi32, #tpu.memory_space<hbm>> -> memref<1x40x128xi32, #tpu.memory_space<hbm>>
      %dma_start3A_278 = tpu.memref_squeeze %dma_start3A_277 : memref<1x40x128xi32, #tpu.memory_space<hbm>> -> memref<40x128xi32, #tpu.memory_space<hbm>>
      tpu.enqueue_dma source(%dma_start3A_278 : memref<40x128xi32, #tpu.memory_space<hbm>>) target(%arg8 : memref<40x128xi32, #tpu.memory_space<vmem>>) target_semaphore(%run_scoped3A_270 : memref<!tpu.dma_semaphore, #tpu.memory_space<semaphore_mem>>)
      %dma_wait3A = arith.constant 0 : i32
      %dma_wait3A_279 = arith.constant 0 : i32
      %dma_wait3A_280 = tpu.memref_slice %arg4[%add3A, %dma_wait3A, %dma_wait3A_279] : memref<32x40x128xi32, #tpu.memory_space<hbm>> -> memref<1x40x128xi32, #tpu.memory_space<hbm>>
      %dma_wait3A_281 = tpu.memref_squeeze %dma_wait3A_280 : memref<1x40x128xi32, #tpu.memory_space<hbm>> -> memref<40x128xi32, #tpu.memory_space<hbm>>
      %dma_wait3A_282 = arith.constant 0 : i32
      %dma_wait3A_283 = arith.constant 0 : i32
      %dma_wait3A_284 = tpu.memref_slice %arg4[%add3A, %dma_wait3A_282, %dma_wait3A_283] : memref<32x40x128xi32, #tpu.memory_space<hbm>> -> memref<1x40x128xi32, #tpu.memory_space<hbm>>
      %dma_wait3A_285 = tpu.memref_squeeze %dma_wait3A_284 : memref<1x40x128xi32, #tpu.memory_space<hbm>> -> memref<40x128xi32, #tpu.memory_space<hbm>>
      tpu.wait_dma2 semaphore(%run_scoped3A_270 : memref<!tpu.dma_semaphore, #tpu.memory_space<semaphore_mem>>) src(%dma_wait3A_285 : memref<40x128xi32, #tpu.memory_space<hbm>>) dst(%arg8 : memref<40x128xi32, #tpu.memory_space<vmem>>)
      tpu.yield
    }) : () -> ()
    %run_scoped3A = arith.constant 0 : i32
    "tpu.region"() ({
      %run_scoped3A_270 = tpu.sem_alloc : memref<!tpu.dma_semaphore, #tpu.memory_space<semaphore_mem>>
      %dma_start3A_271 = arith.constant 0 : i32
      %dma_start3A_272 = arith.constant 0 : i32
      %dma_start3A_273 = tpu.memref_slice %arg3[%run_scoped3A, %add3A, %dma_start3A_271, %dma_start3A_272] : memref<8x32x40x128xi32, #tpu.memory_space<hbm>> -> memref<1x1x40x128xi32, #tpu.memory_space<hbm>>
      %dma_start3A_274 = tpu.memref_squeeze %dma_start3A_273 : memref<1x1x40x128xi32, #tpu.memory_space<hbm>> -> memref<40x128xi32, #tpu.memory_space<hbm>>
      %dma_start3A_275 = arith.constant 0 : i32
      %dma_start3A_276 = arith.constant 0 : i32
      %dma_start3A_277 = tpu.memref_slice %arg3[%run_scoped3A, %add3A, %dma_start3A_275, %dma_start3A_276] : memref<8x32x40x128xi32, #tpu.memory_space<hbm>> -> memref<1x1x40x128xi32, #tpu.memory_space<hbm>>
      %dma_start3A_278 = tpu.memref_squeeze %dma_start3A_277 : memref<1x1x40x128xi32, #tpu.memory_space<hbm>> -> memref<40x128xi32, #tpu.memory_space<hbm>>
      tpu.enqueue_dma source(%dma_start3A_278 : memref<40x128xi32, #tpu.memory_space<hbm>>) target(%arg7 : memref<40x128xi32, #tpu.memory_space<vmem>>) target_semaphore(%run_scoped3A_270 : memref<!tpu.dma_semaphore, #tpu.memory_space<semaphore_mem>>)
      %dma_wait3A = arith.constant 0 : i32
      %dma_wait3A_279 = arith.constant 0 : i32
      %dma_wait3A_280 = tpu.memref_slice %arg3[%run_scoped3A, %add3A, %dma_wait3A, %dma_wait3A_279] : memref<8x32x40x128xi32, #tpu.memory_space<hbm>> -> memref<1x1x40x128xi32, #tpu.memory_space<hbm>>
      %dma_wait3A_281 = tpu.memref_squeeze %dma_wait3A_280 : memref<1x1x40x128xi32, #tpu.memory_space<hbm>> -> memref<40x128xi32, #tpu.memory_space<hbm>>
      %dma_wait3A_282 = arith.constant 0 : i32
      %dma_wait3A_283 = arith.constant 0 : i32
      %dma_wait3A_284 = tpu.memref_slice %arg3[%run_scoped3A, %add3A, %dma_wait3A_282, %dma_wait3A_283] : memref<8x32x40x128xi32, #tpu.memory_space<hbm>> -> memref<1x1x40x128xi32, #tpu.memory_space<hbm>>
      %dma_wait3A_285 = tpu.memref_squeeze %dma_wait3A_284 : memref<1x1x40x128xi32, #tpu.memory_space<hbm>> -> memref<40x128xi32, #tpu.memory_space<hbm>>
      tpu.wait_dma2 semaphore(%run_scoped3A_270 : memref<!tpu.dma_semaphore, #tpu.memory_space<semaphore_mem>>) src(%dma_wait3A_285 : memref<40x128xi32, #tpu.memory_space<hbm>>) dst(%arg7 : memref<40x128xi32, #tpu.memory_space<vmem>>)
      tpu.yield
    }) : () -> ()
    %dma_start3A = arith.constant 0 : i32
    %dma_start3A_1 = arith.constant 0 : i32
    %dma_start3A_2 = tpu.memref_slice %arg7[%dma_start3A, %dma_start3A_1] : memref<40x128xi32, #tpu.memory_space<vmem>> -> memref<1x128xi32, #tpu.memory_space<vmem>>
    %dma_start3A_3 = tpu.memref_squeeze %dma_start3A_2 : memref<1x128xi32, #tpu.memory_space<vmem>> -> memref<128xi32, #tpu.memory_space<vmem>>
    %dma_start3A_4 = arith.constant 0 : i32
    %dma_start3A_5 = arith.constant 0 : i32
    %dma_start3A_6 = tpu.memref_slice %arg2[%dma_start3A_4, %dma_start3A_5] : memref<80000x128xf32, #tpu.memory_space<hbm>> -> memref<80000x128xf32, #tpu.memory_space<hbm>>
    tpu.enqueue_indirect_dma source(%dma_start3A_6 : memref<80000x128xf32, #tpu.memory_space<hbm>>) target(%arg9 : memref<128x128xf32, #tpu.memory_space<vmem>>) offsets(%dma_start3A_3 : memref<128xi32, #tpu.memory_space<vmem>>) semaphore(%arg13 : memref<!tpu.dma_semaphore, #tpu.memory_space<semaphore_mem>>)
    %dma_start3A_7 = arith.constant 1 : i32
    %dma_start3A_8 = arith.constant 0 : i32
    %dma_start3A_9 = tpu.memref_slice %arg7[%dma_start3A_7, %dma_start3A_8] : memref<40x128xi32, #tpu.memory_space<vmem>> -> memref<1x128xi32, #tpu.memory_space<vmem>>
    %dma_start3A_10 = tpu.memref_squeeze %dma_start3A_9 : memref<1x128xi32, #tpu.memory_space<vmem>> -> memref<128xi32, #tpu.memory_space<vmem>>
    %dma_start3A_11 = arith.constant 0 : i32
    %dma_start3A_12 = arith.constant 0 : i32
    %dma_start3A_13 = tpu.memref_slice %arg2[%dma_start3A_11, %dma_start3A_12] : memref<80000x128xf32, #tpu.memory_space<hbm>> -> memref<80000x128xf32, #tpu.memory_space<hbm>>
    tpu.enqueue_indirect_dma source(%dma_start3A_13 : memref<80000x128xf32, #tpu.memory_space<hbm>>) target(%arg10 : memref<128x128xf32, #tpu.memory_space<vmem>>) offsets(%dma_start3A_10 : memref<128xi32, #tpu.memory_space<vmem>>) semaphore(%arg14 : memref<!tpu.dma_semaphore, #tpu.memory_space<semaphore_mem>>)
    %scan3A = arith.constant 0 : i32
    %scan3A_14 = arith.constant 0 : i32
    %scan3A_15 = arith.constant 20 : i32
    %scan3A_16 = arith.addi %scan3A_14, %scan3A_15 : i32
    %scan3A_17 = arith.constant 1 : i32
    scf.for %scan3A_270 = %scan3A_14 to %scan3A_16 step %scan3A_17  : i32 {
      %mul3A_271 = arith.constant 640 : i32
      %mul3A_272 = arith.muli %arg1, %mul3A_271 : i32
      %mul3A_273 = arith.constant 32 : i32
      %mul3A_274 = arith.muli %scan3A_270, %mul3A_273 : i32
      %add3A_275 = arith.addi %mul3A_272, %mul3A_274 : i32
      "tpu.region"() ({
        %run_scoped3A_276 = tpu.sem_alloc : memref<!tpu.dma_semaphore, #tpu.memory_space<semaphore_mem>>
        %dma_start3A_277 = arith.constant 0 : i32
        %dma_start3A_278 = tpu.memref_slice %arg12[%add3A_275, %dma_start3A_277] : memref<10240x128xf32, #tpu.memory_space<vmem_shared>> -> memref<32x128xf32, #tpu.memory_space<vmem_shared>>
        %dma_start3A_279 = arith.constant 0 : i32
        %dma_start3A_280 = tpu.memref_slice %arg12[%add3A_275, %dma_start3A_279] : memref<10240x128xf32, #tpu.memory_space<vmem_shared>> -> memref<32x128xf32, #tpu.memory_space<vmem_shared>>
        tpu.enqueue_dma source(%arg11 : memref<32x128xf32, #tpu.memory_space<vmem>>) target(%dma_start3A_280 : memref<32x128xf32, #tpu.memory_space<vmem_shared>>) target_semaphore(%run_scoped3A_276 : memref<!tpu.dma_semaphore, #tpu.memory_space<semaphore_mem>>)
        %dma_wait3A = arith.constant 0 : i32
        %dma_wait3A_281 = tpu.memref_slice %arg12[%add3A_275, %dma_wait3A] : memref<10240x128xf32, #tpu.memory_space<vmem_shared>> -> memref<32x128xf32, #tpu.memory_space<vmem_shared>>
        %dma_wait3A_282 = arith.constant 0 : i32
        %dma_wait3A_283 = tpu.memref_slice %arg12[%add3A_275, %dma_wait3A_282] : memref<10240x128xf32, #tpu.memory_space<vmem_shared>> -> memref<32x128xf32, #tpu.memory_space<vmem_shared>>
        tpu.wait_dma2 semaphore(%run_scoped3A_276 : memref<!tpu.dma_semaphore, #tpu.memory_space<semaphore_mem>>) src(%arg11 : memref<32x128xf32, #tpu.memory_space<vmem>>) dst(%dma_wait3A_283 : memref<32x128xf32, #tpu.memory_space<vmem_shared>>)
        tpu.yield
      }) : () -> ()
    }
    %scan3A_18 = arith.constant 20 : i32
    %barrier3A = arith.constant 0 : index
    tpu.barrier barrier_id(%barrier3A)
    %scan3A_19 = arith.constant 0 : i32
    %scan3A_20 = arith.constant 0 : i32
    %scan3A_21 = arith.constant 20 : i32
    %scan3A_22 = arith.addi %scan3A_20, %scan3A_21 : i32
    %scan3A_23 = arith.constant 1 : i32
    scf.for %scan3A_270 = %scan3A_20 to %scan3A_22 step %scan3A_23  : i32 {
      %mul3A_271 = arith.constant 2 : i32
      %mul3A_272 = arith.muli %mul3A_271, %scan3A_270 : i32
      %dma_wait3A = arith.constant 0 : i32
      %dma_wait3A_273 = arith.constant 0 : i32
      %dma_wait3A_274 = tpu.memref_slice %arg7[%dma_wait3A, %dma_wait3A_273] : memref<40x128xi32, #tpu.memory_space<vmem>> -> memref<1x128xi32, #tpu.memory_space<vmem>>
      %dma_wait3A_275 = tpu.memref_squeeze %dma_wait3A_274 : memref<1x128xi32, #tpu.memory_space<vmem>> -> memref<128xi32, #tpu.memory_space<vmem>>
      %dma_wait3A_276 = arith.constant 0 : i32
      %dma_wait3A_277 = arith.constant 0 : i32
      %dma_wait3A_278 = tpu.memref_slice %arg2[%dma_wait3A_276, %dma_wait3A_277] : memref<80000x128xf32, #tpu.memory_space<hbm>> -> memref<80000x128xf32, #tpu.memory_space<hbm>>
      tpu.wait_indirect_dma semaphore(%arg13 : memref<!tpu.dma_semaphore, #tpu.memory_space<semaphore_mem>>) src(%dma_wait3A_278 : memref<80000x128xf32, #tpu.memory_space<hbm>>) dst(%arg9 : memref<128x128xf32, #tpu.memory_space<vmem>>)
      "tpu.region"() ({
        %run_scoped3A_299 = tpu.sem_alloc : memref<!tpu.dma_semaphore, #tpu.memory_space<semaphore_mem>>
        %dma_start3A_300 = arith.constant 0 : i32
        %dma_start3A_301 = tpu.memref_slice %arg8[%mul3A_272, %dma_start3A_300] : memref<40x128xi32, #tpu.memory_space<vmem>> -> memref<1x128xi32, #tpu.memory_space<vmem>>
        %dma_start3A_302 = tpu.memref_squeeze %dma_start3A_301 : memref<1x128xi32, #tpu.memory_space<vmem>> -> memref<128xi32, #tpu.memory_space<vmem>>
        %dma_start3A_303 = arith.constant 0 : i32
        %dma_start3A_304 = arith.constant 0 : i32
        %dma_start3A_305 = tpu.memref_slice %arg12[%dma_start3A_303, %dma_start3A_304] : memref<10240x128xf32, #tpu.memory_space<vmem_shared>> -> memref<10240x128xf32, #tpu.memory_space<vmem_shared>>
        tpu.enqueue_indirect_dma source(%arg9 : memref<128x128xf32, #tpu.memory_space<vmem>>) target(%dma_start3A_305 : memref<10240x128xf32, #tpu.memory_space<vmem_shared>>) offsets(%dma_start3A_302 : memref<128xi32, #tpu.memory_space<vmem>>) semaphore(%run_scoped3A_299 : memref<!tpu.dma_semaphore, #tpu.memory_space<semaphore_mem>>) {add = true}
        %dma_wait3A_306 = arith.constant 0 : i32
        %dma_wait3A_307 = tpu.memref_slice %arg8[%mul3A_272, %dma_wait3A_306] : memref<40x128xi32, #tpu.memory_space<vmem>> -> memref<1x128xi32, #tpu.memory_space<vmem>>
        %dma_wait3A_308 = tpu.memref_squeeze %dma_wait3A_307 : memref<1x128xi32, #tpu.memory_space<vmem>> -> memref<128xi32, #tpu.memory_space<vmem>>
        %dma_wait3A_309 = arith.constant 0 : i32
        %dma_wait3A_310 = arith.constant 0 : i32
        %dma_wait3A_311 = tpu.memref_slice %arg12[%dma_wait3A_309, %dma_wait3A_310] : memref<10240x128xf32, #tpu.memory_space<vmem_shared>> -> memref<10240x128xf32, #tpu.memory_space<vmem_shared>>
        tpu.wait_indirect_dma semaphore(%run_scoped3A_299 : memref<!tpu.dma_semaphore, #tpu.memory_space<semaphore_mem>>) src(%arg9 : memref<128x128xf32, #tpu.memory_space<vmem>>) dst(%dma_wait3A_311 : memref<10240x128xf32, #tpu.memory_space<vmem_shared>>)
        tpu.yield
      }) : () -> ()
      %add3A_279 = arith.constant 2 : i32
      %add3A_280 = arith.addi %mul3A_272, %add3A_279 : i32
      %lt3A = arith.constant 40 : i32
      %lt3A_281 = arith.cmpi slt, %add3A_280, %lt3A : i32
      %convert_element_type3A = arith.extui %lt3A_281 : i1 to i32
      %cond3A = arith.constant 0 : i32
      %cond3A_282 = arith.cmpi ne, %convert_element_type3A, %cond3A : i32
      scf.if %cond3A_282 {
        %add3A_299 = arith.constant 2 : i32
        %add3A_300 = arith.addi %mul3A_272, %add3A_299 : i32
        %dma_start3A_301 = arith.constant 0 : i32
        %dma_start3A_302 = tpu.memref_slice %arg7[%add3A_300, %dma_start3A_301] : memref<40x128xi32, #tpu.memory_space<vmem>> -> memref<1x128xi32, #tpu.memory_space<vmem>>
        %dma_start3A_303 = tpu.memref_squeeze %dma_start3A_302 : memref<1x128xi32, #tpu.memory_space<vmem>> -> memref<128xi32, #tpu.memory_space<vmem>>
        %dma_start3A_304 = arith.constant 0 : i32
        %dma_start3A_305 = arith.constant 0 : i32
        %dma_start3A_306 = tpu.memref_slice %arg2[%dma_start3A_304, %dma_start3A_305] : memref<80000x128xf32, #tpu.memory_space<hbm>> -> memref<80000x128xf32, #tpu.memory_space<hbm>>
        tpu.enqueue_indirect_dma source(%dma_start3A_306 : memref<80000x128xf32, #tpu.memory_space<hbm>>) target(%arg9 : memref<128x128xf32, #tpu.memory_space<vmem>>) offsets(%dma_start3A_303 : memref<128xi32, #tpu.memory_space<vmem>>) semaphore(%arg13 : memref<!tpu.dma_semaphore, #tpu.memory_space<semaphore_mem>>)
      } else {
      }
      %dma_wait3A_283 = arith.constant 0 : i32
      %dma_wait3A_284 = arith.constant 0 : i32
      %dma_wait3A_285 = tpu.memref_slice %arg7[%dma_wait3A_283, %dma_wait3A_284] : memref<40x128xi32, #tpu.memory_space<vmem>> -> memref<1x128xi32, #tpu.memory_space<vmem>>
      %dma_wait3A_286 = tpu.memref_squeeze %dma_wait3A_285 : memref<1x128xi32, #tpu.memory_space<vmem>> -> memref<128xi32, #tpu.memory_space<vmem>>
      %dma_wait3A_287 = arith.constant 0 : i32
      %dma_wait3A_288 = arith.constant 0 : i32
      %dma_wait3A_289 = tpu.memref_slice %arg2[%dma_wait3A_287, %dma_wait3A_288] : memref<80000x128xf32, #tpu.memory_space<hbm>> -> memref<80000x128xf32, #tpu.memory_space<hbm>>
      tpu.wait_indirect_dma semaphore(%arg14 : memref<!tpu.dma_semaphore, #tpu.memory_space<semaphore_mem>>) src(%dma_wait3A_289 : memref<80000x128xf32, #tpu.memory_space<hbm>>) dst(%arg10 : memref<128x128xf32, #tpu.memory_space<vmem>>)
      %add3A_290 = arith.constant 1 : i32
      %add3A_291 = arith.addi %mul3A_272, %add3A_290 : i32
      "tpu.region"() ({
        %run_scoped3A_299 = tpu.sem_alloc : memref<!tpu.dma_semaphore, #tpu.memory_space<semaphore_mem>>
        %dma_start3A_300 = arith.constant 0 : i32
        %dma_start3A_301 = tpu.memref_slice %arg8[%add3A_291, %dma_start3A_300] : memref<40x128xi32, #tpu.memory_space<vmem>> -> memref<1x128xi32, #tpu.memory_space<vmem>>
        %dma_start3A_302 = tpu.memref_squeeze %dma_start3A_301 : memref<1x128xi32, #tpu.memory_space<vmem>> -> memref<128xi32, #tpu.memory_space<vmem>>
        %dma_start3A_303 = arith.constant 0 : i32
        %dma_start3A_304 = arith.constant 0 : i32
        %dma_start3A_305 = tpu.memref_slice %arg12[%dma_start3A_303, %dma_start3A_304] : memref<10240x128xf32, #tpu.memory_space<vmem_shared>> -> memref<10240x128xf32, #tpu.memory_space<vmem_shared>>
        tpu.enqueue_indirect_dma source(%arg10 : memref<128x128xf32, #tpu.memory_space<vmem>>) target(%dma_start3A_305 : memref<10240x128xf32, #tpu.memory_space<vmem_shared>>) offsets(%dma_start3A_302 : memref<128xi32, #tpu.memory_space<vmem>>) semaphore(%run_scoped3A_299 : memref<!tpu.dma_semaphore, #tpu.memory_space<semaphore_mem>>) {add = true}
        %dma_wait3A_306 = arith.constant 0 : i32
        %dma_wait3A_307 = tpu.memref_slice %arg8[%add3A_291, %dma_wait3A_306] : memref<40x128xi32, #tpu.memory_space<vmem>> -> memref<1x128xi32, #tpu.memory_space<vmem>>
        %dma_wait3A_308 = tpu.memref_squeeze %dma_wait3A_307 : memref<1x128xi32, #tpu.memory_space<vmem>> -> memref<128xi32, #tpu.memory_space<vmem>>
        %dma_wait3A_309 = arith.constant 0 : i32
        %dma_wait3A_310 = arith.constant 0 : i32
        %dma_wait3A_311 = tpu.memref_slice %arg12[%dma_wait3A_309, %dma_wait3A_310] : memref<10240x128xf32, #tpu.memory_space<vmem_shared>> -> memref<10240x128xf32, #tpu.memory_space<vmem_shared>>
        tpu.wait_indirect_dma semaphore(%run_scoped3A_299 : memref<!tpu.dma_semaphore, #tpu.memory_space<semaphore_mem>>) src(%arg10 : memref<128x128xf32, #tpu.memory_space<vmem>>) dst(%dma_wait3A_311 : memref<10240x128xf32, #tpu.memory_space<vmem_shared>>)
        tpu.yield
      }) : () -> ()
      %add3A_292 = arith.constant 3 : i32
      %add3A_293 = arith.addi %mul3A_272, %add3A_292 : i32
      %lt3A_294 = arith.constant 40 : i32
      %lt3A_295 = arith.cmpi slt, %add3A_293, %lt3A_294 : i32
      %convert_element_type3A_296 = arith.extui %lt3A_295 : i1 to i32
      %cond3A_297 = arith.constant 0 : i32
      %cond3A_298 = arith.cmpi ne, %convert_element_type3A_296, %cond3A_297 : i32
      scf.if %cond3A_298 {
        %add3A_299 = arith.constant 3 : i32
        %add3A_300 = arith.addi %mul3A_272, %add3A_299 : i32
        %dma_start3A_301 = arith.constant 0 : i32
        %dma_start3A_302 = tpu.memref_slice %arg7[%add3A_300, %dma_start3A_301] : memref<40x128xi32, #tpu.memory_space<vmem>> -> memref<1x128xi32, #tpu.memory_space<vmem>>
        %dma_start3A_303 = tpu.memref_squeeze %dma_start3A_302 : memref<1x128xi32, #tpu.memory_space<vmem>> -> memref<128xi32, #tpu.memory_space<vmem>>
        %dma_start3A_304 = arith.constant 0 : i32
        %dma_start3A_305 = arith.constant 0 : i32
        %dma_start3A_306 = tpu.memref_slice %arg2[%dma_start3A_304, %dma_start3A_305] : memref<80000x128xf32, #tpu.memory_space<hbm>> -> memref<80000x128xf32, #tpu.memory_space<hbm>>
        tpu.enqueue_indirect_dma source(%dma_start3A_306 : memref<80000x128xf32, #tpu.memory_space<hbm>>) target(%arg10 : memref<128x128xf32, #tpu.memory_space<vmem>>) offsets(%dma_start3A_303 : memref<128xi32, #tpu.memory_space<vmem>>) semaphore(%arg14 : memref<!tpu.dma_semaphore, #tpu.memory_space<semaphore_mem>>)
      } else {
      }
    }
    %scan3A_24 = arith.constant 20 : i32
    %run_scoped3A_25 = arith.constant 1 : i32
    "tpu.region"() ({
      %run_scoped3A_270 = tpu.sem_alloc : memref<!tpu.dma_semaphore, #tpu.memory_space<semaphore_mem>>
      %dma_start3A_271 = arith.constant 0 : i32
      %dma_start3A_272 = arith.constant 0 : i32
      %dma_start3A_273 = tpu.memref_slice %arg3[%run_scoped3A_25, %add3A, %dma_start3A_271, %dma_start3A_272] : memref<8x32x40x128xi32, #tpu.memory_space<hbm>> -> memref<1x1x40x128xi32, #tpu.memory_space<hbm>>
      %dma_start3A_274 = tpu.memref_squeeze %dma_start3A_273 : memref<1x1x40x128xi32, #tpu.memory_space<hbm>> -> memref<40x128xi32, #tpu.memory_space<hbm>>
      %dma_start3A_275 = arith.constant 0 : i32
      %dma_start3A_276 = arith.constant 0 : i32
      %dma_start3A_277 = tpu.memref_slice %arg3[%run_scoped3A_25, %add3A, %dma_start3A_275, %dma_start3A_276] : memref<8x32x40x128xi32, #tpu.memory_space<hbm>> -> memref<1x1x40x128xi32, #tpu.memory_space<hbm>>
      %dma_start3A_278 = tpu.memref_squeeze %dma_start3A_277 : memref<1x1x40x128xi32, #tpu.memory_space<hbm>> -> memref<40x128xi32, #tpu.memory_space<hbm>>
      tpu.enqueue_dma source(%dma_start3A_278 : memref<40x128xi32, #tpu.memory_space<hbm>>) target(%arg7 : memref<40x128xi32, #tpu.memory_space<vmem>>) target_semaphore(%run_scoped3A_270 : memref<!tpu.dma_semaphore, #tpu.memory_space<semaphore_mem>>)
      %dma_wait3A = arith.constant 0 : i32
      %dma_wait3A_279 = arith.constant 0 : i32
      %dma_wait3A_280 = tpu.memref_slice %arg3[%run_scoped3A_25, %add3A, %dma_wait3A, %dma_wait3A_279] : memref<8x32x40x128xi32, #tpu.memory_space<hbm>> -> memref<1x1x40x128xi32, #tpu.memory_space<hbm>>
      %dma_wait3A_281 = tpu.memref_squeeze %dma_wait3A_280 : memref<1x1x40x128xi32, #tpu.memory_space<hbm>> -> memref<40x128xi32, #tpu.memory_space<hbm>>
      %dma_wait3A_282 = arith.constant 0 : i32
      %dma_wait3A_283 = arith.constant 0 : i32
      %dma_wait3A_284 = tpu.memref_slice %arg3[%run_scoped3A_25, %add3A, %dma_wait3A_282, %dma_wait3A_283] : memref<8x32x40x128xi32, #tpu.memory_space<hbm>> -> memref<1x1x40x128xi32, #tpu.memory_space<hbm>>
      %dma_wait3A_285 = tpu.memref_squeeze %dma_wait3A_284 : memref<1x1x40x128xi32, #tpu.memory_space<hbm>> -> memref<40x128xi32, #tpu.memory_space<hbm>>
      tpu.wait_dma2 semaphore(%run_scoped3A_270 : memref<!tpu.dma_semaphore, #tpu.memory_space<semaphore_mem>>) src(%dma_wait3A_285 : memref<40x128xi32, #tpu.memory_space<hbm>>) dst(%arg7 : memref<40x128xi32, #tpu.memory_space<vmem>>)
      tpu.yield
    }) : () -> ()
    %dma_start3A_26 = arith.constant 0 : i32
    %dma_start3A_27 = arith.constant 0 : i32
    %dma_start3A_28 = tpu.memref_slice %arg7[%dma_start3A_26, %dma_start3A_27] : memref<40x128xi32, #tpu.memory_space<vmem>> -> memref<1x128xi32, #tpu.memory_space<vmem>>
    %dma_start3A_29 = tpu.memref_squeeze %dma_start3A_28 : memref<1x128xi32, #tpu.memory_space<vmem>> -> memref<128xi32, #tpu.memory_space<vmem>>
    %dma_start3A_30 = arith.constant 0 : i32
    %dma_start3A_31 = arith.constant 0 : i32
    %dma_start3A_32 = tpu.memref_slice %arg2[%dma_start3A_30, %dma_start3A_31] : memref<80000x128xf32, #tpu.memory_space<hbm>> -> memref<80000x128xf32, #tpu.memory_space<hbm>>
    tpu.enqueue_indirect_dma source(%dma_start3A_32 : memref<80000x128xf32, #tpu.memory_space<hbm>>) target(%arg9 : memref<128x128xf32, #tpu.memory_space<vmem>>) offsets(%dma_start3A_29 : memref<128xi32, #tpu.memory_space<vmem>>) semaphore(%arg13 : memref<!tpu.dma_semaphore, #tpu.memory_space<semaphore_mem>>)
    %dma_start3A_33 = arith.constant 1 : i32
    %dma_start3A_34 = arith.constant 0 : i32
    %dma_start3A_35 = tpu.memref_slice %arg7[%dma_start3A_33, %dma_start3A_34] : memref<40x128xi32, #tpu.memory_space<vmem>> -> memref<1x128xi32, #tpu.memory_space<vmem>>
    %dma_start3A_36 = tpu.memref_squeeze %dma_start3A_35 : memref<1x128xi32, #tpu.memory_space<vmem>> -> memref<128xi32, #tpu.memory_space<vmem>>
    %dma_start3A_37 = arith.constant 0 : i32
    %dma_start3A_38 = arith.constant 0 : i32
    %dma_start3A_39 = tpu.memref_slice %arg2[%dma_start3A_37, %dma_start3A_38] : memref<80000x128xf32, #tpu.memory_space<hbm>> -> memref<80000x128xf32, #tpu.memory_space<hbm>>
    tpu.enqueue_indirect_dma source(%dma_start3A_39 : memref<80000x128xf32, #tpu.memory_space<hbm>>) target(%arg10 : memref<128x128xf32, #tpu.memory_space<vmem>>) offsets(%dma_start3A_36 : memref<128xi32, #tpu.memory_space<vmem>>) semaphore(%arg14 : memref<!tpu.dma_semaphore, #tpu.memory_space<semaphore_mem>>)
    %barrier3A_40 = arith.constant 0 : index
    tpu.barrier barrier_id(%barrier3A_40)
    %mul3A_41 = arith.constant 640 : i32
    %mul3A_42 = arith.muli %arg1, %mul3A_41 : i32
    %mul3A_43 = arith.constant 640 : i32
    %mul3A_44 = arith.muli %arg1, %mul3A_43 : i32
    %run_scoped3A_45 = arith.constant 0 : i32
    "tpu.region"() ({
      %run_scoped3A_270 = tpu.sem_alloc : memref<!tpu.dma_semaphore, #tpu.memory_space<semaphore_mem>>
      %dma_start3A_271 = arith.constant 0 : i32
      %dma_start3A_272 = tpu.memref_slice %arg6[%arg0, %run_scoped3A_45, %mul3A_44, %dma_start3A_271] : memref<2x8x10240x128xf32, #tpu.memory_space<hbm>> -> memref<1x1x640x128xf32, #tpu.memory_space<hbm>>
      %dma_start3A_273 = tpu.memref_squeeze %dma_start3A_272 : memref<1x1x640x128xf32, #tpu.memory_space<hbm>> -> memref<640x128xf32, #tpu.memory_space<hbm>>
      %dma_start3A_274 = arith.constant 0 : i32
      %dma_start3A_275 = tpu.memref_slice %arg12[%mul3A_42, %dma_start3A_274] : memref<10240x128xf32, #tpu.memory_space<vmem_shared>> -> memref<640x128xf32, #tpu.memory_space<vmem_shared>>
      tpu.enqueue_dma source(%dma_start3A_275 : memref<640x128xf32, #tpu.memory_space<vmem_shared>>) target(%dma_start3A_273 : memref<640x128xf32, #tpu.memory_space<hbm>>) target_semaphore(%run_scoped3A_270 : memref<!tpu.dma_semaphore, #tpu.memory_space<semaphore_mem>>)
      %dma_wait3A = arith.constant 0 : i32
      %dma_wait3A_276 = tpu.memref_slice %arg6[%arg0, %run_scoped3A_45, %mul3A_44, %dma_wait3A] : memref<2x8x10240x128xf32, #tpu.memory_space<hbm>> -> memref<1x1x640x128xf32, #tpu.memory_space<hbm>>
      %dma_wait3A_277 = tpu.memref_squeeze %dma_wait3A_276 : memref<1x1x640x128xf32, #tpu.memory_space<hbm>> -> memref<640x128xf32, #tpu.memory_space<hbm>>
      %dma_wait3A_278 = arith.constant 0 : i32
      %dma_wait3A_279 = tpu.memref_slice %arg12[%mul3A_42, %dma_wait3A_278] : memref<10240x128xf32, #tpu.memory_space<vmem_shared>> -> memref<640x128xf32, #tpu.memory_space<vmem_shared>>
      tpu.wait_dma2 semaphore(%run_scoped3A_270 : memref<!tpu.dma_semaphore, #tpu.memory_space<semaphore_mem>>) src(%dma_wait3A_279 : memref<640x128xf32, #tpu.memory_space<vmem_shared>>) dst(%dma_wait3A_277 : memref<640x128xf32, #tpu.memory_space<hbm>>)
      tpu.yield
    }) : () -> ()
    %scan3A_46 = arith.constant 0 : i32
    %scan3A_47 = arith.constant 0 : i32
    %scan3A_48 = arith.constant 20 : i32
    %scan3A_49 = arith.addi %scan3A_47, %scan3A_48 : i32
    %scan3A_50 = arith.constant 1 : i32
    scf.for %scan3A_270 = %scan3A_47 to %scan3A_49 step %scan3A_50  : i32 {
      %mul3A_271 = arith.constant 640 : i32
      %mul3A_272 = arith.muli %arg1, %mul3A_271 : i32
      %mul3A_273 = arith.constant 32 : i32
      %mul3A_274 = arith.muli %scan3A_270, %mul3A_273 : i32
      %add3A_275 = arith.addi %mul3A_272, %mul3A_274 : i32
      "tpu.region"() ({
        %run_scoped3A_276 = tpu.sem_alloc : memref<!tpu.dma_semaphore, #tpu.memory_space<semaphore_mem>>
        %dma_start3A_277 = arith.constant 0 : i32
        %dma_start3A_278 = tpu.memref_slice %arg12[%add3A_275, %dma_start3A_277] : memref<10240x128xf32, #tpu.memory_space<vmem_shared>> -> memref<32x128xf32, #tpu.memory_space<vmem_shared>>
        %dma_start3A_279 = arith.constant 0 : i32
        %dma_start3A_280 = tpu.memref_slice %arg12[%add3A_275, %dma_start3A_279] : memref<10240x128xf32, #tpu.memory_space<vmem_shared>> -> memref<32x128xf32, #tpu.memory_space<vmem_shared>>
        tpu.enqueue_dma source(%arg11 : memref<32x128xf32, #tpu.memory_space<vmem>>) target(%dma_start3A_280 : memref<32x128xf32, #tpu.memory_space<vmem_shared>>) target_semaphore(%run_scoped3A_276 : memref<!tpu.dma_semaphore, #tpu.memory_space<semaphore_mem>>)
        %dma_wait3A = arith.constant 0 : i32
        %dma_wait3A_281 = tpu.memref_slice %arg12[%add3A_275, %dma_wait3A] : memref<10240x128xf32, #tpu.memory_space<vmem_shared>> -> memref<32x128xf32, #tpu.memory_space<vmem_shared>>
        %dma_wait3A_282 = arith.constant 0 : i32
        %dma_wait3A_283 = tpu.memref_slice %arg12[%add3A_275, %dma_wait3A_282] : memref<10240x128xf32, #tpu.memory_space<vmem_shared>> -> memref<32x128xf32, #tpu.memory_space<vmem_shared>>
        tpu.wait_dma2 semaphore(%run_scoped3A_276 : memref<!tpu.dma_semaphore, #tpu.memory_space<semaphore_mem>>) src(%arg11 : memref<32x128xf32, #tpu.memory_space<vmem>>) dst(%dma_wait3A_283 : memref<32x128xf32, #tpu.memory_space<vmem_shared>>)
        tpu.yield
      }) : () -> ()
    }
    %scan3A_51 = arith.constant 20 : i32
    %barrier3A_52 = arith.constant 0 : index
    tpu.barrier barrier_id(%barrier3A_52)
    %scan3A_53 = arith.constant 0 : i32
    %scan3A_54 = arith.constant 0 : i32
    %scan3A_55 = arith.constant 20 : i32
    %scan3A_56 = arith.addi %scan3A_54, %scan3A_55 : i32
    %scan3A_57 = arith.constant 1 : i32
    scf.for %scan3A_270 = %scan3A_54 to %scan3A_56 step %scan3A_57  : i32 {
      %mul3A_271 = arith.constant 2 : i32
      %mul3A_272 = arith.muli %mul3A_271, %scan3A_270 : i32
      %dma_wait3A = arith.constant 0 : i32
      %dma_wait3A_273 = arith.constant 0 : i32
      %dma_wait3A_274 = tpu.memref_slice %arg7[%dma_wait3A, %dma_wait3A_273] : memref<40x128xi32, #tpu.memory_space<vmem>> -> memref<1x128xi32, #tpu.memory_space<vmem>>
      %dma_wait3A_275 = tpu.memref_squeeze %dma_wait3A_274 : memref<1x128xi32, #tpu.memory_space<vmem>> -> memref<128xi32, #tpu.memory_space<vmem>>
      %dma_wait3A_276 = arith.constant 0 : i32
      %dma_wait3A_277 = arith.constant 0 : i32
      %dma_wait3A_278 = tpu.memref_slice %arg2[%dma_wait3A_276, %dma_wait3A_277] : memref<80000x128xf32, #tpu.memory_space<hbm>> -> memref<80000x128xf32, #tpu.memory_space<hbm>>
      tpu.wait_indirect_dma semaphore(%arg13 : memref<!tpu.dma_semaphore, #tpu.memory_space<semaphore_mem>>) src(%dma_wait3A_278 : memref<80000x128xf32, #tpu.memory_space<hbm>>) dst(%arg9 : memref<128x128xf32, #tpu.memory_space<vmem>>)
      "tpu.region"() ({
        %run_scoped3A_299 = tpu.sem_alloc : memref<!tpu.dma_semaphore, #tpu.memory_space<semaphore_mem>>
        %dma_start3A_300 = arith.constant 0 : i32
        %dma_start3A_301 = tpu.memref_slice %arg8[%mul3A_272, %dma_start3A_300] : memref<40x128xi32, #tpu.memory_space<vmem>> -> memref<1x128xi32, #tpu.memory_space<vmem>>
        %dma_start3A_302 = tpu.memref_squeeze %dma_start3A_301 : memref<1x128xi32, #tpu.memory_space<vmem>> -> memref<128xi32, #tpu.memory_space<vmem>>
        %dma_start3A_303 = arith.constant 0 : i32
        %dma_start3A_304 = arith.constant 0 : i32
        %dma_start3A_305 = tpu.memref_slice %arg12[%dma_start3A_303, %dma_start3A_304] : memref<10240x128xf32, #tpu.memory_space<vmem_shared>> -> memref<10240x128xf32, #tpu.memory_space<vmem_shared>>
        tpu.enqueue_indirect_dma source(%arg9 : memref<128x128xf32, #tpu.memory_space<vmem>>) target(%dma_start3A_305 : memref<10240x128xf32, #tpu.memory_space<vmem_shared>>) offsets(%dma_start3A_302 : memref<128xi32, #tpu.memory_space<vmem>>) semaphore(%run_scoped3A_299 : memref<!tpu.dma_semaphore, #tpu.memory_space<semaphore_mem>>) {add = true}
        %dma_wait3A_306 = arith.constant 0 : i32
        %dma_wait3A_307 = tpu.memref_slice %arg8[%mul3A_272, %dma_wait3A_306] : memref<40x128xi32, #tpu.memory_space<vmem>> -> memref<1x128xi32, #tpu.memory_space<vmem>>
        %dma_wait3A_308 = tpu.memref_squeeze %dma_wait3A_307 : memref<1x128xi32, #tpu.memory_space<vmem>> -> memref<128xi32, #tpu.memory_space<vmem>>
        %dma_wait3A_309 = arith.constant 0 : i32
        %dma_wait3A_310 = arith.constant 0 : i32
        %dma_wait3A_311 = tpu.memref_slice %arg12[%dma_wait3A_309, %dma_wait3A_310] : memref<10240x128xf32, #tpu.memory_space<vmem_shared>> -> memref<10240x128xf32, #tpu.memory_space<vmem_shared>>
        tpu.wait_indirect_dma semaphore(%run_scoped3A_299 : memref<!tpu.dma_semaphore, #tpu.memory_space<semaphore_mem>>) src(%arg9 : memref<128x128xf32, #tpu.memory_space<vmem>>) dst(%dma_wait3A_311 : memref<10240x128xf32, #tpu.memory_space<vmem_shared>>)
        tpu.yield
      }) : () -> ()
      %add3A_279 = arith.constant 2 : i32
      %add3A_280 = arith.addi %mul3A_272, %add3A_279 : i32
      %lt3A = arith.constant 40 : i32
      %lt3A_281 = arith.cmpi slt, %add3A_280, %lt3A : i32
      %convert_element_type3A = arith.extui %lt3A_281 : i1 to i32
      %cond3A = arith.constant 0 : i32
      %cond3A_282 = arith.cmpi ne, %convert_element_type3A, %cond3A : i32
      scf.if %cond3A_282 {
        %add3A_299 = arith.constant 2 : i32
        %add3A_300 = arith.addi %mul3A_272, %add3A_299 : i32
        %dma_start3A_301 = arith.constant 0 : i32
        %dma_start3A_302 = tpu.memref_slice %arg7[%add3A_300, %dma_start3A_301] : memref<40x128xi32, #tpu.memory_space<vmem>> -> memref<1x128xi32, #tpu.memory_space<vmem>>
        %dma_start3A_303 = tpu.memref_squeeze %dma_start3A_302 : memref<1x128xi32, #tpu.memory_space<vmem>> -> memref<128xi32, #tpu.memory_space<vmem>>
        %dma_start3A_304 = arith.constant 0 : i32
        %dma_start3A_305 = arith.constant 0 : i32
        %dma_start3A_306 = tpu.memref_slice %arg2[%dma_start3A_304, %dma_start3A_305] : memref<80000x128xf32, #tpu.memory_space<hbm>> -> memref<80000x128xf32, #tpu.memory_space<hbm>>
        tpu.enqueue_indirect_dma source(%dma_start3A_306 : memref<80000x128xf32, #tpu.memory_space<hbm>>) target(%arg9 : memref<128x128xf32, #tpu.memory_space<vmem>>) offsets(%dma_start3A_303 : memref<128xi32, #tpu.memory_space<vmem>>) semaphore(%arg13 : memref<!tpu.dma_semaphore, #tpu.memory_space<semaphore_mem>>)
      } else {
      }
      %dma_wait3A_283 = arith.constant 0 : i32
      %dma_wait3A_284 = arith.constant 0 : i32
      %dma_wait3A_285 = tpu.memref_slice %arg7[%dma_wait3A_283, %dma_wait3A_284] : memref<40x128xi32, #tpu.memory_space<vmem>> -> memref<1x128xi32, #tpu.memory_space<vmem>>
      %dma_wait3A_286 = tpu.memref_squeeze %dma_wait3A_285 : memref<1x128xi32, #tpu.memory_space<vmem>> -> memref<128xi32, #tpu.memory_space<vmem>>
      %dma_wait3A_287 = arith.constant 0 : i32
      %dma_wait3A_288 = arith.constant 0 : i32
      %dma_wait3A_289 = tpu.memref_slice %arg2[%dma_wait3A_287, %dma_wait3A_288] : memref<80000x128xf32, #tpu.memory_space<hbm>> -> memref<80000x128xf32, #tpu.memory_space<hbm>>
      tpu.wait_indirect_dma semaphore(%arg14 : memref<!tpu.dma_semaphore, #tpu.memory_space<semaphore_mem>>) src(%dma_wait3A_289 : memref<80000x128xf32, #tpu.memory_space<hbm>>) dst(%arg10 : memref<128x128xf32, #tpu.memory_space<vmem>>)
      %add3A_290 = arith.constant 1 : i32
      %add3A_291 = arith.addi %mul3A_272, %add3A_290 : i32
      "tpu.region"() ({
        %run_scoped3A_299 = tpu.sem_alloc : memref<!tpu.dma_semaphore, #tpu.memory_space<semaphore_mem>>
        %dma_start3A_300 = arith.constant 0 : i32
        %dma_start3A_301 = tpu.memref_slice %arg8[%add3A_291, %dma_start3A_300] : memref<40x128xi32, #tpu.memory_space<vmem>> -> memref<1x128xi32, #tpu.memory_space<vmem>>
        %dma_start3A_302 = tpu.memref_squeeze %dma_start3A_301 : memref<1x128xi32, #tpu.memory_space<vmem>> -> memref<128xi32, #tpu.memory_space<vmem>>
        %dma_start3A_303 = arith.constant 0 : i32
        %dma_start3A_304 = arith.constant 0 : i32
        %dma_start3A_305 = tpu.memref_slice %arg12[%dma_start3A_303, %dma_start3A_304] : memref<10240x128xf32, #tpu.memory_space<vmem_shared>> -> memref<10240x128xf32, #tpu.memory_space<vmem_shared>>
        tpu.enqueue_indirect_dma source(%arg10 : memref<128x128xf32, #tpu.memory_space<vmem>>) target(%dma_start3A_305 : memref<10240x128xf32, #tpu.memory_space<vmem_shared>>) offsets(%dma_start3A_302 : memref<128xi32, #tpu.memory_space<vmem>>) semaphore(%run_scoped3A_299 : memref<!tpu.dma_semaphore, #tpu.memory_space<semaphore_mem>>) {add = true}
        %dma_wait3A_306 = arith.constant 0 : i32
        %dma_wait3A_307 = tpu.memref_slice %arg8[%add3A_291, %dma_wait3A_306] : memref<40x128xi32, #tpu.memory_space<vmem>> -> memref<1x128xi32, #tpu.memory_space<vmem>>
        %dma_wait3A_308 = tpu.memref_squeeze %dma_wait3A_307 : memref<1x128xi32, #tpu.memory_space<vmem>> -> memref<128xi32, #tpu.memory_space<vmem>>
        %dma_wait3A_309 = arith.constant 0 : i32
        %dma_wait3A_310 = arith.constant 0 : i32
        %dma_wait3A_311 = tpu.memref_slice %arg12[%dma_wait3A_309, %dma_wait3A_310] : memref<10240x128xf32, #tpu.memory_space<vmem_shared>> -> memref<10240x128xf32, #tpu.memory_space<vmem_shared>>
        tpu.wait_indirect_dma semaphore(%run_scoped3A_299 : memref<!tpu.dma_semaphore, #tpu.memory_space<semaphore_mem>>) src(%arg10 : memref<128x128xf32, #tpu.memory_space<vmem>>) dst(%dma_wait3A_311 : memref<10240x128xf32, #tpu.memory_space<vmem_shared>>)
        tpu.yield
      }) : () -> ()
      %add3A_292 = arith.constant 3 : i32
      %add3A_293 = arith.addi %mul3A_272, %add3A_292 : i32
      %lt3A_294 = arith.constant 40 : i32
      %lt3A_295 = arith.cmpi slt, %add3A_293, %lt3A_294 : i32
      %convert_element_type3A_296 = arith.extui %lt3A_295 : i1 to i32
      %cond3A_297 = arith.constant 0 : i32
      %cond3A_298 = arith.cmpi ne, %convert_element_type3A_296, %cond3A_297 : i32
      scf.if %cond3A_298 {
        %add3A_299 = arith.constant 3 : i32
        %add3A_300 = arith.addi %mul3A_272, %add3A_299 : i32
        %dma_start3A_301 = arith.constant 0 : i32
        %dma_start3A_302 = tpu.memref_slice %arg7[%add3A_300, %dma_start3A_301] : memref<40x128xi32, #tpu.memory_space<vmem>> -> memref<1x128xi32, #tpu.memory_space<vmem>>
        %dma_start3A_303 = tpu.memref_squeeze %dma_start3A_302 : memref<1x128xi32, #tpu.memory_space<vmem>> -> memref<128xi32, #tpu.memory_space<vmem>>
        %dma_start3A_304 = arith.constant 0 : i32
        %dma_start3A_305 = arith.constant 0 : i32
        %dma_start3A_306 = tpu.memref_slice %arg2[%dma_start3A_304, %dma_start3A_305] : memref<80000x128xf32, #tpu.memory_space<hbm>> -> memref<80000x128xf32, #tpu.memory_space<hbm>>
        tpu.enqueue_indirect_dma source(%dma_start3A_306 : memref<80000x128xf32, #tpu.memory_space<hbm>>) target(%arg10 : memref<128x128xf32, #tpu.memory_space<vmem>>) offsets(%dma_start3A_303 : memref<128xi32, #tpu.memory_space<vmem>>) semaphore(%arg14 : memref<!tpu.dma_semaphore, #tpu.memory_space<semaphore_mem>>)
      } else {
      }
    }
    %scan3A_58 = arith.constant 20 : i32
    %run_scoped3A_59 = arith.constant 2 : i32
    "tpu.region"() ({
      %run_scoped3A_270 = tpu.sem_alloc : memref<!tpu.dma_semaphore, #tpu.memory_space<semaphore_mem>>
      %dma_start3A_271 = arith.constant 0 : i32
      %dma_start3A_272 = arith.constant 0 : i32
      %dma_start3A_273 = tpu.memref_slice %arg3[%run_scoped3A_59, %add3A, %dma_start3A_271, %dma_start3A_272] : memref<8x32x40x128xi32, #tpu.memory_space<hbm>> -> memref<1x1x40x128xi32, #tpu.memory_space<hbm>>
      %dma_start3A_274 = tpu.memref_squeeze %dma_start3A_273 : memref<1x1x40x128xi32, #tpu.memory_space<hbm>> -> memref<40x128xi32, #tpu.memory_space<hbm>>
      %dma_start3A_275 = arith.constant 0 : i32
      %dma_start3A_276 = arith.constant 0 : i32
      %dma_start3A_277 = tpu.memref_slice %arg3[%run_scoped3A_59, %add3A, %dma_start3A_275, %dma_start3A_276] : memref<8x32x40x128xi32, #tpu.memory_space<hbm>> -> memref<1x1x40x128xi32, #tpu.memory_space<hbm>>
      %dma_start3A_278 = tpu.memref_squeeze %dma_start3A_277 : memref<1x1x40x128xi32, #tpu.memory_space<hbm>> -> memref<40x128xi32, #tpu.memory_space<hbm>>
      tpu.enqueue_dma source(%dma_start3A_278 : memref<40x128xi32, #tpu.memory_space<hbm>>) target(%arg7 : memref<40x128xi32, #tpu.memory_space<vmem>>) target_semaphore(%run_scoped3A_270 : memref<!tpu.dma_semaphore, #tpu.memory_space<semaphore_mem>>)
      %dma_wait3A = arith.constant 0 : i32
      %dma_wait3A_279 = arith.constant 0 : i32
      %dma_wait3A_280 = tpu.memref_slice %arg3[%run_scoped3A_59, %add3A, %dma_wait3A, %dma_wait3A_279] : memref<8x32x40x128xi32, #tpu.memory_space<hbm>> -> memref<1x1x40x128xi32, #tpu.memory_space<hbm>>
      %dma_wait3A_281 = tpu.memref_squeeze %dma_wait3A_280 : memref<1x1x40x128xi32, #tpu.memory_space<hbm>> -> memref<40x128xi32, #tpu.memory_space<hbm>>
      %dma_wait3A_282 = arith.constant 0 : i32
      %dma_wait3A_283 = arith.constant 0 : i32
      %dma_wait3A_284 = tpu.memref_slice %arg3[%run_scoped3A_59, %add3A, %dma_wait3A_282, %dma_wait3A_283] : memref<8x32x40x128xi32, #tpu.memory_space<hbm>> -> memref<1x1x40x128xi32, #tpu.memory_space<hbm>>
      %dma_wait3A_285 = tpu.memref_squeeze %dma_wait3A_284 : memref<1x1x40x128xi32, #tpu.memory_space<hbm>> -> memref<40x128xi32, #tpu.memory_space<hbm>>
      tpu.wait_dma2 semaphore(%run_scoped3A_270 : memref<!tpu.dma_semaphore, #tpu.memory_space<semaphore_mem>>) src(%dma_wait3A_285 : memref<40x128xi32, #tpu.memory_space<hbm>>) dst(%arg7 : memref<40x128xi32, #tpu.memory_space<vmem>>)
      tpu.yield
    }) : () -> ()
    %dma_start3A_60 = arith.constant 0 : i32
    %dma_start3A_61 = arith.constant 0 : i32
    %dma_start3A_62 = tpu.memref_slice %arg7[%dma_start3A_60, %dma_start3A_61] : memref<40x128xi32, #tpu.memory_space<vmem>> -> memref<1x128xi32, #tpu.memory_space<vmem>>
    %dma_start3A_63 = tpu.memref_squeeze %dma_start3A_62 : memref<1x128xi32, #tpu.memory_space<vmem>> -> memref<128xi32, #tpu.memory_space<vmem>>
    %dma_start3A_64 = arith.constant 0 : i32
    %dma_start3A_65 = arith.constant 0 : i32
    %dma_start3A_66 = tpu.memref_slice %arg2[%dma_start3A_64, %dma_start3A_65] : memref<80000x128xf32, #tpu.memory_space<hbm>> -> memref<80000x128xf32, #tpu.memory_space<hbm>>
    tpu.enqueue_indirect_dma source(%dma_start3A_66 : memref<80000x128xf32, #tpu.memory_space<hbm>>) target(%arg9 : memref<128x128xf32, #tpu.memory_space<vmem>>) offsets(%dma_start3A_63 : memref<128xi32, #tpu.memory_space<vmem>>) semaphore(%arg13 : memref<!tpu.dma_semaphore, #tpu.memory_space<semaphore_mem>>)
    %dma_start3A_67 = arith.constant 1 : i32
    %dma_start3A_68 = arith.constant 0 : i32
    %dma_start3A_69 = tpu.memref_slice %arg7[%dma_start3A_67, %dma_start3A_68] : memref<40x128xi32, #tpu.memory_space<vmem>> -> memref<1x128xi32, #tpu.memory_space<vmem>>
    %dma_start3A_70 = tpu.memref_squeeze %dma_start3A_69 : memref<1x128xi32, #tpu.memory_space<vmem>> -> memref<128xi32, #tpu.memory_space<vmem>>
    %dma_start3A_71 = arith.constant 0 : i32
    %dma_start3A_72 = arith.constant 0 : i32
    %dma_start3A_73 = tpu.memref_slice %arg2[%dma_start3A_71, %dma_start3A_72] : memref<80000x128xf32, #tpu.memory_space<hbm>> -> memref<80000x128xf32, #tpu.memory_space<hbm>>
    tpu.enqueue_indirect_dma source(%dma_start3A_73 : memref<80000x128xf32, #tpu.memory_space<hbm>>) target(%arg10 : memref<128x128xf32, #tpu.memory_space<vmem>>) offsets(%dma_start3A_70 : memref<128xi32, #tpu.memory_space<vmem>>) semaphore(%arg14 : memref<!tpu.dma_semaphore, #tpu.memory_space<semaphore_mem>>)
    %barrier3A_74 = arith.constant 0 : index
    tpu.barrier barrier_id(%barrier3A_74)
    %mul3A_75 = arith.constant 640 : i32
    %mul3A_76 = arith.muli %arg1, %mul3A_75 : i32
    %mul3A_77 = arith.constant 640 : i32
    %mul3A_78 = arith.muli %arg1, %mul3A_77 : i32
    %run_scoped3A_79 = arith.constant 1 : i32
    "tpu.region"() ({
      %run_scoped3A_270 = tpu.sem_alloc : memref<!tpu.dma_semaphore, #tpu.memory_space<semaphore_mem>>
      %dma_start3A_271 = arith.constant 0 : i32
      %dma_start3A_272 = tpu.memref_slice %arg6[%arg0, %run_scoped3A_79, %mul3A_78, %dma_start3A_271] : memref<2x8x10240x128xf32, #tpu.memory_space<hbm>> -> memref<1x1x640x128xf32, #tpu.memory_space<hbm>>
      %dma_start3A_273 = tpu.memref_squeeze %dma_start3A_272 : memref<1x1x640x128xf32, #tpu.memory_space<hbm>> -> memref<640x128xf32, #tpu.memory_space<hbm>>
      %dma_start3A_274 = arith.constant 0 : i32
      %dma_start3A_275 = tpu.memref_slice %arg12[%mul3A_76, %dma_start3A_274] : memref<10240x128xf32, #tpu.memory_space<vmem_shared>> -> memref<640x128xf32, #tpu.memory_space<vmem_shared>>
      tpu.enqueue_dma source(%dma_start3A_275 : memref<640x128xf32, #tpu.memory_space<vmem_shared>>) target(%dma_start3A_273 : memref<640x128xf32, #tpu.memory_space<hbm>>) target_semaphore(%run_scoped3A_270 : memref<!tpu.dma_semaphore, #tpu.memory_space<semaphore_mem>>)
      %dma_wait3A = arith.constant 0 : i32
      %dma_wait3A_276 = tpu.memref_slice %arg6[%arg0, %run_scoped3A_79, %mul3A_78, %dma_wait3A] : memref<2x8x10240x128xf32, #tpu.memory_space<hbm>> -> memref<1x1x640x128xf32, #tpu.memory_space<hbm>>
      %dma_wait3A_277 = tpu.memref_squeeze %dma_wait3A_276 : memref<1x1x640x128xf32, #tpu.memory_space<hbm>> -> memref<640x128xf32, #tpu.memory_space<hbm>>
      %dma_wait3A_278 = arith.constant 0 : i32
      %dma_wait3A_279 = tpu.memref_slice %arg12[%mul3A_76, %dma_wait3A_278] : memref<10240x128xf32, #tpu.memory_space<vmem_shared>> -> memref<640x128xf32, #tpu.memory_space<vmem_shared>>
      tpu.wait_dma2 semaphore(%run_scoped3A_270 : memref<!tpu.dma_semaphore, #tpu.memory_space<semaphore_mem>>) src(%dma_wait3A_279 : memref<640x128xf32, #tpu.memory_space<vmem_shared>>) dst(%dma_wait3A_277 : memref<640x128xf32, #tpu.memory_space<hbm>>)
      tpu.yield
    }) : () -> ()
    %scan3A_80 = arith.constant 0 : i32
    %scan3A_81 = arith.constant 0 : i32
    %scan3A_82 = arith.constant 20 : i32
    %scan3A_83 = arith.addi %scan3A_81, %scan3A_82 : i32
    %scan3A_84 = arith.constant 1 : i32
    scf.for %scan3A_270 = %scan3A_81 to %scan3A_83 step %scan3A_84  : i32 {
      %mul3A_271 = arith.constant 640 : i32
      %mul3A_272 = arith.muli %arg1, %mul3A_271 : i32
      %mul3A_273 = arith.constant 32 : i32
      %mul3A_274 = arith.muli %scan3A_270, %mul3A_273 : i32
      %add3A_275 = arith.addi %mul3A_272, %mul3A_274 : i32
      "tpu.region"() ({
        %run_scoped3A_276 = tpu.sem_alloc : memref<!tpu.dma_semaphore, #tpu.memory_space<semaphore_mem>>
        %dma_start3A_277 = arith.constant 0 : i32
        %dma_start3A_278 = tpu.memref_slice %arg12[%add3A_275, %dma_start3A_277] : memref<10240x128xf32, #tpu.memory_space<vmem_shared>> -> memref<32x128xf32, #tpu.memory_space<vmem_shared>>
        %dma_start3A_279 = arith.constant 0 : i32
        %dma_start3A_280 = tpu.memref_slice %arg12[%add3A_275, %dma_start3A_279] : memref<10240x128xf32, #tpu.memory_space<vmem_shared>> -> memref<32x128xf32, #tpu.memory_space<vmem_shared>>
        tpu.enqueue_dma source(%arg11 : memref<32x128xf32, #tpu.memory_space<vmem>>) target(%dma_start3A_280 : memref<32x128xf32, #tpu.memory_space<vmem_shared>>) target_semaphore(%run_scoped3A_276 : memref<!tpu.dma_semaphore, #tpu.memory_space<semaphore_mem>>)
        %dma_wait3A = arith.constant 0 : i32
        %dma_wait3A_281 = tpu.memref_slice %arg12[%add3A_275, %dma_wait3A] : memref<10240x128xf32, #tpu.memory_space<vmem_shared>> -> memref<32x128xf32, #tpu.memory_space<vmem_shared>>
        %dma_wait3A_282 = arith.constant 0 : i32
        %dma_wait3A_283 = tpu.memref_slice %arg12[%add3A_275, %dma_wait3A_282] : memref<10240x128xf32, #tpu.memory_space<vmem_shared>> -> memref<32x128xf32, #tpu.memory_space<vmem_shared>>
        tpu.wait_dma2 semaphore(%run_scoped3A_276 : memref<!tpu.dma_semaphore, #tpu.memory_space<semaphore_mem>>) src(%arg11 : memref<32x128xf32, #tpu.memory_space<vmem>>) dst(%dma_wait3A_283 : memref<32x128xf32, #tpu.memory_space<vmem_shared>>)
        tpu.yield
      }) : () -> ()
    }
    %scan3A_85 = arith.constant 20 : i32
    %barrier3A_86 = arith.constant 0 : index
    tpu.barrier barrier_id(%barrier3A_86)
    %scan3A_87 = arith.constant 0 : i32
    %scan3A_88 = arith.constant 0 : i32
    %scan3A_89 = arith.constant 20 : i32
    %scan3A_90 = arith.addi %scan3A_88, %scan3A_89 : i32
    %scan3A_91 = arith.constant 1 : i32
    scf.for %scan3A_270 = %scan3A_88 to %scan3A_90 step %scan3A_91  : i32 {
      %mul3A_271 = arith.constant 2 : i32
      %mul3A_272 = arith.muli %mul3A_271, %scan3A_270 : i32
      %dma_wait3A = arith.constant 0 : i32
      %dma_wait3A_273 = arith.constant 0 : i32
      %dma_wait3A_274 = tpu.memref_slice %arg7[%dma_wait3A, %dma_wait3A_273] : memref<40x128xi32, #tpu.memory_space<vmem>> -> memref<1x128xi32, #tpu.memory_space<vmem>>
      %dma_wait3A_275 = tpu.memref_squeeze %dma_wait3A_274 : memref<1x128xi32, #tpu.memory_space<vmem>> -> memref<128xi32, #tpu.memory_space<vmem>>
      %dma_wait3A_276 = arith.constant 0 : i32
      %dma_wait3A_277 = arith.constant 0 : i32
      %dma_wait3A_278 = tpu.memref_slice %arg2[%dma_wait3A_276, %dma_wait3A_277] : memref<80000x128xf32, #tpu.memory_space<hbm>> -> memref<80000x128xf32, #tpu.memory_space<hbm>>
      tpu.wait_indirect_dma semaphore(%arg13 : memref<!tpu.dma_semaphore, #tpu.memory_space<semaphore_mem>>) src(%dma_wait3A_278 : memref<80000x128xf32, #tpu.memory_space<hbm>>) dst(%arg9 : memref<128x128xf32, #tpu.memory_space<vmem>>)
      "tpu.region"() ({
        %run_scoped3A_299 = tpu.sem_alloc : memref<!tpu.dma_semaphore, #tpu.memory_space<semaphore_mem>>
        %dma_start3A_300 = arith.constant 0 : i32
        %dma_start3A_301 = tpu.memref_slice %arg8[%mul3A_272, %dma_start3A_300] : memref<40x128xi32, #tpu.memory_space<vmem>> -> memref<1x128xi32, #tpu.memory_space<vmem>>
        %dma_start3A_302 = tpu.memref_squeeze %dma_start3A_301 : memref<1x128xi32, #tpu.memory_space<vmem>> -> memref<128xi32, #tpu.memory_space<vmem>>
        %dma_start3A_303 = arith.constant 0 : i32
        %dma_start3A_304 = arith.constant 0 : i32
        %dma_start3A_305 = tpu.memref_slice %arg12[%dma_start3A_303, %dma_start3A_304] : memref<10240x128xf32, #tpu.memory_space<vmem_shared>> -> memref<10240x128xf32, #tpu.memory_space<vmem_shared>>
        tpu.enqueue_indirect_dma source(%arg9 : memref<128x128xf32, #tpu.memory_space<vmem>>) target(%dma_start3A_305 : memref<10240x128xf32, #tpu.memory_space<vmem_shared>>) offsets(%dma_start3A_302 : memref<128xi32, #tpu.memory_space<vmem>>) semaphore(%run_scoped3A_299 : memref<!tpu.dma_semaphore, #tpu.memory_space<semaphore_mem>>) {add = true}
        %dma_wait3A_306 = arith.constant 0 : i32
        %dma_wait3A_307 = tpu.memref_slice %arg8[%mul3A_272, %dma_wait3A_306] : memref<40x128xi32, #tpu.memory_space<vmem>> -> memref<1x128xi32, #tpu.memory_space<vmem>>
        %dma_wait3A_308 = tpu.memref_squeeze %dma_wait3A_307 : memref<1x128xi32, #tpu.memory_space<vmem>> -> memref<128xi32, #tpu.memory_space<vmem>>
        %dma_wait3A_309 = arith.constant 0 : i32
        %dma_wait3A_310 = arith.constant 0 : i32
        %dma_wait3A_311 = tpu.memref_slice %arg12[%dma_wait3A_309, %dma_wait3A_310] : memref<10240x128xf32, #tpu.memory_space<vmem_shared>> -> memref<10240x128xf32, #tpu.memory_space<vmem_shared>>
        tpu.wait_indirect_dma semaphore(%run_scoped3A_299 : memref<!tpu.dma_semaphore, #tpu.memory_space<semaphore_mem>>) src(%arg9 : memref<128x128xf32, #tpu.memory_space<vmem>>) dst(%dma_wait3A_311 : memref<10240x128xf32, #tpu.memory_space<vmem_shared>>)
        tpu.yield
      }) : () -> ()
      %add3A_279 = arith.constant 2 : i32
      %add3A_280 = arith.addi %mul3A_272, %add3A_279 : i32
      %lt3A = arith.constant 40 : i32
      %lt3A_281 = arith.cmpi slt, %add3A_280, %lt3A : i32
      %convert_element_type3A = arith.extui %lt3A_281 : i1 to i32
      %cond3A = arith.constant 0 : i32
      %cond3A_282 = arith.cmpi ne, %convert_element_type3A, %cond3A : i32
      scf.if %cond3A_282 {
        %add3A_299 = arith.constant 2 : i32
        %add3A_300 = arith.addi %mul3A_272, %add3A_299 : i32
        %dma_start3A_301 = arith.constant 0 : i32
        %dma_start3A_302 = tpu.memref_slice %arg7[%add3A_300, %dma_start3A_301] : memref<40x128xi32, #tpu.memory_space<vmem>> -> memref<1x128xi32, #tpu.memory_space<vmem>>
        %dma_start3A_303 = tpu.memref_squeeze %dma_start3A_302 : memref<1x128xi32, #tpu.memory_space<vmem>> -> memref<128xi32, #tpu.memory_space<vmem>>
        %dma_start3A_304 = arith.constant 0 : i32
        %dma_start3A_305 = arith.constant 0 : i32
        %dma_start3A_306 = tpu.memref_slice %arg2[%dma_start3A_304, %dma_start3A_305] : memref<80000x128xf32, #tpu.memory_space<hbm>> -> memref<80000x128xf32, #tpu.memory_space<hbm>>
        tpu.enqueue_indirect_dma source(%dma_start3A_306 : memref<80000x128xf32, #tpu.memory_space<hbm>>) target(%arg9 : memref<128x128xf32, #tpu.memory_space<vmem>>) offsets(%dma_start3A_303 : memref<128xi32, #tpu.memory_space<vmem>>) semaphore(%arg13 : memref<!tpu.dma_semaphore, #tpu.memory_space<semaphore_mem>>)
      } else {
      }
      %dma_wait3A_283 = arith.constant 0 : i32
      %dma_wait3A_284 = arith.constant 0 : i32
      %dma_wait3A_285 = tpu.memref_slice %arg7[%dma_wait3A_283, %dma_wait3A_284] : memref<40x128xi32, #tpu.memory_space<vmem>> -> memref<1x128xi32, #tpu.memory_space<vmem>>
      %dma_wait3A_286 = tpu.memref_squeeze %dma_wait3A_285 : memref<1x128xi32, #tpu.memory_space<vmem>> -> memref<128xi32, #tpu.memory_space<vmem>>
      %dma_wait3A_287 = arith.constant 0 : i32
      %dma_wait3A_288 = arith.constant 0 : i32
      %dma_wait3A_289 = tpu.memref_slice %arg2[%dma_wait3A_287, %dma_wait3A_288] : memref<80000x128xf32, #tpu.memory_space<hbm>> -> memref<80000x128xf32, #tpu.memory_space<hbm>>
      tpu.wait_indirect_dma semaphore(%arg14 : memref<!tpu.dma_semaphore, #tpu.memory_space<semaphore_mem>>) src(%dma_wait3A_289 : memref<80000x128xf32, #tpu.memory_space<hbm>>) dst(%arg10 : memref<128x128xf32, #tpu.memory_space<vmem>>)
      %add3A_290 = arith.constant 1 : i32
      %add3A_291 = arith.addi %mul3A_272, %add3A_290 : i32
      "tpu.region"() ({
        %run_scoped3A_299 = tpu.sem_alloc : memref<!tpu.dma_semaphore, #tpu.memory_space<semaphore_mem>>
        %dma_start3A_300 = arith.constant 0 : i32
        %dma_start3A_301 = tpu.memref_slice %arg8[%add3A_291, %dma_start3A_300] : memref<40x128xi32, #tpu.memory_space<vmem>> -> memref<1x128xi32, #tpu.memory_space<vmem>>
        %dma_start3A_302 = tpu.memref_squeeze %dma_start3A_301 : memref<1x128xi32, #tpu.memory_space<vmem>> -> memref<128xi32, #tpu.memory_space<vmem>>
        %dma_start3A_303 = arith.constant 0 : i32
        %dma_start3A_304 = arith.constant 0 : i32
        %dma_start3A_305 = tpu.memref_slice %arg12[%dma_start3A_303, %dma_start3A_304] : memref<10240x128xf32, #tpu.memory_space<vmem_shared>> -> memref<10240x128xf32, #tpu.memory_space<vmem_shared>>
        tpu.enqueue_indirect_dma source(%arg10 : memref<128x128xf32, #tpu.memory_space<vmem>>) target(%dma_start3A_305 : memref<10240x128xf32, #tpu.memory_space<vmem_shared>>) offsets(%dma_start3A_302 : memref<128xi32, #tpu.memory_space<vmem>>) semaphore(%run_scoped3A_299 : memref<!tpu.dma_semaphore, #tpu.memory_space<semaphore_mem>>) {add = true}
        %dma_wait3A_306 = arith.constant 0 : i32
        %dma_wait3A_307 = tpu.memref_slice %arg8[%add3A_291, %dma_wait3A_306] : memref<40x128xi32, #tpu.memory_space<vmem>> -> memref<1x128xi32, #tpu.memory_space<vmem>>
        %dma_wait3A_308 = tpu.memref_squeeze %dma_wait3A_307 : memref<1x128xi32, #tpu.memory_space<vmem>> -> memref<128xi32, #tpu.memory_space<vmem>>
        %dma_wait3A_309 = arith.constant 0 : i32
        %dma_wait3A_310 = arith.constant 0 : i32
        %dma_wait3A_311 = tpu.memref_slice %arg12[%dma_wait3A_309, %dma_wait3A_310] : memref<10240x128xf32, #tpu.memory_space<vmem_shared>> -> memref<10240x128xf32, #tpu.memory_space<vmem_shared>>
        tpu.wait_indirect_dma semaphore(%run_scoped3A_299 : memref<!tpu.dma_semaphore, #tpu.memory_space<semaphore_mem>>) src(%arg10 : memref<128x128xf32, #tpu.memory_space<vmem>>) dst(%dma_wait3A_311 : memref<10240x128xf32, #tpu.memory_space<vmem_shared>>)
        tpu.yield
      }) : () -> ()
      %add3A_292 = arith.constant 3 : i32
      %add3A_293 = arith.addi %mul3A_272, %add3A_292 : i32
      %lt3A_294 = arith.constant 40 : i32
      %lt3A_295 = arith.cmpi slt, %add3A_293, %lt3A_294 : i32
      %convert_element_type3A_296 = arith.extui %lt3A_295 : i1 to i32
      %cond3A_297 = arith.constant 0 : i32
      %cond3A_298 = arith.cmpi ne, %convert_element_type3A_296, %cond3A_297 : i32
      scf.if %cond3A_298 {
        %add3A_299 = arith.constant 3 : i32
        %add3A_300 = arith.addi %mul3A_272, %add3A_299 : i32
        %dma_start3A_301 = arith.constant 0 : i32
        %dma_start3A_302 = tpu.memref_slice %arg7[%add3A_300, %dma_start3A_301] : memref<40x128xi32, #tpu.memory_space<vmem>> -> memref<1x128xi32, #tpu.memory_space<vmem>>
        %dma_start3A_303 = tpu.memref_squeeze %dma_start3A_302 : memref<1x128xi32, #tpu.memory_space<vmem>> -> memref<128xi32, #tpu.memory_space<vmem>>
        %dma_start3A_304 = arith.constant 0 : i32
        %dma_start3A_305 = arith.constant 0 : i32
        %dma_start3A_306 = tpu.memref_slice %arg2[%dma_start3A_304, %dma_start3A_305] : memref<80000x128xf32, #tpu.memory_space<hbm>> -> memref<80000x128xf32, #tpu.memory_space<hbm>>
        tpu.enqueue_indirect_dma source(%dma_start3A_306 : memref<80000x128xf32, #tpu.memory_space<hbm>>) target(%arg10 : memref<128x128xf32, #tpu.memory_space<vmem>>) offsets(%dma_start3A_303 : memref<128xi32, #tpu.memory_space<vmem>>) semaphore(%arg14 : memref<!tpu.dma_semaphore, #tpu.memory_space<semaphore_mem>>)
      } else {
      }
    }
    %scan3A_92 = arith.constant 20 : i32
    %run_scoped3A_93 = arith.constant 3 : i32
    "tpu.region"() ({
      %run_scoped3A_270 = tpu.sem_alloc : memref<!tpu.dma_semaphore, #tpu.memory_space<semaphore_mem>>
      %dma_start3A_271 = arith.constant 0 : i32
      %dma_start3A_272 = arith.constant 0 : i32
      %dma_start3A_273 = tpu.memref_slice %arg3[%run_scoped3A_93, %add3A, %dma_start3A_271, %dma_start3A_272] : memref<8x32x40x128xi32, #tpu.memory_space<hbm>> -> memref<1x1x40x128xi32, #tpu.memory_space<hbm>>
      %dma_start3A_274 = tpu.memref_squeeze %dma_start3A_273 : memref<1x1x40x128xi32, #tpu.memory_space<hbm>> -> memref<40x128xi32, #tpu.memory_space<hbm>>
      %dma_start3A_275 = arith.constant 0 : i32
      %dma_start3A_276 = arith.constant 0 : i32
      %dma_start3A_277 = tpu.memref_slice %arg3[%run_scoped3A_93, %add3A, %dma_start3A_275, %dma_start3A_276] : memref<8x32x40x128xi32, #tpu.memory_space<hbm>> -> memref<1x1x40x128xi32, #tpu.memory_space<hbm>>
      %dma_start3A_278 = tpu.memref_squeeze %dma_start3A_277 : memref<1x1x40x128xi32, #tpu.memory_space<hbm>> -> memref<40x128xi32, #tpu.memory_space<hbm>>
      tpu.enqueue_dma source(%dma_start3A_278 : memref<40x128xi32, #tpu.memory_space<hbm>>) target(%arg7 : memref<40x128xi32, #tpu.memory_space<vmem>>) target_semaphore(%run_scoped3A_270 : memref<!tpu.dma_semaphore, #tpu.memory_space<semaphore_mem>>)
      %dma_wait3A = arith.constant 0 : i32
      %dma_wait3A_279 = arith.constant 0 : i32
      %dma_wait3A_280 = tpu.memref_slice %arg3[%run_scoped3A_93, %add3A, %dma_wait3A, %dma_wait3A_279] : memref<8x32x40x128xi32, #tpu.memory_space<hbm>> -> memref<1x1x40x128xi32, #tpu.memory_space<hbm>>
      %dma_wait3A_281 = tpu.memref_squeeze %dma_wait3A_280 : memref<1x1x40x128xi32, #tpu.memory_space<hbm>> -> memref<40x128xi32, #tpu.memory_space<hbm>>
      %dma_wait3A_282 = arith.constant 0 : i32
      %dma_wait3A_283 = arith.constant 0 : i32
      %dma_wait3A_284 = tpu.memref_slice %arg3[%run_scoped3A_93, %add3A, %dma_wait3A_282, %dma_wait3A_283] : memref<8x32x40x128xi32, #tpu.memory_space<hbm>> -> memref<1x1x40x128xi32, #tpu.memory_space<hbm>>
      %dma_wait3A_285 = tpu.memref_squeeze %dma_wait3A_284 : memref<1x1x40x128xi32, #tpu.memory_space<hbm>> -> memref<40x128xi32, #tpu.memory_space<hbm>>
      tpu.wait_dma2 semaphore(%run_scoped3A_270 : memref<!tpu.dma_semaphore, #tpu.memory_space<semaphore_mem>>) src(%dma_wait3A_285 : memref<40x128xi32, #tpu.memory_space<hbm>>) dst(%arg7 : memref<40x128xi32, #tpu.memory_space<vmem>>)
      tpu.yield
    }) : () -> ()
    %dma_start3A_94 = arith.constant 0 : i32
    %dma_start3A_95 = arith.constant 0 : i32
    %dma_start3A_96 = tpu.memref_slice %arg7[%dma_start3A_94, %dma_start3A_95] : memref<40x128xi32, #tpu.memory_space<vmem>> -> memref<1x128xi32, #tpu.memory_space<vmem>>
    %dma_start3A_97 = tpu.memref_squeeze %dma_start3A_96 : memref<1x128xi32, #tpu.memory_space<vmem>> -> memref<128xi32, #tpu.memory_space<vmem>>
    %dma_start3A_98 = arith.constant 0 : i32
    %dma_start3A_99 = arith.constant 0 : i32
    %dma_start3A_100 = tpu.memref_slice %arg2[%dma_start3A_98, %dma_start3A_99] : memref<80000x128xf32, #tpu.memory_space<hbm>> -> memref<80000x128xf32, #tpu.memory_space<hbm>>
    tpu.enqueue_indirect_dma source(%dma_start3A_100 : memref<80000x128xf32, #tpu.memory_space<hbm>>) target(%arg9 : memref<128x128xf32, #tpu.memory_space<vmem>>) offsets(%dma_start3A_97 : memref<128xi32, #tpu.memory_space<vmem>>) semaphore(%arg13 : memref<!tpu.dma_semaphore, #tpu.memory_space<semaphore_mem>>)
    %dma_start3A_101 = arith.constant 1 : i32
    %dma_start3A_102 = arith.constant 0 : i32
    %dma_start3A_103 = tpu.memref_slice %arg7[%dma_start3A_101, %dma_start3A_102] : memref<40x128xi32, #tpu.memory_space<vmem>> -> memref<1x128xi32, #tpu.memory_space<vmem>>
    %dma_start3A_104 = tpu.memref_squeeze %dma_start3A_103 : memref<1x128xi32, #tpu.memory_space<vmem>> -> memref<128xi32, #tpu.memory_space<vmem>>
    %dma_start3A_105 = arith.constant 0 : i32
    %dma_start3A_106 = arith.constant 0 : i32
    %dma_start3A_107 = tpu.memref_slice %arg2[%dma_start3A_105, %dma_start3A_106] : memref<80000x128xf32, #tpu.memory_space<hbm>> -> memref<80000x128xf32, #tpu.memory_space<hbm>>
    tpu.enqueue_indirect_dma source(%dma_start3A_107 : memref<80000x128xf32, #tpu.memory_space<hbm>>) target(%arg10 : memref<128x128xf32, #tpu.memory_space<vmem>>) offsets(%dma_start3A_104 : memref<128xi32, #tpu.memory_space<vmem>>) semaphore(%arg14 : memref<!tpu.dma_semaphore, #tpu.memory_space<semaphore_mem>>)
    %barrier3A_108 = arith.constant 0 : index
    tpu.barrier barrier_id(%barrier3A_108)
    %mul3A_109 = arith.constant 640 : i32
    %mul3A_110 = arith.muli %arg1, %mul3A_109 : i32
    %mul3A_111 = arith.constant 640 : i32
    %mul3A_112 = arith.muli %arg1, %mul3A_111 : i32
    %run_scoped3A_113 = arith.constant 2 : i32
    "tpu.region"() ({
      %run_scoped3A_270 = tpu.sem_alloc : memref<!tpu.dma_semaphore, #tpu.memory_space<semaphore_mem>>
      %dma_start3A_271 = arith.constant 0 : i32
      %dma_start3A_272 = tpu.memref_slice %arg6[%arg0, %run_scoped3A_113, %mul3A_112, %dma_start3A_271] : memref<2x8x10240x128xf32, #tpu.memory_space<hbm>> -> memref<1x1x640x128xf32, #tpu.memory_space<hbm>>
      %dma_start3A_273 = tpu.memref_squeeze %dma_start3A_272 : memref<1x1x640x128xf32, #tpu.memory_space<hbm>> -> memref<640x128xf32, #tpu.memory_space<hbm>>
      %dma_start3A_274 = arith.constant 0 : i32
      %dma_start3A_275 = tpu.memref_slice %arg12[%mul3A_110, %dma_start3A_274] : memref<10240x128xf32, #tpu.memory_space<vmem_shared>> -> memref<640x128xf32, #tpu.memory_space<vmem_shared>>
      tpu.enqueue_dma source(%dma_start3A_275 : memref<640x128xf32, #tpu.memory_space<vmem_shared>>) target(%dma_start3A_273 : memref<640x128xf32, #tpu.memory_space<hbm>>) target_semaphore(%run_scoped3A_270 : memref<!tpu.dma_semaphore, #tpu.memory_space<semaphore_mem>>)
      %dma_wait3A = arith.constant 0 : i32
      %dma_wait3A_276 = tpu.memref_slice %arg6[%arg0, %run_scoped3A_113, %mul3A_112, %dma_wait3A] : memref<2x8x10240x128xf32, #tpu.memory_space<hbm>> -> memref<1x1x640x128xf32, #tpu.memory_space<hbm>>
      %dma_wait3A_277 = tpu.memref_squeeze %dma_wait3A_276 : memref<1x1x640x128xf32, #tpu.memory_space<hbm>> -> memref<640x128xf32, #tpu.memory_space<hbm>>
      %dma_wait3A_278 = arith.constant 0 : i32
      %dma_wait3A_279 = tpu.memref_slice %arg12[%mul3A_110, %dma_wait3A_278] : memref<10240x128xf32, #tpu.memory_space<vmem_shared>> -> memref<640x128xf32, #tpu.memory_space<vmem_shared>>
      tpu.wait_dma2 semaphore(%run_scoped3A_270 : memref<!tpu.dma_semaphore, #tpu.memory_space<semaphore_mem>>) src(%dma_wait3A_279 : memref<640x128xf32, #tpu.memory_space<vmem_shared>>) dst(%dma_wait3A_277 : memref<640x128xf32, #tpu.memory_space<hbm>>)
      tpu.yield
    }) : () -> ()
    %scan3A_114 = arith.constant 0 : i32
    %scan3A_115 = arith.constant 0 : i32
    %scan3A_116 = arith.constant 20 : i32
    %scan3A_117 = arith.addi %scan3A_115, %scan3A_116 : i32
    %scan3A_118 = arith.constant 1 : i32
    scf.for %scan3A_270 = %scan3A_115 to %scan3A_117 step %scan3A_118  : i32 {
      %mul3A_271 = arith.constant 640 : i32
      %mul3A_272 = arith.muli %arg1, %mul3A_271 : i32
      %mul3A_273 = arith.constant 32 : i32
      %mul3A_274 = arith.muli %scan3A_270, %mul3A_273 : i32
      %add3A_275 = arith.addi %mul3A_272, %mul3A_274 : i32
      "tpu.region"() ({
        %run_scoped3A_276 = tpu.sem_alloc : memref<!tpu.dma_semaphore, #tpu.memory_space<semaphore_mem>>
        %dma_start3A_277 = arith.constant 0 : i32
        %dma_start3A_278 = tpu.memref_slice %arg12[%add3A_275, %dma_start3A_277] : memref<10240x128xf32, #tpu.memory_space<vmem_shared>> -> memref<32x128xf32, #tpu.memory_space<vmem_shared>>
        %dma_start3A_279 = arith.constant 0 : i32
        %dma_start3A_280 = tpu.memref_slice %arg12[%add3A_275, %dma_start3A_279] : memref<10240x128xf32, #tpu.memory_space<vmem_shared>> -> memref<32x128xf32, #tpu.memory_space<vmem_shared>>
        tpu.enqueue_dma source(%arg11 : memref<32x128xf32, #tpu.memory_space<vmem>>) target(%dma_start3A_280 : memref<32x128xf32, #tpu.memory_space<vmem_shared>>) target_semaphore(%run_scoped3A_276 : memref<!tpu.dma_semaphore, #tpu.memory_space<semaphore_mem>>)
        %dma_wait3A = arith.constant 0 : i32
        %dma_wait3A_281 = tpu.memref_slice %arg12[%add3A_275, %dma_wait3A] : memref<10240x128xf32, #tpu.memory_space<vmem_shared>> -> memref<32x128xf32, #tpu.memory_space<vmem_shared>>
        %dma_wait3A_282 = arith.constant 0 : i32
        %dma_wait3A_283 = tpu.memref_slice %arg12[%add3A_275, %dma_wait3A_282] : memref<10240x128xf32, #tpu.memory_space<vmem_shared>> -> memref<32x128xf32, #tpu.memory_space<vmem_shared>>
        tpu.wait_dma2 semaphore(%run_scoped3A_276 : memref<!tpu.dma_semaphore, #tpu.memory_space<semaphore_mem>>) src(%arg11 : memref<32x128xf32, #tpu.memory_space<vmem>>) dst(%dma_wait3A_283 : memref<32x128xf32, #tpu.memory_space<vmem_shared>>)
        tpu.yield
      }) : () -> ()
    }
    %scan3A_119 = arith.constant 20 : i32
    %barrier3A_120 = arith.constant 0 : index
    tpu.barrier barrier_id(%barrier3A_120)
    %scan3A_121 = arith.constant 0 : i32
    %scan3A_122 = arith.constant 0 : i32
    %scan3A_123 = arith.constant 20 : i32
    %scan3A_124 = arith.addi %scan3A_122, %scan3A_123 : i32
    %scan3A_125 = arith.constant 1 : i32
    scf.for %scan3A_270 = %scan3A_122 to %scan3A_124 step %scan3A_125  : i32 {
      %mul3A_271 = arith.constant 2 : i32
      %mul3A_272 = arith.muli %mul3A_271, %scan3A_270 : i32
      %dma_wait3A = arith.constant 0 : i32
      %dma_wait3A_273 = arith.constant 0 : i32
      %dma_wait3A_274 = tpu.memref_slice %arg7[%dma_wait3A, %dma_wait3A_273] : memref<40x128xi32, #tpu.memory_space<vmem>> -> memref<1x128xi32, #tpu.memory_space<vmem>>
      %dma_wait3A_275 = tpu.memref_squeeze %dma_wait3A_274 : memref<1x128xi32, #tpu.memory_space<vmem>> -> memref<128xi32, #tpu.memory_space<vmem>>
      %dma_wait3A_276 = arith.constant 0 : i32
      %dma_wait3A_277 = arith.constant 0 : i32
      %dma_wait3A_278 = tpu.memref_slice %arg2[%dma_wait3A_276, %dma_wait3A_277] : memref<80000x128xf32, #tpu.memory_space<hbm>> -> memref<80000x128xf32, #tpu.memory_space<hbm>>
      tpu.wait_indirect_dma semaphore(%arg13 : memref<!tpu.dma_semaphore, #tpu.memory_space<semaphore_mem>>) src(%dma_wait3A_278 : memref<80000x128xf32, #tpu.memory_space<hbm>>) dst(%arg9 : memref<128x128xf32, #tpu.memory_space<vmem>>)
      "tpu.region"() ({
        %run_scoped3A_299 = tpu.sem_alloc : memref<!tpu.dma_semaphore, #tpu.memory_space<semaphore_mem>>
        %dma_start3A_300 = arith.constant 0 : i32
        %dma_start3A_301 = tpu.memref_slice %arg8[%mul3A_272, %dma_start3A_300] : memref<40x128xi32, #tpu.memory_space<vmem>> -> memref<1x128xi32, #tpu.memory_space<vmem>>
        %dma_start3A_302 = tpu.memref_squeeze %dma_start3A_301 : memref<1x128xi32, #tpu.memory_space<vmem>> -> memref<128xi32, #tpu.memory_space<vmem>>
        %dma_start3A_303 = arith.constant 0 : i32
        %dma_start3A_304 = arith.constant 0 : i32
        %dma_start3A_305 = tpu.memref_slice %arg12[%dma_start3A_303, %dma_start3A_304] : memref<10240x128xf32, #tpu.memory_space<vmem_shared>> -> memref<10240x128xf32, #tpu.memory_space<vmem_shared>>
        tpu.enqueue_indirect_dma source(%arg9 : memref<128x128xf32, #tpu.memory_space<vmem>>) target(%dma_start3A_305 : memref<10240x128xf32, #tpu.memory_space<vmem_shared>>) offsets(%dma_start3A_302 : memref<128xi32, #tpu.memory_space<vmem>>) semaphore(%run_scoped3A_299 : memref<!tpu.dma_semaphore, #tpu.memory_space<semaphore_mem>>) {add = true}
        %dma_wait3A_306 = arith.constant 0 : i32
        %dma_wait3A_307 = tpu.memref_slice %arg8[%mul3A_272, %dma_wait3A_306] : memref<40x128xi32, #tpu.memory_space<vmem>> -> memref<1x128xi32, #tpu.memory_space<vmem>>
        %dma_wait3A_308 = tpu.memref_squeeze %dma_wait3A_307 : memref<1x128xi32, #tpu.memory_space<vmem>> -> memref<128xi32, #tpu.memory_space<vmem>>
        %dma_wait3A_309 = arith.constant 0 : i32
        %dma_wait3A_310 = arith.constant 0 : i32
        %dma_wait3A_311 = tpu.memref_slice %arg12[%dma_wait3A_309, %dma_wait3A_310] : memref<10240x128xf32, #tpu.memory_space<vmem_shared>> -> memref<10240x128xf32, #tpu.memory_space<vmem_shared>>
        tpu.wait_indirect_dma semaphore(%run_scoped3A_299 : memref<!tpu.dma_semaphore, #tpu.memory_space<semaphore_mem>>) src(%arg9 : memref<128x128xf32, #tpu.memory_space<vmem>>) dst(%dma_wait3A_311 : memref<10240x128xf32, #tpu.memory_space<vmem_shared>>)
        tpu.yield
      }) : () -> ()
      %add3A_279 = arith.constant 2 : i32
      %add3A_280 = arith.addi %mul3A_272, %add3A_279 : i32
      %lt3A = arith.constant 40 : i32
      %lt3A_281 = arith.cmpi slt, %add3A_280, %lt3A : i32
      %convert_element_type3A = arith.extui %lt3A_281 : i1 to i32
      %cond3A = arith.constant 0 : i32
      %cond3A_282 = arith.cmpi ne, %convert_element_type3A, %cond3A : i32
      scf.if %cond3A_282 {
        %add3A_299 = arith.constant 2 : i32
        %add3A_300 = arith.addi %mul3A_272, %add3A_299 : i32
        %dma_start3A_301 = arith.constant 0 : i32
        %dma_start3A_302 = tpu.memref_slice %arg7[%add3A_300, %dma_start3A_301] : memref<40x128xi32, #tpu.memory_space<vmem>> -> memref<1x128xi32, #tpu.memory_space<vmem>>
        %dma_start3A_303 = tpu.memref_squeeze %dma_start3A_302 : memref<1x128xi32, #tpu.memory_space<vmem>> -> memref<128xi32, #tpu.memory_space<vmem>>
        %dma_start3A_304 = arith.constant 0 : i32
        %dma_start3A_305 = arith.constant 0 : i32
        %dma_start3A_306 = tpu.memref_slice %arg2[%dma_start3A_304, %dma_start3A_305] : memref<80000x128xf32, #tpu.memory_space<hbm>> -> memref<80000x128xf32, #tpu.memory_space<hbm>>
        tpu.enqueue_indirect_dma source(%dma_start3A_306 : memref<80000x128xf32, #tpu.memory_space<hbm>>) target(%arg9 : memref<128x128xf32, #tpu.memory_space<vmem>>) offsets(%dma_start3A_303 : memref<128xi32, #tpu.memory_space<vmem>>) semaphore(%arg13 : memref<!tpu.dma_semaphore, #tpu.memory_space<semaphore_mem>>)
      } else {
      }
      %dma_wait3A_283 = arith.constant 0 : i32
      %dma_wait3A_284 = arith.constant 0 : i32
      %dma_wait3A_285 = tpu.memref_slice %arg7[%dma_wait3A_283, %dma_wait3A_284] : memref<40x128xi32, #tpu.memory_space<vmem>> -> memref<1x128xi32, #tpu.memory_space<vmem>>
      %dma_wait3A_286 = tpu.memref_squeeze %dma_wait3A_285 : memref<1x128xi32, #tpu.memory_space<vmem>> -> memref<128xi32, #tpu.memory_space<vmem>>
      %dma_wait3A_287 = arith.constant 0 : i32
      %dma_wait3A_288 = arith.constant 0 : i32
      %dma_wait3A_289 = tpu.memref_slice %arg2[%dma_wait3A_287, %dma_wait3A_288] : memref<80000x128xf32, #tpu.memory_space<hbm>> -> memref<80000x128xf32, #tpu.memory_space<hbm>>
      tpu.wait_indirect_dma semaphore(%arg14 : memref<!tpu.dma_semaphore, #tpu.memory_space<semaphore_mem>>) src(%dma_wait3A_289 : memref<80000x128xf32, #tpu.memory_space<hbm>>) dst(%arg10 : memref<128x128xf32, #tpu.memory_space<vmem>>)
      %add3A_290 = arith.constant 1 : i32
      %add3A_291 = arith.addi %mul3A_272, %add3A_290 : i32
      "tpu.region"() ({
        %run_scoped3A_299 = tpu.sem_alloc : memref<!tpu.dma_semaphore, #tpu.memory_space<semaphore_mem>>
        %dma_start3A_300 = arith.constant 0 : i32
        %dma_start3A_301 = tpu.memref_slice %arg8[%add3A_291, %dma_start3A_300] : memref<40x128xi32, #tpu.memory_space<vmem>> -> memref<1x128xi32, #tpu.memory_space<vmem>>
        %dma_start3A_302 = tpu.memref_squeeze %dma_start3A_301 : memref<1x128xi32, #tpu.memory_space<vmem>> -> memref<128xi32, #tpu.memory_space<vmem>>
        %dma_start3A_303 = arith.constant 0 : i32
        %dma_start3A_304 = arith.constant 0 : i32
        %dma_start3A_305 = tpu.memref_slice %arg12[%dma_start3A_303, %dma_start3A_304] : memref<10240x128xf32, #tpu.memory_space<vmem_shared>> -> memref<10240x128xf32, #tpu.memory_space<vmem_shared>>
        tpu.enqueue_indirect_dma source(%arg10 : memref<128x128xf32, #tpu.memory_space<vmem>>) target(%dma_start3A_305 : memref<10240x128xf32, #tpu.memory_space<vmem_shared>>) offsets(%dma_start3A_302 : memref<128xi32, #tpu.memory_space<vmem>>) semaphore(%run_scoped3A_299 : memref<!tpu.dma_semaphore, #tpu.memory_space<semaphore_mem>>) {add = true}
        %dma_wait3A_306 = arith.constant 0 : i32
        %dma_wait3A_307 = tpu.memref_slice %arg8[%add3A_291, %dma_wait3A_306] : memref<40x128xi32, #tpu.memory_space<vmem>> -> memref<1x128xi32, #tpu.memory_space<vmem>>
        %dma_wait3A_308 = tpu.memref_squeeze %dma_wait3A_307 : memref<1x128xi32, #tpu.memory_space<vmem>> -> memref<128xi32, #tpu.memory_space<vmem>>
        %dma_wait3A_309 = arith.constant 0 : i32
        %dma_wait3A_310 = arith.constant 0 : i32
        %dma_wait3A_311 = tpu.memref_slice %arg12[%dma_wait3A_309, %dma_wait3A_310] : memref<10240x128xf32, #tpu.memory_space<vmem_shared>> -> memref<10240x128xf32, #tpu.memory_space<vmem_shared>>
        tpu.wait_indirect_dma semaphore(%run_scoped3A_299 : memref<!tpu.dma_semaphore, #tpu.memory_space<semaphore_mem>>) src(%arg10 : memref<128x128xf32, #tpu.memory_space<vmem>>) dst(%dma_wait3A_311 : memref<10240x128xf32, #tpu.memory_space<vmem_shared>>)
        tpu.yield
      }) : () -> ()
      %add3A_292 = arith.constant 3 : i32
      %add3A_293 = arith.addi %mul3A_272, %add3A_292 : i32
      %lt3A_294 = arith.constant 40 : i32
      %lt3A_295 = arith.cmpi slt, %add3A_293, %lt3A_294 : i32
      %convert_element_type3A_296 = arith.extui %lt3A_295 : i1 to i32
      %cond3A_297 = arith.constant 0 : i32
      %cond3A_298 = arith.cmpi ne, %convert_element_type3A_296, %cond3A_297 : i32
      scf.if %cond3A_298 {
        %add3A_299 = arith.constant 3 : i32
        %add3A_300 = arith.addi %mul3A_272, %add3A_299 : i32
        %dma_start3A_301 = arith.constant 0 : i32
        %dma_start3A_302 = tpu.memref_slice %arg7[%add3A_300, %dma_start3A_301] : memref<40x128xi32, #tpu.memory_space<vmem>> -> memref<1x128xi32, #tpu.memory_space<vmem>>
        %dma_start3A_303 = tpu.memref_squeeze %dma_start3A_302 : memref<1x128xi32, #tpu.memory_space<vmem>> -> memref<128xi32, #tpu.memory_space<vmem>>
        %dma_start3A_304 = arith.constant 0 : i32
        %dma_start3A_305 = arith.constant 0 : i32
        %dma_start3A_306 = tpu.memref_slice %arg2[%dma_start3A_304, %dma_start3A_305] : memref<80000x128xf32, #tpu.memory_space<hbm>> -> memref<80000x128xf32, #tpu.memory_space<hbm>>
        tpu.enqueue_indirect_dma source(%dma_start3A_306 : memref<80000x128xf32, #tpu.memory_space<hbm>>) target(%arg10 : memref<128x128xf32, #tpu.memory_space<vmem>>) offsets(%dma_start3A_303 : memref<128xi32, #tpu.memory_space<vmem>>) semaphore(%arg14 : memref<!tpu.dma_semaphore, #tpu.memory_space<semaphore_mem>>)
      } else {
      }
    }
    %scan3A_126 = arith.constant 20 : i32
    %run_scoped3A_127 = arith.constant 4 : i32
    "tpu.region"() ({
      %run_scoped3A_270 = tpu.sem_alloc : memref<!tpu.dma_semaphore, #tpu.memory_space<semaphore_mem>>
      %dma_start3A_271 = arith.constant 0 : i32
      %dma_start3A_272 = arith.constant 0 : i32
      %dma_start3A_273 = tpu.memref_slice %arg3[%run_scoped3A_127, %add3A, %dma_start3A_271, %dma_start3A_272] : memref<8x32x40x128xi32, #tpu.memory_space<hbm>> -> memref<1x1x40x128xi32, #tpu.memory_space<hbm>>
      %dma_start3A_274 = tpu.memref_squeeze %dma_start3A_273 : memref<1x1x40x128xi32, #tpu.memory_space<hbm>> -> memref<40x128xi32, #tpu.memory_space<hbm>>
      %dma_start3A_275 = arith.constant 0 : i32
      %dma_start3A_276 = arith.constant 0 : i32
      %dma_start3A_277 = tpu.memref_slice %arg3[%run_scoped3A_127, %add3A, %dma_start3A_275, %dma_start3A_276] : memref<8x32x40x128xi32, #tpu.memory_space<hbm>> -> memref<1x1x40x128xi32, #tpu.memory_space<hbm>>
      %dma_start3A_278 = tpu.memref_squeeze %dma_start3A_277 : memref<1x1x40x128xi32, #tpu.memory_space<hbm>> -> memref<40x128xi32, #tpu.memory_space<hbm>>
      tpu.enqueue_dma source(%dma_start3A_278 : memref<40x128xi32, #tpu.memory_space<hbm>>) target(%arg7 : memref<40x128xi32, #tpu.memory_space<vmem>>) target_semaphore(%run_scoped3A_270 : memref<!tpu.dma_semaphore, #tpu.memory_space<semaphore_mem>>)
      %dma_wait3A = arith.constant 0 : i32
      %dma_wait3A_279 = arith.constant 0 : i32
      %dma_wait3A_280 = tpu.memref_slice %arg3[%run_scoped3A_127, %add3A, %dma_wait3A, %dma_wait3A_279] : memref<8x32x40x128xi32, #tpu.memory_space<hbm>> -> memref<1x1x40x128xi32, #tpu.memory_space<hbm>>
      %dma_wait3A_281 = tpu.memref_squeeze %dma_wait3A_280 : memref<1x1x40x128xi32, #tpu.memory_space<hbm>> -> memref<40x128xi32, #tpu.memory_space<hbm>>
      %dma_wait3A_282 = arith.constant 0 : i32
      %dma_wait3A_283 = arith.constant 0 : i32
      %dma_wait3A_284 = tpu.memref_slice %arg3[%run_scoped3A_127, %add3A, %dma_wait3A_282, %dma_wait3A_283] : memref<8x32x40x128xi32, #tpu.memory_space<hbm>> -> memref<1x1x40x128xi32, #tpu.memory_space<hbm>>
      %dma_wait3A_285 = tpu.memref_squeeze %dma_wait3A_284 : memref<1x1x40x128xi32, #tpu.memory_space<hbm>> -> memref<40x128xi32, #tpu.memory_space<hbm>>
      tpu.wait_dma2 semaphore(%run_scoped3A_270 : memref<!tpu.dma_semaphore, #tpu.memory_space<semaphore_mem>>) src(%dma_wait3A_285 : memref<40x128xi32, #tpu.memory_space<hbm>>) dst(%arg7 : memref<40x128xi32, #tpu.memory_space<vmem>>)
      tpu.yield
    }) : () -> ()
    %dma_start3A_128 = arith.constant 0 : i32
    %dma_start3A_129 = arith.constant 0 : i32
    %dma_start3A_130 = tpu.memref_slice %arg7[%dma_start3A_128, %dma_start3A_129] : memref<40x128xi32, #tpu.memory_space<vmem>> -> memref<1x128xi32, #tpu.memory_space<vmem>>
    %dma_start3A_131 = tpu.memref_squeeze %dma_start3A_130 : memref<1x128xi32, #tpu.memory_space<vmem>> -> memref<128xi32, #tpu.memory_space<vmem>>
    %dma_start3A_132 = arith.constant 0 : i32
    %dma_start3A_133 = arith.constant 0 : i32
    %dma_start3A_134 = tpu.memref_slice %arg2[%dma_start3A_132, %dma_start3A_133] : memref<80000x128xf32, #tpu.memory_space<hbm>> -> memref<80000x128xf32, #tpu.memory_space<hbm>>
    tpu.enqueue_indirect_dma source(%dma_start3A_134 : memref<80000x128xf32, #tpu.memory_space<hbm>>) target(%arg9 : memref<128x128xf32, #tpu.memory_space<vmem>>) offsets(%dma_start3A_131 : memref<128xi32, #tpu.memory_space<vmem>>) semaphore(%arg13 : memref<!tpu.dma_semaphore, #tpu.memory_space<semaphore_mem>>)
    %dma_start3A_135 = arith.constant 1 : i32
    %dma_start3A_136 = arith.constant 0 : i32
    %dma_start3A_137 = tpu.memref_slice %arg7[%dma_start3A_135, %dma_start3A_136] : memref<40x128xi32, #tpu.memory_space<vmem>> -> memref<1x128xi32, #tpu.memory_space<vmem>>
    %dma_start3A_138 = tpu.memref_squeeze %dma_start3A_137 : memref<1x128xi32, #tpu.memory_space<vmem>> -> memref<128xi32, #tpu.memory_space<vmem>>
    %dma_start3A_139 = arith.constant 0 : i32
    %dma_start3A_140 = arith.constant 0 : i32
    %dma_start3A_141 = tpu.memref_slice %arg2[%dma_start3A_139, %dma_start3A_140] : memref<80000x128xf32, #tpu.memory_space<hbm>> -> memref<80000x128xf32, #tpu.memory_space<hbm>>
    tpu.enqueue_indirect_dma source(%dma_start3A_141 : memref<80000x128xf32, #tpu.memory_space<hbm>>) target(%arg10 : memref<128x128xf32, #tpu.memory_space<vmem>>) offsets(%dma_start3A_138 : memref<128xi32, #tpu.memory_space<vmem>>) semaphore(%arg14 : memref<!tpu.dma_semaphore, #tpu.memory_space<semaphore_mem>>)
    %barrier3A_142 = arith.constant 0 : index
    tpu.barrier barrier_id(%barrier3A_142)
    %mul3A_143 = arith.constant 640 : i32
    %mul3A_144 = arith.muli %arg1, %mul3A_143 : i32
    %mul3A_145 = arith.constant 640 : i32
    %mul3A_146 = arith.muli %arg1, %mul3A_145 : i32
    %run_scoped3A_147 = arith.constant 3 : i32
    "tpu.region"() ({
      %run_scoped3A_270 = tpu.sem_alloc : memref<!tpu.dma_semaphore, #tpu.memory_space<semaphore_mem>>
      %dma_start3A_271 = arith.constant 0 : i32
      %dma_start3A_272 = tpu.memref_slice %arg6[%arg0, %run_scoped3A_147, %mul3A_146, %dma_start3A_271] : memref<2x8x10240x128xf32, #tpu.memory_space<hbm>> -> memref<1x1x640x128xf32, #tpu.memory_space<hbm>>
      %dma_start3A_273 = tpu.memref_squeeze %dma_start3A_272 : memref<1x1x640x128xf32, #tpu.memory_space<hbm>> -> memref<640x128xf32, #tpu.memory_space<hbm>>
      %dma_start3A_274 = arith.constant 0 : i32
      %dma_start3A_275 = tpu.memref_slice %arg12[%mul3A_144, %dma_start3A_274] : memref<10240x128xf32, #tpu.memory_space<vmem_shared>> -> memref<640x128xf32, #tpu.memory_space<vmem_shared>>
      tpu.enqueue_dma source(%dma_start3A_275 : memref<640x128xf32, #tpu.memory_space<vmem_shared>>) target(%dma_start3A_273 : memref<640x128xf32, #tpu.memory_space<hbm>>) target_semaphore(%run_scoped3A_270 : memref<!tpu.dma_semaphore, #tpu.memory_space<semaphore_mem>>)
      %dma_wait3A = arith.constant 0 : i32
      %dma_wait3A_276 = tpu.memref_slice %arg6[%arg0, %run_scoped3A_147, %mul3A_146, %dma_wait3A] : memref<2x8x10240x128xf32, #tpu.memory_space<hbm>> -> memref<1x1x640x128xf32, #tpu.memory_space<hbm>>
      %dma_wait3A_277 = tpu.memref_squeeze %dma_wait3A_276 : memref<1x1x640x128xf32, #tpu.memory_space<hbm>> -> memref<640x128xf32, #tpu.memory_space<hbm>>
      %dma_wait3A_278 = arith.constant 0 : i32
      %dma_wait3A_279 = tpu.memref_slice %arg12[%mul3A_144, %dma_wait3A_278] : memref<10240x128xf32, #tpu.memory_space<vmem_shared>> -> memref<640x128xf32, #tpu.memory_space<vmem_shared>>
      tpu.wait_dma2 semaphore(%run_scoped3A_270 : memref<!tpu.dma_semaphore, #tpu.memory_space<semaphore_mem>>) src(%dma_wait3A_279 : memref<640x128xf32, #tpu.memory_space<vmem_shared>>) dst(%dma_wait3A_277 : memref<640x128xf32, #tpu.memory_space<hbm>>)
      tpu.yield
    }) : () -> ()
    %scan3A_148 = arith.constant 0 : i32
    %scan3A_149 = arith.constant 0 : i32
    %scan3A_150 = arith.constant 20 : i32
    %scan3A_151 = arith.addi %scan3A_149, %scan3A_150 : i32
    %scan3A_152 = arith.constant 1 : i32
    scf.for %scan3A_270 = %scan3A_149 to %scan3A_151 step %scan3A_152  : i32 {
      %mul3A_271 = arith.constant 640 : i32
      %mul3A_272 = arith.muli %arg1, %mul3A_271 : i32
      %mul3A_273 = arith.constant 32 : i32
      %mul3A_274 = arith.muli %scan3A_270, %mul3A_273 : i32
      %add3A_275 = arith.addi %mul3A_272, %mul3A_274 : i32
      "tpu.region"() ({
        %run_scoped3A_276 = tpu.sem_alloc : memref<!tpu.dma_semaphore, #tpu.memory_space<semaphore_mem>>
        %dma_start3A_277 = arith.constant 0 : i32
        %dma_start3A_278 = tpu.memref_slice %arg12[%add3A_275, %dma_start3A_277] : memref<10240x128xf32, #tpu.memory_space<vmem_shared>> -> memref<32x128xf32, #tpu.memory_space<vmem_shared>>
        %dma_start3A_279 = arith.constant 0 : i32
        %dma_start3A_280 = tpu.memref_slice %arg12[%add3A_275, %dma_start3A_279] : memref<10240x128xf32, #tpu.memory_space<vmem_shared>> -> memref<32x128xf32, #tpu.memory_space<vmem_shared>>
        tpu.enqueue_dma source(%arg11 : memref<32x128xf32, #tpu.memory_space<vmem>>) target(%dma_start3A_280 : memref<32x128xf32, #tpu.memory_space<vmem_shared>>) target_semaphore(%run_scoped3A_276 : memref<!tpu.dma_semaphore, #tpu.memory_space<semaphore_mem>>)
        %dma_wait3A = arith.constant 0 : i32
        %dma_wait3A_281 = tpu.memref_slice %arg12[%add3A_275, %dma_wait3A] : memref<10240x128xf32, #tpu.memory_space<vmem_shared>> -> memref<32x128xf32, #tpu.memory_space<vmem_shared>>
        %dma_wait3A_282 = arith.constant 0 : i32
        %dma_wait3A_283 = tpu.memref_slice %arg12[%add3A_275, %dma_wait3A_282] : memref<10240x128xf32, #tpu.memory_space<vmem_shared>> -> memref<32x128xf32, #tpu.memory_space<vmem_shared>>
        tpu.wait_dma2 semaphore(%run_scoped3A_276 : memref<!tpu.dma_semaphore, #tpu.memory_space<semaphore_mem>>) src(%arg11 : memref<32x128xf32, #tpu.memory_space<vmem>>) dst(%dma_wait3A_283 : memref<32x128xf32, #tpu.memory_space<vmem_shared>>)
        tpu.yield
      }) : () -> ()
    }
    %scan3A_153 = arith.constant 20 : i32
    %barrier3A_154 = arith.constant 0 : index
    tpu.barrier barrier_id(%barrier3A_154)
    %scan3A_155 = arith.constant 0 : i32
    %scan3A_156 = arith.constant 0 : i32
    %scan3A_157 = arith.constant 20 : i32
    %scan3A_158 = arith.addi %scan3A_156, %scan3A_157 : i32
    %scan3A_159 = arith.constant 1 : i32
    scf.for %scan3A_270 = %scan3A_156 to %scan3A_158 step %scan3A_159  : i32 {
      %mul3A_271 = arith.constant 2 : i32
      %mul3A_272 = arith.muli %mul3A_271, %scan3A_270 : i32
      %dma_wait3A = arith.constant 0 : i32
      %dma_wait3A_273 = arith.constant 0 : i32
      %dma_wait3A_274 = tpu.memref_slice %arg7[%dma_wait3A, %dma_wait3A_273] : memref<40x128xi32, #tpu.memory_space<vmem>> -> memref<1x128xi32, #tpu.memory_space<vmem>>
      %dma_wait3A_275 = tpu.memref_squeeze %dma_wait3A_274 : memref<1x128xi32, #tpu.memory_space<vmem>> -> memref<128xi32, #tpu.memory_space<vmem>>
      %dma_wait3A_276 = arith.constant 0 : i32
      %dma_wait3A_277 = arith.constant 0 : i32
      %dma_wait3A_278 = tpu.memref_slice %arg2[%dma_wait3A_276, %dma_wait3A_277] : memref<80000x128xf32, #tpu.memory_space<hbm>> -> memref<80000x128xf32, #tpu.memory_space<hbm>>
      tpu.wait_indirect_dma semaphore(%arg13 : memref<!tpu.dma_semaphore, #tpu.memory_space<semaphore_mem>>) src(%dma_wait3A_278 : memref<80000x128xf32, #tpu.memory_space<hbm>>) dst(%arg9 : memref<128x128xf32, #tpu.memory_space<vmem>>)
      "tpu.region"() ({
        %run_scoped3A_299 = tpu.sem_alloc : memref<!tpu.dma_semaphore, #tpu.memory_space<semaphore_mem>>
        %dma_start3A_300 = arith.constant 0 : i32
        %dma_start3A_301 = tpu.memref_slice %arg8[%mul3A_272, %dma_start3A_300] : memref<40x128xi32, #tpu.memory_space<vmem>> -> memref<1x128xi32, #tpu.memory_space<vmem>>
        %dma_start3A_302 = tpu.memref_squeeze %dma_start3A_301 : memref<1x128xi32, #tpu.memory_space<vmem>> -> memref<128xi32, #tpu.memory_space<vmem>>
        %dma_start3A_303 = arith.constant 0 : i32
        %dma_start3A_304 = arith.constant 0 : i32
        %dma_start3A_305 = tpu.memref_slice %arg12[%dma_start3A_303, %dma_start3A_304] : memref<10240x128xf32, #tpu.memory_space<vmem_shared>> -> memref<10240x128xf32, #tpu.memory_space<vmem_shared>>
        tpu.enqueue_indirect_dma source(%arg9 : memref<128x128xf32, #tpu.memory_space<vmem>>) target(%dma_start3A_305 : memref<10240x128xf32, #tpu.memory_space<vmem_shared>>) offsets(%dma_start3A_302 : memref<128xi32, #tpu.memory_space<vmem>>) semaphore(%run_scoped3A_299 : memref<!tpu.dma_semaphore, #tpu.memory_space<semaphore_mem>>) {add = true}
        %dma_wait3A_306 = arith.constant 0 : i32
        %dma_wait3A_307 = tpu.memref_slice %arg8[%mul3A_272, %dma_wait3A_306] : memref<40x128xi32, #tpu.memory_space<vmem>> -> memref<1x128xi32, #tpu.memory_space<vmem>>
        %dma_wait3A_308 = tpu.memref_squeeze %dma_wait3A_307 : memref<1x128xi32, #tpu.memory_space<vmem>> -> memref<128xi32, #tpu.memory_space<vmem>>
        %dma_wait3A_309 = arith.constant 0 : i32
        %dma_wait3A_310 = arith.constant 0 : i32
        %dma_wait3A_311 = tpu.memref_slice %arg12[%dma_wait3A_309, %dma_wait3A_310] : memref<10240x128xf32, #tpu.memory_space<vmem_shared>> -> memref<10240x128xf32, #tpu.memory_space<vmem_shared>>
        tpu.wait_indirect_dma semaphore(%run_scoped3A_299 : memref<!tpu.dma_semaphore, #tpu.memory_space<semaphore_mem>>) src(%arg9 : memref<128x128xf32, #tpu.memory_space<vmem>>) dst(%dma_wait3A_311 : memref<10240x128xf32, #tpu.memory_space<vmem_shared>>)
        tpu.yield
      }) : () -> ()
      %add3A_279 = arith.constant 2 : i32
      %add3A_280 = arith.addi %mul3A_272, %add3A_279 : i32
      %lt3A = arith.constant 40 : i32
      %lt3A_281 = arith.cmpi slt, %add3A_280, %lt3A : i32
      %convert_element_type3A = arith.extui %lt3A_281 : i1 to i32
      %cond3A = arith.constant 0 : i32
      %cond3A_282 = arith.cmpi ne, %convert_element_type3A, %cond3A : i32
      scf.if %cond3A_282 {
        %add3A_299 = arith.constant 2 : i32
        %add3A_300 = arith.addi %mul3A_272, %add3A_299 : i32
        %dma_start3A_301 = arith.constant 0 : i32
        %dma_start3A_302 = tpu.memref_slice %arg7[%add3A_300, %dma_start3A_301] : memref<40x128xi32, #tpu.memory_space<vmem>> -> memref<1x128xi32, #tpu.memory_space<vmem>>
        %dma_start3A_303 = tpu.memref_squeeze %dma_start3A_302 : memref<1x128xi32, #tpu.memory_space<vmem>> -> memref<128xi32, #tpu.memory_space<vmem>>
        %dma_start3A_304 = arith.constant 0 : i32
        %dma_start3A_305 = arith.constant 0 : i32
        %dma_start3A_306 = tpu.memref_slice %arg2[%dma_start3A_304, %dma_start3A_305] : memref<80000x128xf32, #tpu.memory_space<hbm>> -> memref<80000x128xf32, #tpu.memory_space<hbm>>
        tpu.enqueue_indirect_dma source(%dma_start3A_306 : memref<80000x128xf32, #tpu.memory_space<hbm>>) target(%arg9 : memref<128x128xf32, #tpu.memory_space<vmem>>) offsets(%dma_start3A_303 : memref<128xi32, #tpu.memory_space<vmem>>) semaphore(%arg13 : memref<!tpu.dma_semaphore, #tpu.memory_space<semaphore_mem>>)
      } else {
      }
      %dma_wait3A_283 = arith.constant 0 : i32
      %dma_wait3A_284 = arith.constant 0 : i32
      %dma_wait3A_285 = tpu.memref_slice %arg7[%dma_wait3A_283, %dma_wait3A_284] : memref<40x128xi32, #tpu.memory_space<vmem>> -> memref<1x128xi32, #tpu.memory_space<vmem>>
      %dma_wait3A_286 = tpu.memref_squeeze %dma_wait3A_285 : memref<1x128xi32, #tpu.memory_space<vmem>> -> memref<128xi32, #tpu.memory_space<vmem>>
      %dma_wait3A_287 = arith.constant 0 : i32
      %dma_wait3A_288 = arith.constant 0 : i32
      %dma_wait3A_289 = tpu.memref_slice %arg2[%dma_wait3A_287, %dma_wait3A_288] : memref<80000x128xf32, #tpu.memory_space<hbm>> -> memref<80000x128xf32, #tpu.memory_space<hbm>>
      tpu.wait_indirect_dma semaphore(%arg14 : memref<!tpu.dma_semaphore, #tpu.memory_space<semaphore_mem>>) src(%dma_wait3A_289 : memref<80000x128xf32, #tpu.memory_space<hbm>>) dst(%arg10 : memref<128x128xf32, #tpu.memory_space<vmem>>)
      %add3A_290 = arith.constant 1 : i32
      %add3A_291 = arith.addi %mul3A_272, %add3A_290 : i32
      "tpu.region"() ({
        %run_scoped3A_299 = tpu.sem_alloc : memref<!tpu.dma_semaphore, #tpu.memory_space<semaphore_mem>>
        %dma_start3A_300 = arith.constant 0 : i32
        %dma_start3A_301 = tpu.memref_slice %arg8[%add3A_291, %dma_start3A_300] : memref<40x128xi32, #tpu.memory_space<vmem>> -> memref<1x128xi32, #tpu.memory_space<vmem>>
        %dma_start3A_302 = tpu.memref_squeeze %dma_start3A_301 : memref<1x128xi32, #tpu.memory_space<vmem>> -> memref<128xi32, #tpu.memory_space<vmem>>
        %dma_start3A_303 = arith.constant 0 : i32
        %dma_start3A_304 = arith.constant 0 : i32
        %dma_start3A_305 = tpu.memref_slice %arg12[%dma_start3A_303, %dma_start3A_304] : memref<10240x128xf32, #tpu.memory_space<vmem_shared>> -> memref<10240x128xf32, #tpu.memory_space<vmem_shared>>
        tpu.enqueue_indirect_dma source(%arg10 : memref<128x128xf32, #tpu.memory_space<vmem>>) target(%dma_start3A_305 : memref<10240x128xf32, #tpu.memory_space<vmem_shared>>) offsets(%dma_start3A_302 : memref<128xi32, #tpu.memory_space<vmem>>) semaphore(%run_scoped3A_299 : memref<!tpu.dma_semaphore, #tpu.memory_space<semaphore_mem>>) {add = true}
        %dma_wait3A_306 = arith.constant 0 : i32
        %dma_wait3A_307 = tpu.memref_slice %arg8[%add3A_291, %dma_wait3A_306] : memref<40x128xi32, #tpu.memory_space<vmem>> -> memref<1x128xi32, #tpu.memory_space<vmem>>
        %dma_wait3A_308 = tpu.memref_squeeze %dma_wait3A_307 : memref<1x128xi32, #tpu.memory_space<vmem>> -> memref<128xi32, #tpu.memory_space<vmem>>
        %dma_wait3A_309 = arith.constant 0 : i32
        %dma_wait3A_310 = arith.constant 0 : i32
        %dma_wait3A_311 = tpu.memref_slice %arg12[%dma_wait3A_309, %dma_wait3A_310] : memref<10240x128xf32, #tpu.memory_space<vmem_shared>> -> memref<10240x128xf32, #tpu.memory_space<vmem_shared>>
        tpu.wait_indirect_dma semaphore(%run_scoped3A_299 : memref<!tpu.dma_semaphore, #tpu.memory_space<semaphore_mem>>) src(%arg10 : memref<128x128xf32, #tpu.memory_space<vmem>>) dst(%dma_wait3A_311 : memref<10240x128xf32, #tpu.memory_space<vmem_shared>>)
        tpu.yield
      }) : () -> ()
      %add3A_292 = arith.constant 3 : i32
      %add3A_293 = arith.addi %mul3A_272, %add3A_292 : i32
      %lt3A_294 = arith.constant 40 : i32
      %lt3A_295 = arith.cmpi slt, %add3A_293, %lt3A_294 : i32
      %convert_element_type3A_296 = arith.extui %lt3A_295 : i1 to i32
      %cond3A_297 = arith.constant 0 : i32
      %cond3A_298 = arith.cmpi ne, %convert_element_type3A_296, %cond3A_297 : i32
      scf.if %cond3A_298 {
        %add3A_299 = arith.constant 3 : i32
        %add3A_300 = arith.addi %mul3A_272, %add3A_299 : i32
        %dma_start3A_301 = arith.constant 0 : i32
        %dma_start3A_302 = tpu.memref_slice %arg7[%add3A_300, %dma_start3A_301] : memref<40x128xi32, #tpu.memory_space<vmem>> -> memref<1x128xi32, #tpu.memory_space<vmem>>
        %dma_start3A_303 = tpu.memref_squeeze %dma_start3A_302 : memref<1x128xi32, #tpu.memory_space<vmem>> -> memref<128xi32, #tpu.memory_space<vmem>>
        %dma_start3A_304 = arith.constant 0 : i32
        %dma_start3A_305 = arith.constant 0 : i32
        %dma_start3A_306 = tpu.memref_slice %arg2[%dma_start3A_304, %dma_start3A_305] : memref<80000x128xf32, #tpu.memory_space<hbm>> -> memref<80000x128xf32, #tpu.memory_space<hbm>>
        tpu.enqueue_indirect_dma source(%dma_start3A_306 : memref<80000x128xf32, #tpu.memory_space<hbm>>) target(%arg10 : memref<128x128xf32, #tpu.memory_space<vmem>>) offsets(%dma_start3A_303 : memref<128xi32, #tpu.memory_space<vmem>>) semaphore(%arg14 : memref<!tpu.dma_semaphore, #tpu.memory_space<semaphore_mem>>)
      } else {
      }
    }
    %scan3A_160 = arith.constant 20 : i32
    %run_scoped3A_161 = arith.constant 5 : i32
    "tpu.region"() ({
      %run_scoped3A_270 = tpu.sem_alloc : memref<!tpu.dma_semaphore, #tpu.memory_space<semaphore_mem>>
      %dma_start3A_271 = arith.constant 0 : i32
      %dma_start3A_272 = arith.constant 0 : i32
      %dma_start3A_273 = tpu.memref_slice %arg3[%run_scoped3A_161, %add3A, %dma_start3A_271, %dma_start3A_272] : memref<8x32x40x128xi32, #tpu.memory_space<hbm>> -> memref<1x1x40x128xi32, #tpu.memory_space<hbm>>
      %dma_start3A_274 = tpu.memref_squeeze %dma_start3A_273 : memref<1x1x40x128xi32, #tpu.memory_space<hbm>> -> memref<40x128xi32, #tpu.memory_space<hbm>>
      %dma_start3A_275 = arith.constant 0 : i32
      %dma_start3A_276 = arith.constant 0 : i32
      %dma_start3A_277 = tpu.memref_slice %arg3[%run_scoped3A_161, %add3A, %dma_start3A_275, %dma_start3A_276] : memref<8x32x40x128xi32, #tpu.memory_space<hbm>> -> memref<1x1x40x128xi32, #tpu.memory_space<hbm>>
      %dma_start3A_278 = tpu.memref_squeeze %dma_start3A_277 : memref<1x1x40x128xi32, #tpu.memory_space<hbm>> -> memref<40x128xi32, #tpu.memory_space<hbm>>
      tpu.enqueue_dma source(%dma_start3A_278 : memref<40x128xi32, #tpu.memory_space<hbm>>) target(%arg7 : memref<40x128xi32, #tpu.memory_space<vmem>>) target_semaphore(%run_scoped3A_270 : memref<!tpu.dma_semaphore, #tpu.memory_space<semaphore_mem>>)
      %dma_wait3A = arith.constant 0 : i32
      %dma_wait3A_279 = arith.constant 0 : i32
      %dma_wait3A_280 = tpu.memref_slice %arg3[%run_scoped3A_161, %add3A, %dma_wait3A, %dma_wait3A_279] : memref<8x32x40x128xi32, #tpu.memory_space<hbm>> -> memref<1x1x40x128xi32, #tpu.memory_space<hbm>>
      %dma_wait3A_281 = tpu.memref_squeeze %dma_wait3A_280 : memref<1x1x40x128xi32, #tpu.memory_space<hbm>> -> memref<40x128xi32, #tpu.memory_space<hbm>>
      %dma_wait3A_282 = arith.constant 0 : i32
      %dma_wait3A_283 = arith.constant 0 : i32
      %dma_wait3A_284 = tpu.memref_slice %arg3[%run_scoped3A_161, %add3A, %dma_wait3A_282, %dma_wait3A_283] : memref<8x32x40x128xi32, #tpu.memory_space<hbm>> -> memref<1x1x40x128xi32, #tpu.memory_space<hbm>>
      %dma_wait3A_285 = tpu.memref_squeeze %dma_wait3A_284 : memref<1x1x40x128xi32, #tpu.memory_space<hbm>> -> memref<40x128xi32, #tpu.memory_space<hbm>>
      tpu.wait_dma2 semaphore(%run_scoped3A_270 : memref<!tpu.dma_semaphore, #tpu.memory_space<semaphore_mem>>) src(%dma_wait3A_285 : memref<40x128xi32, #tpu.memory_space<hbm>>) dst(%arg7 : memref<40x128xi32, #tpu.memory_space<vmem>>)
      tpu.yield
    }) : () -> ()
    %dma_start3A_162 = arith.constant 0 : i32
    %dma_start3A_163 = arith.constant 0 : i32
    %dma_start3A_164 = tpu.memref_slice %arg7[%dma_start3A_162, %dma_start3A_163] : memref<40x128xi32, #tpu.memory_space<vmem>> -> memref<1x128xi32, #tpu.memory_space<vmem>>
    %dma_start3A_165 = tpu.memref_squeeze %dma_start3A_164 : memref<1x128xi32, #tpu.memory_space<vmem>> -> memref<128xi32, #tpu.memory_space<vmem>>
    %dma_start3A_166 = arith.constant 0 : i32
    %dma_start3A_167 = arith.constant 0 : i32
    %dma_start3A_168 = tpu.memref_slice %arg2[%dma_start3A_166, %dma_start3A_167] : memref<80000x128xf32, #tpu.memory_space<hbm>> -> memref<80000x128xf32, #tpu.memory_space<hbm>>
    tpu.enqueue_indirect_dma source(%dma_start3A_168 : memref<80000x128xf32, #tpu.memory_space<hbm>>) target(%arg9 : memref<128x128xf32, #tpu.memory_space<vmem>>) offsets(%dma_start3A_165 : memref<128xi32, #tpu.memory_space<vmem>>) semaphore(%arg13 : memref<!tpu.dma_semaphore, #tpu.memory_space<semaphore_mem>>)
    %dma_start3A_169 = arith.constant 1 : i32
    %dma_start3A_170 = arith.constant 0 : i32
    %dma_start3A_171 = tpu.memref_slice %arg7[%dma_start3A_169, %dma_start3A_170] : memref<40x128xi32, #tpu.memory_space<vmem>> -> memref<1x128xi32, #tpu.memory_space<vmem>>
    %dma_start3A_172 = tpu.memref_squeeze %dma_start3A_171 : memref<1x128xi32, #tpu.memory_space<vmem>> -> memref<128xi32, #tpu.memory_space<vmem>>
    %dma_start3A_173 = arith.constant 0 : i32
    %dma_start3A_174 = arith.constant 0 : i32
    %dma_start3A_175 = tpu.memref_slice %arg2[%dma_start3A_173, %dma_start3A_174] : memref<80000x128xf32, #tpu.memory_space<hbm>> -> memref<80000x128xf32, #tpu.memory_space<hbm>>
    tpu.enqueue_indirect_dma source(%dma_start3A_175 : memref<80000x128xf32, #tpu.memory_space<hbm>>) target(%arg10 : memref<128x128xf32, #tpu.memory_space<vmem>>) offsets(%dma_start3A_172 : memref<128xi32, #tpu.memory_space<vmem>>) semaphore(%arg14 : memref<!tpu.dma_semaphore, #tpu.memory_space<semaphore_mem>>)
    %barrier3A_176 = arith.constant 0 : index
    tpu.barrier barrier_id(%barrier3A_176)
    %mul3A_177 = arith.constant 640 : i32
    %mul3A_178 = arith.muli %arg1, %mul3A_177 : i32
    %mul3A_179 = arith.constant 640 : i32
    %mul3A_180 = arith.muli %arg1, %mul3A_179 : i32
    %run_scoped3A_181 = arith.constant 4 : i32
    "tpu.region"() ({
      %run_scoped3A_270 = tpu.sem_alloc : memref<!tpu.dma_semaphore, #tpu.memory_space<semaphore_mem>>
      %dma_start3A_271 = arith.constant 0 : i32
      %dma_start3A_272 = tpu.memref_slice %arg6[%arg0, %run_scoped3A_181, %mul3A_180, %dma_start3A_271] : memref<2x8x10240x128xf32, #tpu.memory_space<hbm>> -> memref<1x1x640x128xf32, #tpu.memory_space<hbm>>
      %dma_start3A_273 = tpu.memref_squeeze %dma_start3A_272 : memref<1x1x640x128xf32, #tpu.memory_space<hbm>> -> memref<640x128xf32, #tpu.memory_space<hbm>>
      %dma_start3A_274 = arith.constant 0 : i32
      %dma_start3A_275 = tpu.memref_slice %arg12[%mul3A_178, %dma_start3A_274] : memref<10240x128xf32, #tpu.memory_space<vmem_shared>> -> memref<640x128xf32, #tpu.memory_space<vmem_shared>>
      tpu.enqueue_dma source(%dma_start3A_275 : memref<640x128xf32, #tpu.memory_space<vmem_shared>>) target(%dma_start3A_273 : memref<640x128xf32, #tpu.memory_space<hbm>>) target_semaphore(%run_scoped3A_270 : memref<!tpu.dma_semaphore, #tpu.memory_space<semaphore_mem>>)
      %dma_wait3A = arith.constant 0 : i32
      %dma_wait3A_276 = tpu.memref_slice %arg6[%arg0, %run_scoped3A_181, %mul3A_180, %dma_wait3A] : memref<2x8x10240x128xf32, #tpu.memory_space<hbm>> -> memref<1x1x640x128xf32, #tpu.memory_space<hbm>>
      %dma_wait3A_277 = tpu.memref_squeeze %dma_wait3A_276 : memref<1x1x640x128xf32, #tpu.memory_space<hbm>> -> memref<640x128xf32, #tpu.memory_space<hbm>>
      %dma_wait3A_278 = arith.constant 0 : i32
      %dma_wait3A_279 = tpu.memref_slice %arg12[%mul3A_178, %dma_wait3A_278] : memref<10240x128xf32, #tpu.memory_space<vmem_shared>> -> memref<640x128xf32, #tpu.memory_space<vmem_shared>>
      tpu.wait_dma2 semaphore(%run_scoped3A_270 : memref<!tpu.dma_semaphore, #tpu.memory_space<semaphore_mem>>) src(%dma_wait3A_279 : memref<640x128xf32, #tpu.memory_space<vmem_shared>>) dst(%dma_wait3A_277 : memref<640x128xf32, #tpu.memory_space<hbm>>)
      tpu.yield
    }) : () -> ()
    %scan3A_182 = arith.constant 0 : i32
    %scan3A_183 = arith.constant 0 : i32
    %scan3A_184 = arith.constant 20 : i32
    %scan3A_185 = arith.addi %scan3A_183, %scan3A_184 : i32
    %scan3A_186 = arith.constant 1 : i32
    scf.for %scan3A_270 = %scan3A_183 to %scan3A_185 step %scan3A_186  : i32 {
      %mul3A_271 = arith.constant 640 : i32
      %mul3A_272 = arith.muli %arg1, %mul3A_271 : i32
      %mul3A_273 = arith.constant 32 : i32
      %mul3A_274 = arith.muli %scan3A_270, %mul3A_273 : i32
      %add3A_275 = arith.addi %mul3A_272, %mul3A_274 : i32
      "tpu.region"() ({
        %run_scoped3A_276 = tpu.sem_alloc : memref<!tpu.dma_semaphore, #tpu.memory_space<semaphore_mem>>
        %dma_start3A_277 = arith.constant 0 : i32
        %dma_start3A_278 = tpu.memref_slice %arg12[%add3A_275, %dma_start3A_277] : memref<10240x128xf32, #tpu.memory_space<vmem_shared>> -> memref<32x128xf32, #tpu.memory_space<vmem_shared>>
        %dma_start3A_279 = arith.constant 0 : i32
        %dma_start3A_280 = tpu.memref_slice %arg12[%add3A_275, %dma_start3A_279] : memref<10240x128xf32, #tpu.memory_space<vmem_shared>> -> memref<32x128xf32, #tpu.memory_space<vmem_shared>>
        tpu.enqueue_dma source(%arg11 : memref<32x128xf32, #tpu.memory_space<vmem>>) target(%dma_start3A_280 : memref<32x128xf32, #tpu.memory_space<vmem_shared>>) target_semaphore(%run_scoped3A_276 : memref<!tpu.dma_semaphore, #tpu.memory_space<semaphore_mem>>)
        %dma_wait3A = arith.constant 0 : i32
        %dma_wait3A_281 = tpu.memref_slice %arg12[%add3A_275, %dma_wait3A] : memref<10240x128xf32, #tpu.memory_space<vmem_shared>> -> memref<32x128xf32, #tpu.memory_space<vmem_shared>>
        %dma_wait3A_282 = arith.constant 0 : i32
        %dma_wait3A_283 = tpu.memref_slice %arg12[%add3A_275, %dma_wait3A_282] : memref<10240x128xf32, #tpu.memory_space<vmem_shared>> -> memref<32x128xf32, #tpu.memory_space<vmem_shared>>
        tpu.wait_dma2 semaphore(%run_scoped3A_276 : memref<!tpu.dma_semaphore, #tpu.memory_space<semaphore_mem>>) src(%arg11 : memref<32x128xf32, #tpu.memory_space<vmem>>) dst(%dma_wait3A_283 : memref<32x128xf32, #tpu.memory_space<vmem_shared>>)
        tpu.yield
      }) : () -> ()
    }
    %scan3A_187 = arith.constant 20 : i32
    %barrier3A_188 = arith.constant 0 : index
    tpu.barrier barrier_id(%barrier3A_188)
    %scan3A_189 = arith.constant 0 : i32
    %scan3A_190 = arith.constant 0 : i32
    %scan3A_191 = arith.constant 20 : i32
    %scan3A_192 = arith.addi %scan3A_190, %scan3A_191 : i32
    %scan3A_193 = arith.constant 1 : i32
    scf.for %scan3A_270 = %scan3A_190 to %scan3A_192 step %scan3A_193  : i32 {
      %mul3A_271 = arith.constant 2 : i32
      %mul3A_272 = arith.muli %mul3A_271, %scan3A_270 : i32
      %dma_wait3A = arith.constant 0 : i32
      %dma_wait3A_273 = arith.constant 0 : i32
      %dma_wait3A_274 = tpu.memref_slice %arg7[%dma_wait3A, %dma_wait3A_273] : memref<40x128xi32, #tpu.memory_space<vmem>> -> memref<1x128xi32, #tpu.memory_space<vmem>>
      %dma_wait3A_275 = tpu.memref_squeeze %dma_wait3A_274 : memref<1x128xi32, #tpu.memory_space<vmem>> -> memref<128xi32, #tpu.memory_space<vmem>>
      %dma_wait3A_276 = arith.constant 0 : i32
      %dma_wait3A_277 = arith.constant 0 : i32
      %dma_wait3A_278 = tpu.memref_slice %arg2[%dma_wait3A_276, %dma_wait3A_277] : memref<80000x128xf32, #tpu.memory_space<hbm>> -> memref<80000x128xf32, #tpu.memory_space<hbm>>
      tpu.wait_indirect_dma semaphore(%arg13 : memref<!tpu.dma_semaphore, #tpu.memory_space<semaphore_mem>>) src(%dma_wait3A_278 : memref<80000x128xf32, #tpu.memory_space<hbm>>) dst(%arg9 : memref<128x128xf32, #tpu.memory_space<vmem>>)
      "tpu.region"() ({
        %run_scoped3A_299 = tpu.sem_alloc : memref<!tpu.dma_semaphore, #tpu.memory_space<semaphore_mem>>
        %dma_start3A_300 = arith.constant 0 : i32
        %dma_start3A_301 = tpu.memref_slice %arg8[%mul3A_272, %dma_start3A_300] : memref<40x128xi32, #tpu.memory_space<vmem>> -> memref<1x128xi32, #tpu.memory_space<vmem>>
        %dma_start3A_302 = tpu.memref_squeeze %dma_start3A_301 : memref<1x128xi32, #tpu.memory_space<vmem>> -> memref<128xi32, #tpu.memory_space<vmem>>
        %dma_start3A_303 = arith.constant 0 : i32
        %dma_start3A_304 = arith.constant 0 : i32
        %dma_start3A_305 = tpu.memref_slice %arg12[%dma_start3A_303, %dma_start3A_304] : memref<10240x128xf32, #tpu.memory_space<vmem_shared>> -> memref<10240x128xf32, #tpu.memory_space<vmem_shared>>
        tpu.enqueue_indirect_dma source(%arg9 : memref<128x128xf32, #tpu.memory_space<vmem>>) target(%dma_start3A_305 : memref<10240x128xf32, #tpu.memory_space<vmem_shared>>) offsets(%dma_start3A_302 : memref<128xi32, #tpu.memory_space<vmem>>) semaphore(%run_scoped3A_299 : memref<!tpu.dma_semaphore, #tpu.memory_space<semaphore_mem>>) {add = true}
        %dma_wait3A_306 = arith.constant 0 : i32
        %dma_wait3A_307 = tpu.memref_slice %arg8[%mul3A_272, %dma_wait3A_306] : memref<40x128xi32, #tpu.memory_space<vmem>> -> memref<1x128xi32, #tpu.memory_space<vmem>>
        %dma_wait3A_308 = tpu.memref_squeeze %dma_wait3A_307 : memref<1x128xi32, #tpu.memory_space<vmem>> -> memref<128xi32, #tpu.memory_space<vmem>>
        %dma_wait3A_309 = arith.constant 0 : i32
        %dma_wait3A_310 = arith.constant 0 : i32
        %dma_wait3A_311 = tpu.memref_slice %arg12[%dma_wait3A_309, %dma_wait3A_310] : memref<10240x128xf32, #tpu.memory_space<vmem_shared>> -> memref<10240x128xf32, #tpu.memory_space<vmem_shared>>
        tpu.wait_indirect_dma semaphore(%run_scoped3A_299 : memref<!tpu.dma_semaphore, #tpu.memory_space<semaphore_mem>>) src(%arg9 : memref<128x128xf32, #tpu.memory_space<vmem>>) dst(%dma_wait3A_311 : memref<10240x128xf32, #tpu.memory_space<vmem_shared>>)
        tpu.yield
      }) : () -> ()
      %add3A_279 = arith.constant 2 : i32
      %add3A_280 = arith.addi %mul3A_272, %add3A_279 : i32
      %lt3A = arith.constant 40 : i32
      %lt3A_281 = arith.cmpi slt, %add3A_280, %lt3A : i32
      %convert_element_type3A = arith.extui %lt3A_281 : i1 to i32
      %cond3A = arith.constant 0 : i32
      %cond3A_282 = arith.cmpi ne, %convert_element_type3A, %cond3A : i32
      scf.if %cond3A_282 {
        %add3A_299 = arith.constant 2 : i32
        %add3A_300 = arith.addi %mul3A_272, %add3A_299 : i32
        %dma_start3A_301 = arith.constant 0 : i32
        %dma_start3A_302 = tpu.memref_slice %arg7[%add3A_300, %dma_start3A_301] : memref<40x128xi32, #tpu.memory_space<vmem>> -> memref<1x128xi32, #tpu.memory_space<vmem>>
        %dma_start3A_303 = tpu.memref_squeeze %dma_start3A_302 : memref<1x128xi32, #tpu.memory_space<vmem>> -> memref<128xi32, #tpu.memory_space<vmem>>
        %dma_start3A_304 = arith.constant 0 : i32
        %dma_start3A_305 = arith.constant 0 : i32
        %dma_start3A_306 = tpu.memref_slice %arg2[%dma_start3A_304, %dma_start3A_305] : memref<80000x128xf32, #tpu.memory_space<hbm>> -> memref<80000x128xf32, #tpu.memory_space<hbm>>
        tpu.enqueue_indirect_dma source(%dma_start3A_306 : memref<80000x128xf32, #tpu.memory_space<hbm>>) target(%arg9 : memref<128x128xf32, #tpu.memory_space<vmem>>) offsets(%dma_start3A_303 : memref<128xi32, #tpu.memory_space<vmem>>) semaphore(%arg13 : memref<!tpu.dma_semaphore, #tpu.memory_space<semaphore_mem>>)
      } else {
      }
      %dma_wait3A_283 = arith.constant 0 : i32
      %dma_wait3A_284 = arith.constant 0 : i32
      %dma_wait3A_285 = tpu.memref_slice %arg7[%dma_wait3A_283, %dma_wait3A_284] : memref<40x128xi32, #tpu.memory_space<vmem>> -> memref<1x128xi32, #tpu.memory_space<vmem>>
      %dma_wait3A_286 = tpu.memref_squeeze %dma_wait3A_285 : memref<1x128xi32, #tpu.memory_space<vmem>> -> memref<128xi32, #tpu.memory_space<vmem>>
      %dma_wait3A_287 = arith.constant 0 : i32
      %dma_wait3A_288 = arith.constant 0 : i32
      %dma_wait3A_289 = tpu.memref_slice %arg2[%dma_wait3A_287, %dma_wait3A_288] : memref<80000x128xf32, #tpu.memory_space<hbm>> -> memref<80000x128xf32, #tpu.memory_space<hbm>>
      tpu.wait_indirect_dma semaphore(%arg14 : memref<!tpu.dma_semaphore, #tpu.memory_space<semaphore_mem>>) src(%dma_wait3A_289 : memref<80000x128xf32, #tpu.memory_space<hbm>>) dst(%arg10 : memref<128x128xf32, #tpu.memory_space<vmem>>)
      %add3A_290 = arith.constant 1 : i32
      %add3A_291 = arith.addi %mul3A_272, %add3A_290 : i32
      "tpu.region"() ({
        %run_scoped3A_299 = tpu.sem_alloc : memref<!tpu.dma_semaphore, #tpu.memory_space<semaphore_mem>>
        %dma_start3A_300 = arith.constant 0 : i32
        %dma_start3A_301 = tpu.memref_slice %arg8[%add3A_291, %dma_start3A_300] : memref<40x128xi32, #tpu.memory_space<vmem>> -> memref<1x128xi32, #tpu.memory_space<vmem>>
        %dma_start3A_302 = tpu.memref_squeeze %dma_start3A_301 : memref<1x128xi32, #tpu.memory_space<vmem>> -> memref<128xi32, #tpu.memory_space<vmem>>
        %dma_start3A_303 = arith.constant 0 : i32
        %dma_start3A_304 = arith.constant 0 : i32
        %dma_start3A_305 = tpu.memref_slice %arg12[%dma_start3A_303, %dma_start3A_304] : memref<10240x128xf32, #tpu.memory_space<vmem_shared>> -> memref<10240x128xf32, #tpu.memory_space<vmem_shared>>
        tpu.enqueue_indirect_dma source(%arg10 : memref<128x128xf32, #tpu.memory_space<vmem>>) target(%dma_start3A_305 : memref<10240x128xf32, #tpu.memory_space<vmem_shared>>) offsets(%dma_start3A_302 : memref<128xi32, #tpu.memory_space<vmem>>) semaphore(%run_scoped3A_299 : memref<!tpu.dma_semaphore, #tpu.memory_space<semaphore_mem>>) {add = true}
        %dma_wait3A_306 = arith.constant 0 : i32
        %dma_wait3A_307 = tpu.memref_slice %arg8[%add3A_291, %dma_wait3A_306] : memref<40x128xi32, #tpu.memory_space<vmem>> -> memref<1x128xi32, #tpu.memory_space<vmem>>
        %dma_wait3A_308 = tpu.memref_squeeze %dma_wait3A_307 : memref<1x128xi32, #tpu.memory_space<vmem>> -> memref<128xi32, #tpu.memory_space<vmem>>
        %dma_wait3A_309 = arith.constant 0 : i32
        %dma_wait3A_310 = arith.constant 0 : i32
        %dma_wait3A_311 = tpu.memref_slice %arg12[%dma_wait3A_309, %dma_wait3A_310] : memref<10240x128xf32, #tpu.memory_space<vmem_shared>> -> memref<10240x128xf32, #tpu.memory_space<vmem_shared>>
        tpu.wait_indirect_dma semaphore(%run_scoped3A_299 : memref<!tpu.dma_semaphore, #tpu.memory_space<semaphore_mem>>) src(%arg10 : memref<128x128xf32, #tpu.memory_space<vmem>>) dst(%dma_wait3A_311 : memref<10240x128xf32, #tpu.memory_space<vmem_shared>>)
        tpu.yield
      }) : () -> ()
      %add3A_292 = arith.constant 3 : i32
      %add3A_293 = arith.addi %mul3A_272, %add3A_292 : i32
      %lt3A_294 = arith.constant 40 : i32
      %lt3A_295 = arith.cmpi slt, %add3A_293, %lt3A_294 : i32
      %convert_element_type3A_296 = arith.extui %lt3A_295 : i1 to i32
      %cond3A_297 = arith.constant 0 : i32
      %cond3A_298 = arith.cmpi ne, %convert_element_type3A_296, %cond3A_297 : i32
      scf.if %cond3A_298 {
        %add3A_299 = arith.constant 3 : i32
        %add3A_300 = arith.addi %mul3A_272, %add3A_299 : i32
        %dma_start3A_301 = arith.constant 0 : i32
        %dma_start3A_302 = tpu.memref_slice %arg7[%add3A_300, %dma_start3A_301] : memref<40x128xi32, #tpu.memory_space<vmem>> -> memref<1x128xi32, #tpu.memory_space<vmem>>
        %dma_start3A_303 = tpu.memref_squeeze %dma_start3A_302 : memref<1x128xi32, #tpu.memory_space<vmem>> -> memref<128xi32, #tpu.memory_space<vmem>>
        %dma_start3A_304 = arith.constant 0 : i32
        %dma_start3A_305 = arith.constant 0 : i32
        %dma_start3A_306 = tpu.memref_slice %arg2[%dma_start3A_304, %dma_start3A_305] : memref<80000x128xf32, #tpu.memory_space<hbm>> -> memref<80000x128xf32, #tpu.memory_space<hbm>>
        tpu.enqueue_indirect_dma source(%dma_start3A_306 : memref<80000x128xf32, #tpu.memory_space<hbm>>) target(%arg10 : memref<128x128xf32, #tpu.memory_space<vmem>>) offsets(%dma_start3A_303 : memref<128xi32, #tpu.memory_space<vmem>>) semaphore(%arg14 : memref<!tpu.dma_semaphore, #tpu.memory_space<semaphore_mem>>)
      } else {
      }
    }
    %scan3A_194 = arith.constant 20 : i32
    %run_scoped3A_195 = arith.constant 6 : i32
    "tpu.region"() ({
      %run_scoped3A_270 = tpu.sem_alloc : memref<!tpu.dma_semaphore, #tpu.memory_space<semaphore_mem>>
      %dma_start3A_271 = arith.constant 0 : i32
      %dma_start3A_272 = arith.constant 0 : i32
      %dma_start3A_273 = tpu.memref_slice %arg3[%run_scoped3A_195, %add3A, %dma_start3A_271, %dma_start3A_272] : memref<8x32x40x128xi32, #tpu.memory_space<hbm>> -> memref<1x1x40x128xi32, #tpu.memory_space<hbm>>
      %dma_start3A_274 = tpu.memref_squeeze %dma_start3A_273 : memref<1x1x40x128xi32, #tpu.memory_space<hbm>> -> memref<40x128xi32, #tpu.memory_space<hbm>>
      %dma_start3A_275 = arith.constant 0 : i32
      %dma_start3A_276 = arith.constant 0 : i32
      %dma_start3A_277 = tpu.memref_slice %arg3[%run_scoped3A_195, %add3A, %dma_start3A_275, %dma_start3A_276] : memref<8x32x40x128xi32, #tpu.memory_space<hbm>> -> memref<1x1x40x128xi32, #tpu.memory_space<hbm>>
      %dma_start3A_278 = tpu.memref_squeeze %dma_start3A_277 : memref<1x1x40x128xi32, #tpu.memory_space<hbm>> -> memref<40x128xi32, #tpu.memory_space<hbm>>
      tpu.enqueue_dma source(%dma_start3A_278 : memref<40x128xi32, #tpu.memory_space<hbm>>) target(%arg7 : memref<40x128xi32, #tpu.memory_space<vmem>>) target_semaphore(%run_scoped3A_270 : memref<!tpu.dma_semaphore, #tpu.memory_space<semaphore_mem>>)
      %dma_wait3A = arith.constant 0 : i32
      %dma_wait3A_279 = arith.constant 0 : i32
      %dma_wait3A_280 = tpu.memref_slice %arg3[%run_scoped3A_195, %add3A, %dma_wait3A, %dma_wait3A_279] : memref<8x32x40x128xi32, #tpu.memory_space<hbm>> -> memref<1x1x40x128xi32, #tpu.memory_space<hbm>>
      %dma_wait3A_281 = tpu.memref_squeeze %dma_wait3A_280 : memref<1x1x40x128xi32, #tpu.memory_space<hbm>> -> memref<40x128xi32, #tpu.memory_space<hbm>>
      %dma_wait3A_282 = arith.constant 0 : i32
      %dma_wait3A_283 = arith.constant 0 : i32
      %dma_wait3A_284 = tpu.memref_slice %arg3[%run_scoped3A_195, %add3A, %dma_wait3A_282, %dma_wait3A_283] : memref<8x32x40x128xi32, #tpu.memory_space<hbm>> -> memref<1x1x40x128xi32, #tpu.memory_space<hbm>>
      %dma_wait3A_285 = tpu.memref_squeeze %dma_wait3A_284 : memref<1x1x40x128xi32, #tpu.memory_space<hbm>> -> memref<40x128xi32, #tpu.memory_space<hbm>>
      tpu.wait_dma2 semaphore(%run_scoped3A_270 : memref<!tpu.dma_semaphore, #tpu.memory_space<semaphore_mem>>) src(%dma_wait3A_285 : memref<40x128xi32, #tpu.memory_space<hbm>>) dst(%arg7 : memref<40x128xi32, #tpu.memory_space<vmem>>)
      tpu.yield
    }) : () -> ()
    %dma_start3A_196 = arith.constant 0 : i32
    %dma_start3A_197 = arith.constant 0 : i32
    %dma_start3A_198 = tpu.memref_slice %arg7[%dma_start3A_196, %dma_start3A_197] : memref<40x128xi32, #tpu.memory_space<vmem>> -> memref<1x128xi32, #tpu.memory_space<vmem>>
    %dma_start3A_199 = tpu.memref_squeeze %dma_start3A_198 : memref<1x128xi32, #tpu.memory_space<vmem>> -> memref<128xi32, #tpu.memory_space<vmem>>
    %dma_start3A_200 = arith.constant 0 : i32
    %dma_start3A_201 = arith.constant 0 : i32
    %dma_start3A_202 = tpu.memref_slice %arg2[%dma_start3A_200, %dma_start3A_201] : memref<80000x128xf32, #tpu.memory_space<hbm>> -> memref<80000x128xf32, #tpu.memory_space<hbm>>
    tpu.enqueue_indirect_dma source(%dma_start3A_202 : memref<80000x128xf32, #tpu.memory_space<hbm>>) target(%arg9 : memref<128x128xf32, #tpu.memory_space<vmem>>) offsets(%dma_start3A_199 : memref<128xi32, #tpu.memory_space<vmem>>) semaphore(%arg13 : memref<!tpu.dma_semaphore, #tpu.memory_space<semaphore_mem>>)
    %dma_start3A_203 = arith.constant 1 : i32
    %dma_start3A_204 = arith.constant 0 : i32
    %dma_start3A_205 = tpu.memref_slice %arg7[%dma_start3A_203, %dma_start3A_204] : memref<40x128xi32, #tpu.memory_space<vmem>> -> memref<1x128xi32, #tpu.memory_space<vmem>>
    %dma_start3A_206 = tpu.memref_squeeze %dma_start3A_205 : memref<1x128xi32, #tpu.memory_space<vmem>> -> memref<128xi32, #tpu.memory_space<vmem>>
    %dma_start3A_207 = arith.constant 0 : i32
    %dma_start3A_208 = arith.constant 0 : i32
    %dma_start3A_209 = tpu.memref_slice %arg2[%dma_start3A_207, %dma_start3A_208] : memref<80000x128xf32, #tpu.memory_space<hbm>> -> memref<80000x128xf32, #tpu.memory_space<hbm>>
    tpu.enqueue_indirect_dma source(%dma_start3A_209 : memref<80000x128xf32, #tpu.memory_space<hbm>>) target(%arg10 : memref<128x128xf32, #tpu.memory_space<vmem>>) offsets(%dma_start3A_206 : memref<128xi32, #tpu.memory_space<vmem>>) semaphore(%arg14 : memref<!tpu.dma_semaphore, #tpu.memory_space<semaphore_mem>>)
    %barrier3A_210 = arith.constant 0 : index
    tpu.barrier barrier_id(%barrier3A_210)
    %mul3A_211 = arith.constant 640 : i32
    %mul3A_212 = arith.muli %arg1, %mul3A_211 : i32
    %mul3A_213 = arith.constant 640 : i32
    %mul3A_214 = arith.muli %arg1, %mul3A_213 : i32
    %run_scoped3A_215 = arith.constant 5 : i32
    "tpu.region"() ({
      %run_scoped3A_270 = tpu.sem_alloc : memref<!tpu.dma_semaphore, #tpu.memory_space<semaphore_mem>>
      %dma_start3A_271 = arith.constant 0 : i32
      %dma_start3A_272 = tpu.memref_slice %arg6[%arg0, %run_scoped3A_215, %mul3A_214, %dma_start3A_271] : memref<2x8x10240x128xf32, #tpu.memory_space<hbm>> -> memref<1x1x640x128xf32, #tpu.memory_space<hbm>>
      %dma_start3A_273 = tpu.memref_squeeze %dma_start3A_272 : memref<1x1x640x128xf32, #tpu.memory_space<hbm>> -> memref<640x128xf32, #tpu.memory_space<hbm>>
      %dma_start3A_274 = arith.constant 0 : i32
      %dma_start3A_275 = tpu.memref_slice %arg12[%mul3A_212, %dma_start3A_274] : memref<10240x128xf32, #tpu.memory_space<vmem_shared>> -> memref<640x128xf32, #tpu.memory_space<vmem_shared>>
      tpu.enqueue_dma source(%dma_start3A_275 : memref<640x128xf32, #tpu.memory_space<vmem_shared>>) target(%dma_start3A_273 : memref<640x128xf32, #tpu.memory_space<hbm>>) target_semaphore(%run_scoped3A_270 : memref<!tpu.dma_semaphore, #tpu.memory_space<semaphore_mem>>)
      %dma_wait3A = arith.constant 0 : i32
      %dma_wait3A_276 = tpu.memref_slice %arg6[%arg0, %run_scoped3A_215, %mul3A_214, %dma_wait3A] : memref<2x8x10240x128xf32, #tpu.memory_space<hbm>> -> memref<1x1x640x128xf32, #tpu.memory_space<hbm>>
      %dma_wait3A_277 = tpu.memref_squeeze %dma_wait3A_276 : memref<1x1x640x128xf32, #tpu.memory_space<hbm>> -> memref<640x128xf32, #tpu.memory_space<hbm>>
      %dma_wait3A_278 = arith.constant 0 : i32
      %dma_wait3A_279 = tpu.memref_slice %arg12[%mul3A_212, %dma_wait3A_278] : memref<10240x128xf32, #tpu.memory_space<vmem_shared>> -> memref<640x128xf32, #tpu.memory_space<vmem_shared>>
      tpu.wait_dma2 semaphore(%run_scoped3A_270 : memref<!tpu.dma_semaphore, #tpu.memory_space<semaphore_mem>>) src(%dma_wait3A_279 : memref<640x128xf32, #tpu.memory_space<vmem_shared>>) dst(%dma_wait3A_277 : memref<640x128xf32, #tpu.memory_space<hbm>>)
      tpu.yield
    }) : () -> ()
    %scan3A_216 = arith.constant 0 : i32
    %scan3A_217 = arith.constant 0 : i32
    %scan3A_218 = arith.constant 20 : i32
    %scan3A_219 = arith.addi %scan3A_217, %scan3A_218 : i32
    %scan3A_220 = arith.constant 1 : i32
    scf.for %scan3A_270 = %scan3A_217 to %scan3A_219 step %scan3A_220  : i32 {
      %mul3A_271 = arith.constant 640 : i32
      %mul3A_272 = arith.muli %arg1, %mul3A_271 : i32
      %mul3A_273 = arith.constant 32 : i32
      %mul3A_274 = arith.muli %scan3A_270, %mul3A_273 : i32
      %add3A_275 = arith.addi %mul3A_272, %mul3A_274 : i32
      "tpu.region"() ({
        %run_scoped3A_276 = tpu.sem_alloc : memref<!tpu.dma_semaphore, #tpu.memory_space<semaphore_mem>>
        %dma_start3A_277 = arith.constant 0 : i32
        %dma_start3A_278 = tpu.memref_slice %arg12[%add3A_275, %dma_start3A_277] : memref<10240x128xf32, #tpu.memory_space<vmem_shared>> -> memref<32x128xf32, #tpu.memory_space<vmem_shared>>
        %dma_start3A_279 = arith.constant 0 : i32
        %dma_start3A_280 = tpu.memref_slice %arg12[%add3A_275, %dma_start3A_279] : memref<10240x128xf32, #tpu.memory_space<vmem_shared>> -> memref<32x128xf32, #tpu.memory_space<vmem_shared>>
        tpu.enqueue_dma source(%arg11 : memref<32x128xf32, #tpu.memory_space<vmem>>) target(%dma_start3A_280 : memref<32x128xf32, #tpu.memory_space<vmem_shared>>) target_semaphore(%run_scoped3A_276 : memref<!tpu.dma_semaphore, #tpu.memory_space<semaphore_mem>>)
        %dma_wait3A = arith.constant 0 : i32
        %dma_wait3A_281 = tpu.memref_slice %arg12[%add3A_275, %dma_wait3A] : memref<10240x128xf32, #tpu.memory_space<vmem_shared>> -> memref<32x128xf32, #tpu.memory_space<vmem_shared>>
        %dma_wait3A_282 = arith.constant 0 : i32
        %dma_wait3A_283 = tpu.memref_slice %arg12[%add3A_275, %dma_wait3A_282] : memref<10240x128xf32, #tpu.memory_space<vmem_shared>> -> memref<32x128xf32, #tpu.memory_space<vmem_shared>>
        tpu.wait_dma2 semaphore(%run_scoped3A_276 : memref<!tpu.dma_semaphore, #tpu.memory_space<semaphore_mem>>) src(%arg11 : memref<32x128xf32, #tpu.memory_space<vmem>>) dst(%dma_wait3A_283 : memref<32x128xf32, #tpu.memory_space<vmem_shared>>)
        tpu.yield
      }) : () -> ()
    }
    %scan3A_221 = arith.constant 20 : i32
    %barrier3A_222 = arith.constant 0 : index
    tpu.barrier barrier_id(%barrier3A_222)
    %scan3A_223 = arith.constant 0 : i32
    %scan3A_224 = arith.constant 0 : i32
    %scan3A_225 = arith.constant 20 : i32
    %scan3A_226 = arith.addi %scan3A_224, %scan3A_225 : i32
    %scan3A_227 = arith.constant 1 : i32
    scf.for %scan3A_270 = %scan3A_224 to %scan3A_226 step %scan3A_227  : i32 {
      %mul3A_271 = arith.constant 2 : i32
      %mul3A_272 = arith.muli %mul3A_271, %scan3A_270 : i32
      %dma_wait3A = arith.constant 0 : i32
      %dma_wait3A_273 = arith.constant 0 : i32
      %dma_wait3A_274 = tpu.memref_slice %arg7[%dma_wait3A, %dma_wait3A_273] : memref<40x128xi32, #tpu.memory_space<vmem>> -> memref<1x128xi32, #tpu.memory_space<vmem>>
      %dma_wait3A_275 = tpu.memref_squeeze %dma_wait3A_274 : memref<1x128xi32, #tpu.memory_space<vmem>> -> memref<128xi32, #tpu.memory_space<vmem>>
      %dma_wait3A_276 = arith.constant 0 : i32
      %dma_wait3A_277 = arith.constant 0 : i32
      %dma_wait3A_278 = tpu.memref_slice %arg2[%dma_wait3A_276, %dma_wait3A_277] : memref<80000x128xf32, #tpu.memory_space<hbm>> -> memref<80000x128xf32, #tpu.memory_space<hbm>>
      tpu.wait_indirect_dma semaphore(%arg13 : memref<!tpu.dma_semaphore, #tpu.memory_space<semaphore_mem>>) src(%dma_wait3A_278 : memref<80000x128xf32, #tpu.memory_space<hbm>>) dst(%arg9 : memref<128x128xf32, #tpu.memory_space<vmem>>)
      "tpu.region"() ({
        %run_scoped3A_299 = tpu.sem_alloc : memref<!tpu.dma_semaphore, #tpu.memory_space<semaphore_mem>>
        %dma_start3A_300 = arith.constant 0 : i32
        %dma_start3A_301 = tpu.memref_slice %arg8[%mul3A_272, %dma_start3A_300] : memref<40x128xi32, #tpu.memory_space<vmem>> -> memref<1x128xi32, #tpu.memory_space<vmem>>
        %dma_start3A_302 = tpu.memref_squeeze %dma_start3A_301 : memref<1x128xi32, #tpu.memory_space<vmem>> -> memref<128xi32, #tpu.memory_space<vmem>>
        %dma_start3A_303 = arith.constant 0 : i32
        %dma_start3A_304 = arith.constant 0 : i32
        %dma_start3A_305 = tpu.memref_slice %arg12[%dma_start3A_303, %dma_start3A_304] : memref<10240x128xf32, #tpu.memory_space<vmem_shared>> -> memref<10240x128xf32, #tpu.memory_space<vmem_shared>>
        tpu.enqueue_indirect_dma source(%arg9 : memref<128x128xf32, #tpu.memory_space<vmem>>) target(%dma_start3A_305 : memref<10240x128xf32, #tpu.memory_space<vmem_shared>>) offsets(%dma_start3A_302 : memref<128xi32, #tpu.memory_space<vmem>>) semaphore(%run_scoped3A_299 : memref<!tpu.dma_semaphore, #tpu.memory_space<semaphore_mem>>) {add = true}
        %dma_wait3A_306 = arith.constant 0 : i32
        %dma_wait3A_307 = tpu.memref_slice %arg8[%mul3A_272, %dma_wait3A_306] : memref<40x128xi32, #tpu.memory_space<vmem>> -> memref<1x128xi32, #tpu.memory_space<vmem>>
        %dma_wait3A_308 = tpu.memref_squeeze %dma_wait3A_307 : memref<1x128xi32, #tpu.memory_space<vmem>> -> memref<128xi32, #tpu.memory_space<vmem>>
        %dma_wait3A_309 = arith.constant 0 : i32
        %dma_wait3A_310 = arith.constant 0 : i32
        %dma_wait3A_311 = tpu.memref_slice %arg12[%dma_wait3A_309, %dma_wait3A_310] : memref<10240x128xf32, #tpu.memory_space<vmem_shared>> -> memref<10240x128xf32, #tpu.memory_space<vmem_shared>>
        tpu.wait_indirect_dma semaphore(%run_scoped3A_299 : memref<!tpu.dma_semaphore, #tpu.memory_space<semaphore_mem>>) src(%arg9 : memref<128x128xf32, #tpu.memory_space<vmem>>) dst(%dma_wait3A_311 : memref<10240x128xf32, #tpu.memory_space<vmem_shared>>)
        tpu.yield
      }) : () -> ()
      %add3A_279 = arith.constant 2 : i32
      %add3A_280 = arith.addi %mul3A_272, %add3A_279 : i32
      %lt3A = arith.constant 40 : i32
      %lt3A_281 = arith.cmpi slt, %add3A_280, %lt3A : i32
      %convert_element_type3A = arith.extui %lt3A_281 : i1 to i32
      %cond3A = arith.constant 0 : i32
      %cond3A_282 = arith.cmpi ne, %convert_element_type3A, %cond3A : i32
      scf.if %cond3A_282 {
        %add3A_299 = arith.constant 2 : i32
        %add3A_300 = arith.addi %mul3A_272, %add3A_299 : i32
        %dma_start3A_301 = arith.constant 0 : i32
        %dma_start3A_302 = tpu.memref_slice %arg7[%add3A_300, %dma_start3A_301] : memref<40x128xi32, #tpu.memory_space<vmem>> -> memref<1x128xi32, #tpu.memory_space<vmem>>
        %dma_start3A_303 = tpu.memref_squeeze %dma_start3A_302 : memref<1x128xi32, #tpu.memory_space<vmem>> -> memref<128xi32, #tpu.memory_space<vmem>>
        %dma_start3A_304 = arith.constant 0 : i32
        %dma_start3A_305 = arith.constant 0 : i32
        %dma_start3A_306 = tpu.memref_slice %arg2[%dma_start3A_304, %dma_start3A_305] : memref<80000x128xf32, #tpu.memory_space<hbm>> -> memref<80000x128xf32, #tpu.memory_space<hbm>>
        tpu.enqueue_indirect_dma source(%dma_start3A_306 : memref<80000x128xf32, #tpu.memory_space<hbm>>) target(%arg9 : memref<128x128xf32, #tpu.memory_space<vmem>>) offsets(%dma_start3A_303 : memref<128xi32, #tpu.memory_space<vmem>>) semaphore(%arg13 : memref<!tpu.dma_semaphore, #tpu.memory_space<semaphore_mem>>)
      } else {
      }
      %dma_wait3A_283 = arith.constant 0 : i32
      %dma_wait3A_284 = arith.constant 0 : i32
      %dma_wait3A_285 = tpu.memref_slice %arg7[%dma_wait3A_283, %dma_wait3A_284] : memref<40x128xi32, #tpu.memory_space<vmem>> -> memref<1x128xi32, #tpu.memory_space<vmem>>
      %dma_wait3A_286 = tpu.memref_squeeze %dma_wait3A_285 : memref<1x128xi32, #tpu.memory_space<vmem>> -> memref<128xi32, #tpu.memory_space<vmem>>
      %dma_wait3A_287 = arith.constant 0 : i32
      %dma_wait3A_288 = arith.constant 0 : i32
      %dma_wait3A_289 = tpu.memref_slice %arg2[%dma_wait3A_287, %dma_wait3A_288] : memref<80000x128xf32, #tpu.memory_space<hbm>> -> memref<80000x128xf32, #tpu.memory_space<hbm>>
      tpu.wait_indirect_dma semaphore(%arg14 : memref<!tpu.dma_semaphore, #tpu.memory_space<semaphore_mem>>) src(%dma_wait3A_289 : memref<80000x128xf32, #tpu.memory_space<hbm>>) dst(%arg10 : memref<128x128xf32, #tpu.memory_space<vmem>>)
      %add3A_290 = arith.constant 1 : i32
      %add3A_291 = arith.addi %mul3A_272, %add3A_290 : i32
      "tpu.region"() ({
        %run_scoped3A_299 = tpu.sem_alloc : memref<!tpu.dma_semaphore, #tpu.memory_space<semaphore_mem>>
        %dma_start3A_300 = arith.constant 0 : i32
        %dma_start3A_301 = tpu.memref_slice %arg8[%add3A_291, %dma_start3A_300] : memref<40x128xi32, #tpu.memory_space<vmem>> -> memref<1x128xi32, #tpu.memory_space<vmem>>
        %dma_start3A_302 = tpu.memref_squeeze %dma_start3A_301 : memref<1x128xi32, #tpu.memory_space<vmem>> -> memref<128xi32, #tpu.memory_space<vmem>>
        %dma_start3A_303 = arith.constant 0 : i32
        %dma_start3A_304 = arith.constant 0 : i32
        %dma_start3A_305 = tpu.memref_slice %arg12[%dma_start3A_303, %dma_start3A_304] : memref<10240x128xf32, #tpu.memory_space<vmem_shared>> -> memref<10240x128xf32, #tpu.memory_space<vmem_shared>>
        tpu.enqueue_indirect_dma source(%arg10 : memref<128x128xf32, #tpu.memory_space<vmem>>) target(%dma_start3A_305 : memref<10240x128xf32, #tpu.memory_space<vmem_shared>>) offsets(%dma_start3A_302 : memref<128xi32, #tpu.memory_space<vmem>>) semaphore(%run_scoped3A_299 : memref<!tpu.dma_semaphore, #tpu.memory_space<semaphore_mem>>) {add = true}
        %dma_wait3A_306 = arith.constant 0 : i32
        %dma_wait3A_307 = tpu.memref_slice %arg8[%add3A_291, %dma_wait3A_306] : memref<40x128xi32, #tpu.memory_space<vmem>> -> memref<1x128xi32, #tpu.memory_space<vmem>>
        %dma_wait3A_308 = tpu.memref_squeeze %dma_wait3A_307 : memref<1x128xi32, #tpu.memory_space<vmem>> -> memref<128xi32, #tpu.memory_space<vmem>>
        %dma_wait3A_309 = arith.constant 0 : i32
        %dma_wait3A_310 = arith.constant 0 : i32
        %dma_wait3A_311 = tpu.memref_slice %arg12[%dma_wait3A_309, %dma_wait3A_310] : memref<10240x128xf32, #tpu.memory_space<vmem_shared>> -> memref<10240x128xf32, #tpu.memory_space<vmem_shared>>
        tpu.wait_indirect_dma semaphore(%run_scoped3A_299 : memref<!tpu.dma_semaphore, #tpu.memory_space<semaphore_mem>>) src(%arg10 : memref<128x128xf32, #tpu.memory_space<vmem>>) dst(%dma_wait3A_311 : memref<10240x128xf32, #tpu.memory_space<vmem_shared>>)
        tpu.yield
      }) : () -> ()
      %add3A_292 = arith.constant 3 : i32
      %add3A_293 = arith.addi %mul3A_272, %add3A_292 : i32
      %lt3A_294 = arith.constant 40 : i32
      %lt3A_295 = arith.cmpi slt, %add3A_293, %lt3A_294 : i32
      %convert_element_type3A_296 = arith.extui %lt3A_295 : i1 to i32
      %cond3A_297 = arith.constant 0 : i32
      %cond3A_298 = arith.cmpi ne, %convert_element_type3A_296, %cond3A_297 : i32
      scf.if %cond3A_298 {
        %add3A_299 = arith.constant 3 : i32
        %add3A_300 = arith.addi %mul3A_272, %add3A_299 : i32
        %dma_start3A_301 = arith.constant 0 : i32
        %dma_start3A_302 = tpu.memref_slice %arg7[%add3A_300, %dma_start3A_301] : memref<40x128xi32, #tpu.memory_space<vmem>> -> memref<1x128xi32, #tpu.memory_space<vmem>>
        %dma_start3A_303 = tpu.memref_squeeze %dma_start3A_302 : memref<1x128xi32, #tpu.memory_space<vmem>> -> memref<128xi32, #tpu.memory_space<vmem>>
        %dma_start3A_304 = arith.constant 0 : i32
        %dma_start3A_305 = arith.constant 0 : i32
        %dma_start3A_306 = tpu.memref_slice %arg2[%dma_start3A_304, %dma_start3A_305] : memref<80000x128xf32, #tpu.memory_space<hbm>> -> memref<80000x128xf32, #tpu.memory_space<hbm>>
        tpu.enqueue_indirect_dma source(%dma_start3A_306 : memref<80000x128xf32, #tpu.memory_space<hbm>>) target(%arg10 : memref<128x128xf32, #tpu.memory_space<vmem>>) offsets(%dma_start3A_303 : memref<128xi32, #tpu.memory_space<vmem>>) semaphore(%arg14 : memref<!tpu.dma_semaphore, #tpu.memory_space<semaphore_mem>>)
      } else {
      }
    }
    %scan3A_228 = arith.constant 20 : i32
    %run_scoped3A_229 = arith.constant 7 : i32
    "tpu.region"() ({
      %run_scoped3A_270 = tpu.sem_alloc : memref<!tpu.dma_semaphore, #tpu.memory_space<semaphore_mem>>
      %dma_start3A_271 = arith.constant 0 : i32
      %dma_start3A_272 = arith.constant 0 : i32
      %dma_start3A_273 = tpu.memref_slice %arg3[%run_scoped3A_229, %add3A, %dma_start3A_271, %dma_start3A_272] : memref<8x32x40x128xi32, #tpu.memory_space<hbm>> -> memref<1x1x40x128xi32, #tpu.memory_space<hbm>>
      %dma_start3A_274 = tpu.memref_squeeze %dma_start3A_273 : memref<1x1x40x128xi32, #tpu.memory_space<hbm>> -> memref<40x128xi32, #tpu.memory_space<hbm>>
      %dma_start3A_275 = arith.constant 0 : i32
      %dma_start3A_276 = arith.constant 0 : i32
      %dma_start3A_277 = tpu.memref_slice %arg3[%run_scoped3A_229, %add3A, %dma_start3A_275, %dma_start3A_276] : memref<8x32x40x128xi32, #tpu.memory_space<hbm>> -> memref<1x1x40x128xi32, #tpu.memory_space<hbm>>
      %dma_start3A_278 = tpu.memref_squeeze %dma_start3A_277 : memref<1x1x40x128xi32, #tpu.memory_space<hbm>> -> memref<40x128xi32, #tpu.memory_space<hbm>>
      tpu.enqueue_dma source(%dma_start3A_278 : memref<40x128xi32, #tpu.memory_space<hbm>>) target(%arg7 : memref<40x128xi32, #tpu.memory_space<vmem>>) target_semaphore(%run_scoped3A_270 : memref<!tpu.dma_semaphore, #tpu.memory_space<semaphore_mem>>)
      %dma_wait3A = arith.constant 0 : i32
      %dma_wait3A_279 = arith.constant 0 : i32
      %dma_wait3A_280 = tpu.memref_slice %arg3[%run_scoped3A_229, %add3A, %dma_wait3A, %dma_wait3A_279] : memref<8x32x40x128xi32, #tpu.memory_space<hbm>> -> memref<1x1x40x128xi32, #tpu.memory_space<hbm>>
      %dma_wait3A_281 = tpu.memref_squeeze %dma_wait3A_280 : memref<1x1x40x128xi32, #tpu.memory_space<hbm>> -> memref<40x128xi32, #tpu.memory_space<hbm>>
      %dma_wait3A_282 = arith.constant 0 : i32
      %dma_wait3A_283 = arith.constant 0 : i32
      %dma_wait3A_284 = tpu.memref_slice %arg3[%run_scoped3A_229, %add3A, %dma_wait3A_282, %dma_wait3A_283] : memref<8x32x40x128xi32, #tpu.memory_space<hbm>> -> memref<1x1x40x128xi32, #tpu.memory_space<hbm>>
      %dma_wait3A_285 = tpu.memref_squeeze %dma_wait3A_284 : memref<1x1x40x128xi32, #tpu.memory_space<hbm>> -> memref<40x128xi32, #tpu.memory_space<hbm>>
      tpu.wait_dma2 semaphore(%run_scoped3A_270 : memref<!tpu.dma_semaphore, #tpu.memory_space<semaphore_mem>>) src(%dma_wait3A_285 : memref<40x128xi32, #tpu.memory_space<hbm>>) dst(%arg7 : memref<40x128xi32, #tpu.memory_space<vmem>>)
      tpu.yield
    }) : () -> ()
    %dma_start3A_230 = arith.constant 0 : i32
    %dma_start3A_231 = arith.constant 0 : i32
    %dma_start3A_232 = tpu.memref_slice %arg7[%dma_start3A_230, %dma_start3A_231] : memref<40x128xi32, #tpu.memory_space<vmem>> -> memref<1x128xi32, #tpu.memory_space<vmem>>
    %dma_start3A_233 = tpu.memref_squeeze %dma_start3A_232 : memref<1x128xi32, #tpu.memory_space<vmem>> -> memref<128xi32, #tpu.memory_space<vmem>>
    %dma_start3A_234 = arith.constant 0 : i32
    %dma_start3A_235 = arith.constant 0 : i32
    %dma_start3A_236 = tpu.memref_slice %arg2[%dma_start3A_234, %dma_start3A_235] : memref<80000x128xf32, #tpu.memory_space<hbm>> -> memref<80000x128xf32, #tpu.memory_space<hbm>>
    tpu.enqueue_indirect_dma source(%dma_start3A_236 : memref<80000x128xf32, #tpu.memory_space<hbm>>) target(%arg9 : memref<128x128xf32, #tpu.memory_space<vmem>>) offsets(%dma_start3A_233 : memref<128xi32, #tpu.memory_space<vmem>>) semaphore(%arg13 : memref<!tpu.dma_semaphore, #tpu.memory_space<semaphore_mem>>)
    %dma_start3A_237 = arith.constant 1 : i32
    %dma_start3A_238 = arith.constant 0 : i32
    %dma_start3A_239 = tpu.memref_slice %arg7[%dma_start3A_237, %dma_start3A_238] : memref<40x128xi32, #tpu.memory_space<vmem>> -> memref<1x128xi32, #tpu.memory_space<vmem>>
    %dma_start3A_240 = tpu.memref_squeeze %dma_start3A_239 : memref<1x128xi32, #tpu.memory_space<vmem>> -> memref<128xi32, #tpu.memory_space<vmem>>
    %dma_start3A_241 = arith.constant 0 : i32
    %dma_start3A_242 = arith.constant 0 : i32
    %dma_start3A_243 = tpu.memref_slice %arg2[%dma_start3A_241, %dma_start3A_242] : memref<80000x128xf32, #tpu.memory_space<hbm>> -> memref<80000x128xf32, #tpu.memory_space<hbm>>
    tpu.enqueue_indirect_dma source(%dma_start3A_243 : memref<80000x128xf32, #tpu.memory_space<hbm>>) target(%arg10 : memref<128x128xf32, #tpu.memory_space<vmem>>) offsets(%dma_start3A_240 : memref<128xi32, #tpu.memory_space<vmem>>) semaphore(%arg14 : memref<!tpu.dma_semaphore, #tpu.memory_space<semaphore_mem>>)
    %barrier3A_244 = arith.constant 0 : index
    tpu.barrier barrier_id(%barrier3A_244)
    %mul3A_245 = arith.constant 640 : i32
    %mul3A_246 = arith.muli %arg1, %mul3A_245 : i32
    %mul3A_247 = arith.constant 640 : i32
    %mul3A_248 = arith.muli %arg1, %mul3A_247 : i32
    %run_scoped3A_249 = arith.constant 6 : i32
    "tpu.region"() ({
      %run_scoped3A_270 = tpu.sem_alloc : memref<!tpu.dma_semaphore, #tpu.memory_space<semaphore_mem>>
      %dma_start3A_271 = arith.constant 0 : i32
      %dma_start3A_272 = tpu.memref_slice %arg6[%arg0, %run_scoped3A_249, %mul3A_248, %dma_start3A_271] : memref<2x8x10240x128xf32, #tpu.memory_space<hbm>> -> memref<1x1x640x128xf32, #tpu.memory_space<hbm>>
      %dma_start3A_273 = tpu.memref_squeeze %dma_start3A_272 : memref<1x1x640x128xf32, #tpu.memory_space<hbm>> -> memref<640x128xf32, #tpu.memory_space<hbm>>
      %dma_start3A_274 = arith.constant 0 : i32
      %dma_start3A_275 = tpu.memref_slice %arg12[%mul3A_246, %dma_start3A_274] : memref<10240x128xf32, #tpu.memory_space<vmem_shared>> -> memref<640x128xf32, #tpu.memory_space<vmem_shared>>
      tpu.enqueue_dma source(%dma_start3A_275 : memref<640x128xf32, #tpu.memory_space<vmem_shared>>) target(%dma_start3A_273 : memref<640x128xf32, #tpu.memory_space<hbm>>) target_semaphore(%run_scoped3A_270 : memref<!tpu.dma_semaphore, #tpu.memory_space<semaphore_mem>>)
      %dma_wait3A = arith.constant 0 : i32
      %dma_wait3A_276 = tpu.memref_slice %arg6[%arg0, %run_scoped3A_249, %mul3A_248, %dma_wait3A] : memref<2x8x10240x128xf32, #tpu.memory_space<hbm>> -> memref<1x1x640x128xf32, #tpu.memory_space<hbm>>
      %dma_wait3A_277 = tpu.memref_squeeze %dma_wait3A_276 : memref<1x1x640x128xf32, #tpu.memory_space<hbm>> -> memref<640x128xf32, #tpu.memory_space<hbm>>
      %dma_wait3A_278 = arith.constant 0 : i32
      %dma_wait3A_279 = tpu.memref_slice %arg12[%mul3A_246, %dma_wait3A_278] : memref<10240x128xf32, #tpu.memory_space<vmem_shared>> -> memref<640x128xf32, #tpu.memory_space<vmem_shared>>
      tpu.wait_dma2 semaphore(%run_scoped3A_270 : memref<!tpu.dma_semaphore, #tpu.memory_space<semaphore_mem>>) src(%dma_wait3A_279 : memref<640x128xf32, #tpu.memory_space<vmem_shared>>) dst(%dma_wait3A_277 : memref<640x128xf32, #tpu.memory_space<hbm>>)
      tpu.yield
    }) : () -> ()
    %scan3A_250 = arith.constant 0 : i32
    %scan3A_251 = arith.constant 0 : i32
    %scan3A_252 = arith.constant 20 : i32
    %scan3A_253 = arith.addi %scan3A_251, %scan3A_252 : i32
    %scan3A_254 = arith.constant 1 : i32
    scf.for %scan3A_270 = %scan3A_251 to %scan3A_253 step %scan3A_254  : i32 {
      %mul3A_271 = arith.constant 640 : i32
      %mul3A_272 = arith.muli %arg1, %mul3A_271 : i32
      %mul3A_273 = arith.constant 32 : i32
      %mul3A_274 = arith.muli %scan3A_270, %mul3A_273 : i32
      %add3A_275 = arith.addi %mul3A_272, %mul3A_274 : i32
      "tpu.region"() ({
        %run_scoped3A_276 = tpu.sem_alloc : memref<!tpu.dma_semaphore, #tpu.memory_space<semaphore_mem>>
        %dma_start3A_277 = arith.constant 0 : i32
        %dma_start3A_278 = tpu.memref_slice %arg12[%add3A_275, %dma_start3A_277] : memref<10240x128xf32, #tpu.memory_space<vmem_shared>> -> memref<32x128xf32, #tpu.memory_space<vmem_shared>>
        %dma_start3A_279 = arith.constant 0 : i32
        %dma_start3A_280 = tpu.memref_slice %arg12[%add3A_275, %dma_start3A_279] : memref<10240x128xf32, #tpu.memory_space<vmem_shared>> -> memref<32x128xf32, #tpu.memory_space<vmem_shared>>
        tpu.enqueue_dma source(%arg11 : memref<32x128xf32, #tpu.memory_space<vmem>>) target(%dma_start3A_280 : memref<32x128xf32, #tpu.memory_space<vmem_shared>>) target_semaphore(%run_scoped3A_276 : memref<!tpu.dma_semaphore, #tpu.memory_space<semaphore_mem>>)
        %dma_wait3A = arith.constant 0 : i32
        %dma_wait3A_281 = tpu.memref_slice %arg12[%add3A_275, %dma_wait3A] : memref<10240x128xf32, #tpu.memory_space<vmem_shared>> -> memref<32x128xf32, #tpu.memory_space<vmem_shared>>
        %dma_wait3A_282 = arith.constant 0 : i32
        %dma_wait3A_283 = tpu.memref_slice %arg12[%add3A_275, %dma_wait3A_282] : memref<10240x128xf32, #tpu.memory_space<vmem_shared>> -> memref<32x128xf32, #tpu.memory_space<vmem_shared>>
        tpu.wait_dma2 semaphore(%run_scoped3A_276 : memref<!tpu.dma_semaphore, #tpu.memory_space<semaphore_mem>>) src(%arg11 : memref<32x128xf32, #tpu.memory_space<vmem>>) dst(%dma_wait3A_283 : memref<32x128xf32, #tpu.memory_space<vmem_shared>>)
        tpu.yield
      }) : () -> ()
    }
    %scan3A_255 = arith.constant 20 : i32
    %barrier3A_256 = arith.constant 0 : index
    tpu.barrier barrier_id(%barrier3A_256)
    %scan3A_257 = arith.constant 0 : i32
    %scan3A_258 = arith.constant 0 : i32
    %scan3A_259 = arith.constant 20 : i32
    %scan3A_260 = arith.addi %scan3A_258, %scan3A_259 : i32
    %scan3A_261 = arith.constant 1 : i32
    scf.for %scan3A_270 = %scan3A_258 to %scan3A_260 step %scan3A_261  : i32 {
      %mul3A_271 = arith.constant 2 : i32
      %mul3A_272 = arith.muli %mul3A_271, %scan3A_270 : i32
      %dma_wait3A = arith.constant 0 : i32
      %dma_wait3A_273 = arith.constant 0 : i32
      %dma_wait3A_274 = tpu.memref_slice %arg7[%dma_wait3A, %dma_wait3A_273] : memref<40x128xi32, #tpu.memory_space<vmem>> -> memref<1x128xi32, #tpu.memory_space<vmem>>
      %dma_wait3A_275 = tpu.memref_squeeze %dma_wait3A_274 : memref<1x128xi32, #tpu.memory_space<vmem>> -> memref<128xi32, #tpu.memory_space<vmem>>
      %dma_wait3A_276 = arith.constant 0 : i32
      %dma_wait3A_277 = arith.constant 0 : i32
      %dma_wait3A_278 = tpu.memref_slice %arg2[%dma_wait3A_276, %dma_wait3A_277] : memref<80000x128xf32, #tpu.memory_space<hbm>> -> memref<80000x128xf32, #tpu.memory_space<hbm>>
      tpu.wait_indirect_dma semaphore(%arg13 : memref<!tpu.dma_semaphore, #tpu.memory_space<semaphore_mem>>) src(%dma_wait3A_278 : memref<80000x128xf32, #tpu.memory_space<hbm>>) dst(%arg9 : memref<128x128xf32, #tpu.memory_space<vmem>>)
      "tpu.region"() ({
        %run_scoped3A_299 = tpu.sem_alloc : memref<!tpu.dma_semaphore, #tpu.memory_space<semaphore_mem>>
        %dma_start3A_300 = arith.constant 0 : i32
        %dma_start3A_301 = tpu.memref_slice %arg8[%mul3A_272, %dma_start3A_300] : memref<40x128xi32, #tpu.memory_space<vmem>> -> memref<1x128xi32, #tpu.memory_space<vmem>>
        %dma_start3A_302 = tpu.memref_squeeze %dma_start3A_301 : memref<1x128xi32, #tpu.memory_space<vmem>> -> memref<128xi32, #tpu.memory_space<vmem>>
        %dma_start3A_303 = arith.constant 0 : i32
        %dma_start3A_304 = arith.constant 0 : i32
        %dma_start3A_305 = tpu.memref_slice %arg12[%dma_start3A_303, %dma_start3A_304] : memref<10240x128xf32, #tpu.memory_space<vmem_shared>> -> memref<10240x128xf32, #tpu.memory_space<vmem_shared>>
        tpu.enqueue_indirect_dma source(%arg9 : memref<128x128xf32, #tpu.memory_space<vmem>>) target(%dma_start3A_305 : memref<10240x128xf32, #tpu.memory_space<vmem_shared>>) offsets(%dma_start3A_302 : memref<128xi32, #tpu.memory_space<vmem>>) semaphore(%run_scoped3A_299 : memref<!tpu.dma_semaphore, #tpu.memory_space<semaphore_mem>>) {add = true}
        %dma_wait3A_306 = arith.constant 0 : i32
        %dma_wait3A_307 = tpu.memref_slice %arg8[%mul3A_272, %dma_wait3A_306] : memref<40x128xi32, #tpu.memory_space<vmem>> -> memref<1x128xi32, #tpu.memory_space<vmem>>
        %dma_wait3A_308 = tpu.memref_squeeze %dma_wait3A_307 : memref<1x128xi32, #tpu.memory_space<vmem>> -> memref<128xi32, #tpu.memory_space<vmem>>
        %dma_wait3A_309 = arith.constant 0 : i32
        %dma_wait3A_310 = arith.constant 0 : i32
        %dma_wait3A_311 = tpu.memref_slice %arg12[%dma_wait3A_309, %dma_wait3A_310] : memref<10240x128xf32, #tpu.memory_space<vmem_shared>> -> memref<10240x128xf32, #tpu.memory_space<vmem_shared>>
        tpu.wait_indirect_dma semaphore(%run_scoped3A_299 : memref<!tpu.dma_semaphore, #tpu.memory_space<semaphore_mem>>) src(%arg9 : memref<128x128xf32, #tpu.memory_space<vmem>>) dst(%dma_wait3A_311 : memref<10240x128xf32, #tpu.memory_space<vmem_shared>>)
        tpu.yield
      }) : () -> ()
      %add3A_279 = arith.constant 2 : i32
      %add3A_280 = arith.addi %mul3A_272, %add3A_279 : i32
      %lt3A = arith.constant 40 : i32
      %lt3A_281 = arith.cmpi slt, %add3A_280, %lt3A : i32
      %convert_element_type3A = arith.extui %lt3A_281 : i1 to i32
      %cond3A = arith.constant 0 : i32
      %cond3A_282 = arith.cmpi ne, %convert_element_type3A, %cond3A : i32
      scf.if %cond3A_282 {
        %add3A_299 = arith.constant 2 : i32
        %add3A_300 = arith.addi %mul3A_272, %add3A_299 : i32
        %dma_start3A_301 = arith.constant 0 : i32
        %dma_start3A_302 = tpu.memref_slice %arg7[%add3A_300, %dma_start3A_301] : memref<40x128xi32, #tpu.memory_space<vmem>> -> memref<1x128xi32, #tpu.memory_space<vmem>>
        %dma_start3A_303 = tpu.memref_squeeze %dma_start3A_302 : memref<1x128xi32, #tpu.memory_space<vmem>> -> memref<128xi32, #tpu.memory_space<vmem>>
        %dma_start3A_304 = arith.constant 0 : i32
        %dma_start3A_305 = arith.constant 0 : i32
        %dma_start3A_306 = tpu.memref_slice %arg2[%dma_start3A_304, %dma_start3A_305] : memref<80000x128xf32, #tpu.memory_space<hbm>> -> memref<80000x128xf32, #tpu.memory_space<hbm>>
        tpu.enqueue_indirect_dma source(%dma_start3A_306 : memref<80000x128xf32, #tpu.memory_space<hbm>>) target(%arg9 : memref<128x128xf32, #tpu.memory_space<vmem>>) offsets(%dma_start3A_303 : memref<128xi32, #tpu.memory_space<vmem>>) semaphore(%arg13 : memref<!tpu.dma_semaphore, #tpu.memory_space<semaphore_mem>>)
      } else {
      }
      %dma_wait3A_283 = arith.constant 0 : i32
      %dma_wait3A_284 = arith.constant 0 : i32
      %dma_wait3A_285 = tpu.memref_slice %arg7[%dma_wait3A_283, %dma_wait3A_284] : memref<40x128xi32, #tpu.memory_space<vmem>> -> memref<1x128xi32, #tpu.memory_space<vmem>>
      %dma_wait3A_286 = tpu.memref_squeeze %dma_wait3A_285 : memref<1x128xi32, #tpu.memory_space<vmem>> -> memref<128xi32, #tpu.memory_space<vmem>>
      %dma_wait3A_287 = arith.constant 0 : i32
      %dma_wait3A_288 = arith.constant 0 : i32
      %dma_wait3A_289 = tpu.memref_slice %arg2[%dma_wait3A_287, %dma_wait3A_288] : memref<80000x128xf32, #tpu.memory_space<hbm>> -> memref<80000x128xf32, #tpu.memory_space<hbm>>
      tpu.wait_indirect_dma semaphore(%arg14 : memref<!tpu.dma_semaphore, #tpu.memory_space<semaphore_mem>>) src(%dma_wait3A_289 : memref<80000x128xf32, #tpu.memory_space<hbm>>) dst(%arg10 : memref<128x128xf32, #tpu.memory_space<vmem>>)
      %add3A_290 = arith.constant 1 : i32
      %add3A_291 = arith.addi %mul3A_272, %add3A_290 : i32
      "tpu.region"() ({
        %run_scoped3A_299 = tpu.sem_alloc : memref<!tpu.dma_semaphore, #tpu.memory_space<semaphore_mem>>
        %dma_start3A_300 = arith.constant 0 : i32
        %dma_start3A_301 = tpu.memref_slice %arg8[%add3A_291, %dma_start3A_300] : memref<40x128xi32, #tpu.memory_space<vmem>> -> memref<1x128xi32, #tpu.memory_space<vmem>>
        %dma_start3A_302 = tpu.memref_squeeze %dma_start3A_301 : memref<1x128xi32, #tpu.memory_space<vmem>> -> memref<128xi32, #tpu.memory_space<vmem>>
        %dma_start3A_303 = arith.constant 0 : i32
        %dma_start3A_304 = arith.constant 0 : i32
        %dma_start3A_305 = tpu.memref_slice %arg12[%dma_start3A_303, %dma_start3A_304] : memref<10240x128xf32, #tpu.memory_space<vmem_shared>> -> memref<10240x128xf32, #tpu.memory_space<vmem_shared>>
        tpu.enqueue_indirect_dma source(%arg10 : memref<128x128xf32, #tpu.memory_space<vmem>>) target(%dma_start3A_305 : memref<10240x128xf32, #tpu.memory_space<vmem_shared>>) offsets(%dma_start3A_302 : memref<128xi32, #tpu.memory_space<vmem>>) semaphore(%run_scoped3A_299 : memref<!tpu.dma_semaphore, #tpu.memory_space<semaphore_mem>>) {add = true}
        %dma_wait3A_306 = arith.constant 0 : i32
        %dma_wait3A_307 = tpu.memref_slice %arg8[%add3A_291, %dma_wait3A_306] : memref<40x128xi32, #tpu.memory_space<vmem>> -> memref<1x128xi32, #tpu.memory_space<vmem>>
        %dma_wait3A_308 = tpu.memref_squeeze %dma_wait3A_307 : memref<1x128xi32, #tpu.memory_space<vmem>> -> memref<128xi32, #tpu.memory_space<vmem>>
        %dma_wait3A_309 = arith.constant 0 : i32
        %dma_wait3A_310 = arith.constant 0 : i32
        %dma_wait3A_311 = tpu.memref_slice %arg12[%dma_wait3A_309, %dma_wait3A_310] : memref<10240x128xf32, #tpu.memory_space<vmem_shared>> -> memref<10240x128xf32, #tpu.memory_space<vmem_shared>>
        tpu.wait_indirect_dma semaphore(%run_scoped3A_299 : memref<!tpu.dma_semaphore, #tpu.memory_space<semaphore_mem>>) src(%arg10 : memref<128x128xf32, #tpu.memory_space<vmem>>) dst(%dma_wait3A_311 : memref<10240x128xf32, #tpu.memory_space<vmem_shared>>)
        tpu.yield
      }) : () -> ()
      %add3A_292 = arith.constant 3 : i32
      %add3A_293 = arith.addi %mul3A_272, %add3A_292 : i32
      %lt3A_294 = arith.constant 40 : i32
      %lt3A_295 = arith.cmpi slt, %add3A_293, %lt3A_294 : i32
      %convert_element_type3A_296 = arith.extui %lt3A_295 : i1 to i32
      %cond3A_297 = arith.constant 0 : i32
      %cond3A_298 = arith.cmpi ne, %convert_element_type3A_296, %cond3A_297 : i32
      scf.if %cond3A_298 {
        %add3A_299 = arith.constant 3 : i32
        %add3A_300 = arith.addi %mul3A_272, %add3A_299 : i32
        %dma_start3A_301 = arith.constant 0 : i32
        %dma_start3A_302 = tpu.memref_slice %arg7[%add3A_300, %dma_start3A_301] : memref<40x128xi32, #tpu.memory_space<vmem>> -> memref<1x128xi32, #tpu.memory_space<vmem>>
        %dma_start3A_303 = tpu.memref_squeeze %dma_start3A_302 : memref<1x128xi32, #tpu.memory_space<vmem>> -> memref<128xi32, #tpu.memory_space<vmem>>
        %dma_start3A_304 = arith.constant 0 : i32
        %dma_start3A_305 = arith.constant 0 : i32
        %dma_start3A_306 = tpu.memref_slice %arg2[%dma_start3A_304, %dma_start3A_305] : memref<80000x128xf32, #tpu.memory_space<hbm>> -> memref<80000x128xf32, #tpu.memory_space<hbm>>
        tpu.enqueue_indirect_dma source(%dma_start3A_306 : memref<80000x128xf32, #tpu.memory_space<hbm>>) target(%arg10 : memref<128x128xf32, #tpu.memory_space<vmem>>) offsets(%dma_start3A_303 : memref<128xi32, #tpu.memory_space<vmem>>) semaphore(%arg14 : memref<!tpu.dma_semaphore, #tpu.memory_space<semaphore_mem>>)
      } else {
      }
    }
    %scan3A_262 = arith.constant 20 : i32
    %barrier3A_263 = arith.constant 0 : index
    tpu.barrier barrier_id(%barrier3A_263)
    %mul3A_264 = arith.constant 640 : i32
    %mul3A_265 = arith.muli %arg1, %mul3A_264 : i32
    %mul3A_266 = arith.constant 640 : i32
    %mul3A_267 = arith.muli %arg1, %mul3A_266 : i32
    %run_scoped3A_268 = arith.constant 7 : i32
    "tpu.region"() ({
      %run_scoped3A_270 = tpu.sem_alloc : memref<!tpu.dma_semaphore, #tpu.memory_space<semaphore_mem>>
      %dma_start3A_271 = arith.constant 0 : i32
      %dma_start3A_272 = tpu.memref_slice %arg6[%arg0, %run_scoped3A_268, %mul3A_267, %dma_start3A_271] : memref<2x8x10240x128xf32, #tpu.memory_space<hbm>> -> memref<1x1x640x128xf32, #tpu.memory_space<hbm>>
      %dma_start3A_273 = tpu.memref_squeeze %dma_start3A_272 : memref<1x1x640x128xf32, #tpu.memory_space<hbm>> -> memref<640x128xf32, #tpu.memory_space<hbm>>
      %dma_start3A_274 = arith.constant 0 : i32
      %dma_start3A_275 = tpu.memref_slice %arg12[%mul3A_265, %dma_start3A_274] : memref<10240x128xf32, #tpu.memory_space<vmem_shared>> -> memref<640x128xf32, #tpu.memory_space<vmem_shared>>
      tpu.enqueue_dma source(%dma_start3A_275 : memref<640x128xf32, #tpu.memory_space<vmem_shared>>) target(%dma_start3A_273 : memref<640x128xf32, #tpu.memory_space<hbm>>) target_semaphore(%run_scoped3A_270 : memref<!tpu.dma_semaphore, #tpu.memory_space<semaphore_mem>>)
      %dma_wait3A = arith.constant 0 : i32
      %dma_wait3A_276 = tpu.memref_slice %arg6[%arg0, %run_scoped3A_268, %mul3A_267, %dma_wait3A] : memref<2x8x10240x128xf32, #tpu.memory_space<hbm>> -> memref<1x1x640x128xf32, #tpu.memory_space<hbm>>
      %dma_wait3A_277 = tpu.memref_squeeze %dma_wait3A_276 : memref<1x1x640x128xf32, #tpu.memory_space<hbm>> -> memref<640x128xf32, #tpu.memory_space<hbm>>
      %dma_wait3A_278 = arith.constant 0 : i32
      %dma_wait3A_279 = tpu.memref_slice %arg12[%mul3A_265, %dma_wait3A_278] : memref<10240x128xf32, #tpu.memory_space<vmem_shared>> -> memref<640x128xf32, #tpu.memory_space<vmem_shared>>
      tpu.wait_dma2 semaphore(%run_scoped3A_270 : memref<!tpu.dma_semaphore, #tpu.memory_space<semaphore_mem>>) src(%dma_wait3A_279 : memref<640x128xf32, #tpu.memory_space<vmem_shared>>) dst(%dma_wait3A_277 : memref<640x128xf32, #tpu.memory_space<hbm>>)
      tpu.yield
    }) : () -> ()
    %barrier3A_269 = arith.constant 0 : index
    tpu.barrier barrier_id(%barrier3A_269)
    return
  }
}

module attributes {stable_mosaic.version = 14 : i64} {
  func.func @_tc_scale_body(%arg0: i32, %arg1: memref<8x1000x128xf32, #tpu.memory_space<vmem>>, %arg2: memref<2x1000x16xf32, #tpu.memory_space<vmem>>, %arg3: memref<8x1000x128xf32, #tpu.memory_space<vmem>>, %arg4: memref<1000x1xf32, #tpu.memory_space<vmem>>) attributes {dimension_semantics = [#tpu.dimension_semantics<arbitrary>], iteration_bounds = array<i64: 10>, scalar_prefetch = 0 : i64, scratch_operands = 0 : i64, tpu.core_type = #tpu.core_type<tc>, window_params = [{transform_indices = @transform_0, window_bounds = array<i64: 8, 1000, 128>}, {transform_indices = @transform_1, window_bounds = array<i64: 2, 1000, 16>}, {transform_indices = @transform_2, window_bounds = array<i64: 8, 1000, 128>}, {transform_indices = @transform_3, window_bounds = array<i64: 1000, 1>}]} {
    %get3A = arith.constant 0 : index
    %get3A_0 = arith.constant 0 : index
    %get3A_1 = arith.constant 0 : index
    %get3A_2 = vector.load %arg2[%get3A, %get3A_0, %get3A_1] : memref<2x1000x16xf32, #tpu.memory_space<vmem>>, vector<1x1000x1xf32>
    %get3A_3 = vector.shape_cast %get3A_2 : vector<1x1000x1xf32> to vector<1000x1xf32>
    %get3A_4 = arith.constant 1 : index
    %get3A_5 = arith.constant 0 : index
    %get3A_6 = arith.constant 0 : index
    %get3A_7 = vector.load %arg2[%get3A_4, %get3A_5, %get3A_6] : memref<2x1000x16xf32, #tpu.memory_space<vmem>>, vector<1x1000x1xf32>
    %get3A_8 = vector.shape_cast %get3A_7 : vector<1x1000x1xf32> to vector<1000x1xf32>
    %add3A = arith.addf %get3A_3, %get3A_8 : vector<1000x1xf32>
    %add3A_9 = arith.constant 1.000000e+00 : f32
    %add3A_10 = vector.broadcast %add3A_9 : f32 to vector<1000x1xf32>
    %add3A_11 = arith.addf %add3A, %add3A_10 : vector<1000x1xf32>
    %rsqrt3A = math.rsqrt %add3A_11 : vector<1000x1xf32>
    %swap3A = arith.constant 0 : index
    %swap3A_12 = arith.constant 0 : index
    %swap3A_13 = vector.load %arg4[%swap3A, %swap3A_12] : memref<1000x1xf32, #tpu.memory_space<vmem>>, vector<1000x1xf32>
    tpu.vector_store %arg4[%swap3A, %swap3A_12], %rsqrt3A {strides = array<i32>} : memref<1000x1xf32, #tpu.memory_space<vmem>>, vector<1000x1xf32>,
    %get3A_14 = arith.constant 0 : index
    %get3A_15 = arith.constant 0 : index
    %get3A_16 = arith.constant 0 : index
    %get3A_17 = vector.load %arg1[%get3A_14, %get3A_15, %get3A_16] : memref<8x1000x128xf32, #tpu.memory_space<vmem>>, vector<8x1000x128xf32>
    %broadcast_in_dim3A = vector.shape_cast %rsqrt3A : vector<1000x1xf32> to vector<1x1000x1xf32>
    %mul3A = vector.broadcast %broadcast_in_dim3A : vector<1x1000x1xf32> to vector<8x1000x128xf32>
    %mul3A_18 = arith.mulf %get3A_17, %mul3A : vector<8x1000x128xf32>
    %swap3A_19 = arith.constant 0 : index
    %swap3A_20 = arith.constant 0 : index
    %swap3A_21 = arith.constant 0 : index
    %swap3A_22 = vector.load %arg3[%swap3A_19, %swap3A_20, %swap3A_21] : memref<8x1000x128xf32, #tpu.memory_space<vmem>>, vector<8x1000x128xf32>
    tpu.vector_store %arg3[%swap3A_19, %swap3A_20, %swap3A_21], %mul3A_18 {strides = array<i32>} : memref<8x1000x128xf32, #tpu.memory_space<vmem>>, vector<8x1000x128xf32>,
    return
  }
  func.func @transform_0(%arg0: i32) -> (i32, i32, i32) {
    %c0_i32 = arith.constant 0 : i32
    %c0_i32_0 = arith.constant 0 : i32
    %c0_i32_1 = arith.constant 0 : i32
    return %c0_i32, %arg0, %c0_i32_0 : i32, i32, i32
  }
  func.func @transform_1(%arg0: i32) -> (i32, i32, i32) {
    %c0_i32 = arith.constant 0 : i32
    %c0_i32_0 = arith.constant 0 : i32
    %c0_i32_1 = arith.constant 0 : i32
    return %c0_i32, %arg0, %c0_i32_0 : i32, i32, i32
  }
  func.func @transform_2(%arg0: i32) -> (i32, i32, i32) {
    %c0_i32 = arith.constant 0 : i32
    %c0_i32_0 = arith.constant 0 : i32
    %c0_i32_1 = arith.constant 0 : i32
    return %c0_i32, %arg0, %c0_i32_0 : i32, i32, i32
  }
  func.func @transform_3(%arg0: i32) -> (i32, i32) {
    %c0_i32 = arith.constant 0 : i32
    %c0_i32_0 = arith.constant 0 : i32
    return %arg0, %c0_i32 : i32, i32
  }
}

module attributes {stable_mosaic.version = 14 : i64} {
  func.func @_tc_final_body(%arg0: i32, %arg1: memref<2x8x1000x128xf32, #tpu.memory_space<vmem>>, %arg2: memref<8x1000x128xf32, #tpu.memory_space<vmem>>, %arg3: memref<1000x1xf32, #tpu.memory_space<vmem>>, %arg4: memref<2x4xf32, #tpu.memory_space<vmem>>, %arg5: memref<256x256xf32, #tpu.memory_space<vmem>>, %arg6: memref<1x256xf32, #tpu.memory_space<vmem>>, %arg7: memref<512x256xf32, #tpu.memory_space<vmem>>, %arg8: memref<1x256xf32, #tpu.memory_space<vmem>>, %arg9: memref<256x256xf32, #tpu.memory_space<vmem>>, %arg10: memref<1x256xf32, #tpu.memory_space<vmem>>, %arg11: memref<512x256xf32, #tpu.memory_space<vmem>>, %arg12: memref<1x256xf32, #tpu.memory_space<vmem>>, %arg13: memref<1000x256xf32, #tpu.memory_space<vmem>>, %arg14: memref<256x256xf32, #tpu.memory_space<vmem>>, %arg15: memref<256x256xf32, #tpu.memory_space<vmem>>, %arg16: memref<1x256xf32, #tpu.memory_space<vmem>>, %arg17: memref<1x256xf32, #tpu.memory_space<vmem>>) attributes {dimension_semantics = [#tpu.dimension_semantics<arbitrary>], iteration_bounds = array<i64: 10>, scalar_prefetch = 0 : i64, scratch_operands = 4 : i64, tpu.core_type = #tpu.core_type<tc>, window_params = [{transform_indices = @transform_0, window_bounds = array<i64: 2, 8, 1000, 128>}, {transform_indices = @transform_1, window_bounds = array<i64: 8, 1000, 128>}, {transform_indices = @transform_2, window_bounds = array<i64: 1000, 1>}, {pipeline_mode = #tpu.pipeline_mode<synchronous>, transform_indices = @transform_3, window_bounds = array<i64: 2, 4>}, {pipeline_mode = #tpu.pipeline_mode<synchronous>, transform_indices = @transform_4, window_bounds = array<i64: 256, 256>}, {pipeline_mode = #tpu.pipeline_mode<synchronous>, transform_indices = @transform_5, window_bounds = array<i64: 1, 256>}, {pipeline_mode = #tpu.pipeline_mode<synchronous>, transform_indices = @transform_6, window_bounds = array<i64: 512, 256>}, {pipeline_mode = #tpu.pipeline_mode<synchronous>, transform_indices = @transform_7, window_bounds = array<i64: 1, 256>}, {pipeline_mode = #tpu.pipeline_mode<synchronous>, transform_indices = @transform_8, window_bounds = array<i64: 256, 256>}, {pipeline_mode = #tpu.pipeline_mode<synchronous>, transform_indices = @transform_9, window_bounds = array<i64: 1, 256>}, {pipeline_mode = #tpu.pipeline_mode<synchronous>, transform_indices = @transform_10, window_bounds = array<i64: 512, 256>}, {pipeline_mode = #tpu.pipeline_mode<synchronous>, transform_indices = @transform_11, window_bounds = array<i64: 1, 256>}, {transform_indices = @transform_12, window_bounds = array<i64: 1000, 256>}]} {
    %eq3A = arith.constant 0 : i32
    %eq3A_0 = arith.cmpi eq, %arg0, %eq3A : i32
    %convert_element_type3A = arith.extui %eq3A_0 : i1 to i32
    %cond3A = arith.constant 0 : i32
    %cond3A_1 = arith.cmpi ne, %convert_element_type3A, %cond3A : i32
    scf.if %cond3A_1 {
      %get3A_238 = arith.constant 0 : index
      %get3A_239 = arith.constant 0 : index
      %get3A_240 = vector.load %arg5[%get3A_238, %get3A_239] : memref<256x256xf32, #tpu.memory_space<vmem>>, vector<256x256xf32>
      %get3A_241 = arith.constant 0 : index
      %get3A_242 = arith.constant 0 : index
      %get3A_243 = vector.load %arg7[%get3A_241, %get3A_242] : memref<512x256xf32, #tpu.memory_space<vmem>>, vector<256x256xf32>
      %dot_general3A_244 = arith.constant dense<0.000000e+00> : vector<256x256xf32>
      %dot_general3A_245 = tpu.matmul %get3A_240, %get3A_243, %dot_general3A_244 {dimension_numbers = #tpu.dot_dimension_numbers<[1], [0], [0], [1], [0, 0, 1, 1], [], []>, precision = #tpu.contract_precision<fp32>, transpose_lhs_hint = false} : vector<256x256xf32>, vector<256x256xf32>, vector<256x256xf32> -> vector<256x256xf32>
      %swap3A_246 = arith.constant 0 : index
      %swap3A_247 = arith.constant 0 : index
      %swap3A_248 = vector.load %arg14[%swap3A_246, %swap3A_247] : memref<256x256xf32, #tpu.memory_space<vmem>>, vector<256x256xf32>
      tpu.vector_store %arg14[%swap3A_246, %swap3A_247], %dot_general3A_245 {strides = array<i32>} : memref<256x256xf32, #tpu.memory_space<vmem>>, vector<256x256xf32>,
      %get3A_249 = arith.constant 0 : index
      %get3A_250 = arith.constant 0 : index
      %get3A_251 = vector.load %arg9[%get3A_249, %get3A_250] : memref<256x256xf32, #tpu.memory_space<vmem>>, vector<256x256xf32>
      %get3A_252 = arith.constant 0 : index
      %get3A_253 = arith.constant 0 : index
      %get3A_254 = vector.load %arg11[%get3A_252, %get3A_253] : memref<512x256xf32, #tpu.memory_space<vmem>>, vector<256x256xf32>
      %dot_general3A_255 = arith.constant dense<0.000000e+00> : vector<256x256xf32>
      %dot_general3A_256 = tpu.matmul %get3A_251, %get3A_254, %dot_general3A_255 {dimension_numbers = #tpu.dot_dimension_numbers<[1], [0], [0], [1], [0, 0, 1, 1], [], []>, precision = #tpu.contract_precision<fp32>, transpose_lhs_hint = false} : vector<256x256xf32>, vector<256x256xf32>, vector<256x256xf32> -> vector<256x256xf32>
      %swap3A_257 = arith.constant 0 : index
      %swap3A_258 = arith.constant 0 : index
      %swap3A_259 = vector.load %arg15[%swap3A_257, %swap3A_258] : memref<256x256xf32, #tpu.memory_space<vmem>>, vector<256x256xf32>
      tpu.vector_store %arg15[%swap3A_257, %swap3A_258], %dot_general3A_256 {strides = array<i32>} : memref<256x256xf32, #tpu.memory_space<vmem>>, vector<256x256xf32>,
      %get3A_260 = arith.constant 0 : index
      %get3A_261 = arith.constant 0 : index
      %get3A_262 = vector.load %arg6[%get3A_260, %get3A_261] : memref<1x256xf32, #tpu.memory_space<vmem>>, vector<1x256xf32>
      %get3A_263 = arith.constant 0 : index
      %get3A_264 = arith.constant 0 : index
      %get3A_265 = vector.load %arg7[%get3A_263, %get3A_264] : memref<512x256xf32, #tpu.memory_space<vmem>>, vector<256x256xf32>
      %dot_general3A_266 = arith.constant dense<0.000000e+00> : vector<1x256xf32>
      %dot_general3A_267 = tpu.matmul %get3A_262, %get3A_265, %dot_general3A_266 {dimension_numbers = #tpu.dot_dimension_numbers<[1], [0], [0], [1], [0, 0, 1, 1], [], []>, precision = #tpu.contract_precision<fp32>, transpose_lhs_hint = false} : vector<1x256xf32>, vector<256x256xf32>, vector<1x256xf32> -> vector<1x256xf32>
      %get3A_268 = arith.constant 0 : index
      %get3A_269 = arith.constant 0 : index
      %get3A_270 = vector.load %arg8[%get3A_268, %get3A_269] : memref<1x256xf32, #tpu.memory_space<vmem>>, vector<1x256xf32>
      %add3A_271 = arith.addf %dot_general3A_267, %get3A_270 : vector<1x256xf32>
      %swap3A_272 = arith.constant 0 : index
      %swap3A_273 = arith.constant 0 : index
      %swap3A_274 = vector.load %arg16[%swap3A_272, %swap3A_273] : memref<1x256xf32, #tpu.memory_space<vmem>>, vector<1x256xf32>
      tpu.vector_store %arg16[%swap3A_272, %swap3A_273], %add3A_271 {strides = array<i32>} : memref<1x256xf32, #tpu.memory_space<vmem>>, vector<1x256xf32>,
      %get3A_275 = arith.constant 0 : index
      %get3A_276 = arith.constant 0 : index
      %get3A_277 = vector.load %arg10[%get3A_275, %get3A_276] : memref<1x256xf32, #tpu.memory_space<vmem>>, vector<1x256xf32>
      %get3A_278 = arith.constant 0 : index
      %get3A_279 = arith.constant 0 : index
      %get3A_280 = vector.load %arg11[%get3A_278, %get3A_279] : memref<512x256xf32, #tpu.memory_space<vmem>>, vector<256x256xf32>
      %dot_general3A_281 = arith.constant dense<0.000000e+00> : vector<1x256xf32>
      %dot_general3A_282 = tpu.matmul %get3A_277, %get3A_280, %dot_general3A_281 {dimension_numbers = #tpu.dot_dimension_numbers<[1], [0], [0], [1], [0, 0, 1, 1], [], []>, precision = #tpu.contract_precision<fp32>, transpose_lhs_hint = false} : vector<1x256xf32>, vector<256x256xf32>, vector<1x256xf32> -> vector<1x256xf32>
      %get3A_283 = arith.constant 0 : index
      %get3A_284 = arith.constant 0 : index
      %get3A_285 = vector.load %arg12[%get3A_283, %get3A_284] : memref<1x256xf32, #tpu.memory_space<vmem>>, vector<1x256xf32>
      %add3A_286 = arith.addf %dot_general3A_282, %get3A_285 : vector<1x256xf32>
      %swap3A_287 = arith.constant 0 : index
      %swap3A_288 = arith.constant 0 : index
      %swap3A_289 = vector.load %arg17[%swap3A_287, %swap3A_288] : memref<1x256xf32, #tpu.memory_space<vmem>>, vector<1x256xf32>
      tpu.vector_store %arg17[%swap3A_287, %swap3A_288], %add3A_286 {strides = array<i32>} : memref<1x256xf32, #tpu.memory_space<vmem>>, vector<1x256xf32>,
    } else {
    }
    %get3A = arith.constant 0 : index
    %get3A_2 = arith.constant 0 : index
    %get3A_3 = vector.load %arg4[%get3A, %get3A_2] : memref<2x4xf32, #tpu.memory_space<vmem>>, vector<2x4xf32>
    %reduce_max3A = arith.constant dense<0xFF800000> : vector<2xf32>
    %reduce_max3A_4 = vector.multi_reduction <maximumf>, %get3A_3, %reduce_max3A [1] : vector<2x4xf32> to vector<2xf32>
    %broadcast_in_dim3A = vector.shape_cast %reduce_max3A_4 : vector<2xf32> to vector<2x1xf32>
    %sub3A = vector.broadcast %broadcast_in_dim3A : vector<2x1xf32> to vector<2x4xf32>
    %sub3A_5 = arith.subf %get3A_3, %sub3A : vector<2x4xf32>
    %exp3A = math.exp %sub3A_5 : vector<2x4xf32>
    %reduce_sum3A = arith.constant dense<0.000000e+00> : vector<2xf32>
    %reduce_sum3A_6 = vector.multi_reduction <add>, %exp3A, %reduce_sum3A [1] : vector<2x4xf32> to vector<2xf32>
    %broadcast_in_dim3A_7 = vector.shape_cast %reduce_sum3A_6 : vector<2xf32> to vector<2x1xf32>
    %div3A = vector.broadcast %broadcast_in_dim3A_7 : vector<2x1xf32> to vector<2x4xf32>
    %div3A_8 = arith.divf %exp3A, %div3A : vector<2x4xf32>
    %get3A_9 = arith.constant 0 : index
    %get3A_10 = arith.constant 0 : index
    %get3A_11 = vector.load %arg3[%get3A_9, %get3A_10] : memref<1000x1xf32, #tpu.memory_space<vmem>>, vector<1000x1xf32>
    %get3A_12 = arith.constant 0 : index
    %get3A_13 = arith.constant 0 : index
    %get3A_14 = arith.constant 0 : index
    %get3A_15 = arith.constant 0 : index
    %get3A_16 = vector.load %arg1[%get3A_12, %get3A_13, %get3A_14, %get3A_15] : memref<2x8x1000x128xf32, #tpu.memory_space<vmem>>, vector<1x8x1000x128xf32>
    %get3A_17 = vector.shape_cast %get3A_16 : vector<1x8x1000x128xf32> to vector<8x1000x128xf32>
    %get3A_18 = arith.constant 1 : index
    %get3A_19 = arith.constant 0 : index
    %get3A_20 = arith.constant 0 : index
    %get3A_21 = arith.constant 0 : index
    %get3A_22 = vector.load %arg1[%get3A_18, %get3A_19, %get3A_20, %get3A_21] : memref<2x8x1000x128xf32, #tpu.memory_space<vmem>>, vector<1x8x1000x128xf32>
    %get3A_23 = vector.shape_cast %get3A_22 : vector<1x8x1000x128xf32> to vector<8x1000x128xf32>
    %add3A = arith.addf %get3A_17, %get3A_23 : vector<8x1000x128xf32>
    %get3A_24 = arith.constant 0 : index
    %get3A_25 = arith.constant 0 : index
    %get3A_26 = arith.constant 0 : index
    %get3A_27 = vector.load %arg2[%get3A_24, %get3A_25, %get3A_26] : memref<8x1000x128xf32, #tpu.memory_space<vmem>>, vector<8x1000x128xf32>
    %add3A_28 = arith.addf %add3A, %get3A_27 : vector<8x1000x128xf32>
    %broadcast_in_dim3A_29 = arith.constant 0.000000e+00 : f32
    %broadcast_in_dim3A_30 = vector.broadcast %broadcast_in_dim3A_29 : f32 to vector<1000x256xf32>
    %slice3A = vector.extract_strided_slice %div3A_8 {offsets = [0, 0], sizes = [2, 1], strides = [1, 1]} : vector<2x4xf32> to vector<2x1xf32>
    %reduce_sum3A_31 = vector.shape_cast %slice3A : vector<2x1xf32> to vector<1x2x1xf32>
    %reduce_sum3A_32 = arith.constant dense<0.000000e+00> : vector<1xf32>
    %reduce_sum3A_33 = vector.multi_reduction <add>, %reduce_sum3A_31, %reduce_sum3A_32 [1, 2] : vector<1x2x1xf32> to vector<1xf32>
    %reduce_sum3A_34 = vector.shape_cast %reduce_sum3A_33 : vector<1xf32> to vector<1x1x1xf32>
    %reduce_sum3A_35 = vector.extract %reduce_sum3A_34[0, 0, 0] : f32 from vector<1x1x1xf32>
    %mul3A = arith.constant 5.000000e-01 : f32
    %mul3A_36 = arith.mulf %mul3A, %reduce_sum3A_35 : f32
    %slice3A_37 = vector.extract_strided_slice %add3A_28 {offsets = [0, 0, 0], sizes = [1, 1000, 128], strides = [1, 1, 1]} : vector<8x1000x128xf32> to vector<1x1000x128xf32>
    %squeeze3A = vector.shape_cast %slice3A_37 : vector<1x1000x128xf32> to vector<1000x128xf32>
    %slice3A_38 = vector.extract_strided_slice %add3A_28 {offsets = [1, 0, 0], sizes = [1, 1000, 128], strides = [1, 1, 1]} : vector<8x1000x128xf32> to vector<1x1000x128xf32>
    %squeeze3A_39 = vector.shape_cast %slice3A_38 : vector<1x1000x128xf32> to vector<1000x128xf32>
    %concatenate3A = tpu.concatenate %squeeze3A, %squeeze3A_39 in 1 : vector<1000x128xf32>, vector<1000x128xf32> -> vector<1000x256xf32>
    %mul3A_40 = vector.broadcast %get3A_11 : vector<1000x1xf32> to vector<1000x256xf32>
    %mul3A_41 = arith.mulf %concatenate3A, %mul3A_40 : vector<1000x256xf32>
    %get3A_42 = arith.constant 0 : index
    %get3A_43 = arith.constant 0 : index
    %get3A_44 = vector.load %arg14[%get3A_42, %get3A_43] : memref<256x256xf32, #tpu.memory_space<vmem>>, vector<256x256xf32>
    %dot_general3A = arith.constant dense<0.000000e+00> : vector<1000x256xf32>
    %dot_general3A_45 = tpu.matmul %mul3A_41, %get3A_44, %dot_general3A {dimension_numbers = #tpu.dot_dimension_numbers<[1], [0], [0], [1], [0, 0, 1, 1], [], []>, transpose_lhs_hint = false} : vector<1000x256xf32>, vector<256x256xf32>, vector<1000x256xf32> -> vector<1000x256xf32>
    %get3A_46 = arith.constant 0 : index
    %get3A_47 = arith.constant 0 : index
    %get3A_48 = vector.load %arg16[%get3A_46, %get3A_47] : memref<1x256xf32, #tpu.memory_space<vmem>>, vector<1x256xf32>
    %add3A_49 = vector.broadcast %get3A_48 : vector<1x256xf32> to vector<1000x256xf32>
    %add3A_50 = arith.addf %dot_general3A_45, %add3A_49 : vector<1000x256xf32>
    %get3A_51 = arith.constant 0 : index
    %get3A_52 = arith.constant 0 : index
    %get3A_53 = vector.load %arg15[%get3A_51, %get3A_52] : memref<256x256xf32, #tpu.memory_space<vmem>>, vector<256x256xf32>
    %dot_general3A_54 = arith.constant dense<0.000000e+00> : vector<1000x256xf32>
    %dot_general3A_55 = tpu.matmul %mul3A_41, %get3A_53, %dot_general3A_54 {dimension_numbers = #tpu.dot_dimension_numbers<[1], [0], [0], [1], [0, 0, 1, 1], [], []>, transpose_lhs_hint = false} : vector<1000x256xf32>, vector<256x256xf32>, vector<1000x256xf32> -> vector<1000x256xf32>
    %get3A_56 = arith.constant 0 : index
    %get3A_57 = arith.constant 0 : index
    %get3A_58 = vector.load %arg17[%get3A_56, %get3A_57] : memref<1x256xf32, #tpu.memory_space<vmem>>, vector<1x256xf32>
    %add3A_59 = vector.broadcast %get3A_58 : vector<1x256xf32> to vector<1000x256xf32>
    %add3A_60 = arith.addf %dot_general3A_55, %add3A_59 : vector<1000x256xf32>
    %neg3A = arith.constant 0.000000e+00 : f32
    %neg3A_61 = vector.broadcast %neg3A : f32 to vector<1000x256xf32>
    %neg3A_62 = arith.subf %neg3A_61, %add3A_50 : vector<1000x256xf32>
    %exp3A_63 = math.exp %neg3A_62 : vector<1000x256xf32>
    %add3A_64 = arith.constant 1.000000e+00 : f32
    %add3A_65 = vector.broadcast %add3A_64 : f32 to vector<1000x256xf32>
    %add3A_66 = arith.addf %add3A_65, %exp3A_63 : vector<1000x256xf32>
    %div3A_67 = arith.constant 1.000000e+00 : f32
    %div3A_68 = vector.broadcast %div3A_67 : f32 to vector<1000x256xf32>
    %div3A_69 = arith.divf %div3A_68, %add3A_66 : vector<1000x256xf32>
    %sub3A_70 = arith.constant 1.000000e+00 : f32
    %sub3A_71 = vector.broadcast %sub3A_70 : f32 to vector<1000x256xf32>
    %sub3A_72 = arith.subf %sub3A_71, %div3A_69 : vector<1000x256xf32>
    %tanh3A = math.tanh %add3A_60 : vector<1000x256xf32>
    %mul3A_73 = arith.mulf %sub3A_72, %tanh3A : vector<1000x256xf32>
    %mul3A_74 = vector.broadcast %mul3A_36 : f32 to vector<1000x256xf32>
    %mul3A_75 = arith.mulf %mul3A_74, %mul3A_73 : vector<1000x256xf32>
    %add3A_76 = arith.addf %broadcast_in_dim3A_30, %mul3A_75 : vector<1000x256xf32>
    %slice3A_77 = vector.extract_strided_slice %div3A_8 {offsets = [0, 1], sizes = [2, 1], strides = [1, 1]} : vector<2x4xf32> to vector<2x1xf32>
    %reduce_sum3A_78 = vector.shape_cast %slice3A_77 : vector<2x1xf32> to vector<1x2x1xf32>
    %reduce_sum3A_79 = arith.constant dense<0.000000e+00> : vector<1xf32>
    %reduce_sum3A_80 = vector.multi_reduction <add>, %reduce_sum3A_78, %reduce_sum3A_79 [1, 2] : vector<1x2x1xf32> to vector<1xf32>
    %reduce_sum3A_81 = vector.shape_cast %reduce_sum3A_80 : vector<1xf32> to vector<1x1x1xf32>
    %reduce_sum3A_82 = vector.extract %reduce_sum3A_81[0, 0, 0] : f32 from vector<1x1x1xf32>
    %mul3A_83 = arith.constant 5.000000e-01 : f32
    %mul3A_84 = arith.mulf %mul3A_83, %reduce_sum3A_82 : f32
    %slice3A_85 = vector.extract_strided_slice %add3A_28 {offsets = [2, 0, 0], sizes = [1, 1000, 128], strides = [1, 1, 1]} : vector<8x1000x128xf32> to vector<1x1000x128xf32>
    %squeeze3A_86 = vector.shape_cast %slice3A_85 : vector<1x1000x128xf32> to vector<1000x128xf32>
    %slice3A_87 = vector.extract_strided_slice %add3A_28 {offsets = [3, 0, 0], sizes = [1, 1000, 128], strides = [1, 1, 1]} : vector<8x1000x128xf32> to vector<1x1000x128xf32>
    %squeeze3A_88 = vector.shape_cast %slice3A_87 : vector<1x1000x128xf32> to vector<1000x128xf32>
    %concatenate3A_89 = tpu.concatenate %squeeze3A_86, %squeeze3A_88 in 1 : vector<1000x128xf32>, vector<1000x128xf32> -> vector<1000x256xf32>
    %mul3A_90 = vector.broadcast %get3A_11 : vector<1000x1xf32> to vector<1000x256xf32>
    %mul3A_91 = arith.mulf %concatenate3A_89, %mul3A_90 : vector<1000x256xf32>
    %get3A_92 = arith.constant 0 : index
    %get3A_93 = arith.constant 0 : index
    %get3A_94 = vector.load %arg14[%get3A_92, %get3A_93] : memref<256x256xf32, #tpu.memory_space<vmem>>, vector<256x256xf32>
    %dot_general3A_95 = arith.constant dense<0.000000e+00> : vector<1000x256xf32>
    %dot_general3A_96 = tpu.matmul %mul3A_91, %get3A_94, %dot_general3A_95 {dimension_numbers = #tpu.dot_dimension_numbers<[1], [0], [0], [1], [0, 0, 1, 1], [], []>, transpose_lhs_hint = false} : vector<1000x256xf32>, vector<256x256xf32>, vector<1000x256xf32> -> vector<1000x256xf32>
    %get3A_97 = arith.constant 0 : index
    %get3A_98 = arith.constant 0 : index
    %get3A_99 = vector.load %arg16[%get3A_97, %get3A_98] : memref<1x256xf32, #tpu.memory_space<vmem>>, vector<1x256xf32>
    %add3A_100 = vector.broadcast %get3A_99 : vector<1x256xf32> to vector<1000x256xf32>
    %add3A_101 = arith.addf %dot_general3A_96, %add3A_100 : vector<1000x256xf32>
    %get3A_102 = arith.constant 0 : index
    %get3A_103 = arith.constant 0 : index
    %get3A_104 = vector.load %arg15[%get3A_102, %get3A_103] : memref<256x256xf32, #tpu.memory_space<vmem>>, vector<256x256xf32>
    %dot_general3A_105 = arith.constant dense<0.000000e+00> : vector<1000x256xf32>
    %dot_general3A_106 = tpu.matmul %mul3A_91, %get3A_104, %dot_general3A_105 {dimension_numbers = #tpu.dot_dimension_numbers<[1], [0], [0], [1], [0, 0, 1, 1], [], []>, transpose_lhs_hint = false} : vector<1000x256xf32>, vector<256x256xf32>, vector<1000x256xf32> -> vector<1000x256xf32>
    %get3A_107 = arith.constant 0 : index
    %get3A_108 = arith.constant 0 : index
    %get3A_109 = vector.load %arg17[%get3A_107, %get3A_108] : memref<1x256xf32, #tpu.memory_space<vmem>>, vector<1x256xf32>
    %add3A_110 = vector.broadcast %get3A_109 : vector<1x256xf32> to vector<1000x256xf32>
    %add3A_111 = arith.addf %dot_general3A_106, %add3A_110 : vector<1000x256xf32>
    %neg3A_112 = arith.constant 0.000000e+00 : f32
    %neg3A_113 = vector.broadcast %neg3A_112 : f32 to vector<1000x256xf32>
    %neg3A_114 = arith.subf %neg3A_113, %add3A_101 : vector<1000x256xf32>
    %exp3A_115 = math.exp %neg3A_114 : vector<1000x256xf32>
    %add3A_116 = arith.constant 1.000000e+00 : f32
    %add3A_117 = vector.broadcast %add3A_116 : f32 to vector<1000x256xf32>
    %add3A_118 = arith.addf %add3A_117, %exp3A_115 : vector<1000x256xf32>
    %div3A_119 = arith.constant 1.000000e+00 : f32
    %div3A_120 = vector.broadcast %div3A_119 : f32 to vector<1000x256xf32>
    %div3A_121 = arith.divf %div3A_120, %add3A_118 : vector<1000x256xf32>
    %sub3A_122 = arith.constant 1.000000e+00 : f32
    %sub3A_123 = vector.broadcast %sub3A_122 : f32 to vector<1000x256xf32>
    %sub3A_124 = arith.subf %sub3A_123, %div3A_121 : vector<1000x256xf32>
    %tanh3A_125 = math.tanh %add3A_111 : vector<1000x256xf32>
    %mul3A_126 = arith.mulf %sub3A_124, %tanh3A_125 : vector<1000x256xf32>
    %mul3A_127 = vector.broadcast %mul3A_84 : f32 to vector<1000x256xf32>
    %mul3A_128 = arith.mulf %mul3A_127, %mul3A_126 : vector<1000x256xf32>
    %add3A_129 = arith.addf %add3A_76, %mul3A_128 : vector<1000x256xf32>
    %slice3A_130 = vector.extract_strided_slice %div3A_8 {offsets = [0, 2], sizes = [2, 1], strides = [1, 1]} : vector<2x4xf32> to vector<2x1xf32>
    %reduce_sum3A_131 = vector.shape_cast %slice3A_130 : vector<2x1xf32> to vector<1x2x1xf32>
    %reduce_sum3A_132 = arith.constant dense<0.000000e+00> : vector<1xf32>
    %reduce_sum3A_133 = vector.multi_reduction <add>, %reduce_sum3A_131, %reduce_sum3A_132 [1, 2] : vector<1x2x1xf32> to vector<1xf32>
    %reduce_sum3A_134 = vector.shape_cast %reduce_sum3A_133 : vector<1xf32> to vector<1x1x1xf32>
    %reduce_sum3A_135 = vector.extract %reduce_sum3A_134[0, 0, 0] : f32 from vector<1x1x1xf32>
    %mul3A_136 = arith.constant 5.000000e-01 : f32
    %mul3A_137 = arith.mulf %mul3A_136, %reduce_sum3A_135 : f32
    %slice3A_138 = vector.extract_strided_slice %add3A_28 {offsets = [4, 0, 0], sizes = [1, 1000, 128], strides = [1, 1, 1]} : vector<8x1000x128xf32> to vector<1x1000x128xf32>
    %squeeze3A_139 = vector.shape_cast %slice3A_138 : vector<1x1000x128xf32> to vector<1000x128xf32>
    %slice3A_140 = vector.extract_strided_slice %add3A_28 {offsets = [5, 0, 0], sizes = [1, 1000, 128], strides = [1, 1, 1]} : vector<8x1000x128xf32> to vector<1x1000x128xf32>
    %squeeze3A_141 = vector.shape_cast %slice3A_140 : vector<1x1000x128xf32> to vector<1000x128xf32>
    %concatenate3A_142 = tpu.concatenate %squeeze3A_139, %squeeze3A_141 in 1 : vector<1000x128xf32>, vector<1000x128xf32> -> vector<1000x256xf32>
    %mul3A_143 = vector.broadcast %get3A_11 : vector<1000x1xf32> to vector<1000x256xf32>
    %mul3A_144 = arith.mulf %concatenate3A_142, %mul3A_143 : vector<1000x256xf32>
    %get3A_145 = arith.constant 0 : index
    %get3A_146 = arith.constant 0 : index
    %get3A_147 = vector.load %arg14[%get3A_145, %get3A_146] : memref<256x256xf32, #tpu.memory_space<vmem>>, vector<256x256xf32>
    %dot_general3A_148 = arith.constant dense<0.000000e+00> : vector<1000x256xf32>
    %dot_general3A_149 = tpu.matmul %mul3A_144, %get3A_147, %dot_general3A_148 {dimension_numbers = #tpu.dot_dimension_numbers<[1], [0], [0], [1], [0, 0, 1, 1], [], []>, transpose_lhs_hint = false} : vector<1000x256xf32>, vector<256x256xf32>, vector<1000x256xf32> -> vector<1000x256xf32>
    %get3A_150 = arith.constant 0 : index
    %get3A_151 = arith.constant 0 : index
    %get3A_152 = vector.load %arg16[%get3A_150, %get3A_151] : memref<1x256xf32, #tpu.memory_space<vmem>>, vector<1x256xf32>
    %add3A_153 = vector.broadcast %get3A_152 : vector<1x256xf32> to vector<1000x256xf32>
    %add3A_154 = arith.addf %dot_general3A_149, %add3A_153 : vector<1000x256xf32>
    %get3A_155 = arith.constant 0 : index
    %get3A_156 = arith.constant 0 : index
    %get3A_157 = vector.load %arg15[%get3A_155, %get3A_156] : memref<256x256xf32, #tpu.memory_space<vmem>>, vector<256x256xf32>
    %dot_general3A_158 = arith.constant dense<0.000000e+00> : vector<1000x256xf32>
    %dot_general3A_159 = tpu.matmul %mul3A_144, %get3A_157, %dot_general3A_158 {dimension_numbers = #tpu.dot_dimension_numbers<[1], [0], [0], [1], [0, 0, 1, 1], [], []>, transpose_lhs_hint = false} : vector<1000x256xf32>, vector<256x256xf32>, vector<1000x256xf32> -> vector<1000x256xf32>
    %get3A_160 = arith.constant 0 : index
    %get3A_161 = arith.constant 0 : index
    %get3A_162 = vector.load %arg17[%get3A_160, %get3A_161] : memref<1x256xf32, #tpu.memory_space<vmem>>, vector<1x256xf32>
    %add3A_163 = vector.broadcast %get3A_162 : vector<1x256xf32> to vector<1000x256xf32>
    %add3A_164 = arith.addf %dot_general3A_159, %add3A_163 : vector<1000x256xf32>
    %neg3A_165 = arith.constant 0.000000e+00 : f32
    %neg3A_166 = vector.broadcast %neg3A_165 : f32 to vector<1000x256xf32>
    %neg3A_167 = arith.subf %neg3A_166, %add3A_154 : vector<1000x256xf32>
    %exp3A_168 = math.exp %neg3A_167 : vector<1000x256xf32>
    %add3A_169 = arith.constant 1.000000e+00 : f32
    %add3A_170 = vector.broadcast %add3A_169 : f32 to vector<1000x256xf32>
    %add3A_171 = arith.addf %add3A_170, %exp3A_168 : vector<1000x256xf32>
    %div3A_172 = arith.constant 1.000000e+00 : f32
    %div3A_173 = vector.broadcast %div3A_172 : f32 to vector<1000x256xf32>
    %div3A_174 = arith.divf %div3A_173, %add3A_171 : vector<1000x256xf32>
    %sub3A_175 = arith.constant 1.000000e+00 : f32
    %sub3A_176 = vector.broadcast %sub3A_175 : f32 to vector<1000x256xf32>
    %sub3A_177 = arith.subf %sub3A_176, %div3A_174 : vector<1000x256xf32>
    %tanh3A_178 = math.tanh %add3A_164 : vector<1000x256xf32>
    %mul3A_179 = arith.mulf %sub3A_177, %tanh3A_178 : vector<1000x256xf32>
    %mul3A_180 = vector.broadcast %mul3A_137 : f32 to vector<1000x256xf32>
    %mul3A_181 = arith.mulf %mul3A_180, %mul3A_179 : vector<1000x256xf32>
    %add3A_182 = arith.addf %add3A_129, %mul3A_181 : vector<1000x256xf32>
    %slice3A_183 = vector.extract_strided_slice %div3A_8 {offsets = [0, 3], sizes = [2, 1], strides = [1, 1]} : vector<2x4xf32> to vector<2x1xf32>
    %reduce_sum3A_184 = vector.shape_cast %slice3A_183 : vector<2x1xf32> to vector<1x2x1xf32>
    %reduce_sum3A_185 = arith.constant dense<0.000000e+00> : vector<1xf32>
    %reduce_sum3A_186 = vector.multi_reduction <add>, %reduce_sum3A_184, %reduce_sum3A_185 [1, 2] : vector<1x2x1xf32> to vector<1xf32>
    %reduce_sum3A_187 = vector.shape_cast %reduce_sum3A_186 : vector<1xf32> to vector<1x1x1xf32>
    %reduce_sum3A_188 = vector.extract %reduce_sum3A_187[0, 0, 0] : f32 from vector<1x1x1xf32>
    %mul3A_189 = arith.constant 5.000000e-01 : f32
    %mul3A_190 = arith.mulf %mul3A_189, %reduce_sum3A_188 : f32
    %slice3A_191 = vector.extract_strided_slice %add3A_28 {offsets = [6, 0, 0], sizes = [1, 1000, 128], strides = [1, 1, 1]} : vector<8x1000x128xf32> to vector<1x1000x128xf32>
    %squeeze3A_192 = vector.shape_cast %slice3A_191 : vector<1x1000x128xf32> to vector<1000x128xf32>
    %slice3A_193 = vector.extract_strided_slice %add3A_28 {offsets = [7, 0, 0], sizes = [1, 1000, 128], strides = [1, 1, 1]} : vector<8x1000x128xf32> to vector<1x1000x128xf32>
    %squeeze3A_194 = vector.shape_cast %slice3A_193 : vector<1x1000x128xf32> to vector<1000x128xf32>
    %concatenate3A_195 = tpu.concatenate %squeeze3A_192, %squeeze3A_194 in 1 : vector<1000x128xf32>, vector<1000x128xf32> -> vector<1000x256xf32>
    %mul3A_196 = vector.broadcast %get3A_11 : vector<1000x1xf32> to vector<1000x256xf32>
    %mul3A_197 = arith.mulf %concatenate3A_195, %mul3A_196 : vector<1000x256xf32>
    %get3A_198 = arith.constant 0 : index
    %get3A_199 = arith.constant 0 : index
    %get3A_200 = vector.load %arg14[%get3A_198, %get3A_199] : memref<256x256xf32, #tpu.memory_space<vmem>>, vector<256x256xf32>
    %dot_general3A_201 = arith.constant dense<0.000000e+00> : vector<1000x256xf32>
    %dot_general3A_202 = tpu.matmul %mul3A_197, %get3A_200, %dot_general3A_201 {dimension_numbers = #tpu.dot_dimension_numbers<[1], [0], [0], [1], [0, 0, 1, 1], [], []>, transpose_lhs_hint = false} : vector<1000x256xf32>, vector<256x256xf32>, vector<1000x256xf32> -> vector<1000x256xf32>
    %get3A_203 = arith.constant 0 : index
    %get3A_204 = arith.constant 0 : index
    %get3A_205 = vector.load %arg16[%get3A_203, %get3A_204] : memref<1x256xf32, #tpu.memory_space<vmem>>, vector<1x256xf32>
    %add3A_206 = vector.broadcast %get3A_205 : vector<1x256xf32> to vector<1000x256xf32>
    %add3A_207 = arith.addf %dot_general3A_202, %add3A_206 : vector<1000x256xf32>
    %get3A_208 = arith.constant 0 : index
    %get3A_209 = arith.constant 0 : index
    %get3A_210 = vector.load %arg15[%get3A_208, %get3A_209] : memref<256x256xf32, #tpu.memory_space<vmem>>, vector<256x256xf32>
    %dot_general3A_211 = arith.constant dense<0.000000e+00> : vector<1000x256xf32>
    %dot_general3A_212 = tpu.matmul %mul3A_197, %get3A_210, %dot_general3A_211 {dimension_numbers = #tpu.dot_dimension_numbers<[1], [0], [0], [1], [0, 0, 1, 1], [], []>, transpose_lhs_hint = false} : vector<1000x256xf32>, vector<256x256xf32>, vector<1000x256xf32> -> vector<1000x256xf32>
    %get3A_213 = arith.constant 0 : index
    %get3A_214 = arith.constant 0 : index
    %get3A_215 = vector.load %arg17[%get3A_213, %get3A_214] : memref<1x256xf32, #tpu.memory_space<vmem>>, vector<1x256xf32>
    %add3A_216 = vector.broadcast %get3A_215 : vector<1x256xf32> to vector<1000x256xf32>
    %add3A_217 = arith.addf %dot_general3A_212, %add3A_216 : vector<1000x256xf32>
    %neg3A_218 = arith.constant 0.000000e+00 : f32
    %neg3A_219 = vector.broadcast %neg3A_218 : f32 to vector<1000x256xf32>
    %neg3A_220 = arith.subf %neg3A_219, %add3A_207 : vector<1000x256xf32>
    %exp3A_221 = math.exp %neg3A_220 : vector<1000x256xf32>
    %add3A_222 = arith.constant 1.000000e+00 : f32
    %add3A_223 = vector.broadcast %add3A_222 : f32 to vector<1000x256xf32>
    %add3A_224 = arith.addf %add3A_223, %exp3A_221 : vector<1000x256xf32>
    %div3A_225 = arith.constant 1.000000e+00 : f32
    %div3A_226 = vector.broadcast %div3A_225 : f32 to vector<1000x256xf32>
    %div3A_227 = arith.divf %div3A_226, %add3A_224 : vector<1000x256xf32>
    %sub3A_228 = arith.constant 1.000000e+00 : f32
    %sub3A_229 = vector.broadcast %sub3A_228 : f32 to vector<1000x256xf32>
    %sub3A_230 = arith.subf %sub3A_229, %div3A_227 : vector<1000x256xf32>
    %tanh3A_231 = math.tanh %add3A_217 : vector<1000x256xf32>
    %mul3A_232 = arith.mulf %sub3A_230, %tanh3A_231 : vector<1000x256xf32>
    %mul3A_233 = vector.broadcast %mul3A_190 : f32 to vector<1000x256xf32>
    %mul3A_234 = arith.mulf %mul3A_233, %mul3A_232 : vector<1000x256xf32>
    %add3A_235 = arith.addf %add3A_182, %mul3A_234 : vector<1000x256xf32>
    %swap3A = arith.constant 0 : index
    %swap3A_236 = arith.constant 0 : index
    %swap3A_237 = vector.load %arg13[%swap3A, %swap3A_236] : memref<1000x256xf32, #tpu.memory_space<vmem>>, vector<1000x256xf32>
    tpu.vector_store %arg13[%swap3A, %swap3A_236], %add3A_235 {strides = array<i32>} : memref<1000x256xf32, #tpu.memory_space<vmem>>, vector<1000x256xf32>,
    return
  }
  func.func @transform_0(%arg0: i32) -> (i32, i32, i32, i32) {
    %c0_i32 = arith.constant 0 : i32
    %c0_i32_0 = arith.constant 0 : i32
    %c0_i32_1 = arith.constant 0 : i32
    %c0_i32_2 = arith.constant 0 : i32
    return %c0_i32, %c0_i32_0, %arg0, %c0_i32_1 : i32, i32, i32, i32
  }
  func.func @transform_1(%arg0: i32) -> (i32, i32, i32) {
    %c0_i32 = arith.constant 0 : i32
    %c0_i32_0 = arith.constant 0 : i32
    %c0_i32_1 = arith.constant 0 : i32
    return %c0_i32, %arg0, %c0_i32_0 : i32, i32, i32
  }
  func.func @transform_2(%arg0: i32) -> (i32, i32) {
    %c0_i32 = arith.constant 0 : i32
    %c0_i32_0 = arith.constant 0 : i32
    return %arg0, %c0_i32 : i32, i32
  }
  func.func @transform_3(%arg0: i32) -> (i32, i32) {
    %c0_i32 = arith.constant 0 : i32
    %c0_i32_0 = arith.constant 0 : i32
    %c0_i32_1 = arith.constant 0 : i32
    return %c0_i32, %c0_i32_0 : i32, i32
  }
  func.func @transform_4(%arg0: i32) -> (i32, i32) {
    %c0_i32 = arith.constant 0 : i32
    %c0_i32_0 = arith.constant 0 : i32
    %c0_i32_1 = arith.constant 0 : i32
    return %c0_i32, %c0_i32_0 : i32, i32
  }
  func.func @transform_5(%arg0: i32) -> (i32, i32) {
    %c0_i32 = arith.constant 0 : i32
    %c0_i32_0 = arith.constant 0 : i32
    %c0_i32_1 = arith.constant 0 : i32
    return %c0_i32, %c0_i32_0 : i32, i32
  }
  func.func @transform_6(%arg0: i32) -> (i32, i32) {
    %c0_i32 = arith.constant 0 : i32
    %c0_i32_0 = arith.constant 0 : i32
    %c0_i32_1 = arith.constant 0 : i32
    return %c0_i32, %c0_i32_0 : i32, i32
  }
  func.func @transform_7(%arg0: i32) -> (i32, i32) {
    %c0_i32 = arith.constant 0 : i32
    %c0_i32_0 = arith.constant 0 : i32
    %c0_i32_1 = arith.constant 0 : i32
    return %c0_i32, %c0_i32_0 : i32, i32
  }
  func.func @transform_8(%arg0: i32) -> (i32, i32) {
    %c0_i32 = arith.constant 0 : i32
    %c0_i32_0 = arith.constant 0 : i32
    %c0_i32_1 = arith.constant 0 : i32
    return %c0_i32, %c0_i32_0 : i32, i32
  }
  func.func @transform_9(%arg0: i32) -> (i32, i32) {
    %c0_i32 = arith.constant 0 : i32
    %c0_i32_0 = arith.constant 0 : i32
    %c0_i32_1 = arith.constant 0 : i32
    return %c0_i32, %c0_i32_0 : i32, i32
  }
  func.func @transform_10(%arg0: i32) -> (i32, i32) {
    %c0_i32 = arith.constant 0 : i32
    %c0_i32_0 = arith.constant 0 : i32
    %c0_i32_1 = arith.constant 0 : i32
    return %c0_i32, %c0_i32_0 : i32, i32
  }
  func.func @transform_11(%arg0: i32) -> (i32, i32) {
    %c0_i32 = arith.constant 0 : i32
    %c0_i32_0 = arith.constant 0 : i32
    %c0_i32_1 = arith.constant 0 : i32
    return %c0_i32, %c0_i32_0 : i32, i32
  }
  func.func @transform_12(%arg0: i32) -> (i32, i32) {
    %c0_i32 = arith.constant 0 : i32
    %c0_i32_0 = arith.constant 0 : i32
    return %arg0, %c0_i32 : i32, i32
  }
}

</mosaic_0001>

<sc_bundles>
// kernel: kernel.6.cloned.1.call-start
scs
__scs_entry_jumppad:
0x0: {  	(pc) =	sbr.rel $0x88, $3  }
0x1: {  	(tag) =	ssettag $0x0;
	lr =	simm.s32 $0x1  }
0x2: {  	[smem:$0x3F96] =	sst lr;
	_ =	strace $0xD0000000  }
0x3: {  	_ = 	snop  }
0x4: {  	_ = 	snop  }
0x5: {  	_ = 	snop  }
0x6: {  	_ = 	snop  }
0x7: {  	_ = 	snop  }
__scs_overlays_trampoline_lowered:
0x8: {  	[smem:$0x3FA5] =	sst s0  }
0x9: {  	[smem:$0x3FA6] =	sst s1  }
0xa: {  	[smem:$0x3FA7] =	sst s2  }
0xb: {  	[smem:$0x3FA8] =	sst s3  }
0xc: {  	[smem:$0x3FA9] =	sst s4  }
0xd: {  	[smem:$0x3FAA] =	sst s5  }
0xe: {  	[smem:$0x3FAB] =	sst s6  }
0xf: {  	[smem:$0x3FAC] =	sst s7  }
0x10: {  	[smem:$0x3FAD] =	sst s8  }
0x11: {  	[smem:$0x3FAE] =	sst s9;
	s0 =	simm.s32 @!p0 $0x0  }
0x12: {  	s1 =	sld [smem:$0x3F94];
	s0 =	simm.s32 @p0 $0x1  }
0x13: {  	[smem:$0x3FAF] =	sst s0;
	s0 =	simm.s32 @!p1 $0x0  }
0x14: {  	s2 =	sld [smem:$0x3F93];
	s0 =	simm.s32 @p1 $0x1  }
0x15: {  	[smem:$0x3FB0] =	sst s0;
	s0 =	simm.s32 @!p2 $0x0  }
0x16: {  	s3 =	sld [smem:$0x3FDB];
	s0 =	simm.s32 @p2 $0x1  }
0x17: {  	s4 =	simm.s32 $0x1BF5;
	[smem:$0x3FB2] =	sst s0  }
0x18: {  	s0 =	sld [smem:$0x3F95];
	_ =	swait.ge [sflag:s4], $0x0  }
0x19: {  	s7 =	sld [smem:$0x3F96]  }
0x1a: {  	s8 =	sadd.s32 $0xFFFFE003, lr  }
0x1b: {  	s9 =	sadd.s32 $0xFFFFFEF7, lr;
	s5 =	simm.s32 $0xFFFFFFFF;
	p2 =	slt.u32 s8, $0xFFFFF086  }
0x1c: {  	p1 =	slt.u32 s9, $0xF7A;
	s5 =	simm.s32 @!p2 $0x0  }
0x1d: {  	s5 =	simm.s32 @p1 $0x1;
	p0 =	seq.s32 s7, s2  }
0x1e: {  	s7 =	smul.u32 @!p0 $0xF7A, s2;
	p2 =	seq.s32 @!p0 s5, $0x0  }
0x1f: {  	s9 =	smul.u32 $0xF7A, s1;
	s8 =	simm.s32 @!p0 $0x1BF5;
	p2 =	por !p2, p0  }
0x20: {  	[sflag:s8] =	ssyncset.s32 @!p0 $0xFFFFF086;
	s6 =	sadd.s32 @!p0 s3, s7;
	s7 =	simm.s32 @!p0 $0x108  }
0x21: {  	s3 =	sadd.s32 s3, s9;
	s6 =	sadd.s32 @!p0 $0x88, s6;
	s7 =	simm.s32 @p2 $0x1082  }
0x22: {  	[simem:s7], [sflag:s8] =	dma.local @!p0 [hbm:s6], $0xF7A  }
0x23: {  	s9 =	sor.u32 $0xD0000000, s2;
	s6 =	simm.s32 $0x108;
	_ =	swait.ge @!p0 [sflag:s8], $0x0  }
0x24: {  	s3 =	sadd.s32 $0x88, s3;
	s6 =	simm.s32 @!p1 $0x1082;
	[sflag:s4] =	ssyncset.s32 $0xFFFFF086  }
0x25: {  	[simem:s6], [sflag:s4] =	dma.local [hbm:s3], $0xF7A  }
0x26: {  	[smem:$0x3F96] =	sst s1;
	(tag) =	ssettag s2;
	_ =	strace s9  }
0x27: {  	s1 =	sld [smem:$0x3FA6]  }
0x28: {  	s2 =	sld [smem:$0x3FA7]  }
0x29: {  	s4 =	sld [smem:$0x3FA9]  }
0x2a: {  	p0 =	seq.s32 s5, $0x0;
	s5 =	sld [smem:$0x3FAA]  }
0x2b: {  	s6 =	sld [smem:$0x3FAB]  }
0x2c: {  	s7 =	sld [smem:$0x3FAC]  }
0x2d: {  	s3 =	simm.s32 $0x108;
	s8 =	sld [smem:$0x3FAD]  }
0x2e: {  	s3 =	simm.s32 @!p0 $0x1082;
	s9 =	sld [smem:$0x3FAE]  }
0x2f: {  	lr =	sadd.s32 s0, s3;
	s0 =	sld [smem:$0x3FA5]  }
0x30: {  	s3 =	sld [smem:$0x3FA8]  }
0x31: {  	[smem:$0x3FB1] =	sst s10  }
0x32: {  	s10 =	sld [smem:$0x3FAF];
	_ =	sdelay $0x3  }
0x33: {  	p0 =	seq.s32 s10, $0x1;
	s10 =	sld [smem:$0x3FB1];
	_ =	sdelay $0x3  }
0x34: {  	[smem:$0x3FB1] =	sst s10  }
0x35: {  	s10 =	sld [smem:$0x3FB0];
	_ =	sdelay $0x3  }
0x36: {  	p1 =	seq.s32 s10, $0x1;
	s10 =	sld [smem:$0x3FB1];
	_ =	sdelay $0x3  }
0x37: {  	[smem:$0x3FB1] =	sst s10  }
0x38: {  	s10 =	sld [smem:$0x3FB2]  }
0x39: {  	_ = 	snop;
	(pc) =	sbr.ind lr, $3  }
0x3a: {  	_ = 	snop  }
0x3b: {  	_ = 	snop  }
0x3c: {  	p2 =	seq.s32 s10, $0x1;
	s10 =	sld [smem:$0x3FB1]  }
0x3d: {  	_ =	shalt  }
0x3e: {  	_ =	shalt  }
0x3f: {  	_ =	shalt  }
0x40: {  	_ =	shalt  }
0x41: {  	_ =	shalt  }
0x42: {  	_ =	shalt  }
0x43: {  	_ =	shalt  }
0x44: {  	_ =	shalt  }
0x45: {  	_ =	shalt  }
0x46: {  	_ =	shalt  }
0x47: {  	_ =	shalt  }
0x48: {  	_ =	shalt  }
0x49: {  	_ =	shalt  }
0x4a: {  	_ =	shalt  }
0x4b: {  	_ =	shalt  }
0x4c: {  	_ =	shalt  }
0x4d: {  	_ =	shalt  }
0x4e: {  	_ =	shalt  }
0x4f: {  	_ =	shalt  }
0x50: {  	_ =	shalt  }
0x51: {  	_ =	shalt  }
0x52: {  	_ =	shalt  }
0x53: {  	_ =	shalt  }
0x54: {  	_ =	shalt  }
0x55: {  	_ =	shalt  }
0x56: {  	_ =	shalt  }
0x57: {  	_ =	shalt  }
0x58: {  	_ =	shalt  }
0x59: {  	_ =	shalt  }
0x5a: {  	_ =	shalt  }
0x5b: {  	_ =	shalt  }
0x5c: {  	_ =	shalt  }
0x5d: {  	_ =	shalt  }
0x5e: {  	_ =	shalt  }
0x5f: {  	_ =	shalt  }
0x60: {  	_ =	shalt  }
0x61: {  	_ =	shalt  }
0x62: {  	_ =	shalt  }
0x63: {  	_ =	shalt  }
0x64: {  	_ =	shalt  }
0x65: {  	_ =	shalt  }
0x66: {  	_ =	shalt  }
0x67: {  	_ =	shalt  }
0x68: {  	_ =	shalt  }
0x69: {  	_ =	shalt  }
0x6a: {  	_ =	shalt  }
0x6b: {  	_ =	shalt  }
0x6c: {  	_ =	shalt  }
0x6d: {  	_ =	shalt  }
0x6e: {  	_ =	shalt  }
0x6f: {  	_ =	shalt  }
0x70: {  	_ =	shalt  }
0x71: {  	_ =	shalt  }
0x72: {  	_ =	shalt  }
0x73: {  	_ =	shalt  }
0x74: {  	_ =	shalt  }
0x75: {  	_ =	shalt  }
0x76: {  	_ =	shalt  }
0x77: {  	_ =	shalt  }
0x78: {  	_ =	shalt  }
0x79: {  	_ =	shalt  }
0x7a: {  	_ =	shalt  }
0x7b: {  	_ =	shalt  }
0x7c: {  	_ =	shalt  }
0x7d: {  	_ =	shalt  }
0x7e: {  	_ =	shalt  }
0x7f: {  	_ =	shalt  }
0x80: {  	_ =	shalt  }
0x81: {  	_ =	shalt  }
0x82: {  	_ =	shalt  }
0x83: {  	_ =	shalt  }
0x84: {  	_ =	shalt  }
0x85: {  	_ =	shalt  }
0x86: {  	_ =	shalt  }
0x87: {  	_ =	shalt  }
.Lfunc_end0:
.L_simem_size_0:
called_computation.1_lowered:
.L_overlay_start_0:
0x88: {  	s2 =	sld [smem:$0x3FD9]  }
0x89: {  	s3 =	sld [smem:$0x3FFE];
	_ =	sdelay $0x1  }
0x8a: {  	s1 =	srdreg.scid  }
0x8b: {  	s0 =	sand.u32 $0x1, s1  }
0x8c: {  	s16 =	sshll.u32 s0, $0xA;
	s2 =	sadd.s32 s3, s2  }
0x8d: {  	s2 =	sadd.s32 s2, s16  }
0x8e: {  	[smem:$0x3FBD] =	sst s2  }
0x8f: {  	_ = 	snop  }
0x90: {  	(tm) =	ssettm $0x1  }
0x91: {  	s17 =	sld [smem:$0x3FFB];
	_ =	sdelay $0x3  }
0x92: {  	_ =	strace s17  }
0x93: {  	s2 =	sld [smem:$0x3FFC];
	_ =	sdelay $0x3  }
0x94: {  	_ =	strace s2  }
0x95: {  	s2 =	sld [smem:$0x3FFD];
	_ =	sdelay $0x3  }
0x96: {  	_ =	strace s2  }
0x97: {  	_ =	strace $0x8FFFFFFF  }
0x98: {  	s18 =	sld [smem:$0x3FDB];
	_ =	sdelay $0x1  }
0x99: {  	s19 =	simm.s32 $_scs_section_size  }
0x9a: {  	s4 =	simm.s32 $_size__tile_overlayer_lowered;
	s5 =	simm.s32 $_tile_overlayer_lowered  }
0x9b: {  	s22 =	simm.s32 $0x1BFF;
	s21 =	sshll.u32 s5, $0x1;
	s2 =	sadd.s32 s19, s18  }
0x9c: {  	s6 =	simm.s32 $0x0;
	s20 =	sshll.u32 s4, $0x1;
	s4 =	sadd.s32 s21, s2  }
0x9d: {  	[timem:s6], [sflag:s22] =	dma.local [hbm:s4], s20  }
0x9e: {  	_ =	swait.ge [sflag:s22], s20  }
0x9f: {  	s3 =	ssub.s32 $0x0, s20;
	[sflag:s22] =	ssyncset.done $0x0  }
0xa0: {  	[sflag:s22] =	ssyncadd.s32 s3;
	_ =	sdelay $0x1  }
0xa1: {  	s23 =	simm.s32 $0x1B8B  }
0xa2: {  	_ =	swait.ge [sflag:s23], $0x1  }
0xa3: {  	[sflag:s23] =	ssyncset.done $0x0  }
0xa4: {  	s25 =	simm.s32 $0x1B8E;
	s24 =	sld [smem:$0x3FFE];
	[sflag:s23] =	ssyncadd.s32 $0xFFFFFFFF  }
0xa5: {  	s26 =	simm.s32 $execute0_lowered;
	[smem:$0x3FD2] =	sst s25  }
0xa6: {  	s4 =	sshll.u32 s26, $0x1;
	_ =	strace $0x80000046;
	[dreg:$0x1] =	wrdreg $0xFFFFFFFF  }
0xa7: {  	s28 =	simm.s32 $_size_execute0_lowered;
	s2 =	sadd.s32 s2, s4;
	[dreg:$0x0] =	wrdreg $0x0  }
0xa8: {  	s4 =	sshll.u32 s28, $0x1;
	[dreg:$0x2] =	wrdreg s2  }
0xa9: {  	[dreg:$0x3] =	wrdreg s4  }
0xaa: {  	[dreg:$0x4] =	wrdreg $0xC0  }
0xab: {  	_ =	task [dreg:s6], $0x5FFFF  }
0xac: {  	[dreg:$0x1] =	wrdreg $0xFFFFFFFF  }
0xad: {  	[dreg:$0x0] =	wrdreg $0x60  }
0xae: {  	[dreg:$0x2] =	wrdreg s24  }
0xaf: {  	[dreg:$0x3] =	wrdreg $0x1E000  }
0xb0: {  	[dreg:$0x4] =	wrdreg $0xA  }
0xb1: {  	_ =	task.clear_ibuf [dreg:s6], $0x5FFFF;
	_ =	strace $0x90000046  }
0xb2: {  	s29 =	simm.s32 $0xA;
	_ =	strace $0x80000048  }
0xb3: {  	_ =	swait.ge [sflag:s29], $0x1  }
0xb4: {  	[sflag:s29] =	ssyncadd.s32 $0xFFFFFFFF  }
0xb5: {  	_ =	strace $0x90000048  }
0xb6: {  	_ =	sfence  }
0xb7: {  	s30 =	sld [smem:$0x0];
	_ =	sdelay $0x2  }
0xb8: {  	s31 =	sshll.u32 s1, $0xD;
	s1 =	sshrl.u32 s1, $0x2  }
0xb9: {  	s3 =	sand.u32 $0x4000, s31;
	s1 =	sadd.s32 s1, s30  }
0xba: {  	s0 =	sor.u32 s3, s0;
	s1 =	sshll.u32 s1, $0x11  }
0xbb: {  	s0 =	sor.u32 s1, s0  }
0xbc: {  	s0 =	sadd.s32 $0x8F2B, s0  }
0xbd: {  	[sflag:s0] =	ssyncadd.remote.s32 $0x1  }
0xbe: {  	_ =	sfence.sel $0xFFFF  }
0xbf: {  	[dreg:$0x0] =	wrdreg $0xFFFFFFFF;
	(pc) =	sbr.abs _section_cstart, $3  }
0xc0: {  	[dreg:$0x1] =	wrdreg $0xFFFFFFFF  }
0xc1: {  	_ =	task.clear_ibuf [dreg:s6], $0x2FFFF;
	_ =	strace $0x9FFFFFFF  }
0xc2: {  	(tm) =	ssettm $0x7FFFFFFF  }
0xc3: {  	_ =	shalt  }
tec
execute0_lowered:
.L_overlay_start_1:
0x0: {  	(tag) =	ssettag $0x1  }
0x1: {  	s0 =	srdreg.scid;
	s4 =	rddreg [dreg:$0x0]  }
0x2: {  	s7 =	stileid.u32;
	s2 =	rddreg [dreg:$0x1]  }
0x3: {  	s3 =	simm.s32 $0x0;
	s31 =	simm.s32 $0x1C00;
	s0 =	sand.u32 $0x1, s0  }
0x4: {  	[smem:$0x7FF] =	sst s3;
	s6 =	smul.u32 $0x2800, s7;
	s8 =	sadd.s32 $0xC200, s4  }
0x5: {  	s22 =	sadd.s32 $0xC000, s4;
	s1 =	sshll.u32 s0, $0x4;
	s5 =	smul.u32 $0x28000, s0  }
0x6: {  	_ =	strace $0x80000047;
	[dreg:$0x3] =	wrdreg s8;
	s0 =	ssub.s32 $0x2, s0  }
0x7: {  	[dreg:$0x4] =	wrdreg s22;
	s1 =	sor.u32 s7, s1;
	s7 =	smul.u32 $0xA000, s7  }
0x8: {  	s23 =	sshrl.u32 s0, $0x1;
	s26 =	sadd.s32 s6, s2;
	s5 =	sadd.s32 s6, s5  }
0x9: {  	s1 =	smul.u32 $0x280, s1;
	s0 =	ssub.s32 s0, s23;
	s5 =	sshrl.u32 s5, $0x3  }
0xa: {  	s24 =	sshrl.u32 s7, $0x2;
	s9 =	smax.u32 s0, $0x1;
	s0 =	simm.s32 $0x1400  }
0xb: {  	s1 =	sadd.s32 s1, s4;
	s4 =	sadd.s32 s5, s4;
	s7 =	sadd.s32 s24, s2  }
0xc: {  	s5 =	simm.s32 $0x0;
	s1 =	sadd.s32 $0x7000, s1;
	s25 =	sadd.s32 $0xC400, s4  }
0xd: {  	s10 =	sadd.s32 $0x200, s7;
	s11 =	sadd.s32 $0x400, s7;
	s12 =	sadd.s32 $0x600, s7  }
0xe: {  	s13 =	sadd.s32 $0x800, s7;
	s14 =	sadd.s32 $0xA00, s7;
	s15 =	sadd.s32 $0xC00, s7  }
0xf: {  	s16 =	sadd.s32 $0xE00, s7;
	s17 =	sadd.s32 $0x1000, s7;
	s18 =	sadd.s32 $0x1200, s7  }
0x10: {  	s19 =	sadd.s32 $0x1400, s7;
	s20 =	sadd.s32 $0x1600, s7;
	s21 =	sadd.s32 $0x1800, s7  }
0x11: {  	s22 =	sadd.s32 $0x1A00, s7;
	s23 =	sadd.s32 $0x1C00, s7;
	s24 =	sadd.s32 $0x1E00, s7  }
0x12: {  	s28 =	sadd.s32 $0x2200, s7;
	s29 =	sadd.s32 $0x2400, s7;
	[dreg:$0x5] =	wrdreg s1  }
0x13: {  	s30 =	sadd.s32 $0x2600, s7;
	s4 =	simm.s32 $0x80;
	[dreg:$0x6] =	wrdreg s25  }
0x14: {  	s25 =	sshrl.u32 s26, $0x3;
	s26 =	sadd.s32 $0x2000, s7;
	s1 =	simm.s32 $0x1  }
.LBB2_1:
0x15: {  	s6 =	rddreg [dreg:$0x4]  }
0x16: {  	[tilespmem:s31], [sflag:$0x1] =	stream.linear.gather [hbm4b:s6+s3], $0x200, $0x38;
	[tilespmem:$0x4600] =	vst v63  }
0x17: {  	_ =	swait.ge [sflag:s1], $0x200  }
0x18: {  	[sflag:s1] =	ssyncset.done $0x0  }
0x19: {  	s8 =	rddreg [dreg:$0x3];
	[sflag:s1] =	ssyncadd.s32 $0xFFFFFE00  }
0x1a: {  	[tilespmem:s0], [sflag:$0x1] =	stream.linear.gather [hbm4b:s8+s3], $0x800, $0x38;
	[tilespmem:$0x4600] =	vst v63  }
0x1b: {  	_ =	swait.ge [sflag:s1], $0x800  }
0x1c: {  	[sflag:s1] =	ssyncset.done $0x0  }
0x1d: {  	s8 =	rddreg [dreg:$0x5];
	[sflag:s1] =	ssyncadd.s32 $0xFFFFF800  }
0x1e: {  	[tilespmem:s3], [sflag:$0x1] =	stream.linear.gather [hbm4b:s8+s3], $0x1400, $0x38;
	[tilespmem:$0x4600] =	vst v63  }
0x1f: {  	_ =	swait.ge [sflag:s1], $0x1400  }
0x20: {  	[sflag:s1] =	ssyncset.done $0x0  }
0x21: {  	[sflag:s1] =	ssyncadd.s32 $0xFFFFEC00  }
0x22: {  	[spmem:s7] =	stream.linear.scatter [tilespmem:s31], [sflag:$0x1], $0x200, $0x38;
	[tilespmem:$0x4600] =	vst v63  }
0x23: {  	_ =	swait.ge [sflag:s1], $0x200  }
0x24: {  	[sflag:s1] =	ssyncset.done $0x0  }
0x25: {  	[sflag:s1] =	ssyncadd.s32 $0xFFFFFE00  }
0x26: {  	[spmem:s10] =	stream.linear.scatter [tilespmem:s31], [sflag:$0x1], $0x200, $0x38;
	[tilespmem:$0x4600] =	vst v63  }
0x27: {  	_ =	swait.ge [sflag:s1], $0x200  }
0x28: {  	[sflag:s1] =	ssyncset.done $0x0  }
0x29: {  	[sflag:s1] =	ssyncadd.s32 $0xFFFFFE00  }
0x2a: {  	[spmem:s11] =	stream.linear.scatter [tilespmem:s31], [sflag:$0x1], $0x200, $0x38;
	[tilespmem:$0x4600] =	vst v63  }
0x2b: {  	_ =	swait.ge [sflag:s1], $0x200  }
0x2c: {  	[sflag:s1] =	ssyncset.done $0x0  }
0x2d: {  	[sflag:s1] =	ssyncadd.s32 $0xFFFFFE00  }
0x2e: {  	[spmem:s12] =	stream.linear.scatter [tilespmem:s31], [sflag:$0x1], $0x200, $0x38;
	[tilespmem:$0x4600] =	vst v63  }
0x2f: {  	_ =	swait.ge [sflag:s1], $0x200  }
0x30: {  	[sflag:s1] =	ssyncset.done $0x0  }
0x31: {  	[sflag:s1] =	ssyncadd.s32 $0xFFFFFE00  }
0x32: {  	[spmem:s13] =	stream.linear.scatter [tilespmem:s31], [sflag:$0x1], $0x200, $0x38;
	[tilespmem:$0x4600] =	vst v63  }
0x33: {  	_ =	swait.ge [sflag:s1], $0x200  }
0x34: {  	[sflag:s1] =	ssyncset.done $0x0  }
0x35: {  	[sflag:s1] =	ssyncadd.s32 $0xFFFFFE00  }
0x36: {  	[spmem:s14] =	stream.linear.scatter [tilespmem:s31], [sflag:$0x1], $0x200, $0x38;
	[tilespmem:$0x4600] =	vst v63  }
0x37: {  	_ =	swait.ge [sflag:s1], $0x200  }
0x38: {  	[sflag:s1] =	ssyncset.done $0x0  }
0x39: {  	[sflag:s1] =	ssyncadd.s32 $0xFFFFFE00  }
0x3a: {  	[spmem:s15] =	stream.linear.scatter [tilespmem:s31], [sflag:$0x1], $0x200, $0x38;
	[tilespmem:$0x4600] =	vst v63  }
0x3b: {  	_ =	swait.ge [sflag:s1], $0x200  }
0x3c: {  	[sflag:s1] =	ssyncset.done $0x0  }
0x3d: {  	[sflag:s1] =	ssyncadd.s32 $0xFFFFFE00  }
0x3e: {  	[spmem:s16] =	stream.linear.scatter [tilespmem:s31], [sflag:$0x1], $0x200, $0x38;
	[tilespmem:$0x4600] =	vst v63  }
0x3f: {  	_ =	swait.ge [sflag:s1], $0x200  }
0x40: {  	[sflag:s1] =	ssyncset.done $0x0  }
0x41: {  	[sflag:s1] =	ssyncadd.s32 $0xFFFFFE00  }
0x42: {  	[spmem:s17] =	stream.linear.scatter [tilespmem:s31], [sflag:$0x1], $0x200, $0x38;
	[tilespmem:$0x4600] =	vst v63  }
0x43: {  	_ =	swait.ge [sflag:s1], $0x200  }
0x44: {  	[sflag:s1] =	ssyncset.done $0x0  }
0x45: {  	[sflag:s1] =	ssyncadd.s32 $0xFFFFFE00  }
0x46: {  	[spmem:s18] =	stream.linear.scatter [tilespmem:s31], [sflag:$0x1], $0x200, $0x38;
	[tilespmem:$0x4600] =	vst v63  }
0x47: {  	_ =	swait.ge [sflag:s1], $0x200  }
0x48: {  	[sflag:s1] =	ssyncset.done $0x0  }
0x49: {  	[sflag:s1] =	ssyncadd.s32 $0xFFFFFE00  }
0x4a: {  	[spmem:s19] =	stream.linear.scatter [tilespmem:s31], [sflag:$0x1], $0x200, $0x38;
	[tilespmem:$0x4600] =	vst v63  }
0x4b: {  	_ =	swait.ge [sflag:s1], $0x200  }
0x4c: {  	[sflag:s1] =	ssyncset.done $0x0  }
0x4d: {  	[sflag:s1] =	ssyncadd.s32 $0xFFFFFE00  }
0x4e: {  	[spmem:s20] =	stream.linear.scatter [tilespmem:s31], [sflag:$0x1], $0x200, $0x38;
	[tilespmem:$0x4600] =	vst v63  }
0x4f: {  	_ =	swait.ge [sflag:s1], $0x200  }
0x50: {  	[sflag:s1] =	ssyncset.done $0x0  }
0x51: {  	[sflag:s1] =	ssyncadd.s32 $0xFFFFFE00  }
0x52: {  	[spmem:s21] =	stream.linear.scatter [tilespmem:s31], [sflag:$0x1], $0x200, $0x38;
	[tilespmem:$0x4600] =	vst v63  }
0x53: {  	_ =	swait.ge [sflag:s1], $0x200  }
0x54: {  	[sflag:s1] =	ssyncset.done $0x0  }
0x55: {  	[sflag:s1] =	ssyncadd.s32 $0xFFFFFE00  }
0x56: {  	[spmem:s22] =	stream.linear.scatter [tilespmem:s31], [sflag:$0x1], $0x200, $0x38;
	[tilespmem:$0x4600] =	vst v63  }
0x57: {  	_ =	swait.ge [sflag:s1], $0x200  }
0x58: {  	[sflag:s1] =	ssyncset.done $0x0  }
0x59: {  	[sflag:s1] =	ssyncadd.s32 $0xFFFFFE00  }
0x5a: {  	[spmem:s23] =	stream.linear.scatter [tilespmem:s31], [sflag:$0x1], $0x200, $0x38;
	[tilespmem:$0x4600] =	vst v63  }
0x5b: {  	_ =	swait.ge [sflag:s1], $0x200  }
0x5c: {  	[sflag:s1] =	ssyncset.done $0x0  }
0x5d: {  	[sflag:s1] =	ssyncadd.s32 $0xFFFFFE00  }
0x5e: {  	[spmem:s24] =	stream.linear.scatter [tilespmem:s31], [sflag:$0x1], $0x200, $0x38;
	[tilespmem:$0x4600] =	vst v63  }
0x5f: {  	_ =	swait.ge [sflag:s1], $0x200  }
0x60: {  	[sflag:s1] =	ssyncset.done $0x0  }
0x61: {  	[sflag:s1] =	ssyncadd.s32 $0xFFFFFE00  }
0x62: {  	[spmem:s26] =	stream.linear.scatter [tilespmem:s31], [sflag:$0x1], $0x200, $0x38;
	[tilespmem:$0x4600] =	vst v63  }
0x63: {  	_ =	swait.ge [sflag:s1], $0x200  }
0x64: {  	[sflag:s1] =	ssyncset.done $0x0  }
0x65: {  	[sflag:s1] =	ssyncadd.s32 $0xFFFFFE00  }
0x66: {  	[spmem:s28] =	stream.linear.scatter [tilespmem:s31], [sflag:$0x1], $0x200, $0x38;
	[tilespmem:$0x4600] =	vst v63  }
0x67: {  	_ =	swait.ge [sflag:s1], $0x200  }
0x68: {  	[sflag:s1] =	ssyncset.done $0x0  }
0x69: {  	[sflag:s1] =	ssyncadd.s32 $0xFFFFFE00  }
0x6a: {  	[spmem:s29] =	stream.linear.scatter [tilespmem:s31], [sflag:$0x1], $0x200, $0x38;
	[tilespmem:$0x4600] =	vst v63  }
0x6b: {  	_ =	swait.ge [sflag:s1], $0x200  }
0x6c: {  	[sflag:s1] =	ssyncset.done $0x0  }
0x6d: {  	[sflag:s1] =	ssyncadd.s32 $0xFFFFFE00  }
0x6e: {  	[spmem:s30] =	stream.linear.scatter [tilespmem:s31], [sflag:$0x1], $0x200, $0x38;
	[tilespmem:$0x4600] =	vst v63  }
0x6f: {  	_ =	swait.ge [sflag:s1], $0x200  }
0x70: {  	[sflag:s1] =	ssyncset.done $0x0  }
0x71: {  	[sflag:s1] =	ssyncadd.s32 $0xFFFFFE00  }
0x72: {  	s8 =	simm.s32 $0x0;
	[bflag:$0x0] =	sbarrier.arrive $0xFFFF  }
0x73: {  	[spmem:s2] =	stream.indirect.scatter.add.f32 [tilespmem:s0], [sflag:$0x1], $0x10, s8, s4, $0xb8;
	[tilespmem:$0x4600] =	vst v63  }
0x74: {  	_ =	swait.ge [sflag:s1], $0x800  }
0x75: {  	s6 =	simm.s32 $0x200;
	[sflag:s1] =	ssyncset.done $0x0  }
.LBB2_2:
0x76: {  	s8 =	sshra.s32 s6, $0x2;
	[sflag:s1] =	ssyncadd.s32 $0xFFFFF800;
	p0 =	sne.s32 s6, $0x4E00  }
0x77: {  	[spmem:s2] =	stream.indirect.scatter.add.f32 [tilespmem:s0], [sflag:$0x1], $0x10, s8, s4, $0xb8;
	[tilespmem:$0x4600] =	vst v63  }
.Ltmp0:
0x78: {  	_ = 	snop;
	(pc) =	sbr.rel @p0 .LBB2_2-.Ltmp0, $4  }
0x79: {  	_ = 	snop  }
0x7a: {  	s6 =	sadd.s32 $0x200, s6  }
0x7b: {  	_ =	swait.ge [sflag:s1], $0x800  }
0x7c: {  	[sflag:s1] =	ssyncset.done $0x0  }
0x7d: {  	[sflag:s1] =	ssyncadd.s32 $0xFFFFF800;
	s6 =	stileid.u32;
	s5 =	sadd.s32 $0x1, s5  }
0x7e: {  	s6 =	sshll.u32 s6, $0x6;
	[bflag:$0x0] =	sbarrier.arrive $0xFFFF;
	p0 =	sne.s32 s5, s9  }
.Ltmp1:
0x7f: {  	s6 =	sor.u32 $0x1C01, s6;
	s8 =	rddreg [dreg:$0x6];
	(pc) =	sbr.rel @p0 .LBB2_1-.Ltmp1, $4  }
0x80: {  	[hbm:s8], [sflag:s6] =	dma.local [spmem:s25], $0x500  }
0x81: {  	_ =	swait.ge [sflag:s1], $0x500  }
0x82: {  	[sflag:s1] =	ssyncset.done $0x0  }
0x83: {  	[sflag:s1] =	ssyncadd.s32 $0xFFFFFB00  }
0x84: {  	_ =	sfence.sel $0x180000  }
0x85: {  	[bflag:$0x0] =	sbarrier.arrive $0xFFFF  }
0x86: {  	_ =	strace $0x90000047  }
0x87: {  	s0 =	stileid.u32;
	[bflag:$0x2] =	sbarrier.arrive $0xFFFF  }
0x88: {  	p0 =	sne.s32 s0, $0x0;
	s0 =	rddreg [dreg:$0x2]  }
0x89: {  	s0 =	sadd.s32 @!p0 $0x100000, s0  }
0x8a: {  	[sflag:s0] =	ssyncadd.tile.s32 @!p0 $0x1;
	_ =	shalt  }
.Lfunc_end2:
_tile_overlayer_lowered:
.L_overlay_start_2:
0x8b: {  	(tag) =	ssettag $0x2  }
0x8c: {  	s0 =	rddreg [dreg:$0x0];
	s2 =	stileid.u32  }
0x8d: {  	s1 =	rddreg [dreg:$0x1];
	p0 =	sne.s32 s2, $0x0  }
0x8e: {  	s3 =	rddreg [dreg:$0x2];
	[bflag:$0x3] =	sbarrier.arrive $0xFFFF;
	s2 =	simm.s32 @!p0 $0x1C01  }
0x8f: {  	[timem:s3], [sflag:s2] =	dma.local @!p0 [hbm:s0], s1  }
0x90: {  	s0 =	simm.s32 @!p0 $0x1  }
0x91: {  	_ =	swait.ge @!p0 [sflag:s0], s1  }
0x92: {  	s1 =	ssub.s32 @!p0 $0x0, s1;
	[sflag:s0] =	ssyncset.done @!p0 $0x0  }
0x93: {  	[sflag:s0] =	ssyncadd.s32 @!p0 s1  }
0x94: {  	[bflag:$0x3] =	sbarrier.arrive $0xFFFF  }
0x95: {  	_ =	shalt  }

// kernel: kernel.9.cloned.1.call-start
scs
__scs_entry_jumppad:
0x0: {  	(pc) =	sbr.rel $0x88, $3  }
0x1: {  	(tag) =	ssettag $0x0;
	lr =	simm.s32 $0x1  }
0x2: {  	[smem:$0x3F96] =	sst lr;
	_ =	strace $0xD0000000  }
0x3: {  	_ = 	snop  }
0x4: {  	_ = 	snop  }
0x5: {  	_ = 	snop  }
0x6: {  	_ = 	snop  }
0x7: {  	_ = 	snop  }
__scs_overlays_trampoline_lowered:
0x8: {  	[smem:$0x3FA5] =	sst s0  }
0x9: {  	[smem:$0x3FA6] =	sst s1  }
0xa: {  	[smem:$0x3FA7] =	sst s2  }
0xb: {  	[smem:$0x3FA8] =	sst s3  }
0xc: {  	[smem:$0x3FA9] =	sst s4  }
0xd: {  	[smem:$0x3FAA] =	sst s5  }
0xe: {  	[smem:$0x3FAB] =	sst s6  }
0xf: {  	[smem:$0x3FAC] =	sst s7  }
0x10: {  	[smem:$0x3FAD] =	sst s8  }
0x11: {  	[smem:$0x3FAE] =	sst s9;
	s0 =	simm.s32 @!p0 $0x0  }
0x12: {  	s1 =	sld [smem:$0x3F94];
	s0 =	simm.s32 @p0 $0x1  }
0x13: {  	[smem:$0x3FAF] =	sst s0;
	s0 =	simm.s32 @!p1 $0x0  }
0x14: {  	s2 =	sld [smem:$0x3F93];
	s0 =	simm.s32 @p1 $0x1  }
0x15: {  	[smem:$0x3FB0] =	sst s0;
	s0 =	simm.s32 @!p2 $0x0  }
0x16: {  	s3 =	sld [smem:$0x3FDB];
	s0 =	simm.s32 @p2 $0x1  }
0x17: {  	s4 =	simm.s32 $0x1BF5;
	[smem:$0x3FB2] =	sst s0  }
0x18: {  	s0 =	sld [smem:$0x3F95];
	_ =	swait.ge [sflag:s4], $0x0  }
0x19: {  	s7 =	sld [smem:$0x3F96]  }
0x1a: {  	s8 =	sadd.s32 $0xFFFFE003, lr  }
0x1b: {  	s9 =	sadd.s32 $0xFFFFFEF7, lr;
	s5 =	simm.s32 $0xFFFFFFFF;
	p2 =	slt.u32 s8, $0xFFFFF086  }
0x1c: {  	p1 =	slt.u32 s9, $0xF7A;
	s5 =	simm.s32 @!p2 $0x0  }
0x1d: {  	s5 =	simm.s32 @p1 $0x1;
	p0 =	seq.s32 s7, s2  }
0x1e: {  	s7 =	smul.u32 @!p0 $0xF7A, s2;
	p2 =	seq.s32 @!p0 s5, $0x0  }
0x1f: {  	s9 =	smul.u32 $0xF7A, s1;
	s8 =	simm.s32 @!p0 $0x1BF5;
	p2 =	por !p2, p0  }
0x20: {  	[sflag:s8] =	ssyncset.s32 @!p0 $0xFFFFF086;
	s6 =	sadd.s32 @!p0 s3, s7;
	s7 =	simm.s32 @!p0 $0x108  }
0x21: {  	s3 =	sadd.s32 s3, s9;
	s6 =	sadd.s32 @!p0 $0x88, s6;
	s7 =	simm.s32 @p2 $0x1082  }
0x22: {  	[simem:s7], [sflag:s8] =	dma.local @!p0 [hbm:s6], $0xF7A  }
0x23: {  	s9 =	sor.u32 $0xD0000000, s2;
	s6 =	simm.s32 $0x108;
	_ =	swait.ge @!p0 [sflag:s8], $0x0  }
0x24: {  	s3 =	sadd.s32 $0x88, s3;
	s6 =	simm.s32 @!p1 $0x1082;
	[sflag:s4] =	ssyncset.s32 $0xFFFFF086  }
0x25: {  	[simem:s6], [sflag:s4] =	dma.local [hbm:s3], $0xF7A  }
0x26: {  	[smem:$0x3F96] =	sst s1;
	(tag) =	ssettag s2;
	_ =	strace s9  }
0x27: {  	s1 =	sld [smem:$0x3FA6]  }
0x28: {  	s2 =	sld [smem:$0x3FA7]  }
0x29: {  	s4 =	sld [smem:$0x3FA9]  }
0x2a: {  	p0 =	seq.s32 s5, $0x0;
	s5 =	sld [smem:$0x3FAA]  }
0x2b: {  	s6 =	sld [smem:$0x3FAB]  }
0x2c: {  	s7 =	sld [smem:$0x3FAC]  }
0x2d: {  	s3 =	simm.s32 $0x108;
	s8 =	sld [smem:$0x3FAD]  }
0x2e: {  	s3 =	simm.s32 @!p0 $0x1082;
	s9 =	sld [smem:$0x3FAE]  }
0x2f: {  	lr =	sadd.s32 s0, s3;
	s0 =	sld [smem:$0x3FA5]  }
0x30: {  	s3 =	sld [smem:$0x3FA8]  }
0x31: {  	[smem:$0x3FB1] =	sst s10  }
0x32: {  	s10 =	sld [smem:$0x3FAF];
	_ =	sdelay $0x3  }
0x33: {  	p0 =	seq.s32 s10, $0x1;
	s10 =	sld [smem:$0x3FB1];
	_ =	sdelay $0x3  }
0x34: {  	[smem:$0x3FB1] =	sst s10  }
0x35: {  	s10 =	sld [smem:$0x3FB0];
	_ =	sdelay $0x3  }
0x36: {  	p1 =	seq.s32 s10, $0x1;
	s10 =	sld [smem:$0x3FB1];
	_ =	sdelay $0x3  }
0x37: {  	[smem:$0x3FB1] =	sst s10  }
0x38: {  	s10 =	sld [smem:$0x3FB2]  }
0x39: {  	_ = 	snop;
	(pc) =	sbr.ind lr, $3  }
0x3a: {  	_ = 	snop  }
0x3b: {  	_ = 	snop  }
0x3c: {  	p2 =	seq.s32 s10, $0x1;
	s10 =	sld [smem:$0x3FB1]  }
0x3d: {  	_ =	shalt  }
0x3e: {  	_ =	shalt  }
0x3f: {  	_ =	shalt  }
0x40: {  	_ =	shalt  }
0x41: {  	_ =	shalt  }
0x42: {  	_ =	shalt  }
0x43: {  	_ =	shalt  }
0x44: {  	_ =	shalt  }
0x45: {  	_ =	shalt  }
0x46: {  	_ =	shalt  }
0x47: {  	_ =	shalt  }
0x48: {  	_ =	shalt  }
0x49: {  	_ =	shalt  }
0x4a: {  	_ =	shalt  }
0x4b: {  	_ =	shalt  }
0x4c: {  	_ =	shalt  }
0x4d: {  	_ =	shalt  }
0x4e: {  	_ =	shalt  }
0x4f: {  	_ =	shalt  }
0x50: {  	_ =	shalt  }
0x51: {  	_ =	shalt  }
0x52: {  	_ =	shalt  }
0x53: {  	_ =	shalt  }
0x54: {  	_ =	shalt  }
0x55: {  	_ =	shalt  }
0x56: {  	_ =	shalt  }
0x57: {  	_ =	shalt  }
0x58: {  	_ =	shalt  }
0x59: {  	_ =	shalt  }
0x5a: {  	_ =	shalt  }
0x5b: {  	_ =	shalt  }
0x5c: {  	_ =	shalt  }
0x5d: {  	_ =	shalt  }
0x5e: {  	_ =	shalt  }
0x5f: {  	_ =	shalt  }
0x60: {  	_ =	shalt  }
0x61: {  	_ =	shalt  }
0x62: {  	_ =	shalt  }
0x63: {  	_ =	shalt  }
0x64: {  	_ =	shalt  }
0x65: {  	_ =	shalt  }
0x66: {  	_ =	shalt  }
0x67: {  	_ =	shalt  }
0x68: {  	_ =	shalt  }
0x69: {  	_ =	shalt  }
0x6a: {  	_ =	shalt  }
0x6b: {  	_ =	shalt  }
0x6c: {  	_ =	shalt  }
0x6d: {  	_ =	shalt  }
0x6e: {  	_ =	shalt  }
0x6f: {  	_ =	shalt  }
0x70: {  	_ =	shalt  }
0x71: {  	_ =	shalt  }
0x72: {  	_ =	shalt  }
0x73: {  	_ =	shalt  }
0x74: {  	_ =	shalt  }
0x75: {  	_ =	shalt  }
0x76: {  	_ =	shalt  }
0x77: {  	_ =	shalt  }
0x78: {  	_ =	shalt  }
0x79: {  	_ =	shalt  }
0x7a: {  	_ =	shalt  }
0x7b: {  	_ =	shalt  }
0x7c: {  	_ =	shalt  }
0x7d: {  	_ =	shalt  }
0x7e: {  	_ =	shalt  }
0x7f: {  	_ =	shalt  }
0x80: {  	_ =	shalt  }
0x81: {  	_ =	shalt  }
0x82: {  	_ =	shalt  }
0x83: {  	_ =	shalt  }
0x84: {  	_ =	shalt  }
0x85: {  	_ =	shalt  }
0x86: {  	_ =	shalt  }
0x87: {  	_ =	shalt  }
.Lfunc_end0:
.L_simem_size_0:
called_computation.2_lowered:
.L_overlay_start_0:
0x88: {  	s2 =	sld [smem:$0x3FD9]  }
0x89: {  	s3 =	sld [smem:$0x3FFE];
	_ =	sdelay $0x1  }
0x8a: {  	s1 =	srdreg.scid  }
0x8b: {  	s0 =	sand.u32 $0x1, s1  }
0x8c: {  	s17 =	sshll.u32 s0, $0xA;
	s2 =	sadd.s32 s3, s2  }
0x8d: {  	s2 =	sadd.s32 s2, s17  }
0x8e: {  	[smem:$0x3FBD] =	sst s2  }
0x8f: {  	_ = 	snop  }
0x90: {  	s2 =	sld [smem:$0x3FD0];
	(tm) =	ssettm $0x1  }
0x91: {  	s18 =	sld [smem:$0x3FFB];
	_ =	sdelay $0x3  }
0x92: {  	_ =	strace s18  }
0x93: {  	s3 =	sld [smem:$0x3FFC];
	_ =	sdelay $0x3  }
0x94: {  	_ =	strace s3  }
0x95: {  	s3 =	sld [smem:$0x3FFD];
	_ =	sdelay $0x3  }
0x96: {  	_ =	strace s3  }
0x97: {  	_ =	strace $0x8FFFFFFF  }
0x98: {  	s19 =	sld [smem:$0x3FDB];
	_ =	sdelay $0x1  }
0x99: {  	s4 =	simm.s32 $_scs_section_size  }
0x9a: {  	s5 =	simm.s32 $_size__tile_overlayer_lowered;
	s6 =	simm.s32 $_tile_overlayer_lowered  }
0x9b: {  	s22 =	simm.s32 $0x1BFF;
	s21 =	sshll.u32 s6, $0x1;
	s3 =	sadd.s32 s4, s19  }
0x9c: {  	s7 =	simm.s32 $0x0;
	s20 =	sshll.u32 s5, $0x1;
	s5 =	sadd.s32 s21, s3  }
0x9d: {  	[timem:s7], [sflag:s22] =	dma.local [hbm:s5], s20  }
0x9e: {  	_ =	swait.ge [sflag:s22], s20  }
0x9f: {  	s4 =	ssub.s32 $0x0, s20;
	[sflag:s22] =	ssyncset.done $0x0  }
0xa0: {  	[sflag:s22] =	ssyncadd.s32 s4;
	_ =	sdelay $0x1  }
0xa1: {  	s23 =	simm.s32 $0x1B8B  }
0xa2: {  	_ =	swait.ge [sflag:s23], $0x1  }
0xa3: {  	[sflag:s23] =	ssyncset.done $0x0  }
0xa4: {  	s25 =	simm.s32 $0x1B8E;
	s24 =	sld [smem:$0x3FFE];
	[sflag:s23] =	ssyncadd.s32 $0xFFFFFFFF  }
0xa5: {  	s26 =	simm.s32 $execute0_lowered;
	[smem:$0x3FD2] =	sst s25  }
0xa6: {  	s5 =	sshll.u32 s26, $0x1;
	_ =	strace $0x8000004C;
	[dreg:$0x1] =	wrdreg $0xFFFFFFFF  }
0xa7: {  	s28 =	simm.s32 $_size_execute0_lowered;
	s3 =	sadd.s32 s3, s5;
	[dreg:$0x0] =	wrdreg $0x0  }
0xa8: {  	s5 =	sshll.u32 s28, $0x1;
	[dreg:$0x2] =	wrdreg s3  }
0xa9: {  	[dreg:$0x3] =	wrdreg s5  }
0xaa: {  	[dreg:$0x4] =	wrdreg $0xC0  }
0xab: {  	_ =	task [dreg:s7], $0x5FFFF  }
0xac: {  	[dreg:$0x1] =	wrdreg $0xFFFFFFFF  }
0xad: {  	[dreg:$0x0] =	wrdreg $0x60  }
0xae: {  	[dreg:$0x2] =	wrdreg s24  }
0xaf: {  	[dreg:$0x3] =	wrdreg s2  }
0xb0: {  	[dreg:$0x4] =	wrdreg $0xB8000  }
0xb1: {  	[dreg:$0x5] =	wrdreg $0x9  }
0xb2: {  	_ =	task.clear_ibuf [dreg:s7], $0x6FFFF;
	_ =	strace $0x9000004C  }
0xb3: {  	s29 =	simm.s32 $0x9;
	_ =	strace $0x8000004E  }
0xb4: {  	_ =	swait.ge [sflag:s29], $0x1  }
0xb5: {  	[sflag:s29] =	ssyncadd.s32 $0xFFFFFFFF  }
0xb6: {  	_ =	strace $0x9000004E  }
0xb7: {  	_ =	sfence  }
0xb8: {  	s30 =	sld [smem:$0x0];
	_ =	sdelay $0x2  }
0xb9: {  	s31 =	sshll.u32 s1, $0xD;
	s1 =	sshrl.u32 s1, $0x2  }
0xba: {  	s3 =	sand.u32 $0x4000, s31;
	s1 =	sadd.s32 s1, s30  }
0xbb: {  	s0 =	sor.u32 s3, s0;
	s1 =	sshll.u32 s1, $0x11  }
0xbc: {  	s0 =	sor.u32 s1, s0  }
0xbd: {  	s0 =	sadd.s32 $0x8F2B, s0  }
0xbe: {  	[sflag:s0] =	ssyncadd.remote.s32 $0x1  }
0xbf: {  	_ =	sfence.sel $0xFFFF  }
0xc0: {  	[dreg:$0x0] =	wrdreg $0xFFFFFFFF;
	(pc) =	sbr.abs _section_cstart, $3  }
0xc1: {  	[dreg:$0x1] =	wrdreg $0xFFFFFFFF  }
0xc2: {  	_ =	task.clear_ibuf [dreg:s7], $0x2FFFF;
	_ =	strace $0x9FFFFFFF  }
0xc3: {  	(tm) =	ssettm $0x7FFFFFFF  }
tec
execute0_lowered:
.L_overlay_start_1:
0x0: {  	(tag) =	ssettag $0x1  }
0x1: {  	s0 =	srdreg.scid  }
0x2: {  	s1 =	rddreg [dreg:$0x0];
	s9 =	stileid.u32  }
0x3: {  	s3 =	rddreg [dreg:$0x1];
	s6 =	simm.s32 $0x0;
	s24 =	smul.u32 $0x14000, s9  }
0x4: {  	s0 =	sand.u32 $0x1, s0;
	[smem:$0x7FF] =	sst s6;
	s28 =	smul.u32 $0x50000, s9  }
0x5: {  	s25 =	sadd.s32 $0x13A800, s1;
	s2 =	sshll.u32 s0, $0x4;
	s5 =	smul.u32 $0xA00000, s0  }
0x6: {  	s0 =	ssub.s32 $0x2, s0;
	s4 =	sor.u32 s9, s2;
	s2 =	rddreg [dreg:$0x2]  }
0x7: {  	_ =	strace $0x8000004D;
	s26 =	sshrl.u32 s0, $0x1;
	s4 =	smul.u32 $0x1400, s4  }
0x8: {  	[dreg:$0x4] =	wrdreg s25;
	s5 =	sor.u32 s24, s5;
	s0 =	ssub.s32 s0, s26  }
0x9: {  	s5 =	sshrl.u32 s5, $0x3;
	s0 =	smax.u32 s0, $0x1;
	s7 =	sshrl.u32 s4, $0x3  }
0xa: {  	[dreg:$0x16] =	wrdreg s0;
	s8 =	sadd.s32 s7, s1;
	s9 =	sadd.s32 s3, s7  }
0xb: {  	s4 =	sadd.s32 $0x2000, s1;
	s8 =	sadd.s32 $0x287400, s8;
	[dreg:$0x6] =	wrdreg s9  }
0xc: {  	s1 =	sadd.s32 s5, s1;
	s11 =	sadd.s32 $0x5000, s9;
	[dreg:$0x5] =	wrdreg s8  }
0xd: {  	s12 =	sadd.s32 $0x28C400, s1;
	[dreg:$0x7] =	wrdreg s11  }
0xe: {  	s13 =	sadd.s32 $0xA000, s9;
	[dreg:$0x8] =	wrdreg s12  }
0xf: {  	s14 =	sadd.s32 $0x2B4400, s1;
	[dreg:$0x9] =	wrdreg s13  }
0x10: {  	s15 =	sadd.s32 $0xF000, s9;
	[dreg:$0xa] =	wrdreg s14  }
0x11: {  	s16 =	sadd.s32 $0x2DC400, s1;
	[dreg:$0xb] =	wrdreg s15  }
0x12: {  	s17 =	sadd.s32 $0x304400, s1;
	[dreg:$0xc] =	wrdreg s16  }
0x13: {  	s18 =	sadd.s32 $0x14000, s9;
	[dreg:$0xd] =	wrdreg s17  }
0x14: {  	s19 =	sadd.s32 $0x19000, s9;
	[dreg:$0xe] =	wrdreg s18  }
0x15: {  	s20 =	sadd.s32 $0x32C400, s1;
	[dreg:$0xf] =	wrdreg s19  }
0x16: {  	s21 =	sadd.s32 $0x1E000, s9;
	[dreg:$0x10] =	wrdreg s20  }
0x17: {  	s22 =	sadd.s32 $0x354400, s1;
	[dreg:$0x11] =	wrdreg s21  }
0x18: {  	s10 =	sshrl.u32 s28, $0x2;
	s23 =	sadd.s32 $0x23000, s9;
	[dreg:$0x12] =	wrdreg s22  }
0x19: {  	s7 =	simm.s32 $0x0;
	s24 =	sadd.s32 $0x37C400, s1;
	[dreg:$0x13] =	wrdreg s23  }
0x1a: {  	s1 =	sadd.s32 $0x3A4400, s1;
	s13 =	sadd.s32 s10, s2;
	[dreg:$0x14] =	wrdreg s24  }
0x1b: {  	[dreg:$0x15] =	wrdreg s1;
	s18 =	simm.s32 $0xA800;
	s19 =	simm.s32 $0x3  }
0x1c: {  	s20 =	simm.s32 $0x80;
	s21 =	simm.s32 $0x2800;
	s22 =	simm.s32 $0x6800  }
0x1d: {  	s23 =	simm.s32 $0x1;
	s24 =	simm.s32 $0x2;
	s25 =	sadd.s32 $0x1000, s13  }
0x1e: {  	s26 =	sadd.s32 $0x2000, s13;
	s28 =	sadd.s32 $0x3000, s13;
	s29 =	sadd.s32 $0x4000, s13  }
0x1f: {  	s30 =	sadd.s32 $0x5000, s13;
	s31 =	sadd.s32 $0x6000, s13;
	s1 =	sadd.s32 $0x7000, s13  }
0x20: {  	s0 =	sadd.s32 $0x8000, s13;
	s5 =	sadd.s32 $0x9000, s13;
	s6 =	sadd.s32 $0xA000, s13  }
0x21: {  	s8 =	sadd.s32 $0xB000, s13;
	s9 =	sadd.s32 $0xC000, s13;
	s10 =	sadd.s32 $0xD000, s13  }
0x22: {  	s11 =	sadd.s32 $0xE000, s13;
	s12 =	sadd.s32 $0xF000, s13;
	[dreg:$0x17] =	wrdreg s25  }
0x23: {  	s14 =	sadd.s32 $0x10000, s13;
	s15 =	sadd.s32 $0x11000, s13;
	[dreg:$0x18] =	wrdreg s26  }
0x24: {  	s16 =	sadd.s32 $0x12000, s13;
	s17 =	sadd.s32 $0x13000, s13;
	[dreg:$0x19] =	wrdreg s28  }
.LBB2_1:
0x25: {  	[dreg:$0x1a] =	wrdreg s7  }
0x26: {  	s3 =	simm.s32 $0x0;
	s26 =	rddreg [dreg:$0x4]  }
0x27: {  	[tilespmem:s18], [sflag:$0x3] =	stream.linear.gather [hbm4b:s26+s3], $0x1000, $0x38;
	[tilespmem:$0x1F800] =	vst v63  }
0x28: {  	_ =	swait.ge [sflag:s19], $0x1000  }
0x29: {  	[sflag:s19] =	ssyncset.done $0x0  }
0x2a: {  	s25 =	simm.s32 $0x1400;
	s28 =	rddreg [dreg:$0x5];
	[sflag:s19] =	ssyncadd.s32 $0xFFFFF000  }
0x2b: {  	[tilespmem:s25], [sflag:$0x3] =	stream.linear.gather [hbm4b:s28+s3], $0x1400, $0x38;
	[tilespmem:$0x1F800] =	vst v63  }
0x2c: {  	_ =	swait.ge [sflag:s19], $0x1400  }
0x2d: {  	[sflag:s19] =	ssyncset.done $0x0  }
0x2e: {  	s25 =	rddreg [dreg:$0x6];
	[sflag:s19] =	ssyncadd.s32 $0xFFFFEC00  }
0x2f: {  	[tilespmem:s3], [sflag:$0x3] =	stream.linear.gather [hbm4b:s25+s3], $0x1400, $0x38;
	[tilespmem:$0x1F800] =	vst v63  }
0x30: {  	_ =	swait.ge [sflag:s19], $0x1400  }
0x31: {  	[sflag:s19] =	ssyncset.done $0x0  }
0x32: {  	[sflag:s19] =	ssyncadd.s32 $0xFFFFEC00  }
0x33: {  	[tilespmem:s21], [sflag:$0x1] =	stream.indirect.gather [hbm4b:s4+s20], $0x80, s3, s20, $0xb8;
	[tilespmem:$0x1F800] =	vst v63  }
0x34: {  	_ = 	snop  }
0x35: {  	[tilespmem:s22], [sflag:$0x2] =	stream.indirect.gather [hbm4b:s4+s20], $0x80, s20, s20, $0xb8;
	[tilespmem:$0x1F800] =	vst v63  }
0x36: {  	_ = 	snop  }
0x37: {  	[spmem:s13] =	stream.linear.scatter [tilespmem:s18], [sflag:$0x3], $0x1000, $0x38;
	[tilespmem:$0x1F800] =	vst v63  }
0x38: {  	_ =	swait.ge [sflag:s19], $0x1000  }
0x39: {  	[sflag:s19] =	ssyncset.done $0x0  }
0x3a: {  	s26 =	rddreg [dreg:$0x17];
	[sflag:s19] =	ssyncadd.s32 $0xFFFFF000  }
0x3b: {  	[spmem:s26] =	stream.linear.scatter [tilespmem:s18], [sflag:$0x3], $0x1000, $0x38;
	[tilespmem:$0x1F800] =	vst v63  }
0x3c: {  	_ =	swait.ge [sflag:s19], $0x1000  }
0x3d: {  	[sflag:s19] =	ssyncset.done $0x0  }
0x3e: {  	s28 =	rddreg [dreg:$0x18];
	[sflag:s19] =	ssyncadd.s32 $0xFFFFF000  }
0x3f: {  	[spmem:s28] =	stream.linear.scatter [tilespmem:s18], [sflag:$0x3], $0x1000, $0x38;
	[tilespmem:$0x1F800] =	vst v63  }
0x40: {  	_ =	swait.ge [sflag:s19], $0x1000  }
0x41: {  	[sflag:s19] =	ssyncset.done $0x0  }
0x42: {  	s7 =	rddreg [dreg:$0x19];
	[sflag:s19] =	ssyncadd.s32 $0xFFFFF000  }
0x43: {  	[spmem:s7] =	stream.linear.scatter [tilespmem:s18], [sflag:$0x3], $0x1000, $0x38;
	[tilespmem:$0x1F800] =	vst v63  }
0x44: {  	_ =	swait.ge [sflag:s19], $0x1000  }
0x45: {  	[sflag:s19] =	ssyncset.done $0x0  }
0x46: {  	[sflag:s19] =	ssyncadd.s32 $0xFFFFF000  }
0x47: {  	[spmem:s29] =	stream.linear.scatter [tilespmem:s18], [sflag:$0x3], $0x1000, $0x38;
	[tilespmem:$0x1F800] =	vst v63  }
0x48: {  	_ =	swait.ge [sflag:s19], $0x1000  }
0x49: {  	[sflag:s19] =	ssyncset.done $0x0  }
0x4a: {  	[sflag:s19] =	ssyncadd.s32 $0xFFFFF000  }
0x4b: {  	[spmem:s30] =	stream.linear.scatter [tilespmem:s18], [sflag:$0x3], $0x1000, $0x38;
	[tilespmem:$0x1F800] =	vst v63  }
0x4c: {  	_ =	swait.ge [sflag:s19], $0x1000  }
0x4d: {  	[sflag:s19] =	ssyncset.done $0x0  }
0x4e: {  	[sflag:s19] =	ssyncadd.s32 $0xFFFFF000  }
0x4f: {  	[spmem:s31] =	stream.linear.scatter [tilespmem:s18], [sflag:$0x3], $0x1000, $0x38;
	[tilespmem:$0x1F800] =	vst v63  }
0x50: {  	_ =	swait.ge [sflag:s19], $0x1000  }
0x51: {  	[sflag:s19] =	ssyncset.done $0x0  }
0x52: {  	[sflag:s19] =	ssyncadd.s32 $0xFFFFF000  }
0x53: {  	[spmem:s1] =	stream.linear.scatter [tilespmem:s18], [sflag:$0x3], $0x1000, $0x38;
	[tilespmem:$0x1F800] =	vst v63  }
0x54: {  	_ =	swait.ge [sflag:s19], $0x1000  }
0x55: {  	[sflag:s19] =	ssyncset.done $0x0  }
0x56: {  	[sflag:s19] =	ssyncadd.s32 $0xFFFFF000  }
0x57: {  	[spmem:s0] =	stream.linear.scatter [tilespmem:s18], [sflag:$0x3], $0x1000, $0x38;
	[tilespmem:$0x1F800] =	vst v63  }
0x58: {  	_ =	swait.ge [sflag:s19], $0x1000  }
0x59: {  	[sflag:s19] =	ssyncset.done $0x0  }
0x5a: {  	[sflag:s19] =	ssyncadd.s32 $0xFFFFF000  }
0x5b: {  	[spmem:s5] =	stream.linear.scatter [tilespmem:s18], [sflag:$0x3], $0x1000, $0x38;
	[tilespmem:$0x1F800] =	vst v63  }
0x5c: {  	_ =	swait.ge [sflag:s19], $0x1000  }
0x5d: {  	[sflag:s19] =	ssyncset.done $0x0  }
0x5e: {  	[sflag:s19] =	ssyncadd.s32 $0xFFFFF000  }
0x5f: {  	[spmem:s6] =	stream.linear.scatter [tilespmem:s18], [sflag:$0x3], $0x1000, $0x38;
	[tilespmem:$0x1F800] =	vst v63  }
0x60: {  	_ =	swait.ge [sflag:s19], $0x1000  }
0x61: {  	[sflag:s19] =	ssyncset.done $0x0  }
0x62: {  	[sflag:s19] =	ssyncadd.s32 $0xFFFFF000  }
0x63: {  	[spmem:s8] =	stream.linear.scatter [tilespmem:s18], [sflag:$0x3], $0x1000, $0x38;
	[tilespmem:$0x1F800] =	vst v63  }
0x64: {  	_ =	swait.ge [sflag:s19], $0x1000  }
0x65: {  	[sflag:s19] =	ssyncset.done $0x0  }
0x66: {  	[sflag:s19] =	ssyncadd.s32 $0xFFFFF000  }
0x67: {  	[spmem:s9] =	stream.linear.scatter [tilespmem:s18], [sflag:$0x3], $0x1000, $0x38;
	[tilespmem:$0x1F800] =	vst v63  }
0x68: {  	_ =	swait.ge [sflag:s19], $0x1000  }
0x69: {  	[sflag:s19] =	ssyncset.done $0x0  }
0x6a: {  	[sflag:s19] =	ssyncadd.s32 $0xFFFFF000  }
0x6b: {  	[spmem:s10] =	stream.linear.scatter [tilespmem:s18], [sflag:$0x3], $0x1000, $0x38;
	[tilespmem:$0x1F800] =	vst v63  }
0x6c: {  	_ =	swait.ge [sflag:s19], $0x1000  }
0x6d: {  	[sflag:s19] =	ssyncset.done $0x0  }
0x6e: {  	[sflag:s19] =	ssyncadd.s32 $0xFFFFF000  }
0x6f: {  	[spmem:s11] =	stream.linear.scatter [tilespmem:s18], [sflag:$0x3], $0x1000, $0x38;
	[tilespmem:$0x1F800] =	vst v63  }
0x70: {  	_ =	swait.ge [sflag:s19], $0x1000  }
0x71: {  	[sflag:s19] =	ssyncset.done $0x0  }
0x72: {  	[sflag:s19] =	ssyncadd.s32 $0xFFFFF000  }
0x73: {  	[spmem:s12] =	stream.linear.scatter [tilespmem:s18], [sflag:$0x3], $0x1000, $0x38;
	[tilespmem:$0x1F800] =	vst v63  }
0x74: {  	_ =	swait.ge [sflag:s19], $0x1000  }
0x75: {  	[sflag:s19] =	ssyncset.done $0x0  }
0x76: {  	[sflag:s19] =	ssyncadd.s32 $0xFFFFF000  }
0x77: {  	[spmem:s14] =	stream.linear.scatter [tilespmem:s18], [sflag:$0x3], $0x1000, $0x38;
	[tilespmem:$0x1F800] =	vst v63  }
0x78: {  	_ =	swait.ge [sflag:s19], $0x1000  }
0x79: {  	[sflag:s19] =	ssyncset.done $0x0  }
0x7a: {  	[sflag:s19] =	ssyncadd.s32 $0xFFFFF000  }
0x7b: {  	[spmem:s15] =	stream.linear.scatter [tilespmem:s18], [sflag:$0x3], $0x1000, $0x38;
	[tilespmem:$0x1F800] =	vst v63  }
0x7c: {  	_ =	swait.ge [sflag:s19], $0x1000  }
0x7d: {  	[sflag:s19] =	ssyncset.done $0x0  }
0x7e: {  	[sflag:s19] =	ssyncadd.s32 $0xFFFFF000  }
0x7f: {  	[spmem:s16] =	stream.linear.scatter [tilespmem:s18], [sflag:$0x3], $0x1000, $0x38;
	[tilespmem:$0x1F800] =	vst v63  }
0x80: {  	_ =	swait.ge [sflag:s19], $0x1000  }
0x81: {  	[sflag:s19] =	ssyncset.done $0x0  }
0x82: {  	[sflag:s19] =	ssyncadd.s32 $0xFFFFF000  }
0x83: {  	[spmem:s17] =	stream.linear.scatter [tilespmem:s18], [sflag:$0x3], $0x1000, $0x38;
	[tilespmem:$0x1F800] =	vst v63  }
0x84: {  	_ =	swait.ge [sflag:s19], $0x1000  }
0x85: {  	[sflag:s19] =	ssyncset.done $0x0  }
0x86: {  	[sflag:s19] =	ssyncadd.s32 $0xFFFFF000  }
0x87: {  	[bflag:$0x0] =	sbarrier.arrive $0xFFFF  }
0x88: {  	_ =	swait.ge [sflag:s23], $0x4000  }
0x89: {  	[sflag:s23] =	ssyncset.done $0x0  }
0x8a: {  	s25 =	simm.s32 $0x1400;
	[sflag:s23] =	ssyncadd.s32 $0xFFFFC000  }
0x8b: {  	[spmem:s2] =	stream.indirect.scatter.add.f32 [tilespmem:s21], [sflag:$0x3], $0x80, s25, s20, $0xb8;
	[tilespmem:$0x1F800] =	vst v63  }
0x8c: {  	_ =	swait.ge [sflag:s19], $0x4000  }
0x8d: {  	[sflag:s19] =	ssyncset.done $0x0  }
0x8e: {  	s26 =	simm.s32 $0x100;
	[sflag:s19] =	ssyncadd.s32 $0xFFFFC000  }
0x8f: {  	[tilespmem:s21], [sflag:$0x1] =	stream.indirect.gather [hbm4b:s4+s20], $0x80, s26, s20, $0xb8;
	[tilespmem:$0x1F800] =	vst v63  }
0x90: {  	_ =	swait.ge [sflag:s24], $0x4000  }
0x91: {  	[sflag:s24] =	ssyncset.done $0x0  }
0x92: {  	s28 =	simm.s32 $0x1480;
	[sflag:s24] =	ssyncadd.s32 $0xFFFFC000  }
0x93: {  	[spmem:s2] =	stream.indirect.scatter.add.f32 [tilespmem:s22], [sflag:$0x3], $0x80, s28, s20, $0xb8;
	[tilespmem:$0x1F800] =	vst v63  }
0x94: {  	_ =	swait.ge [sflag:s19], $0x4000  }
0x95: {  	[sflag:s19] =	ssyncset.done $0x0  }
0x96: {  	s3 =	simm.s32 $0x400;
	s7 =	simm.s32 $0x180;
	[sflag:s19] =	ssyncadd.s32 $0xFFFFC000  }
.LBB2_2:
0x97: {  	[tilespmem:s22], [sflag:$0x2] =	stream.indirect.gather [hbm4b:s4+s20], $0x80, s7, s20, $0xb8;
	[tilespmem:$0x1F800] =	vst v63  }
0x98: {  	s7 =	smov.u32 s3  }
0x99: {  	p0 =	sne.s32 s3, $0x4800;
	s3 =	sadd.s32 $0x400, s3;
	_ =	swait.ge [sflag:s23], $0x4000  }
0x9a: {  	s7 =	sshra.s32 s7, $0x2;
	[sflag:s23] =	ssyncset.done $0x0  }
0x9b: {  	s25 =	sadd.s32 $0x1400, s7;
	[sflag:s23] =	ssyncadd.s32 $0xFFFFC000  }
0x9c: {  	[spmem:s2] =	stream.indirect.scatter.add.f32 [tilespmem:s21], [sflag:$0x3], $0x80, s25, s20, $0xb8;
	[tilespmem:$0x1F800] =	vst v63  }
0x9d: {  	_ =	swait.ge [sflag:s19], $0x4000  }
0x9e: {  	[sflag:s19] =	ssyncset.done $0x0  }
0x9f: {  	s25 =	sadd.s32 $0x100, s7;
	[sflag:s19] =	ssyncadd.s32 $0xFFFFC000  }
0xa0: {  	[tilespmem:s21], [sflag:$0x1] =	stream.indirect.gather [hbm4b:s4+s20], $0x80, s25, s20, $0xb8;
	[tilespmem:$0x1F800] =	vst v63  }
0xa1: {  	_ =	swait.ge [sflag:s24], $0x4000  }
0xa2: {  	[sflag:s24] =	ssyncset.done $0x0  }
.Ltmp0:
0xa3: {  	s25 =	sadd.s32 $0x1480, s7;
	[sflag:s24] =	ssyncadd.s32 $0xFFFFC000;
	(pc) =	sbr.rel @p0 .LBB2_2-.Ltmp0, $4  }
0xa4: {  	[spmem:s2] =	stream.indirect.scatter.add.f32 [tilespmem:s22], [sflag:$0x3], $0x80, s25, s20, $0xb8;
	[tilespmem:$0x1F800] =	vst v63  }
0xa5: {  	_ =	swait.ge [sflag:s19], $0x4000  }
0xa6: {  	[sflag:s19] =	ssyncset.done $0x0  }
0xa7: {  	s7 =	sadd.s32 $0x180, s7;
	[sflag:s19] =	ssyncadd.s32 $0xFFFFC000  }
0xa8: {  	[tilespmem:s22], [sflag:$0x2] =	stream.indirect.gather [hbm4b:s4+s20], $0x80, s7, s20, $0xb8;
	[tilespmem:$0x1F800] =	vst v63  }
0xa9: {  	_ =	swait.ge [sflag:s23], $0x4000  }
0xaa: {  	[sflag:s23] =	ssyncset.done $0x0  }
0xab: {  	s3 =	simm.s32 $0x2700;
	[sflag:s23] =	ssyncadd.s32 $0xFFFFC000  }
0xac: {  	[spmem:s2] =	stream.indirect.scatter.add.f32 [tilespmem:s21], [sflag:$0x3], $0x80, s3, s20, $0xb8;
	[tilespmem:$0x1F800] =	vst v63  }
0xad: {  	_ =	swait.ge [sflag:s19], $0x4000  }
0xae: {  	[sflag:s19] =	ssyncset.done $0x0  }
0xaf: {  	[sflag:s19] =	ssyncadd.s32 $0xFFFFC000  }
0xb0: {  	_ =	swait.ge [sflag:s24], $0x4000  }
0xb1: {  	[sflag:s24] =	ssyncset.done $0x0  }
0xb2: {  	s25 =	simm.s32 $0x2780;
	[sflag:s24] =	ssyncadd.s32 $0xFFFFC000  }
0xb3: {  	[spmem:s2] =	stream.indirect.scatter.add.f32 [tilespmem:s22], [sflag:$0x3], $0x80, s25, s20, $0xb8;
	[tilespmem:$0x1F800] =	vst v63  }
0xb4: {  	_ =	swait.ge [sflag:s19], $0x4000  }
0xb5: {  	[sflag:s19] =	ssyncset.done $0x0  }
0xb6: {  	s26 =	simm.s32 $0x0;
	s28 =	rddreg [dreg:$0x7];
	[sflag:s19] =	ssyncadd.s32 $0xFFFFC000  }
0xb7: {  	[tilespmem:s26], [sflag:$0x3] =	stream.linear.gather [hbm4b:s28+s26], $0x1400, $0x38;
	[tilespmem:$0x1F800] =	vst v63  }
0xb8: {  	_ =	swait.ge [sflag:s19], $0x1400  }
0xb9: {  	[sflag:s19] =	ssyncset.done $0x0  }
0xba: {  	[sflag:s19] =	ssyncadd.s32 $0xFFFFEC00  }
0xbb: {  	[tilespmem:s21], [sflag:$0x1] =	stream.indirect.gather [hbm4b:s4+s20], $0x80, s26, s20, $0xb8;
	[tilespmem:$0x1F800] =	vst v63  }
0xbc: {  	s25 =	stileid.u32  }
0xbd: {  	[tilespmem:s22], [sflag:$0x2] =	stream.indirect.gather [hbm4b:s4+s20], $0x80, s20, s20, $0xb8;
	[tilespmem:$0x1F800] =	vst v63  }
0xbe: {  	s3 =	sshll.u32 s25, $0x6;
	[bflag:$0x0] =	sbarrier.arrive $0xFFFF  }
0xbf: {  	s7 =	sshrl.u32 s13, $0x3;
	s3 =	sor.u32 $0x1C03, s3;
	s25 =	rddreg [dreg:$0x8]  }
0xc0: {  	[hbm:s25], [sflag:s3] =	dma.local [spmem:s7], $0x2800  }
0xc1: {  	_ =	swait.ge [sflag:s19], $0x2800  }
0xc2: {  	[sflag:s19] =	ssyncset.done $0x0  }
0xc3: {  	[sflag:s19] =	ssyncadd.s32 $0xFFFFD800  }
0xc4: {  	[spmem:s13] =	stream.linear.scatter [tilespmem:s18], [sflag:$0x3], $0x1000, $0x38;
	[tilespmem:$0x1F800] =	vst v63  }
0xc5: {  	_ =	swait.ge [sflag:s19], $0x1000  }
0xc6: {  	[sflag:s19] =	ssyncset.done $0x0  }
0xc7: {  	s26 =	rddreg [dreg:$0x17];
	[sflag:s19] =	ssyncadd.s32 $0xFFFFF000  }
0xc8: {  	[spmem:s26] =	stream.linear.scatter [tilespmem:s18], [sflag:$0x3], $0x1000, $0x38;
	[tilespmem:$0x1F800] =	vst v63  }
0xc9: {  	_ =	swait.ge [sflag:s19], $0x1000  }
0xca: {  	[sflag:s19] =	ssyncset.done $0x0  }
0xcb: {  	s28 =	rddreg [dreg:$0x18];
	[sflag:s19] =	ssyncadd.s32 $0xFFFFF000  }
0xcc: {  	[spmem:s28] =	stream.linear.scatter [tilespmem:s18], [sflag:$0x3], $0x1000, $0x38;
	[tilespmem:$0x1F800] =	vst v63  }
0xcd: {  	_ =	swait.ge [sflag:s19], $0x1000  }
0xce: {  	[sflag:s19] =	ssyncset.done $0x0  }
0xcf: {  	s26 =	rddreg [dreg:$0x19];
	[sflag:s19] =	ssyncadd.s32 $0xFFFFF000  }
0xd0: {  	[spmem:s26] =	stream.linear.scatter [tilespmem:s18], [sflag:$0x3], $0x1000, $0x38;
	[tilespmem:$0x1F800] =	vst v63  }
0xd1: {  	_ =	swait.ge [sflag:s19], $0x1000  }
0xd2: {  	[sflag:s19] =	ssyncset.done $0x0  }
0xd3: {  	[sflag:s19] =	ssyncadd.s32 $0xFFFFF000  }
0xd4: {  	[spmem:s29] =	stream.linear.scatter [tilespmem:s18], [sflag:$0x3], $0x1000, $0x38;
	[tilespmem:$0x1F800] =	vst v63  }
0xd5: {  	_ =	swait.ge [sflag:s19], $0x1000  }
0xd6: {  	[sflag:s19] =	ssyncset.done $0x0  }
0xd7: {  	[sflag:s19] =	ssyncadd.s32 $0xFFFFF000  }
0xd8: {  	[spmem:s30] =	stream.linear.scatter [tilespmem:s18], [sflag:$0x3], $0x1000, $0x38;
	[tilespmem:$0x1F800] =	vst v63  }
0xd9: {  	_ =	swait.ge [sflag:s19], $0x1000  }
0xda: {  	[sflag:s19] =	ssyncset.done $0x0  }
0xdb: {  	[sflag:s19] =	ssyncadd.s32 $0xFFFFF000  }
0xdc: {  	[spmem:s31] =	stream.linear.scatter [tilespmem:s18], [sflag:$0x3], $0x1000, $0x38;
	[tilespmem:$0x1F800] =	vst v63  }
0xdd: {  	_ =	swait.ge [sflag:s19], $0x1000  }
0xde: {  	[sflag:s19] =	ssyncset.done $0x0  }
0xdf: {  	[sflag:s19] =	ssyncadd.s32 $0xFFFFF000  }
0xe0: {  	[spmem:s1] =	stream.linear.scatter [tilespmem:s18], [sflag:$0x3], $0x1000, $0x38;
	[tilespmem:$0x1F800] =	vst v63  }
0xe1: {  	_ =	swait.ge [sflag:s19], $0x1000  }
0xe2: {  	[sflag:s19] =	ssyncset.done $0x0  }
0xe3: {  	[sflag:s19] =	ssyncadd.s32 $0xFFFFF000  }
0xe4: {  	[spmem:s0] =	stream.linear.scatter [tilespmem:s18], [sflag:$0x3], $0x1000, $0x38;
	[tilespmem:$0x1F800] =	vst v63  }
0xe5: {  	_ =	swait.ge [sflag:s19], $0x1000  }
0xe6: {  	[sflag:s19] =	ssyncset.done $0x0  }
0xe7: {  	[sflag:s19] =	ssyncadd.s32 $0xFFFFF000  }
0xe8: {  	[spmem:s5] =	stream.linear.scatter [tilespmem:s18], [sflag:$0x3], $0x1000, $0x38;
	[tilespmem:$0x1F800] =	vst v63  }
0xe9: {  	_ =	swait.ge [sflag:s19], $0x1000  }
0xea: {  	[sflag:s19] =	ssyncset.done $0x0  }
0xeb: {  	[sflag:s19] =	ssyncadd.s32 $0xFFFFF000  }
0xec: {  	[spmem:s6] =	stream.linear.scatter [tilespmem:s18], [sflag:$0x3], $0x1000, $0x38;
	[tilespmem:$0x1F800] =	vst v63  }
0xed: {  	_ =	swait.ge [sflag:s19], $0x1000  }
0xee: {  	[sflag:s19] =	ssyncset.done $0x0  }
0xef: {  	[sflag:s19] =	ssyncadd.s32 $0xFFFFF000  }
0xf0: {  	[spmem:s8] =	stream.linear.scatter [tilespmem:s18], [sflag:$0x3], $0x1000, $0x38;
	[tilespmem:$0x1F800] =	vst v63  }
0xf1: {  	_ =	swait.ge [sflag:s19], $0x1000  }
0xf2: {  	[sflag:s19] =	ssyncset.done $0x0  }
0xf3: {  	[sflag:s19] =	ssyncadd.s32 $0xFFFFF000  }
0xf4: {  	[spmem:s9] =	stream.linear.scatter [tilespmem:s18], [sflag:$0x3], $0x1000, $0x38;
	[tilespmem:$0x1F800] =	vst v63  }
0xf5: {  	_ =	swait.ge [sflag:s19], $0x1000  }
0xf6: {  	[sflag:s19] =	ssyncset.done $0x0  }
0xf7: {  	[sflag:s19] =	ssyncadd.s32 $0xFFFFF000  }
0xf8: {  	[spmem:s10] =	stream.linear.scatter [tilespmem:s18], [sflag:$0x3], $0x1000, $0x38;
	[tilespmem:$0x1F800] =	vst v63  }
0xf9: {  	_ =	swait.ge [sflag:s19], $0x1000  }
0xfa: {  	[sflag:s19] =	ssyncset.done $0x0  }
0xfb: {  	[sflag:s19] =	ssyncadd.s32 $0xFFFFF000  }
0xfc: {  	[spmem:s11] =	stream.linear.scatter [tilespmem:s18], [sflag:$0x3], $0x1000, $0x38;
	[tilespmem:$0x1F800] =	vst v63  }
0xfd: {  	_ =	swait.ge [sflag:s19], $0x1000  }
0xfe: {  	[sflag:s19] =	ssyncset.done $0x0  }
0xff: {  	[sflag:s19] =	ssyncadd.s32 $0xFFFFF000  }
0x100: {  	[spmem:s12] =	stream.linear.scatter [tilespmem:s18], [sflag:$0x3], $0x1000, $0x38;
	[tilespmem:$0x1F800] =	vst v63  }
0x101: {  	_ =	swait.ge [sflag:s19], $0x1000  }
0x102: {  	[sflag:s19] =	ssyncset.done $0x0  }
0x103: {  	[sflag:s19] =	ssyncadd.s32 $0xFFFFF000  }
0x104: {  	[spmem:s14] =	stream.linear.scatter [tilespmem:s18], [sflag:$0x3], $0x1000, $0x38;
	[tilespmem:$0x1F800] =	vst v63  }
0x105: {  	_ =	swait.ge [sflag:s19], $0x1000  }
0x106: {  	[sflag:s19] =	ssyncset.done $0x0  }
0x107: {  	[sflag:s19] =	ssyncadd.s32 $0xFFFFF000  }
0x108: {  	[spmem:s15] =	stream.linear.scatter [tilespmem:s18], [sflag:$0x3], $0x1000, $0x38;
	[tilespmem:$0x1F800] =	vst v63  }
0x109: {  	_ =	swait.ge [sflag:s19], $0x1000  }
0x10a: {  	[sflag:s19] =	ssyncset.done $0x0  }
0x10b: {  	[sflag:s19] =	ssyncadd.s32 $0xFFFFF000  }
0x10c: {  	[spmem:s16] =	stream.linear.scatter [tilespmem:s18], [sflag:$0x3], $0x1000, $0x38;
	[tilespmem:$0x1F800] =	vst v63  }
0x10d: {  	_ =	swait.ge [sflag:s19], $0x1000  }
0x10e: {  	[sflag:s19] =	ssyncset.done $0x0  }
0x10f: {  	[sflag:s19] =	ssyncadd.s32 $0xFFFFF000  }
0x110: {  	[spmem:s17] =	stream.linear.scatter [tilespmem:s18], [sflag:$0x3], $0x1000, $0x38;
	[tilespmem:$0x1F800] =	vst v63  }
0x111: {  	_ =	swait.ge [sflag:s19], $0x1000  }
0x112: {  	[sflag:s19] =	ssyncset.done $0x0  }
0x113: {  	[sflag:s19] =	ssyncadd.s32 $0xFFFFF000  }
0x114: {  	[bflag:$0x0] =	sbarrier.arrive $0xFFFF  }
0x115: {  	_ =	swait.ge [sflag:s23], $0x4000  }
0x116: {  	[sflag:s23] =	ssyncset.done $0x0  }
0x117: {  	s28 =	simm.s32 $0x1400;
	[sflag:s23] =	ssyncadd.s32 $0xFFFFC000  }
0x118: {  	[spmem:s2] =	stream.indirect.scatter.add.f32 [tilespmem:s21], [sflag:$0x3], $0x80, s28, s20, $0xb8;
	[tilespmem:$0x1F800] =	vst v63  }
0x119: {  	_ =	swait.ge [sflag:s19], $0x4000  }
0x11a: {  	[sflag:s19] =	ssyncset.done $0x0  }
0x11b: {  	s26 =	simm.s32 $0x100;
	[sflag:s19] =	ssyncadd.s32 $0xFFFFC000  }
0x11c: {  	[tilespmem:s21], [sflag:$0x1] =	stream.indirect.gather [hbm4b:s4+s20], $0x80, s26, s20, $0xb8;
	[tilespmem:$0x1F800] =	vst v63  }
0x11d: {  	_ =	swait.ge [sflag:s24], $0x4000  }
0x11e: {  	[sflag:s24] =	ssyncset.done $0x0  }
0x11f: {  	s28 =	simm.s32 $0x1480;
	[sflag:s24] =	ssyncadd.s32 $0xFFFFC000  }
0x120: {  	[spmem:s2] =	stream.indirect.scatter.add.f32 [tilespmem:s22], [sflag:$0x3], $0x80, s28, s20, $0xb8;
	[tilespmem:$0x1F800] =	vst v63  }
0x121: {  	_ =	swait.ge [sflag:s19], $0x4000  }
0x122: {  	[sflag:s19] =	ssyncset.done $0x0  }
0x123: {  	s25 =	simm.s32 $0x400;
	s26 =	simm.s32 $0x180;
	[sflag:s19] =	ssyncadd.s32 $0xFFFFC000  }
.LBB2_4:
0x124: {  	[tilespmem:s22], [sflag:$0x2] =	stream.indirect.gather [hbm4b:s4+s20], $0x80, s26, s20, $0xb8;
	[tilespmem:$0x1F800] =	vst v63  }
0x125: {  	s26 =	smov.u32 s25  }
0x126: {  	p0 =	sne.s32 s25, $0x4800;
	s25 =	sadd.s32 $0x400, s25;
	_ =	swait.ge [sflag:s23], $0x4000  }
0x127: {  	s26 =	sshra.s32 s26, $0x2;
	[sflag:s23] =	ssyncset.done $0x0  }
0x128: {  	s28 =	sadd.s32 $0x1400, s26;
	[sflag:s23] =	ssyncadd.s32 $0xFFFFC000  }
0x129: {  	[spmem:s2] =	stream.indirect.scatter.add.f32 [tilespmem:s21], [sflag:$0x3], $0x80, s28, s20, $0xb8;
	[tilespmem:$0x1F800] =	vst v63  }
0x12a: {  	_ =	swait.ge [sflag:s19], $0x4000  }
0x12b: {  	[sflag:s19] =	ssyncset.done $0x0  }
0x12c: {  	s28 =	sadd.s32 $0x100, s26;
	[sflag:s19] =	ssyncadd.s32 $0xFFFFC000  }
0x12d: {  	[tilespmem:s21], [sflag:$0x1] =	stream.indirect.gather [hbm4b:s4+s20], $0x80, s28, s20, $0xb8;
	[tilespmem:$0x1F800] =	vst v63  }
0x12e: {  	_ =	swait.ge [sflag:s24], $0x4000  }
0x12f: {  	[sflag:s24] =	ssyncset.done $0x0  }
.Ltmp1:
0x130: {  	s28 =	sadd.s32 $0x1480, s26;
	[sflag:s24] =	ssyncadd.s32 $0xFFFFC000;
	(pc) =	sbr.rel @p0 .LBB2_4-.Ltmp1, $4  }
0x131: {  	[spmem:s2] =	stream.indirect.scatter.add.f32 [tilespmem:s22], [sflag:$0x3], $0x80, s28, s20, $0xb8;
	[tilespmem:$0x1F800] =	vst v63  }
0x132: {  	_ =	swait.ge [sflag:s19], $0x4000  }
0x133: {  	[sflag:s19] =	ssyncset.done $0x0  }
0x134: {  	s26 =	sadd.s32 $0x180, s26;
	[sflag:s19] =	ssyncadd.s32 $0xFFFFC000  }
0x135: {  	[tilespmem:s22], [sflag:$0x2] =	stream.indirect.gather [hbm4b:s4+s20], $0x80, s26, s20, $0xb8;
	[tilespmem:$0x1F800] =	vst v63  }
0x136: {  	_ =	swait.ge [sflag:s23], $0x4000  }
0x137: {  	[sflag:s23] =	ssyncset.done $0x0  }
0x138: {  	s25 =	simm.s32 $0x2700;
	[sflag:s23] =	ssyncadd.s32 $0xFFFFC000  }
0x139: {  	[spmem:s2] =	stream.indirect.scatter.add.f32 [tilespmem:s21], [sflag:$0x3], $0x80, s25, s20, $0xb8;
	[tilespmem:$0x1F800] =	vst v63  }
0x13a: {  	_ =	swait.ge [sflag:s19], $0x4000  }
0x13b: {  	[sflag:s19] =	ssyncset.done $0x0  }
0x13c: {  	[sflag:s19] =	ssyncadd.s32 $0xFFFFC000  }
0x13d: {  	_ =	swait.ge [sflag:s24], $0x4000  }
0x13e: {  	[sflag:s24] =	ssyncset.done $0x0  }
0x13f: {  	s26 =	simm.s32 $0x2780;
	[sflag:s24] =	ssyncadd.s32 $0xFFFFC000  }
0x140: {  	[spmem:s2] =	stream.indirect.scatter.add.f32 [tilespmem:s22], [sflag:$0x3], $0x80, s26, s20, $0xb8;
	[tilespmem:$0x1F800] =	vst v63  }
0x141: {  	_ =	swait.ge [sflag:s19], $0x4000  }
0x142: {  	[sflag:s19] =	ssyncset.done $0x0  }
0x143: {  	s25 =	simm.s32 $0x0;
	s28 =	rddreg [dreg:$0x9];
	[sflag:s19] =	ssyncadd.s32 $0xFFFFC000  }
0x144: {  	[tilespmem:s25], [sflag:$0x3] =	stream.linear.gather [hbm4b:s28+s25], $0x1400, $0x38;
	[tilespmem:$0x1F800] =	vst v63  }
0x145: {  	_ =	swait.ge [sflag:s19], $0x1400  }
0x146: {  	[sflag:s19] =	ssyncset.done $0x0  }
0x147: {  	[sflag:s19] =	ssyncadd.s32 $0xFFFFEC00  }
0x148: {  	[tilespmem:s21], [sflag:$0x1] =	stream.indirect.gather [hbm4b:s4+s20], $0x80, s25, s20, $0xb8;
	[tilespmem:$0x1F800] =	vst v63  }
0x149: {  	_ = 	snop  }
0x14a: {  	[tilespmem:s22], [sflag:$0x2] =	stream.indirect.gather [hbm4b:s4+s20], $0x80, s20, s20, $0xb8;
	[tilespmem:$0x1F800] =	vst v63  }
0x14b: {  	[bflag:$0x0] =	sbarrier.arrive $0xFFFF  }
0x14c: {  	s28 =	rddreg [dreg:$0xa]  }
0x14d: {  	[hbm:s28], [sflag:s3] =	dma.local [spmem:s7], $0x2800  }
0x14e: {  	_ =	swait.ge [sflag:s19], $0x2800  }
0x14f: {  	[sflag:s19] =	ssyncset.done $0x0  }
0x150: {  	[sflag:s19] =	ssyncadd.s32 $0xFFFFD800  }
0x151: {  	[spmem:s13] =	stream.linear.scatter [tilespmem:s18], [sflag:$0x3], $0x1000, $0x38;
	[tilespmem:$0x1F800] =	vst v63  }
0x152: {  	_ =	swait.ge [sflag:s19], $0x1000  }
0x153: {  	[sflag:s19] =	ssyncset.done $0x0  }
0x154: {  	s26 =	rddreg [dreg:$0x17];
	[sflag:s19] =	ssyncadd.s32 $0xFFFFF000  }
0x155: {  	[spmem:s26] =	stream.linear.scatter [tilespmem:s18], [sflag:$0x3], $0x1000, $0x38;
	[tilespmem:$0x1F800] =	vst v63  }
0x156: {  	_ =	swait.ge [sflag:s19], $0x1000  }
0x157: {  	[sflag:s19] =	ssyncset.done $0x0  }
0x158: {  	s28 =	rddreg [dreg:$0x18];
	[sflag:s19] =	ssyncadd.s32 $0xFFFFF000  }
0x159: {  	[spmem:s28] =	stream.linear.scatter [tilespmem:s18], [sflag:$0x3], $0x1000, $0x38;
	[tilespmem:$0x1F800] =	vst v63  }
0x15a: {  	_ =	swait.ge [sflag:s19], $0x1000  }
0x15b: {  	[sflag:s19] =	ssyncset.done $0x0  }
0x15c: {  	s26 =	rddreg [dreg:$0x19];
	[sflag:s19] =	ssyncadd.s32 $0xFFFFF000  }
0x15d: {  	[spmem:s26] =	stream.linear.scatter [tilespmem:s18], [sflag:$0x3], $0x1000, $0x38;
	[tilespmem:$0x1F800] =	vst v63  }
0x15e: {  	_ =	swait.ge [sflag:s19], $0x1000  }
0x15f: {  	[sflag:s19] =	ssyncset.done $0x0  }
0x160: {  	[sflag:s19] =	ssyncadd.s32 $0xFFFFF000  }
0x161: {  	[spmem:s29] =	stream.linear.scatter [tilespmem:s18], [sflag:$0x3], $0x1000, $0x38;
	[tilespmem:$0x1F800] =	vst v63  }
0x162: {  	_ =	swait.ge [sflag:s19], $0x1000  }
0x163: {  	[sflag:s19] =	ssyncset.done $0x0  }
0x164: {  	[sflag:s19] =	ssyncadd.s32 $0xFFFFF000  }
0x165: {  	[spmem:s30] =	stream.linear.scatter [tilespmem:s18], [sflag:$0x3], $0x1000, $0x38;
	[tilespmem:$0x1F800] =	vst v63  }
0x166: {  	_ =	swait.ge [sflag:s19], $0x1000  }
0x167: {  	[sflag:s19] =	ssyncset.done $0x0  }
0x168: {  	[sflag:s19] =	ssyncadd.s32 $0xFFFFF000  }
0x169: {  	[spmem:s31] =	stream.linear.scatter [tilespmem:s18], [sflag:$0x3], $0x1000, $0x38;
	[tilespmem:$0x1F800] =	vst v63  }
0x16a: {  	_ =	swait.ge [sflag:s19], $0x1000  }
0x16b: {  	[sflag:s19] =	ssyncset.done $0x0  }
0x16c: {  	[sflag:s19] =	ssyncadd.s32 $0xFFFFF000  }
0x16d: {  	[spmem:s1] =	stream.linear.scatter [tilespmem:s18], [sflag:$0x3], $0x1000, $0x38;
	[tilespmem:$0x1F800] =	vst v63  }
0x16e: {  	_ =	swait.ge [sflag:s19], $0x1000  }
0x16f: {  	[sflag:s19] =	ssyncset.done $0x0  }
0x170: {  	[sflag:s19] =	ssyncadd.s32 $0xFFFFF000  }
0x171: {  	[spmem:s0] =	stream.linear.scatter [tilespmem:s18], [sflag:$0x3], $0x1000, $0x38;
	[tilespmem:$0x1F800] =	vst v63  }
0x172: {  	_ =	swait.ge [sflag:s19], $0x1000  }
0x173: {  	[sflag:s19] =	ssyncset.done $0x0  }
0x174: {  	[sflag:s19] =	ssyncadd.s32 $0xFFFFF000  }
0x175: {  	[spmem:s5] =	stream.linear.scatter [tilespmem:s18], [sflag:$0x3], $0x1000, $0x38;
	[tilespmem:$0x1F800] =	vst v63  }
0x176: {  	_ =	swait.ge [sflag:s19], $0x1000  }
0x177: {  	[sflag:s19] =	ssyncset.done $0x0  }
0x178: {  	[sflag:s19] =	ssyncadd.s32 $0xFFFFF000  }
0x179: {  	[spmem:s6] =	stream.linear.scatter [tilespmem:s18], [sflag:$0x3], $0x1000, $0x38;
	[tilespmem:$0x1F800] =	vst v63  }
0x17a: {  	_ =	swait.ge [sflag:s19], $0x1000  }
0x17b: {  	[sflag:s19] =	ssyncset.done $0x0  }
0x17c: {  	[sflag:s19] =	ssyncadd.s32 $0xFFFFF000  }
0x17d: {  	[spmem:s8] =	stream.linear.scatter [tilespmem:s18], [sflag:$0x3], $0x1000, $0x38;
	[tilespmem:$0x1F800] =	vst v63  }
0x17e: {  	_ =	swait.ge [sflag:s19], $0x1000  }
0x17f: {  	[sflag:s19] =	ssyncset.done $0x0  }
0x180: {  	[sflag:s19] =	ssyncadd.s32 $0xFFFFF000  }
0x181: {  	[spmem:s9] =	stream.linear.scatter [tilespmem:s18], [sflag:$0x3], $0x1000, $0x38;
	[tilespmem:$0x1F800] =	vst v63  }
0x182: {  	_ =	swait.ge [sflag:s19], $0x1000  }
0x183: {  	[sflag:s19] =	ssyncset.done $0x0  }
0x184: {  	[sflag:s19] =	ssyncadd.s32 $0xFFFFF000  }
0x185: {  	[spmem:s10] =	stream.linear.scatter [tilespmem:s18], [sflag:$0x3], $0x1000, $0x38;
	[tilespmem:$0x1F800] =	vst v63  }
0x186: {  	_ =	swait.ge [sflag:s19], $0x1000  }
0x187: {  	[sflag:s19] =	ssyncset.done $0x0  }
0x188: {  	[sflag:s19] =	ssyncadd.s32 $0xFFFFF000  }
0x189: {  	[spmem:s11] =	stream.linear.scatter [tilespmem:s18], [sflag:$0x3], $0x1000, $0x38;
	[tilespmem:$0x1F800] =	vst v63  }
0x18a: {  	_ =	swait.ge [sflag:s19], $0x1000  }
0x18b: {  	[sflag:s19] =	ssyncset.done $0x0  }
0x18c: {  	[sflag:s19] =	ssyncadd.s32 $0xFFFFF000  }
0x18d: {  	[spmem:s12] =	stream.linear.scatter [tilespmem:s18], [sflag:$0x3], $0x1000, $0x38;
	[tilespmem:$0x1F800] =	vst v63  }
0x18e: {  	_ =	swait.ge [sflag:s19], $0x1000  }
0x18f: {  	[sflag:s19] =	ssyncset.done $0x0  }
0x190: {  	[sflag:s19] =	ssyncadd.s32 $0xFFFFF000  }
0x191: {  	[spmem:s14] =	stream.linear.scatter [tilespmem:s18], [sflag:$0x3], $0x1000, $0x38;
	[tilespmem:$0x1F800] =	vst v63  }
0x192: {  	_ =	swait.ge [sflag:s19], $0x1000  }
0x193: {  	[sflag:s19] =	ssyncset.done $0x0  }
0x194: {  	[sflag:s19] =	ssyncadd.s32 $0xFFFFF000  }
0x195: {  	[spmem:s15] =	stream.linear.scatter [tilespmem:s18], [sflag:$0x3], $0x1000, $0x38;
	[tilespmem:$0x1F800] =	vst v63  }
0x196: {  	_ =	swait.ge [sflag:s19], $0x1000  }
0x197: {  	[sflag:s19] =	ssyncset.done $0x0  }
0x198: {  	[sflag:s19] =	ssyncadd.s32 $0xFFFFF000  }
0x199: {  	[spmem:s16] =	stream.linear.scatter [tilespmem:s18], [sflag:$0x3], $0x1000, $0x38;
	[tilespmem:$0x1F800] =	vst v63  }
0x19a: {  	_ =	swait.ge [sflag:s19], $0x1000  }
0x19b: {  	[sflag:s19] =	ssyncset.done $0x0  }
0x19c: {  	[sflag:s19] =	ssyncadd.s32 $0xFFFFF000  }
0x19d: {  	[spmem:s17] =	stream.linear.scatter [tilespmem:s18], [sflag:$0x3], $0x1000, $0x38;
	[tilespmem:$0x1F800] =	vst v63  }
0x19e: {  	_ =	swait.ge [sflag:s19], $0x1000  }
0x19f: {  	[sflag:s19] =	ssyncset.done $0x0  }
0x1a0: {  	[sflag:s19] =	ssyncadd.s32 $0xFFFFF000  }
0x1a1: {  	[bflag:$0x0] =	sbarrier.arrive $0xFFFF  }
0x1a2: {  	_ =	swait.ge [sflag:s23], $0x4000  }
0x1a3: {  	[sflag:s23] =	ssyncset.done $0x0  }
0x1a4: {  	s28 =	simm.s32 $0x1400;
	[sflag:s23] =	ssyncadd.s32 $0xFFFFC000  }
0x1a5: {  	[spmem:s2] =	stream.indirect.scatter.add.f32 [tilespmem:s21], [sflag:$0x3], $0x80, s28, s20, $0xb8;
	[tilespmem:$0x1F800] =	vst v63  }
0x1a6: {  	_ =	swait.ge [sflag:s19], $0x4000  }
0x1a7: {  	[sflag:s19] =	ssyncset.done $0x0  }
0x1a8: {  	s26 =	simm.s32 $0x100;
	[sflag:s19] =	ssyncadd.s32 $0xFFFFC000  }
0x1a9: {  	[tilespmem:s21], [sflag:$0x1] =	stream.indirect.gather [hbm4b:s4+s20], $0x80, s26, s20, $0xb8;
	[tilespmem:$0x1F800] =	vst v63  }
0x1aa: {  	_ =	swait.ge [sflag:s24], $0x4000  }
0x1ab: {  	[sflag:s24] =	ssyncset.done $0x0  }
0x1ac: {  	s28 =	simm.s32 $0x1480;
	[sflag:s24] =	ssyncadd.s32 $0xFFFFC000  }
0x1ad: {  	[spmem:s2] =	stream.indirect.scatter.add.f32 [tilespmem:s22], [sflag:$0x3], $0x80, s28, s20, $0xb8;
	[tilespmem:$0x1F800] =	vst v63  }
0x1ae: {  	_ =	swait.ge [sflag:s19], $0x4000  }
0x1af: {  	[sflag:s19] =	ssyncset.done $0x0  }
0x1b0: {  	s25 =	simm.s32 $0x400;
	s26 =	simm.s32 $0x180;
	[sflag:s19] =	ssyncadd.s32 $0xFFFFC000  }
.LBB2_6:
0x1b1: {  	[tilespmem:s22], [sflag:$0x2] =	stream.indirect.gather [hbm4b:s4+s20], $0x80, s26, s20, $0xb8;
	[tilespmem:$0x1F800] =	vst v63  }
0x1b2: {  	s26 =	smov.u32 s25  }
0x1b3: {  	p0 =	sne.s32 s25, $0x4800;
	s25 =	sadd.s32 $0x400, s25;
	_ =	swait.ge [sflag:s23], $0x4000  }
0x1b4: {  	s26 =	sshra.s32 s26, $0x2;
	[sflag:s23] =	ssyncset.done $0x0  }
0x1b5: {  	s28 =	sadd.s32 $0x1400, s26;
	[sflag:s23] =	ssyncadd.s32 $0xFFFFC000  }
0x1b6: {  	[spmem:s2] =	stream.indirect.scatter.add.f32 [tilespmem:s21], [sflag:$0x3], $0x80, s28, s20, $0xb8;
	[tilespmem:$0x1F800] =	vst v63  }
0x1b7: {  	_ =	swait.ge [sflag:s19], $0x4000  }
0x1b8: {  	[sflag:s19] =	ssyncset.done $0x0  }
0x1b9: {  	s28 =	sadd.s32 $0x100, s26;
	[sflag:s19] =	ssyncadd.s32 $0xFFFFC000  }
0x1ba: {  	[tilespmem:s21], [sflag:$0x1] =	stream.indirect.gather [hbm4b:s4+s20], $0x80, s28, s20, $0xb8;
	[tilespmem:$0x1F800] =	vst v63  }
0x1bb: {  	_ =	swait.ge [sflag:s24], $0x4000  }
0x1bc: {  	[sflag:s24] =	ssyncset.done $0x0  }
.Ltmp2:
0x1bd: {  	s28 =	sadd.s32 $0x1480, s26;
	[sflag:s24] =	ssyncadd.s32 $0xFFFFC000;
	(pc) =	sbr.rel @p0 .LBB2_6-.Ltmp2, $4  }
0x1be: {  	[spmem:s2] =	stream.indirect.scatter.add.f32 [tilespmem:s22], [sflag:$0x3], $0x80, s28, s20, $0xb8;
	[tilespmem:$0x1F800] =	vst v63  }
0x1bf: {  	_ =	swait.ge [sflag:s19], $0x4000  }
0x1c0: {  	[sflag:s19] =	ssyncset.done $0x0  }
0x1c1: {  	s26 =	sadd.s32 $0x180, s26;
	[sflag:s19] =	ssyncadd.s32 $0xFFFFC000  }
0x1c2: {  	[tilespmem:s22], [sflag:$0x2] =	stream.indirect.gather [hbm4b:s4+s20], $0x80, s26, s20, $0xb8;
	[tilespmem:$0x1F800] =	vst v63  }
0x1c3: {  	_ =	swait.ge [sflag:s23], $0x4000  }
0x1c4: {  	[sflag:s23] =	ssyncset.done $0x0  }
0x1c5: {  	s25 =	simm.s32 $0x2700;
	[sflag:s23] =	ssyncadd.s32 $0xFFFFC000  }
0x1c6: {  	[spmem:s2] =	stream.indirect.scatter.add.f32 [tilespmem:s21], [sflag:$0x3], $0x80, s25, s20, $0xb8;
	[tilespmem:$0x1F800] =	vst v63  }
0x1c7: {  	_ =	swait.ge [sflag:s19], $0x4000  }
0x1c8: {  	[sflag:s19] =	ssyncset.done $0x0  }
0x1c9: {  	[sflag:s19] =	ssyncadd.s32 $0xFFFFC000  }
0x1ca: {  	_ =	swait.ge [sflag:s24], $0x4000  }
0x1cb: {  	[sflag:s24] =	ssyncset.done $0x0  }
0x1cc: {  	s26 =	simm.s32 $0x2780;
	[sflag:s24] =	ssyncadd.s32 $0xFFFFC000  }
0x1cd: {  	[spmem:s2] =	stream.indirect.scatter.add.f32 [tilespmem:s22], [sflag:$0x3], $0x80, s26, s20, $0xb8;
	[tilespmem:$0x1F800] =	vst v63  }
0x1ce: {  	_ =	swait.ge [sflag:s19], $0x4000  }
0x1cf: {  	[sflag:s19] =	ssyncset.done $0x0  }
0x1d0: {  	s25 =	simm.s32 $0x0;
	s28 =	rddreg [dreg:$0xb];
	[sflag:s19] =	ssyncadd.s32 $0xFFFFC000  }
0x1d1: {  	[tilespmem:s25], [sflag:$0x3] =	stream.linear.gather [hbm4b:s28+s25], $0x1400, $0x38;
	[tilespmem:$0x1F800] =	vst v63  }
0x1d2: {  	_ =	swait.ge [sflag:s19], $0x1400  }
0x1d3: {  	[sflag:s19] =	ssyncset.done $0x0  }
0x1d4: {  	[sflag:s19] =	ssyncadd.s32 $0xFFFFEC00  }
0x1d5: {  	[tilespmem:s21], [sflag:$0x1] =	stream.indirect.gather [hbm4b:s4+s20], $0x80, s25, s20, $0xb8;
	[tilespmem:$0x1F800] =	vst v63  }
0x1d6: {  	_ = 	snop  }
0x1d7: {  	[tilespmem:s22], [sflag:$0x2] =	stream.indirect.gather [hbm4b:s4+s20], $0x80, s20, s20, $0xb8;
	[tilespmem:$0x1F800] =	vst v63  }
0x1d8: {  	[bflag:$0x0] =	sbarrier.arrive $0xFFFF  }
0x1d9: {  	s28 =	rddreg [dreg:$0xc]  }
0x1da: {  	[hbm:s28], [sflag:s3] =	dma.local [spmem:s7], $0x2800  }
0x1db: {  	_ =	swait.ge [sflag:s19], $0x2800  }
0x1dc: {  	[sflag:s19] =	ssyncset.done $0x0  }
0x1dd: {  	[sflag:s19] =	ssyncadd.s32 $0xFFFFD800  }
0x1de: {  	[spmem:s13] =	stream.linear.scatter [tilespmem:s18], [sflag:$0x3], $0x1000, $0x38;
	[tilespmem:$0x1F800] =	vst v63  }
0x1df: {  	_ =	swait.ge [sflag:s19], $0x1000  }
0x1e0: {  	[sflag:s19] =	ssyncset.done $0x0  }
0x1e1: {  	s26 =	rddreg [dreg:$0x17];
	[sflag:s19] =	ssyncadd.s32 $0xFFFFF000  }
0x1e2: {  	[spmem:s26] =	stream.linear.scatter [tilespmem:s18], [sflag:$0x3], $0x1000, $0x38;
	[tilespmem:$0x1F800] =	vst v63  }
0x1e3: {  	_ =	swait.ge [sflag:s19], $0x1000  }
0x1e4: {  	[sflag:s19] =	ssyncset.done $0x0  }
0x1e5: {  	s28 =	rddreg [dreg:$0x18];
	[sflag:s19] =	ssyncadd.s32 $0xFFFFF000  }
0x1e6: {  	[spmem:s28] =	stream.linear.scatter [tilespmem:s18], [sflag:$0x3], $0x1000, $0x38;
	[tilespmem:$0x1F800] =	vst v63  }
0x1e7: {  	_ =	swait.ge [sflag:s19], $0x1000  }
0x1e8: {  	[sflag:s19] =	ssyncset.done $0x0  }
0x1e9: {  	s26 =	rddreg [dreg:$0x19];
	[sflag:s19] =	ssyncadd.s32 $0xFFFFF000  }
0x1ea: {  	[spmem:s26] =	stream.linear.scatter [tilespmem:s18], [sflag:$0x3], $0x1000, $0x38;
	[tilespmem:$0x1F800] =	vst v63  }
0x1eb: {  	_ =	swait.ge [sflag:s19], $0x1000  }
0x1ec: {  	[sflag:s19] =	ssyncset.done $0x0  }
0x1ed: {  	[sflag:s19] =	ssyncadd.s32 $0xFFFFF000  }
0x1ee: {  	[spmem:s29] =	stream.linear.scatter [tilespmem:s18], [sflag:$0x3], $0x1000, $0x38;
	[tilespmem:$0x1F800] =	vst v63  }
0x1ef: {  	_ =	swait.ge [sflag:s19], $0x1000  }
0x1f0: {  	[sflag:s19] =	ssyncset.done $0x0  }
0x1f1: {  	[sflag:s19] =	ssyncadd.s32 $0xFFFFF000  }
0x1f2: {  	[spmem:s30] =	stream.linear.scatter [tilespmem:s18], [sflag:$0x3], $0x1000, $0x38;
	[tilespmem:$0x1F800] =	vst v63  }
0x1f3: {  	_ =	swait.ge [sflag:s19], $0x1000  }
0x1f4: {  	[sflag:s19] =	ssyncset.done $0x0  }
0x1f5: {  	[sflag:s19] =	ssyncadd.s32 $0xFFFFF000  }
0x1f6: {  	[spmem:s31] =	stream.linear.scatter [tilespmem:s18], [sflag:$0x3], $0x1000, $0x38;
	[tilespmem:$0x1F800] =	vst v63  }
0x1f7: {  	_ =	swait.ge [sflag:s19], $0x1000  }
0x1f8: {  	[sflag:s19] =	ssyncset.done $0x0  }
0x1f9: {  	[sflag:s19] =	ssyncadd.s32 $0xFFFFF000  }
0x1fa: {  	[spmem:s1] =	stream.linear.scatter [tilespmem:s18], [sflag:$0x3], $0x1000, $0x38;
	[tilespmem:$0x1F800] =	vst v63  }
0x1fb: {  	_ =	swait.ge [sflag:s19], $0x1000  }
0x1fc: {  	[sflag:s19] =	ssyncset.done $0x0  }
0x1fd: {  	[sflag:s19] =	ssyncadd.s32 $0xFFFFF000  }
0x1fe: {  	[spmem:s0] =	stream.linear.scatter [tilespmem:s18], [sflag:$0x3], $0x1000, $0x38;
	[tilespmem:$0x1F800] =	vst v63  }
0x1ff: {  	_ =	swait.ge [sflag:s19], $0x1000  }
0x200: {  	[sflag:s19] =	ssyncset.done $0x0  }
0x201: {  	[sflag:s19] =	ssyncadd.s32 $0xFFFFF000  }
0x202: {  	[spmem:s5] =	stream.linear.scatter [tilespmem:s18], [sflag:$0x3], $0x1000, $0x38;
	[tilespmem:$0x1F800] =	vst v63  }
0x203: {  	_ =	swait.ge [sflag:s19], $0x1000  }
0x204: {  	[sflag:s19] =	ssyncset.done $0x0  }
0x205: {  	[sflag:s19] =	ssyncadd.s32 $0xFFFFF000  }
0x206: {  	[spmem:s6] =	stream.linear.scatter [tilespmem:s18], [sflag:$0x3], $0x1000, $0x38;
	[tilespmem:$0x1F800] =	vst v63  }
0x207: {  	_ =	swait.ge [sflag:s19], $0x1000  }
0x208: {  	[sflag:s19] =	ssyncset.done $0x0  }
0x209: {  	[sflag:s19] =	ssyncadd.s32 $0xFFFFF000  }
0x20a: {  	[spmem:s8] =	stream.linear.scatter [tilespmem:s18], [sflag:$0x3], $0x1000, $0x38;
	[tilespmem:$0x1F800] =	vst v63  }
0x20b: {  	_ =	swait.ge [sflag:s19], $0x1000  }
0x20c: {  	[sflag:s19] =	ssyncset.done $0x0  }
0x20d: {  	[sflag:s19] =	ssyncadd.s32 $0xFFFFF000  }
0x20e: {  	[spmem:s9] =	stream.linear.scatter [tilespmem:s18], [sflag:$0x3], $0x1000, $0x38;
	[tilespmem:$0x1F800] =	vst v63  }
0x20f: {  	_ =	swait.ge [sflag:s19], $0x1000  }
0x210: {  	[sflag:s19] =	ssyncset.done $0x0  }
0x211: {  	[sflag:s19] =	ssyncadd.s32 $0xFFFFF000  }
0x212: {  	[spmem:s10] =	stream.linear.scatter [tilespmem:s18], [sflag:$0x3], $0x1000, $0x38;
	[tilespmem:$0x1F800] =	vst v63  }
0x213: {  	_ =	swait.ge [sflag:s19], $0x1000  }
0x214: {  	[sflag:s19] =	ssyncset.done $0x0  }
0x215: {  	[sflag:s19] =	ssyncadd.s32 $0xFFFFF000  }
0x216: {  	[spmem:s11] =	stream.linear.scatter [tilespmem:s18], [sflag:$0x3], $0x1000, $0x38;
	[tilespmem:$0x1F800] =	vst v63  }
0x217: {  	_ =	swait.ge [sflag:s19], $0x1000  }
0x218: {  	[sflag:s19] =	ssyncset.done $0x0  }
0x219: {  	[sflag:s19] =	ssyncadd.s32 $0xFFFFF000  }
0x21a: {  	[spmem:s12] =	stream.linear.scatter [tilespmem:s18], [sflag:$0x3], $0x1000, $0x38;
	[tilespmem:$0x1F800] =	vst v63  }
0x21b: {  	_ =	swait.ge [sflag:s19], $0x1000  }
0x21c: {  	[sflag:s19] =	ssyncset.done $0x0  }
0x21d: {  	[sflag:s19] =	ssyncadd.s32 $0xFFFFF000  }
0x21e: {  	[spmem:s14] =	stream.linear.scatter [tilespmem:s18], [sflag:$0x3], $0x1000, $0x38;
	[tilespmem:$0x1F800] =	vst v63  }
0x21f: {  	_ =	swait.ge [sflag:s19], $0x1000  }
0x220: {  	[sflag:s19] =	ssyncset.done $0x0  }
0x221: {  	[sflag:s19] =	ssyncadd.s32 $0xFFFFF000  }
0x222: {  	[spmem:s15] =	stream.linear.scatter [tilespmem:s18], [sflag:$0x3], $0x1000, $0x38;
	[tilespmem:$0x1F800] =	vst v63  }
0x223: {  	_ =	swait.ge [sflag:s19], $0x1000  }
0x224: {  	[sflag:s19] =	ssyncset.done $0x0  }
0x225: {  	[sflag:s19] =	ssyncadd.s32 $0xFFFFF000  }
0x226: {  	[spmem:s16] =	stream.linear.scatter [tilespmem:s18], [sflag:$0x3], $0x1000, $0x38;
	[tilespmem:$0x1F800] =	vst v63  }
0x227: {  	_ =	swait.ge [sflag:s19], $0x1000  }
0x228: {  	[sflag:s19] =	ssyncset.done $0x0  }
0x229: {  	[sflag:s19] =	ssyncadd.s32 $0xFFFFF000  }
0x22a: {  	[spmem:s17] =	stream.linear.scatter [tilespmem:s18], [sflag:$0x3], $0x1000, $0x38;
	[tilespmem:$0x1F800] =	vst v63  }
0x22b: {  	_ =	swait.ge [sflag:s19], $0x1000  }
0x22c: {  	[sflag:s19] =	ssyncset.done $0x0  }
0x22d: {  	[sflag:s19] =	ssyncadd.s32 $0xFFFFF000  }
0x22e: {  	[bflag:$0x0] =	sbarrier.arrive $0xFFFF  }
0x22f: {  	_ =	swait.ge [sflag:s23], $0x4000  }
0x230: {  	[sflag:s23] =	ssyncset.done $0x0  }
0x231: {  	s28 =	simm.s32 $0x1400;
	[sflag:s23] =	ssyncadd.s32 $0xFFFFC000  }
0x232: {  	[spmem:s2] =	stream.indirect.scatter.add.f32 [tilespmem:s21], [sflag:$0x3], $0x80, s28, s20, $0xb8;
	[tilespmem:$0x1F800] =	vst v63  }
0x233: {  	_ =	swait.ge [sflag:s19], $0x4000  }
0x234: {  	[sflag:s19] =	ssyncset.done $0x0  }
0x235: {  	s26 =	simm.s32 $0x100;
	[sflag:s19] =	ssyncadd.s32 $0xFFFFC000  }
0x236: {  	[tilespmem:s21], [sflag:$0x1] =	stream.indirect.gather [hbm4b:s4+s20], $0x80, s26, s20, $0xb8;
	[tilespmem:$0x1F800] =	vst v63  }
0x237: {  	_ =	swait.ge [sflag:s24], $0x4000  }
0x238: {  	[sflag:s24] =	ssyncset.done $0x0  }
0x239: {  	s28 =	simm.s32 $0x1480;
	[sflag:s24] =	ssyncadd.s32 $0xFFFFC000  }
0x23a: {  	[spmem:s2] =	stream.indirect.scatter.add.f32 [tilespmem:s22], [sflag:$0x3], $0x80, s28, s20, $0xb8;
	[tilespmem:$0x1F800] =	vst v63  }
0x23b: {  	_ =	swait.ge [sflag:s19], $0x4000  }
0x23c: {  	[sflag:s19] =	ssyncset.done $0x0  }
0x23d: {  	s25 =	simm.s32 $0x400;
	s26 =	simm.s32 $0x180;
	[sflag:s19] =	ssyncadd.s32 $0xFFFFC000  }
.LBB2_8:
0x23e: {  	[tilespmem:s22], [sflag:$0x2] =	stream.indirect.gather [hbm4b:s4+s20], $0x80, s26, s20, $0xb8;
	[tilespmem:$0x1F800] =	vst v63  }
0x23f: {  	s26 =	smov.u32 s25  }
0x240: {  	p0 =	sne.s32 s25, $0x4800;
	s25 =	sadd.s32 $0x400, s25;
	_ =	swait.ge [sflag:s23], $0x4000  }
0x241: {  	s26 =	sshra.s32 s26, $0x2;
	[sflag:s23] =	ssyncset.done $0x0  }
0x242: {  	s28 =	sadd.s32 $0x1400, s26;
	[sflag:s23] =	ssyncadd.s32 $0xFFFFC000  }
0x243: {  	[spmem:s2] =	stream.indirect.scatter.add.f32 [tilespmem:s21], [sflag:$0x3], $0x80, s28, s20, $0xb8;
	[tilespmem:$0x1F800] =	vst v63  }
0x244: {  	_ =	swait.ge [sflag:s19], $0x4000  }
0x245: {  	[sflag:s19] =	ssyncset.done $0x0  }
0x246: {  	s28 =	sadd.s32 $0x100, s26;
	[sflag:s19] =	ssyncadd.s32 $0xFFFFC000  }
0x247: {  	[tilespmem:s21], [sflag:$0x1] =	stream.indirect.gather [hbm4b:s4+s20], $0x80, s28, s20, $0xb8;
	[tilespmem:$0x1F800] =	vst v63  }
0x248: {  	_ =	swait.ge [sflag:s24], $0x4000  }
0x249: {  	[sflag:s24] =	ssyncset.done $0x0  }
.Ltmp3:
0x24a: {  	s28 =	sadd.s32 $0x1480, s26;
	[sflag:s24] =	ssyncadd.s32 $0xFFFFC000;
	(pc) =	sbr.rel @p0 .LBB2_8-.Ltmp3, $4  }
0x24b: {  	[spmem:s2] =	stream.indirect.scatter.add.f32 [tilespmem:s22], [sflag:$0x3], $0x80, s28, s20, $0xb8;
	[tilespmem:$0x1F800] =	vst v63  }
0x24c: {  	_ =	swait.ge [sflag:s19], $0x4000  }
0x24d: {  	[sflag:s19] =	ssyncset.done $0x0  }
0x24e: {  	s26 =	sadd.s32 $0x180, s26;
	[sflag:s19] =	ssyncadd.s32 $0xFFFFC000  }
0x24f: {  	[tilespmem:s22], [sflag:$0x2] =	stream.indirect.gather [hbm4b:s4+s20], $0x80, s26, s20, $0xb8;
	[tilespmem:$0x1F800] =	vst v63  }
0x250: {  	_ =	swait.ge [sflag:s23], $0x4000  }
0x251: {  	[sflag:s23] =	ssyncset.done $0x0  }
0x252: {  	s25 =	simm.s32 $0x2700;
	[sflag:s23] =	ssyncadd.s32 $0xFFFFC000  }
0x253: {  	[spmem:s2] =	stream.indirect.scatter.add.f32 [tilespmem:s21], [sflag:$0x3], $0x80, s25, s20, $0xb8;
	[tilespmem:$0x1F800] =	vst v63  }
0x254: {  	_ =	swait.ge [sflag:s19], $0x4000  }
0x255: {  	[sflag:s19] =	ssyncset.done $0x0  }
0x256: {  	[sflag:s19] =	ssyncadd.s32 $0xFFFFC000  }
0x257: {  	_ =	swait.ge [sflag:s24], $0x4000  }
0x258: {  	[sflag:s24] =	ssyncset.done $0x0  }
0x259: {  	s26 =	simm.s32 $0x2780;
	[sflag:s24] =	ssyncadd.s32 $0xFFFFC000  }
0x25a: {  	[spmem:s2] =	stream.indirect.scatter.add.f32 [tilespmem:s22], [sflag:$0x3], $0x80, s26, s20, $0xb8;
	[tilespmem:$0x1F800] =	vst v63  }
0x25b: {  	_ =	swait.ge [sflag:s19], $0x4000  }
0x25c: {  	[sflag:s19] =	ssyncset.done $0x0  }
0x25d: {  	s25 =	simm.s32 $0x0;
	s28 =	rddreg [dreg:$0xe];
	[sflag:s19] =	ssyncadd.s32 $0xFFFFC000  }
0x25e: {  	[tilespmem:s25], [sflag:$0x3] =	stream.linear.gather [hbm4b:s28+s25], $0x1400, $0x38;
	[tilespmem:$0x1F800] =	vst v63  }
0x25f: {  	_ =	swait.ge [sflag:s19], $0x1400  }
0x260: {  	[sflag:s19] =	ssyncset.done $0x0  }
0x261: {  	[sflag:s19] =	ssyncadd.s32 $0xFFFFEC00  }
0x262: {  	[tilespmem:s21], [sflag:$0x1] =	stream.indirect.gather [hbm4b:s4+s20], $0x80, s25, s20, $0xb8;
	[tilespmem:$0x1F800] =	vst v63  }
0x263: {  	_ = 	snop  }
0x264: {  	[tilespmem:s22], [sflag:$0x2] =	stream.indirect.gather [hbm4b:s4+s20], $0x80, s20, s20, $0xb8;
	[tilespmem:$0x1F800] =	vst v63  }
0x265: {  	[bflag:$0x0] =	sbarrier.arrive $0xFFFF  }
0x266: {  	s28 =	rddreg [dreg:$0xd]  }
0x267: {  	[hbm:s28], [sflag:s3] =	dma.local [spmem:s7], $0x2800  }
0x268: {  	_ =	swait.ge [sflag:s19], $0x2800  }
0x269: {  	[sflag:s19] =	ssyncset.done $0x0  }
0x26a: {  	[sflag:s19] =	ssyncadd.s32 $0xFFFFD800  }
0x26b: {  	[spmem:s13] =	stream.linear.scatter [tilespmem:s18], [sflag:$0x3], $0x1000, $0x38;
	[tilespmem:$0x1F800] =	vst v63  }
0x26c: {  	_ =	swait.ge [sflag:s19], $0x1000  }
0x26d: {  	[sflag:s19] =	ssyncset.done $0x0  }
0x26e: {  	s26 =	rddreg [dreg:$0x17];
	[sflag:s19] =	ssyncadd.s32 $0xFFFFF000  }
0x26f: {  	[spmem:s26] =	stream.linear.scatter [tilespmem:s18], [sflag:$0x3], $0x1000, $0x38;
	[tilespmem:$0x1F800] =	vst v63  }
0x270: {  	_ =	swait.ge [sflag:s19], $0x1000  }
0x271: {  	[sflag:s19] =	ssyncset.done $0x0  }
0x272: {  	s28 =	rddreg [dreg:$0x18];
	[sflag:s19] =	ssyncadd.s32 $0xFFFFF000  }
0x273: {  	[spmem:s28] =	stream.linear.scatter [tilespmem:s18], [sflag:$0x3], $0x1000, $0x38;
	[tilespmem:$0x1F800] =	vst v63  }
0x274: {  	_ =	swait.ge [sflag:s19], $0x1000  }
0x275: {  	[sflag:s19] =	ssyncset.done $0x0  }
0x276: {  	s26 =	rddreg [dreg:$0x19];
	[sflag:s19] =	ssyncadd.s32 $0xFFFFF000  }
0x277: {  	[spmem:s26] =	stream.linear.scatter [tilespmem:s18], [sflag:$0x3], $0x1000, $0x38;
	[tilespmem:$0x1F800] =	vst v63  }
0x278: {  	_ =	swait.ge [sflag:s19], $0x1000  }
0x279: {  	[sflag:s19] =	ssyncset.done $0x0  }
0x27a: {  	[sflag:s19] =	ssyncadd.s32 $0xFFFFF000  }
0x27b: {  	[spmem:s29] =	stream.linear.scatter [tilespmem:s18], [sflag:$0x3], $0x1000, $0x38;
	[tilespmem:$0x1F800] =	vst v63  }
0x27c: {  	_ =	swait.ge [sflag:s19], $0x1000  }
0x27d: {  	[sflag:s19] =	ssyncset.done $0x0  }
0x27e: {  	[sflag:s19] =	ssyncadd.s32 $0xFFFFF000  }
0x27f: {  	[spmem:s30] =	stream.linear.scatter [tilespmem:s18], [sflag:$0x3], $0x1000, $0x38;
	[tilespmem:$0x1F800] =	vst v63  }
0x280: {  	_ =	swait.ge [sflag:s19], $0x1000  }
0x281: {  	[sflag:s19] =	ssyncset.done $0x0  }
0x282: {  	[sflag:s19] =	ssyncadd.s32 $0xFFFFF000  }
0x283: {  	[spmem:s31] =	stream.linear.scatter [tilespmem:s18], [sflag:$0x3], $0x1000, $0x38;
	[tilespmem:$0x1F800] =	vst v63  }
0x284: {  	_ =	swait.ge [sflag:s19], $0x1000  }
0x285: {  	[sflag:s19] =	ssyncset.done $0x0  }
0x286: {  	[sflag:s19] =	ssyncadd.s32 $0xFFFFF000  }
0x287: {  	[spmem:s1] =	stream.linear.scatter [tilespmem:s18], [sflag:$0x3], $0x1000, $0x38;
	[tilespmem:$0x1F800] =	vst v63  }
0x288: {  	_ =	swait.ge [sflag:s19], $0x1000  }
0x289: {  	[sflag:s19] =	ssyncset.done $0x0  }
0x28a: {  	[sflag:s19] =	ssyncadd.s32 $0xFFFFF000  }
0x28b: {  	[spmem:s0] =	stream.linear.scatter [tilespmem:s18], [sflag:$0x3], $0x1000, $0x38;
	[tilespmem:$0x1F800] =	vst v63  }
0x28c: {  	_ =	swait.ge [sflag:s19], $0x1000  }
0x28d: {  	[sflag:s19] =	ssyncset.done $0x0  }
0x28e: {  	[sflag:s19] =	ssyncadd.s32 $0xFFFFF000  }
0x28f: {  	[spmem:s5] =	stream.linear.scatter [tilespmem:s18], [sflag:$0x3], $0x1000, $0x38;
	[tilespmem:$0x1F800] =	vst v63  }
0x290: {  	_ =	swait.ge [sflag:s19], $0x1000  }
0x291: {  	[sflag:s19] =	ssyncset.done $0x0  }
0x292: {  	[sflag:s19] =	ssyncadd.s32 $0xFFFFF000  }
0x293: {  	[spmem:s6] =	stream.linear.scatter [tilespmem:s18], [sflag:$0x3], $0x1000, $0x38;
	[tilespmem:$0x1F800] =	vst v63  }
0x294: {  	_ =	swait.ge [sflag:s19], $0x1000  }
0x295: {  	[sflag:s19] =	ssyncset.done $0x0  }
0x296: {  	[sflag:s19] =	ssyncadd.s32 $0xFFFFF000  }
0x297: {  	[spmem:s8] =	stream.linear.scatter [tilespmem:s18], [sflag:$0x3], $0x1000, $0x38;
	[tilespmem:$0x1F800] =	vst v63  }
0x298: {  	_ =	swait.ge [sflag:s19], $0x1000  }
0x299: {  	[sflag:s19] =	ssyncset.done $0x0  }
0x29a: {  	[sflag:s19] =	ssyncadd.s32 $0xFFFFF000  }
0x29b: {  	[spmem:s9] =	stream.linear.scatter [tilespmem:s18], [sflag:$0x3], $0x1000, $0x38;
	[tilespmem:$0x1F800] =	vst v63  }
0x29c: {  	_ =	swait.ge [sflag:s19], $0x1000  }
0x29d: {  	[sflag:s19] =	ssyncset.done $0x0  }
0x29e: {  	[sflag:s19] =	ssyncadd.s32 $0xFFFFF000  }
0x29f: {  	[spmem:s10] =	stream.linear.scatter [tilespmem:s18], [sflag:$0x3], $0x1000, $0x38;
	[tilespmem:$0x1F800] =	vst v63  }
0x2a0: {  	_ =	swait.ge [sflag:s19], $0x1000  }
0x2a1: {  	[sflag:s19] =	ssyncset.done $0x0  }
0x2a2: {  	[sflag:s19] =	ssyncadd.s32 $0xFFFFF000  }
0x2a3: {  	[spmem:s11] =	stream.linear.scatter [tilespmem:s18], [sflag:$0x3], $0x1000, $0x38;
	[tilespmem:$0x1F800] =	vst v63  }
0x2a4: {  	_ =	swait.ge [sflag:s19], $0x1000  }
0x2a5: {  	[sflag:s19] =	ssyncset.done $0x0  }
0x2a6: {  	[sflag:s19] =	ssyncadd.s32 $0xFFFFF000  }
0x2a7: {  	[spmem:s12] =	stream.linear.scatter [tilespmem:s18], [sflag:$0x3], $0x1000, $0x38;
	[tilespmem:$0x1F800] =	vst v63  }
0x2a8: {  	_ =	swait.ge [sflag:s19], $0x1000  }
0x2a9: {  	[sflag:s19] =	ssyncset.done $0x0  }
0x2aa: {  	[sflag:s19] =	ssyncadd.s32 $0xFFFFF000  }
0x2ab: {  	[spmem:s14] =	stream.linear.scatter [tilespmem:s18], [sflag:$0x3], $0x1000, $0x38;
	[tilespmem:$0x1F800] =	vst v63  }
0x2ac: {  	_ =	swait.ge [sflag:s19], $0x1000  }
0x2ad: {  	[sflag:s19] =	ssyncset.done $0x0  }
0x2ae: {  	[sflag:s19] =	ssyncadd.s32 $0xFFFFF000  }
0x2af: {  	[spmem:s15] =	stream.linear.scatter [tilespmem:s18], [sflag:$0x3], $0x1000, $0x38;
	[tilespmem:$0x1F800] =	vst v63  }
0x2b0: {  	_ =	swait.ge [sflag:s19], $0x1000  }
0x2b1: {  	[sflag:s19] =	ssyncset.done $0x0  }
0x2b2: {  	[sflag:s19] =	ssyncadd.s32 $0xFFFFF000  }
0x2b3: {  	[spmem:s16] =	stream.linear.scatter [tilespmem:s18], [sflag:$0x3], $0x1000, $0x38;
	[tilespmem:$0x1F800] =	vst v63  }
0x2b4: {  	_ =	swait.ge [sflag:s19], $0x1000  }
0x2b5: {  	[sflag:s19] =	ssyncset.done $0x0  }
0x2b6: {  	[sflag:s19] =	ssyncadd.s32 $0xFFFFF000  }
0x2b7: {  	[spmem:s17] =	stream.linear.scatter [tilespmem:s18], [sflag:$0x3], $0x1000, $0x38;
	[tilespmem:$0x1F800] =	vst v63  }
0x2b8: {  	_ =	swait.ge [sflag:s19], $0x1000  }
0x2b9: {  	[sflag:s19] =	ssyncset.done $0x0  }
0x2ba: {  	[sflag:s19] =	ssyncadd.s32 $0xFFFFF000  }
0x2bb: {  	[bflag:$0x0] =	sbarrier.arrive $0xFFFF  }
0x2bc: {  	_ =	swait.ge [sflag:s23], $0x4000  }
0x2bd: {  	[sflag:s23] =	ssyncset.done $0x0  }
0x2be: {  	s28 =	simm.s32 $0x1400;
	[sflag:s23] =	ssyncadd.s32 $0xFFFFC000  }
0x2bf: {  	[spmem:s2] =	stream.indirect.scatter.add.f32 [tilespmem:s21], [sflag:$0x3], $0x80, s28, s20, $0xb8;
	[tilespmem:$0x1F800] =	vst v63  }
0x2c0: {  	_ =	swait.ge [sflag:s19], $0x4000  }
0x2c1: {  	[sflag:s19] =	ssyncset.done $0x0  }
0x2c2: {  	s26 =	simm.s32 $0x100;
	[sflag:s19] =	ssyncadd.s32 $0xFFFFC000  }
0x2c3: {  	[tilespmem:s21], [sflag:$0x1] =	stream.indirect.gather [hbm4b:s4+s20], $0x80, s26, s20, $0xb8;
	[tilespmem:$0x1F800] =	vst v63  }
0x2c4: {  	_ =	swait.ge [sflag:s24], $0x4000  }
0x2c5: {  	[sflag:s24] =	ssyncset.done $0x0  }
0x2c6: {  	s28 =	simm.s32 $0x1480;
	[sflag:s24] =	ssyncadd.s32 $0xFFFFC000  }
0x2c7: {  	[spmem:s2] =	stream.indirect.scatter.add.f32 [tilespmem:s22], [sflag:$0x3], $0x80, s28, s20, $0xb8;
	[tilespmem:$0x1F800] =	vst v63  }
0x2c8: {  	_ =	swait.ge [sflag:s19], $0x4000  }
0x2c9: {  	[sflag:s19] =	ssyncset.done $0x0  }
0x2ca: {  	s25 =	simm.s32 $0x400;
	s26 =	simm.s32 $0x180;
	[sflag:s19] =	ssyncadd.s32 $0xFFFFC000  }
.LBB2_10:
0x2cb: {  	[tilespmem:s22], [sflag:$0x2] =	stream.indirect.gather [hbm4b:s4+s20], $0x80, s26, s20, $0xb8;
	[tilespmem:$0x1F800] =	vst v63  }
0x2cc: {  	s26 =	smov.u32 s25  }
0x2cd: {  	p0 =	sne.s32 s25, $0x4800;
	s25 =	sadd.s32 $0x400, s25;
	_ =	swait.ge [sflag:s23], $0x4000  }
0x2ce: {  	s26 =	sshra.s32 s26, $0x2;
	[sflag:s23] =	ssyncset.done $0x0  }
0x2cf: {  	s28 =	sadd.s32 $0x1400, s26;
	[sflag:s23] =	ssyncadd.s32 $0xFFFFC000  }
0x2d0: {  	[spmem:s2] =	stream.indirect.scatter.add.f32 [tilespmem:s21], [sflag:$0x3], $0x80, s28, s20, $0xb8;
	[tilespmem:$0x1F800] =	vst v63  }
0x2d1: {  	_ =	swait.ge [sflag:s19], $0x4000  }
0x2d2: {  	[sflag:s19] =	ssyncset.done $0x0  }
0x2d3: {  	s28 =	sadd.s32 $0x100, s26;
	[sflag:s19] =	ssyncadd.s32 $0xFFFFC000  }
0x2d4: {  	[tilespmem:s21], [sflag:$0x1] =	stream.indirect.gather [hbm4b:s4+s20], $0x80, s28, s20, $0xb8;
	[tilespmem:$0x1F800] =	vst v63  }
0x2d5: {  	_ =	swait.ge [sflag:s24], $0x4000  }
0x2d6: {  	[sflag:s24] =	ssyncset.done $0x0  }
.Ltmp4:
0x2d7: {  	s28 =	sadd.s32 $0x1480, s26;
	[sflag:s24] =	ssyncadd.s32 $0xFFFFC000;
	(pc) =	sbr.rel @p0 .LBB2_10-.Ltmp4, $4  }
0x2d8: {  	[spmem:s2] =	stream.indirect.scatter.add.f32 [tilespmem:s22], [sflag:$0x3], $0x80, s28, s20, $0xb8;
	[tilespmem:$0x1F800] =	vst v63  }
0x2d9: {  	_ =	swait.ge [sflag:s19], $0x4000  }
0x2da: {  	[sflag:s19] =	ssyncset.done $0x0  }
0x2db: {  	s26 =	sadd.s32 $0x180, s26;
	[sflag:s19] =	ssyncadd.s32 $0xFFFFC000  }
0x2dc: {  	[tilespmem:s22], [sflag:$0x2] =	stream.indirect.gather [hbm4b:s4+s20], $0x80, s26, s20, $0xb8;
	[tilespmem:$0x1F800] =	vst v63  }
0x2dd: {  	_ =	swait.ge [sflag:s23], $0x4000  }
0x2de: {  	[sflag:s23] =	ssyncset.done $0x0  }
0x2df: {  	s25 =	simm.s32 $0x2700;
	[sflag:s23] =	ssyncadd.s32 $0xFFFFC000  }
0x2e0: {  	[spmem:s2] =	stream.indirect.scatter.add.f32 [tilespmem:s21], [sflag:$0x3], $0x80, s25, s20, $0xb8;
	[tilespmem:$0x1F800] =	vst v63  }
0x2e1: {  	_ =	swait.ge [sflag:s19], $0x4000  }
0x2e2: {  	[sflag:s19] =	ssyncset.done $0x0  }
0x2e3: {  	[sflag:s19] =	ssyncadd.s32 $0xFFFFC000  }
0x2e4: {  	_ =	swait.ge [sflag:s24], $0x4000  }
0x2e5: {  	[sflag:s24] =	ssyncset.done $0x0  }
0x2e6: {  	s26 =	simm.s32 $0x2780;
	[sflag:s24] =	ssyncadd.s32 $0xFFFFC000  }
0x2e7: {  	[spmem:s2] =	stream.indirect.scatter.add.f32 [tilespmem:s22], [sflag:$0x3], $0x80, s26, s20, $0xb8;
	[tilespmem:$0x1F800] =	vst v63  }
0x2e8: {  	_ =	swait.ge [sflag:s19], $0x4000  }
0x2e9: {  	[sflag:s19] =	ssyncset.done $0x0  }
0x2ea: {  	s25 =	simm.s32 $0x0;
	s28 =	rddreg [dreg:$0xf];
	[sflag:s19] =	ssyncadd.s32 $0xFFFFC000  }
0x2eb: {  	[tilespmem:s25], [sflag:$0x3] =	stream.linear.gather [hbm4b:s28+s25], $0x1400, $0x38;
	[tilespmem:$0x1F800] =	vst v63  }
0x2ec: {  	_ =	swait.ge [sflag:s19], $0x1400  }
0x2ed: {  	[sflag:s19] =	ssyncset.done $0x0  }
0x2ee: {  	[sflag:s19] =	ssyncadd.s32 $0xFFFFEC00  }
0x2ef: {  	[tilespmem:s21], [sflag:$0x1] =	stream.indirect.gather [hbm4b:s4+s20], $0x80, s25, s20, $0xb8;
	[tilespmem:$0x1F800] =	vst v63  }
0x2f0: {  	_ = 	snop  }
0x2f1: {  	[tilespmem:s22], [sflag:$0x2] =	stream.indirect.gather [hbm4b:s4+s20], $0x80, s20, s20, $0xb8;
	[tilespmem:$0x1F800] =	vst v63  }
0x2f2: {  	[bflag:$0x0] =	sbarrier.arrive $0xFFFF  }
0x2f3: {  	s28 =	rddreg [dreg:$0x10]  }
0x2f4: {  	[hbm:s28], [sflag:s3] =	dma.local [spmem:s7], $0x2800  }
0x2f5: {  	_ =	swait.ge [sflag:s19], $0x2800  }
0x2f6: {  	[sflag:s19] =	ssyncset.done $0x0  }
0x2f7: {  	[sflag:s19] =	ssyncadd.s32 $0xFFFFD800  }
0x2f8: {  	[spmem:s13] =	stream.linear.scatter [tilespmem:s18], [sflag:$0x3], $0x1000, $0x38;
	[tilespmem:$0x1F800] =	vst v63  }
0x2f9: {  	_ =	swait.ge [sflag:s19], $0x1000  }
0x2fa: {  	[sflag:s19] =	ssyncset.done $0x0  }
0x2fb: {  	s26 =	rddreg [dreg:$0x17];
	[sflag:s19] =	ssyncadd.s32 $0xFFFFF000  }
0x2fc: {  	[spmem:s26] =	stream.linear.scatter [tilespmem:s18], [sflag:$0x3], $0x1000, $0x38;
	[tilespmem:$0x1F800] =	vst v63  }
0x2fd: {  	_ =	swait.ge [sflag:s19], $0x1000  }
0x2fe: {  	[sflag:s19] =	ssyncset.done $0x0  }
0x2ff: {  	s28 =	rddreg [dreg:$0x18];
	[sflag:s19] =	ssyncadd.s32 $0xFFFFF000  }
0x300: {  	[spmem:s28] =	stream.linear.scatter [tilespmem:s18], [sflag:$0x3], $0x1000, $0x38;
	[tilespmem:$0x1F800] =	vst v63  }
0x301: {  	_ =	swait.ge [sflag:s19], $0x1000  }
0x302: {  	[sflag:s19] =	ssyncset.done $0x0  }
0x303: {  	s26 =	rddreg [dreg:$0x19];
	[sflag:s19] =	ssyncadd.s32 $0xFFFFF000  }
0x304: {  	[spmem:s26] =	stream.linear.scatter [tilespmem:s18], [sflag:$0x3], $0x1000, $0x38;
	[tilespmem:$0x1F800] =	vst v63  }
0x305: {  	_ =	swait.ge [sflag:s19], $0x1000  }
0x306: {  	[sflag:s19] =	ssyncset.done $0x0  }
0x307: {  	[sflag:s19] =	ssyncadd.s32 $0xFFFFF000  }
0x308: {  	[spmem:s29] =	stream.linear.scatter [tilespmem:s18], [sflag:$0x3], $0x1000, $0x38;
	[tilespmem:$0x1F800] =	vst v63  }
0x309: {  	_ =	swait.ge [sflag:s19], $0x1000  }
0x30a: {  	[sflag:s19] =	ssyncset.done $0x0  }
0x30b: {  	[sflag:s19] =	ssyncadd.s32 $0xFFFFF000  }
0x30c: {  	[spmem:s30] =	stream.linear.scatter [tilespmem:s18], [sflag:$0x3], $0x1000, $0x38;
	[tilespmem:$0x1F800] =	vst v63  }
0x30d: {  	_ =	swait.ge [sflag:s19], $0x1000  }
0x30e: {  	[sflag:s19] =	ssyncset.done $0x0  }
0x30f: {  	[sflag:s19] =	ssyncadd.s32 $0xFFFFF000  }
0x310: {  	[spmem:s31] =	stream.linear.scatter [tilespmem:s18], [sflag:$0x3], $0x1000, $0x38;
	[tilespmem:$0x1F800] =	vst v63  }
0x311: {  	_ =	swait.ge [sflag:s19], $0x1000  }
0x312: {  	[sflag:s19] =	ssyncset.done $0x0  }
0x313: {  	[sflag:s19] =	ssyncadd.s32 $0xFFFFF000  }
0x314: {  	[spmem:s1] =	stream.linear.scatter [tilespmem:s18], [sflag:$0x3], $0x1000, $0x38;
	[tilespmem:$0x1F800] =	vst v63  }
0x315: {  	_ =	swait.ge [sflag:s19], $0x1000  }
0x316: {  	[sflag:s19] =	ssyncset.done $0x0  }
0x317: {  	[sflag:s19] =	ssyncadd.s32 $0xFFFFF000  }
0x318: {  	[spmem:s0] =	stream.linear.scatter [tilespmem:s18], [sflag:$0x3], $0x1000, $0x38;
	[tilespmem:$0x1F800] =	vst v63  }
0x319: {  	_ =	swait.ge [sflag:s19], $0x1000  }
0x31a: {  	[sflag:s19] =	ssyncset.done $0x0  }
0x31b: {  	[sflag:s19] =	ssyncadd.s32 $0xFFFFF000  }
0x31c: {  	[spmem:s5] =	stream.linear.scatter [tilespmem:s18], [sflag:$0x3], $0x1000, $0x38;
	[tilespmem:$0x1F800] =	vst v63  }
0x31d: {  	_ =	swait.ge [sflag:s19], $0x1000  }
0x31e: {  	[sflag:s19] =	ssyncset.done $0x0  }
0x31f: {  	[sflag:s19] =	ssyncadd.s32 $0xFFFFF000  }
0x320: {  	[spmem:s6] =	stream.linear.scatter [tilespmem:s18], [sflag:$0x3], $0x1000, $0x38;
	[tilespmem:$0x1F800] =	vst v63  }
0x321: {  	_ =	swait.ge [sflag:s19], $0x1000  }
0x322: {  	[sflag:s19] =	ssyncset.done $0x0  }
0x323: {  	[sflag:s19] =	ssyncadd.s32 $0xFFFFF000  }
0x324: {  	[spmem:s8] =	stream.linear.scatter [tilespmem:s18], [sflag:$0x3], $0x1000, $0x38;
	[tilespmem:$0x1F800] =	vst v63  }
0x325: {  	_ =	swait.ge [sflag:s19], $0x1000  }
0x326: {  	[sflag:s19] =	ssyncset.done $0x0  }
0x327: {  	[sflag:s19] =	ssyncadd.s32 $0xFFFFF000  }
0x328: {  	[spmem:s9] =	stream.linear.scatter [tilespmem:s18], [sflag:$0x3], $0x1000, $0x38;
	[tilespmem:$0x1F800] =	vst v63  }
0x329: {  	_ =	swait.ge [sflag:s19], $0x1000  }
0x32a: {  	[sflag:s19] =	ssyncset.done $0x0  }
0x32b: {  	[sflag:s19] =	ssyncadd.s32 $0xFFFFF000  }
0x32c: {  	[spmem:s10] =	stream.linear.scatter [tilespmem:s18], [sflag:$0x3], $0x1000, $0x38;
	[tilespmem:$0x1F800] =	vst v63  }
0x32d: {  	_ =	swait.ge [sflag:s19], $0x1000  }
0x32e: {  	[sflag:s19] =	ssyncset.done $0x0  }
0x32f: {  	[sflag:s19] =	ssyncadd.s32 $0xFFFFF000  }
0x330: {  	[spmem:s11] =	stream.linear.scatter [tilespmem:s18], [sflag:$0x3], $0x1000, $0x38;
	[tilespmem:$0x1F800] =	vst v63  }
0x331: {  	_ =	swait.ge [sflag:s19], $0x1000  }
0x332: {  	[sflag:s19] =	ssyncset.done $0x0  }
0x333: {  	[sflag:s19] =	ssyncadd.s32 $0xFFFFF000  }
0x334: {  	[spmem:s12] =	stream.linear.scatter [tilespmem:s18], [sflag:$0x3], $0x1000, $0x38;
	[tilespmem:$0x1F800] =	vst v63  }
0x335: {  	_ =	swait.ge [sflag:s19], $0x1000  }
0x336: {  	[sflag:s19] =	ssyncset.done $0x0  }
0x337: {  	[sflag:s19] =	ssyncadd.s32 $0xFFFFF000  }
0x338: {  	[spmem:s14] =	stream.linear.scatter [tilespmem:s18], [sflag:$0x3], $0x1000, $0x38;
	[tilespmem:$0x1F800] =	vst v63  }
0x339: {  	_ =	swait.ge [sflag:s19], $0x1000  }
0x33a: {  	[sflag:s19] =	ssyncset.done $0x0  }
0x33b: {  	[sflag:s19] =	ssyncadd.s32 $0xFFFFF000  }
0x33c: {  	[spmem:s15] =	stream.linear.scatter [tilespmem:s18], [sflag:$0x3], $0x1000, $0x38;
	[tilespmem:$0x1F800] =	vst v63  }
0x33d: {  	_ =	swait.ge [sflag:s19], $0x1000  }
0x33e: {  	[sflag:s19] =	ssyncset.done $0x0  }
0x33f: {  	[sflag:s19] =	ssyncadd.s32 $0xFFFFF000  }
0x340: {  	[spmem:s16] =	stream.linear.scatter [tilespmem:s18], [sflag:$0x3], $0x1000, $0x38;
	[tilespmem:$0x1F800] =	vst v63  }
0x341: {  	_ =	swait.ge [sflag:s19], $0x1000  }
0x342: {  	[sflag:s19] =	ssyncset.done $0x0  }
0x343: {  	[sflag:s19] =	ssyncadd.s32 $0xFFFFF000  }
0x344: {  	[spmem:s17] =	stream.linear.scatter [tilespmem:s18], [sflag:$0x3], $0x1000, $0x38;
	[tilespmem:$0x1F800] =	vst v63  }
0x345: {  	_ =	swait.ge [sflag:s19], $0x1000  }
0x346: {  	[sflag:s19] =	ssyncset.done $0x0  }
0x347: {  	[sflag:s19] =	ssyncadd.s32 $0xFFFFF000  }
0x348: {  	[bflag:$0x0] =	sbarrier.arrive $0xFFFF  }
0x349: {  	_ =	swait.ge [sflag:s23], $0x4000  }
0x34a: {  	[sflag:s23] =	ssyncset.done $0x0  }
0x34b: {  	s28 =	simm.s32 $0x1400;
	[sflag:s23] =	ssyncadd.s32 $0xFFFFC000  }
0x34c: {  	[spmem:s2] =	stream.indirect.scatter.add.f32 [tilespmem:s21], [sflag:$0x3], $0x80, s28, s20, $0xb8;
	[tilespmem:$0x1F800] =	vst v63  }
0x34d: {  	_ =	swait.ge [sflag:s19], $0x4000  }
0x34e: {  	[sflag:s19] =	ssyncset.done $0x0  }
0x34f: {  	s26 =	simm.s32 $0x100;
	[sflag:s19] =	ssyncadd.s32 $0xFFFFC000  }
0x350: {  	[tilespmem:s21], [sflag:$0x1] =	stream.indirect.gather [hbm4b:s4+s20], $0x80, s26, s20, $0xb8;
	[tilespmem:$0x1F800] =	vst v63  }
0x351: {  	_ =	swait.ge [sflag:s24], $0x4000  }
0x352: {  	[sflag:s24] =	ssyncset.done $0x0  }
0x353: {  	s28 =	simm.s32 $0x1480;
	[sflag:s24] =	ssyncadd.s32 $0xFFFFC000  }
0x354: {  	[spmem:s2] =	stream.indirect.scatter.add.f32 [tilespmem:s22], [sflag:$0x3], $0x80, s28, s20, $0xb8;
	[tilespmem:$0x1F800] =	vst v63  }
0x355: {  	_ =	swait.ge [sflag:s19], $0x4000  }
0x356: {  	[sflag:s19] =	ssyncset.done $0x0  }
0x357: {  	s25 =	simm.s32 $0x400;
	s26 =	simm.s32 $0x180;
	[sflag:s19] =	ssyncadd.s32 $0xFFFFC000  }
.LBB2_12:
0x358: {  	[tilespmem:s22], [sflag:$0x2] =	stream.indirect.gather [hbm4b:s4+s20], $0x80, s26, s20, $0xb8;
	[tilespmem:$0x1F800] =	vst v63  }
0x359: {  	s26 =	smov.u32 s25  }
0x35a: {  	p0 =	sne.s32 s25, $0x4800;
	s25 =	sadd.s32 $0x400, s25;
	_ =	swait.ge [sflag:s23], $0x4000  }
0x35b: {  	s26 =	sshra.s32 s26, $0x2;
	[sflag:s23] =	ssyncset.done $0x0  }
0x35c: {  	s28 =	sadd.s32 $0x1400, s26;
	[sflag:s23] =	ssyncadd.s32 $0xFFFFC000  }
0x35d: {  	[spmem:s2] =	stream.indirect.scatter.add.f32 [tilespmem:s21], [sflag:$0x3], $0x80, s28, s20, $0xb8;
	[tilespmem:$0x1F800] =	vst v63  }
0x35e: {  	_ =	swait.ge [sflag:s19], $0x4000  }
0x35f: {  	[sflag:s19] =	ssyncset.done $0x0  }
0x360: {  	s28 =	sadd.s32 $0x100, s26;
	[sflag:s19] =	ssyncadd.s32 $0xFFFFC000  }
0x361: {  	[tilespmem:s21], [sflag:$0x1] =	stream.indirect.gather [hbm4b:s4+s20], $0x80, s28, s20, $0xb8;
	[tilespmem:$0x1F800] =	vst v63  }
0x362: {  	_ =	swait.ge [sflag:s24], $0x4000  }
0x363: {  	[sflag:s24] =	ssyncset.done $0x0  }
.Ltmp5:
0x364: {  	s28 =	sadd.s32 $0x1480, s26;
	[sflag:s24] =	ssyncadd.s32 $0xFFFFC000;
	(pc) =	sbr.rel @p0 .LBB2_12-.Ltmp5, $4  }
0x365: {  	[spmem:s2] =	stream.indirect.scatter.add.f32 [tilespmem:s22], [sflag:$0x3], $0x80, s28, s20, $0xb8;
	[tilespmem:$0x1F800] =	vst v63  }
0x366: {  	_ =	swait.ge [sflag:s19], $0x4000  }
0x367: {  	[sflag:s19] =	ssyncset.done $0x0  }
0x368: {  	s26 =	sadd.s32 $0x180, s26;
	[sflag:s19] =	ssyncadd.s32 $0xFFFFC000  }
0x369: {  	[tilespmem:s22], [sflag:$0x2] =	stream.indirect.gather [hbm4b:s4+s20], $0x80, s26, s20, $0xb8;
	[tilespmem:$0x1F800] =	vst v63  }
0x36a: {  	_ =	swait.ge [sflag:s23], $0x4000  }
0x36b: {  	[sflag:s23] =	ssyncset.done $0x0  }
0x36c: {  	s25 =	simm.s32 $0x2700;
	[sflag:s23] =	ssyncadd.s32 $0xFFFFC000  }
0x36d: {  	[spmem:s2] =	stream.indirect.scatter.add.f32 [tilespmem:s21], [sflag:$0x3], $0x80, s25, s20, $0xb8;
	[tilespmem:$0x1F800] =	vst v63  }
0x36e: {  	_ =	swait.ge [sflag:s19], $0x4000  }
0x36f: {  	[sflag:s19] =	ssyncset.done $0x0  }
0x370: {  	[sflag:s19] =	ssyncadd.s32 $0xFFFFC000  }
0x371: {  	_ =	swait.ge [sflag:s24], $0x4000  }
0x372: {  	[sflag:s24] =	ssyncset.done $0x0  }
0x373: {  	s26 =	simm.s32 $0x2780;
	[sflag:s24] =	ssyncadd.s32 $0xFFFFC000  }
0x374: {  	[spmem:s2] =	stream.indirect.scatter.add.f32 [tilespmem:s22], [sflag:$0x3], $0x80, s26, s20, $0xb8;
	[tilespmem:$0x1F800] =	vst v63  }
0x375: {  	_ =	swait.ge [sflag:s19], $0x4000  }
0x376: {  	[sflag:s19] =	ssyncset.done $0x0  }
0x377: {  	s25 =	simm.s32 $0x0;
	s28 =	rddreg [dreg:$0x11];
	[sflag:s19] =	ssyncadd.s32 $0xFFFFC000  }
0x378: {  	[tilespmem:s25], [sflag:$0x3] =	stream.linear.gather [hbm4b:s28+s25], $0x1400, $0x38;
	[tilespmem:$0x1F800] =	vst v63  }
0x379: {  	_ =	swait.ge [sflag:s19], $0x1400  }
0x37a: {  	[sflag:s19] =	ssyncset.done $0x0  }
0x37b: {  	[sflag:s19] =	ssyncadd.s32 $0xFFFFEC00  }
0x37c: {  	[tilespmem:s21], [sflag:$0x1] =	stream.indirect.gather [hbm4b:s4+s20], $0x80, s25, s20, $0xb8;
	[tilespmem:$0x1F800] =	vst v63  }
0x37d: {  	_ = 	snop  }
0x37e: {  	[tilespmem:s22], [sflag:$0x2] =	stream.indirect.gather [hbm4b:s4+s20], $0x80, s20, s20, $0xb8;
	[tilespmem:$0x1F800] =	vst v63  }
0x37f: {  	[bflag:$0x0] =	sbarrier.arrive $0xFFFF  }
0x380: {  	s28 =	rddreg [dreg:$0x12]  }
0x381: {  	[hbm:s28], [sflag:s3] =	dma.local [spmem:s7], $0x2800  }
0x382: {  	_ =	swait.ge [sflag:s19], $0x2800  }
0x383: {  	[sflag:s19] =	ssyncset.done $0x0  }
0x384: {  	[sflag:s19] =	ssyncadd.s32 $0xFFFFD800  }
0x385: {  	[spmem:s13] =	stream.linear.scatter [tilespmem:s18], [sflag:$0x3], $0x1000, $0x38;
	[tilespmem:$0x1F800] =	vst v63  }
0x386: {  	_ =	swait.ge [sflag:s19], $0x1000  }
0x387: {  	[sflag:s19] =	ssyncset.done $0x0  }
0x388: {  	s26 =	rddreg [dreg:$0x17];
	[sflag:s19] =	ssyncadd.s32 $0xFFFFF000  }
0x389: {  	[spmem:s26] =	stream.linear.scatter [tilespmem:s18], [sflag:$0x3], $0x1000, $0x38;
	[tilespmem:$0x1F800] =	vst v63  }
0x38a: {  	_ =	swait.ge [sflag:s19], $0x1000  }
0x38b: {  	[sflag:s19] =	ssyncset.done $0x0  }
0x38c: {  	s28 =	rddreg [dreg:$0x18];
	[sflag:s19] =	ssyncadd.s32 $0xFFFFF000  }
0x38d: {  	[spmem:s28] =	stream.linear.scatter [tilespmem:s18], [sflag:$0x3], $0x1000, $0x38;
	[tilespmem:$0x1F800] =	vst v63  }
0x38e: {  	_ =	swait.ge [sflag:s19], $0x1000  }
0x38f: {  	[sflag:s19] =	ssyncset.done $0x0  }
0x390: {  	s26 =	rddreg [dreg:$0x19];
	[sflag:s19] =	ssyncadd.s32 $0xFFFFF000  }
0x391: {  	[spmem:s26] =	stream.linear.scatter [tilespmem:s18], [sflag:$0x3], $0x1000, $0x38;
	[tilespmem:$0x1F800] =	vst v63  }
0x392: {  	_ =	swait.ge [sflag:s19], $0x1000  }
0x393: {  	[sflag:s19] =	ssyncset.done $0x0  }
0x394: {  	[sflag:s19] =	ssyncadd.s32 $0xFFFFF000  }
0x395: {  	[spmem:s29] =	stream.linear.scatter [tilespmem:s18], [sflag:$0x3], $0x1000, $0x38;
	[tilespmem:$0x1F800] =	vst v63  }
0x396: {  	_ =	swait.ge [sflag:s19], $0x1000  }
0x397: {  	[sflag:s19] =	ssyncset.done $0x0  }
0x398: {  	[sflag:s19] =	ssyncadd.s32 $0xFFFFF000  }
0x399: {  	[spmem:s30] =	stream.linear.scatter [tilespmem:s18], [sflag:$0x3], $0x1000, $0x38;
	[tilespmem:$0x1F800] =	vst v63  }
0x39a: {  	_ =	swait.ge [sflag:s19], $0x1000  }
0x39b: {  	[sflag:s19] =	ssyncset.done $0x0  }
0x39c: {  	[sflag:s19] =	ssyncadd.s32 $0xFFFFF000  }
0x39d: {  	[spmem:s31] =	stream.linear.scatter [tilespmem:s18], [sflag:$0x3], $0x1000, $0x38;
	[tilespmem:$0x1F800] =	vst v63  }
0x39e: {  	_ =	swait.ge [sflag:s19], $0x1000  }
0x39f: {  	[sflag:s19] =	ssyncset.done $0x0  }
0x3a0: {  	[sflag:s19] =	ssyncadd.s32 $0xFFFFF000  }
0x3a1: {  	[spmem:s1] =	stream.linear.scatter [tilespmem:s18], [sflag:$0x3], $0x1000, $0x38;
	[tilespmem:$0x1F800] =	vst v63  }
0x3a2: {  	_ =	swait.ge [sflag:s19], $0x1000  }
0x3a3: {  	[sflag:s19] =	ssyncset.done $0x0  }
0x3a4: {  	[sflag:s19] =	ssyncadd.s32 $0xFFFFF000  }
0x3a5: {  	[spmem:s0] =	stream.linear.scatter [tilespmem:s18], [sflag:$0x3], $0x1000, $0x38;
	[tilespmem:$0x1F800] =	vst v63  }
0x3a6: {  	_ =	swait.ge [sflag:s19], $0x1000  }
0x3a7: {  	[sflag:s19] =	ssyncset.done $0x0  }
0x3a8: {  	[sflag:s19] =	ssyncadd.s32 $0xFFFFF000  }
0x3a9: {  	[spmem:s5] =	stream.linear.scatter [tilespmem:s18], [sflag:$0x3], $0x1000, $0x38;
	[tilespmem:$0x1F800] =	vst v63  }
0x3aa: {  	_ =	swait.ge [sflag:s19], $0x1000  }
0x3ab: {  	[sflag:s19] =	ssyncset.done $0x0  }
0x3ac: {  	[sflag:s19] =	ssyncadd.s32 $0xFFFFF000  }
0x3ad: {  	[spmem:s6] =	stream.linear.scatter [tilespmem:s18], [sflag:$0x3], $0x1000, $0x38;
	[tilespmem:$0x1F800] =	vst v63  }
0x3ae: {  	_ =	swait.ge [sflag:s19], $0x1000  }
0x3af: {  	[sflag:s19] =	ssyncset.done $0x0  }
0x3b0: {  	[sflag:s19] =	ssyncadd.s32 $0xFFFFF000  }
0x3b1: {  	[spmem:s8] =	stream.linear.scatter [tilespmem:s18], [sflag:$0x3], $0x1000, $0x38;
	[tilespmem:$0x1F800] =	vst v63  }
0x3b2: {  	_ =	swait.ge [sflag:s19], $0x1000  }
0x3b3: {  	[sflag:s19] =	ssyncset.done $0x0  }
0x3b4: {  	[sflag:s19] =	ssyncadd.s32 $0xFFFFF000  }
0x3b5: {  	[spmem:s9] =	stream.linear.scatter [tilespmem:s18], [sflag:$0x3], $0x1000, $0x38;
	[tilespmem:$0x1F800] =	vst v63  }
0x3b6: {  	_ =	swait.ge [sflag:s19], $0x1000  }
0x3b7: {  	[sflag:s19] =	ssyncset.done $0x0  }
0x3b8: {  	[sflag:s19] =	ssyncadd.s32 $0xFFFFF000  }
0x3b9: {  	[spmem:s10] =	stream.linear.scatter [tilespmem:s18], [sflag:$0x3], $0x1000, $0x38;
	[tilespmem:$0x1F800] =	vst v63  }
0x3ba: {  	_ =	swait.ge [sflag:s19], $0x1000  }
0x3bb: {  	[sflag:s19] =	ssyncset.done $0x0  }
0x3bc: {  	[sflag:s19] =	ssyncadd.s32 $0xFFFFF000  }
0x3bd: {  	[spmem:s11] =	stream.linear.scatter [tilespmem:s18], [sflag:$0x3], $0x1000, $0x38;
	[tilespmem:$0x1F800] =	vst v63  }
0x3be: {  	_ =	swait.ge [sflag:s19], $0x1000  }
0x3bf: {  	[sflag:s19] =	ssyncset.done $0x0  }
0x3c0: {  	[sflag:s19] =	ssyncadd.s32 $0xFFFFF000  }
0x3c1: {  	[spmem:s12] =	stream.linear.scatter [tilespmem:s18], [sflag:$0x3], $0x1000, $0x38;
	[tilespmem:$0x1F800] =	vst v63  }
0x3c2: {  	_ =	swait.ge [sflag:s19], $0x1000  }
0x3c3: {  	[sflag:s19] =	ssyncset.done $0x0  }
0x3c4: {  	[sflag:s19] =	ssyncadd.s32 $0xFFFFF000  }
0x3c5: {  	[spmem:s14] =	stream.linear.scatter [tilespmem:s18], [sflag:$0x3], $0x1000, $0x38;
	[tilespmem:$0x1F800] =	vst v63  }
0x3c6: {  	_ =	swait.ge [sflag:s19], $0x1000  }
0x3c7: {  	[sflag:s19] =	ssyncset.done $0x0  }
0x3c8: {  	[sflag:s19] =	ssyncadd.s32 $0xFFFFF000  }
0x3c9: {  	[spmem:s15] =	stream.linear.scatter [tilespmem:s18], [sflag:$0x3], $0x1000, $0x38;
	[tilespmem:$0x1F800] =	vst v63  }
0x3ca: {  	_ =	swait.ge [sflag:s19], $0x1000  }
0x3cb: {  	[sflag:s19] =	ssyncset.done $0x0  }
0x3cc: {  	[sflag:s19] =	ssyncadd.s32 $0xFFFFF000  }
0x3cd: {  	[spmem:s16] =	stream.linear.scatter [tilespmem:s18], [sflag:$0x3], $0x1000, $0x38;
	[tilespmem:$0x1F800] =	vst v63  }
0x3ce: {  	_ =	swait.ge [sflag:s19], $0x1000  }
0x3cf: {  	[sflag:s19] =	ssyncset.done $0x0  }
0x3d0: {  	[sflag:s19] =	ssyncadd.s32 $0xFFFFF000  }
0x3d1: {  	[spmem:s17] =	stream.linear.scatter [tilespmem:s18], [sflag:$0x3], $0x1000, $0x38;
	[tilespmem:$0x1F800] =	vst v63  }
0x3d2: {  	_ =	swait.ge [sflag:s19], $0x1000  }
0x3d3: {  	[sflag:s19] =	ssyncset.done $0x0  }
0x3d4: {  	[sflag:s19] =	ssyncadd.s32 $0xFFFFF000  }
0x3d5: {  	[bflag:$0x0] =	sbarrier.arrive $0xFFFF  }
0x3d6: {  	_ =	swait.ge [sflag:s23], $0x4000  }
0x3d7: {  	[sflag:s23] =	ssyncset.done $0x0  }
0x3d8: {  	s28 =	simm.s32 $0x1400;
	[sflag:s23] =	ssyncadd.s32 $0xFFFFC000  }
0x3d9: {  	[spmem:s2] =	stream.indirect.scatter.add.f32 [tilespmem:s21], [sflag:$0x3], $0x80, s28, s20, $0xb8;
	[tilespmem:$0x1F800] =	vst v63  }
0x3da: {  	_ =	swait.ge [sflag:s19], $0x4000  }
0x3db: {  	[sflag:s19] =	ssyncset.done $0x0  }
0x3dc: {  	s26 =	simm.s32 $0x100;
	[sflag:s19] =	ssyncadd.s32 $0xFFFFC000  }
0x3dd: {  	[tilespmem:s21], [sflag:$0x1] =	stream.indirect.gather [hbm4b:s4+s20], $0x80, s26, s20, $0xb8;
	[tilespmem:$0x1F800] =	vst v63  }
0x3de: {  	_ =	swait.ge [sflag:s24], $0x4000  }
0x3df: {  	[sflag:s24] =	ssyncset.done $0x0  }
0x3e0: {  	s28 =	simm.s32 $0x1480;
	[sflag:s24] =	ssyncadd.s32 $0xFFFFC000  }
0x3e1: {  	[spmem:s2] =	stream.indirect.scatter.add.f32 [tilespmem:s22], [sflag:$0x3], $0x80, s28, s20, $0xb8;
	[tilespmem:$0x1F800] =	vst v63  }
0x3e2: {  	_ =	swait.ge [sflag:s19], $0x4000  }
0x3e3: {  	[sflag:s19] =	ssyncset.done $0x0  }
0x3e4: {  	s25 =	simm.s32 $0x400;
	s26 =	simm.s32 $0x180;
	[sflag:s19] =	ssyncadd.s32 $0xFFFFC000  }
.LBB2_14:
0x3e5: {  	[tilespmem:s22], [sflag:$0x2] =	stream.indirect.gather [hbm4b:s4+s20], $0x80, s26, s20, $0xb8;
	[tilespmem:$0x1F800] =	vst v63  }
0x3e6: {  	s26 =	smov.u32 s25  }
0x3e7: {  	p0 =	sne.s32 s25, $0x4800;
	s25 =	sadd.s32 $0x400, s25;
	_ =	swait.ge [sflag:s23], $0x4000  }
0x3e8: {  	s26 =	sshra.s32 s26, $0x2;
	[sflag:s23] =	ssyncset.done $0x0  }
0x3e9: {  	s28 =	sadd.s32 $0x1400, s26;
	[sflag:s23] =	ssyncadd.s32 $0xFFFFC000  }
0x3ea: {  	[spmem:s2] =	stream.indirect.scatter.add.f32 [tilespmem:s21], [sflag:$0x3], $0x80, s28, s20, $0xb8;
	[tilespmem:$0x1F800] =	vst v63  }
0x3eb: {  	_ =	swait.ge [sflag:s19], $0x4000  }
0x3ec: {  	[sflag:s19] =	ssyncset.done $0x0  }
0x3ed: {  	s28 =	sadd.s32 $0x100, s26;
	[sflag:s19] =	ssyncadd.s32 $0xFFFFC000  }
0x3ee: {  	[tilespmem:s21], [sflag:$0x1] =	stream.indirect.gather [hbm4b:s4+s20], $0x80, s28, s20, $0xb8;
	[tilespmem:$0x1F800] =	vst v63  }
0x3ef: {  	_ =	swait.ge [sflag:s24], $0x4000  }
0x3f0: {  	[sflag:s24] =	ssyncset.done $0x0  }
.Ltmp6:
0x3f1: {  	s28 =	sadd.s32 $0x1480, s26;
	[sflag:s24] =	ssyncadd.s32 $0xFFFFC000;
	(pc) =	sbr.rel @p0 .LBB2_14-.Ltmp6, $4  }
0x3f2: {  	[spmem:s2] =	stream.indirect.scatter.add.f32 [tilespmem:s22], [sflag:$0x3], $0x80, s28, s20, $0xb8;
	[tilespmem:$0x1F800] =	vst v63  }
0x3f3: {  	_ =	swait.ge [sflag:s19], $0x4000  }
0x3f4: {  	[sflag:s19] =	ssyncset.done $0x0  }
0x3f5: {  	s26 =	sadd.s32 $0x180, s26;
	[sflag:s19] =	ssyncadd.s32 $0xFFFFC000  }
0x3f6: {  	[tilespmem:s22], [sflag:$0x2] =	stream.indirect.gather [hbm4b:s4+s20], $0x80, s26, s20, $0xb8;
	[tilespmem:$0x1F800] =	vst v63  }
0x3f7: {  	_ =	swait.ge [sflag:s23], $0x4000  }
0x3f8: {  	[sflag:s23] =	ssyncset.done $0x0  }
0x3f9: {  	s25 =	simm.s32 $0x2700;
	[sflag:s23] =	ssyncadd.s32 $0xFFFFC000  }
0x3fa: {  	[spmem:s2] =	stream.indirect.scatter.add.f32 [tilespmem:s21], [sflag:$0x3], $0x80, s25, s20, $0xb8;
	[tilespmem:$0x1F800] =	vst v63  }
0x3fb: {  	_ =	swait.ge [sflag:s19], $0x4000  }
0x3fc: {  	[sflag:s19] =	ssyncset.done $0x0  }
0x3fd: {  	[sflag:s19] =	ssyncadd.s32 $0xFFFFC000  }
0x3fe: {  	_ =	swait.ge [sflag:s24], $0x4000  }
0x3ff: {  	[sflag:s24] =	ssyncset.done $0x0  }
0x400: {  	s26 =	simm.s32 $0x2780;
	[sflag:s24] =	ssyncadd.s32 $0xFFFFC000  }
0x401: {  	[spmem:s2] =	stream.indirect.scatter.add.f32 [tilespmem:s22], [sflag:$0x3], $0x80, s26, s20, $0xb8;
	[tilespmem:$0x1F800] =	vst v63  }
0x402: {  	_ =	swait.ge [sflag:s19], $0x4000  }
0x403: {  	[sflag:s19] =	ssyncset.done $0x0  }
0x404: {  	s25 =	simm.s32 $0x0;
	s28 =	rddreg [dreg:$0x13];
	[sflag:s19] =	ssyncadd.s32 $0xFFFFC000  }
0x405: {  	[tilespmem:s25], [sflag:$0x3] =	stream.linear.gather [hbm4b:s28+s25], $0x1400, $0x38;
	[tilespmem:$0x1F800] =	vst v63  }
0x406: {  	_ =	swait.ge [sflag:s19], $0x1400  }
0x407: {  	[sflag:s19] =	ssyncset.done $0x0  }
0x408: {  	[sflag:s19] =	ssyncadd.s32 $0xFFFFEC00  }
0x409: {  	[tilespmem:s21], [sflag:$0x1] =	stream.indirect.gather [hbm4b:s4+s20], $0x80, s25, s20, $0xb8;
	[tilespmem:$0x1F800] =	vst v63  }
0x40a: {  	_ = 	snop  }
0x40b: {  	[tilespmem:s22], [sflag:$0x2] =	stream.indirect.gather [hbm4b:s4+s20], $0x80, s20, s20, $0xb8;
	[tilespmem:$0x1F800] =	vst v63  }
0x40c: {  	[bflag:$0x0] =	sbarrier.arrive $0xFFFF  }
0x40d: {  	s28 =	rddreg [dreg:$0x14]  }
0x40e: {  	[hbm:s28], [sflag:s3] =	dma.local [spmem:s7], $0x2800  }
0x40f: {  	_ =	swait.ge [sflag:s19], $0x2800  }
0x410: {  	[sflag:s19] =	ssyncset.done $0x0  }
0x411: {  	[sflag:s19] =	ssyncadd.s32 $0xFFFFD800  }
0x412: {  	[spmem:s13] =	stream.linear.scatter [tilespmem:s18], [sflag:$0x3], $0x1000, $0x38;
	[tilespmem:$0x1F800] =	vst v63  }
0x413: {  	_ =	swait.ge [sflag:s19], $0x1000  }
0x414: {  	[sflag:s19] =	ssyncset.done $0x0  }
0x415: {  	s26 =	rddreg [dreg:$0x17];
	[sflag:s19] =	ssyncadd.s32 $0xFFFFF000  }
0x416: {  	[spmem:s26] =	stream.linear.scatter [tilespmem:s18], [sflag:$0x3], $0x1000, $0x38;
	[tilespmem:$0x1F800] =	vst v63  }
0x417: {  	_ =	swait.ge [sflag:s19], $0x1000  }
0x418: {  	[sflag:s19] =	ssyncset.done $0x0  }
0x419: {  	s28 =	rddreg [dreg:$0x18];
	[sflag:s19] =	ssyncadd.s32 $0xFFFFF000  }
0x41a: {  	[spmem:s28] =	stream.linear.scatter [tilespmem:s18], [sflag:$0x3], $0x1000, $0x38;
	[tilespmem:$0x1F800] =	vst v63  }
0x41b: {  	_ =	swait.ge [sflag:s19], $0x1000  }
0x41c: {  	[sflag:s19] =	ssyncset.done $0x0  }
0x41d: {  	s26 =	rddreg [dreg:$0x19];
	[sflag:s19] =	ssyncadd.s32 $0xFFFFF000  }
0x41e: {  	[spmem:s26] =	stream.linear.scatter [tilespmem:s18], [sflag:$0x3], $0x1000, $0x38;
	[tilespmem:$0x1F800] =	vst v63  }
0x41f: {  	_ =	swait.ge [sflag:s19], $0x1000  }
0x420: {  	[sflag:s19] =	ssyncset.done $0x0  }
0x421: {  	[sflag:s19] =	ssyncadd.s32 $0xFFFFF000  }
0x422: {  	[spmem:s29] =	stream.linear.scatter [tilespmem:s18], [sflag:$0x3], $0x1000, $0x38;
	[tilespmem:$0x1F800] =	vst v63  }
0x423: {  	_ =	swait.ge [sflag:s19], $0x1000  }
0x424: {  	[sflag:s19] =	ssyncset.done $0x0  }
0x425: {  	[sflag:s19] =	ssyncadd.s32 $0xFFFFF000  }
0x426: {  	[spmem:s30] =	stream.linear.scatter [tilespmem:s18], [sflag:$0x3], $0x1000, $0x38;
	[tilespmem:$0x1F800] =	vst v63  }
0x427: {  	_ =	swait.ge [sflag:s19], $0x1000  }
0x428: {  	[sflag:s19] =	ssyncset.done $0x0  }
0x429: {  	[sflag:s19] =	ssyncadd.s32 $0xFFFFF000  }
0x42a: {  	[spmem:s31] =	stream.linear.scatter [tilespmem:s18], [sflag:$0x3], $0x1000, $0x38;
	[tilespmem:$0x1F800] =	vst v63  }
0x42b: {  	_ =	swait.ge [sflag:s19], $0x1000  }
0x42c: {  	[sflag:s19] =	ssyncset.done $0x0  }
0x42d: {  	[sflag:s19] =	ssyncadd.s32 $0xFFFFF000  }
0x42e: {  	[spmem:s1] =	stream.linear.scatter [tilespmem:s18], [sflag:$0x3], $0x1000, $0x38;
	[tilespmem:$0x1F800] =	vst v63  }
0x42f: {  	_ =	swait.ge [sflag:s19], $0x1000  }
0x430: {  	[sflag:s19] =	ssyncset.done $0x0  }
0x431: {  	[sflag:s19] =	ssyncadd.s32 $0xFFFFF000  }
0x432: {  	[spmem:s0] =	stream.linear.scatter [tilespmem:s18], [sflag:$0x3], $0x1000, $0x38;
	[tilespmem:$0x1F800] =	vst v63  }
0x433: {  	_ =	swait.ge [sflag:s19], $0x1000  }
0x434: {  	[sflag:s19] =	ssyncset.done $0x0  }
0x435: {  	[sflag:s19] =	ssyncadd.s32 $0xFFFFF000  }
0x436: {  	[spmem:s5] =	stream.linear.scatter [tilespmem:s18], [sflag:$0x3], $0x1000, $0x38;
	[tilespmem:$0x1F800] =	vst v63  }
0x437: {  	_ =	swait.ge [sflag:s19], $0x1000  }
0x438: {  	[sflag:s19] =	ssyncset.done $0x0  }
0x439: {  	[sflag:s19] =	ssyncadd.s32 $0xFFFFF000  }
0x43a: {  	[spmem:s6] =	stream.linear.scatter [tilespmem:s18], [sflag:$0x3], $0x1000, $0x38;
	[tilespmem:$0x1F800] =	vst v63  }
0x43b: {  	_ =	swait.ge [sflag:s19], $0x1000  }
0x43c: {  	[sflag:s19] =	ssyncset.done $0x0  }
0x43d: {  	[sflag:s19] =	ssyncadd.s32 $0xFFFFF000  }
0x43e: {  	[spmem:s8] =	stream.linear.scatter [tilespmem:s18], [sflag:$0x3], $0x1000, $0x38;
	[tilespmem:$0x1F800] =	vst v63  }
0x43f: {  	_ =	swait.ge [sflag:s19], $0x1000  }
0x440: {  	[sflag:s19] =	ssyncset.done $0x0  }
0x441: {  	[sflag:s19] =	ssyncadd.s32 $0xFFFFF000  }
0x442: {  	[spmem:s9] =	stream.linear.scatter [tilespmem:s18], [sflag:$0x3], $0x1000, $0x38;
	[tilespmem:$0x1F800] =	vst v63  }
0x443: {  	_ =	swait.ge [sflag:s19], $0x1000  }
0x444: {  	[sflag:s19] =	ssyncset.done $0x0  }
0x445: {  	[sflag:s19] =	ssyncadd.s32 $0xFFFFF000  }
0x446: {  	[spmem:s10] =	stream.linear.scatter [tilespmem:s18], [sflag:$0x3], $0x1000, $0x38;
	[tilespmem:$0x1F800] =	vst v63  }
0x447: {  	_ =	swait.ge [sflag:s19], $0x1000  }
0x448: {  	[sflag:s19] =	ssyncset.done $0x0  }
0x449: {  	[sflag:s19] =	ssyncadd.s32 $0xFFFFF000  }
0x44a: {  	[spmem:s11] =	stream.linear.scatter [tilespmem:s18], [sflag:$0x3], $0x1000, $0x38;
	[tilespmem:$0x1F800] =	vst v63  }
0x44b: {  	_ =	swait.ge [sflag:s19], $0x1000  }
0x44c: {  	[sflag:s19] =	ssyncset.done $0x0  }
0x44d: {  	[sflag:s19] =	ssyncadd.s32 $0xFFFFF000  }
0x44e: {  	[spmem:s12] =	stream.linear.scatter [tilespmem:s18], [sflag:$0x3], $0x1000, $0x38;
	[tilespmem:$0x1F800] =	vst v63  }
0x44f: {  	_ =	swait.ge [sflag:s19], $0x1000  }
0x450: {  	[sflag:s19] =	ssyncset.done $0x0  }
0x451: {  	[sflag:s19] =	ssyncadd.s32 $0xFFFFF000  }
0x452: {  	[spmem:s14] =	stream.linear.scatter [tilespmem:s18], [sflag:$0x3], $0x1000, $0x38;
	[tilespmem:$0x1F800] =	vst v63  }
0x453: {  	_ =	swait.ge [sflag:s19], $0x1000  }
0x454: {  	[sflag:s19] =	ssyncset.done $0x0  }
0x455: {  	[sflag:s19] =	ssyncadd.s32 $0xFFFFF000  }
0x456: {  	[spmem:s15] =	stream.linear.scatter [tilespmem:s18], [sflag:$0x3], $0x1000, $0x38;
	[tilespmem:$0x1F800] =	vst v63  }
0x457: {  	_ =	swait.ge [sflag:s19], $0x1000  }
0x458: {  	[sflag:s19] =	ssyncset.done $0x0  }
0x459: {  	[sflag:s19] =	ssyncadd.s32 $0xFFFFF000  }
0x45a: {  	[spmem:s16] =	stream.linear.scatter [tilespmem:s18], [sflag:$0x3], $0x1000, $0x38;
	[tilespmem:$0x1F800] =	vst v63  }
0x45b: {  	_ =	swait.ge [sflag:s19], $0x1000  }
0x45c: {  	[sflag:s19] =	ssyncset.done $0x0  }
0x45d: {  	[sflag:s19] =	ssyncadd.s32 $0xFFFFF000  }
0x45e: {  	[spmem:s17] =	stream.linear.scatter [tilespmem:s18], [sflag:$0x3], $0x1000, $0x38;
	[tilespmem:$0x1F800] =	vst v63  }
0x45f: {  	_ =	swait.ge [sflag:s19], $0x1000  }
0x460: {  	[sflag:s19] =	ssyncset.done $0x0  }
0x461: {  	[sflag:s19] =	ssyncadd.s32 $0xFFFFF000  }
0x462: {  	[bflag:$0x0] =	sbarrier.arrive $0xFFFF  }
0x463: {  	_ =	swait.ge [sflag:s23], $0x4000  }
0x464: {  	[sflag:s23] =	ssyncset.done $0x0  }
0x465: {  	s28 =	simm.s32 $0x1400;
	[sflag:s23] =	ssyncadd.s32 $0xFFFFC000  }
0x466: {  	[spmem:s2] =	stream.indirect.scatter.add.f32 [tilespmem:s21], [sflag:$0x3], $0x80, s28, s20, $0xb8;
	[tilespmem:$0x1F800] =	vst v63  }
0x467: {  	_ =	swait.ge [sflag:s19], $0x4000  }
0x468: {  	[sflag:s19] =	ssyncset.done $0x0  }
0x469: {  	s26 =	simm.s32 $0x100;
	[sflag:s19] =	ssyncadd.s32 $0xFFFFC000  }
0x46a: {  	[tilespmem:s21], [sflag:$0x1] =	stream.indirect.gather [hbm4b:s4+s20], $0x80, s26, s20, $0xb8;
	[tilespmem:$0x1F800] =	vst v63  }
0x46b: {  	_ =	swait.ge [sflag:s24], $0x4000  }
0x46c: {  	[sflag:s24] =	ssyncset.done $0x0  }
0x46d: {  	s28 =	simm.s32 $0x1480;
	[sflag:s24] =	ssyncadd.s32 $0xFFFFC000  }
0x46e: {  	[spmem:s2] =	stream.indirect.scatter.add.f32 [tilespmem:s22], [sflag:$0x3], $0x80, s28, s20, $0xb8;
	[tilespmem:$0x1F800] =	vst v63  }
0x46f: {  	_ =	swait.ge [sflag:s19], $0x4000  }
0x470: {  	[sflag:s19] =	ssyncset.done $0x0  }
0x471: {  	s25 =	simm.s32 $0x400;
	s26 =	simm.s32 $0x180;
	[sflag:s19] =	ssyncadd.s32 $0xFFFFC000  }
.LBB2_16:
0x472: {  	[tilespmem:s22], [sflag:$0x2] =	stream.indirect.gather [hbm4b:s4+s20], $0x80, s26, s20, $0xb8;
	[tilespmem:$0x1F800] =	vst v63  }
0x473: {  	s26 =	smov.u32 s25  }
0x474: {  	p0 =	sne.s32 s25, $0x4800;
	s25 =	sadd.s32 $0x400, s25;
	_ =	swait.ge [sflag:s23], $0x4000  }
0x475: {  	s26 =	sshra.s32 s26, $0x2;
	[sflag:s23] =	ssyncset.done $0x0  }
0x476: {  	s28 =	sadd.s32 $0x1400, s26;
	[sflag:s23] =	ssyncadd.s32 $0xFFFFC000  }
0x477: {  	[spmem:s2] =	stream.indirect.scatter.add.f32 [tilespmem:s21], [sflag:$0x3], $0x80, s28, s20, $0xb8;
	[tilespmem:$0x1F800] =	vst v63  }
0x478: {  	_ =	swait.ge [sflag:s19], $0x4000  }
0x479: {  	[sflag:s19] =	ssyncset.done $0x0  }
0x47a: {  	s28 =	sadd.s32 $0x100, s26;
	[sflag:s19] =	ssyncadd.s32 $0xFFFFC000  }
0x47b: {  	[tilespmem:s21], [sflag:$0x1] =	stream.indirect.gather [hbm4b:s4+s20], $0x80, s28, s20, $0xb8;
	[tilespmem:$0x1F800] =	vst v63  }
0x47c: {  	_ =	swait.ge [sflag:s24], $0x4000  }
0x47d: {  	[sflag:s24] =	ssyncset.done $0x0  }
.Ltmp7:
0x47e: {  	s28 =	sadd.s32 $0x1480, s26;
	[sflag:s24] =	ssyncadd.s32 $0xFFFFC000;
	(pc) =	sbr.rel @p0 .LBB2_16-.Ltmp7, $4  }
0x47f: {  	[spmem:s2] =	stream.indirect.scatter.add.f32 [tilespmem:s22], [sflag:$0x3], $0x80, s28, s20, $0xb8;
	[tilespmem:$0x1F800] =	vst v63  }
0x480: {  	_ =	swait.ge [sflag:s19], $0x4000  }
0x481: {  	[sflag:s19] =	ssyncset.done $0x0  }
0x482: {  	s26 =	sadd.s32 $0x180, s26;
	[sflag:s19] =	ssyncadd.s32 $0xFFFFC000  }
0x483: {  	[tilespmem:s22], [sflag:$0x2] =	stream.indirect.gather [hbm4b:s4+s20], $0x80, s26, s20, $0xb8;
	[tilespmem:$0x1F800] =	vst v63  }
0x484: {  	_ =	swait.ge [sflag:s23], $0x4000  }
0x485: {  	[sflag:s23] =	ssyncset.done $0x0  }
0x486: {  	s25 =	simm.s32 $0x2700;
	[sflag:s23] =	ssyncadd.s32 $0xFFFFC000  }
0x487: {  	[spmem:s2] =	stream.indirect.scatter.add.f32 [tilespmem:s21], [sflag:$0x3], $0x80, s25, s20, $0xb8;
	[tilespmem:$0x1F800] =	vst v63  }
0x488: {  	_ =	swait.ge [sflag:s19], $0x4000  }
0x489: {  	[sflag:s19] =	ssyncset.done $0x0  }
0x48a: {  	[sflag:s19] =	ssyncadd.s32 $0xFFFFC000  }
0x48b: {  	_ =	swait.ge [sflag:s24], $0x4000  }
0x48c: {  	[sflag:s24] =	ssyncset.done $0x0  }
0x48d: {  	s26 =	simm.s32 $0x2780;
	[sflag:s24] =	ssyncadd.s32 $0xFFFFC000  }
0x48e: {  	[spmem:s2] =	stream.indirect.scatter.add.f32 [tilespmem:s22], [sflag:$0x3], $0x80, s26, s20, $0xb8;
	[tilespmem:$0x1F800] =	vst v63  }
0x48f: {  	_ =	swait.ge [sflag:s19], $0x4000  }
0x490: {  	[sflag:s19] =	ssyncset.done $0x0  }
0x491: {  	[sflag:s19] =	ssyncadd.s32 $0xFFFFC000  }
0x492: {  	[bflag:$0x0] =	sbarrier.arrive $0xFFFF  }
0x493: {  	s28 =	rddreg [dreg:$0x15]  }
0x494: {  	[hbm:s28], [sflag:s3] =	dma.local [spmem:s7], $0x2800  }
0x495: {  	_ =	swait.ge [sflag:s19], $0x2800  }
0x496: {  	s26 =	rddreg [dreg:$0x1a]  }
0x497: {  	s28 =	rddreg [dreg:$0x16];
	s7 =	sadd.s32 $0x1, s26  }
0x498: {  	p0 =	sne.s32 s7, s28  }
.Ltmp8:
0x499: {  	_ = 	snop;
	(pc) =	sbr.rel @p0 .LBB2_1-.Ltmp8, $3  }
0x49a: {  	[sflag:s19] =	ssyncset.done $0x0  }
0x49b: {  	[sflag:s19] =	ssyncadd.s32 $0xFFFFD800  }
0x49c: {  	[bflag:$0x0] =	sbarrier.arrive $0xFFFF;
	_ =	sdelay $0x1  }
0x49d: {  	_ =	sfence.sel $0x180000  }
0x49e: {  	[bflag:$0x0] =	sbarrier.arrive $0xFFFF  }
0x49f: {  	_ =	strace $0x9000004D  }
0x4a0: {  	s0 =	stileid.u32;
	[bflag:$0x2] =	sbarrier.arrive $0xFFFF  }
0x4a1: {  	p0 =	sne.s32 s0, $0x0;
	s0 =	rddreg [dreg:$0x3]  }
0x4a2: {  	s0 =	sadd.s32 @!p0 $0x100000, s0  }
0x4a3: {  	[sflag:s0] =	ssyncadd.tile.s32 @!p0 $0x1;
	_ =	shalt  }
.Lfunc_end2:
_tile_overlayer_lowered:
.L_overlay_start_2:
0x4a4: {  	(tag) =	ssettag $0x2  }
0x4a5: {  	s0 =	rddreg [dreg:$0x0];
	s2 =	stileid.u32  }
0x4a6: {  	s1 =	rddreg [dreg:$0x1];
	p0 =	sne.s32 s2, $0x0  }
0x4a7: {  	s3 =	rddreg [dreg:$0x2];
	[bflag:$0x3] =	sbarrier.arrive $0xFFFF;
	s2 =	simm.s32 @!p0 $0x1C03  }
0x4a8: {  	[timem:s3], [sflag:s2] =	dma.local @!p0 [hbm:s0], s1  }
0x4a9: {  	s0 =	simm.s32 @!p0 $0x3  }
0x4aa: {  	_ =	swait.ge @!p0 [sflag:s0], s1  }
0x4ab: {  	s1 =	ssub.s32 @!p0 $0x0, s1;
	[sflag:s0] =	ssyncset.done @!p0 $0x0  }
0x4ac: {  	[sflag:s0] =	ssyncadd.s32 @!p0 s1  }
0x4ad: {  	[bflag:$0x3] =	sbarrier.arrive $0xFFFF  }
0x4ae: {  	_ =	shalt  }

// kernel: sparse-core-data-format-call.cloned.1.call-start
scs
called_computation_lowered:
.L_overlay_start_0:
0x0: {  	s2 =	sld [smem:$0x3FD9]  }
0x1: {  	s3 =	sld [smem:$0x3FFE];
	_ =	sdelay $0x1  }
0x2: {  	s1 =	srdreg.scid  }
0x3: {  	s0 =	sand.u32 $0x1, s1  }
0x4: {  	s18 =	sshll.u32 s0, $0xA;
	s2 =	sadd.s32 s3, s2  }
0x5: {  	s2 =	sadd.s32 s2, s18  }
0x6: {  	[smem:$0x3FBD] =	sst s2  }
0x7: {  	_ = 	snop  }
0x8: {  	(tm) =	ssettm $0x1  }
0x9: {  	s19 =	sld [smem:$0x3FFB];
	_ =	sdelay $0x3  }
0xa: {  	_ =	strace s19  }
0xb: {  	s2 =	sld [smem:$0x3FFC];
	_ =	sdelay $0x3  }
0xc: {  	_ =	strace s2  }
0xd: {  	s2 =	sld [smem:$0x3FFD];
	_ =	sdelay $0x3  }
0xe: {  	_ =	strace s2  }
0xf: {  	_ =	strace $0x8FFFFFFF  }
0x10: {  	s20 =	sld [smem:$0x3FDB];
	_ =	sdelay $0x1  }
0x11: {  	s21 =	simm.s32 $_scs_section_size  }
0x12: {  	s4 =	simm.s32 $_size__tile_overlayer_lowered;
	s5 =	simm.s32 $_tile_overlayer_lowered  }
0x13: {  	s6 =	simm.s32 $0x1BFF;
	s22 =	sshll.u32 s5, $0x1;
	s3 =	sadd.s32 s21, s20  }
0x14: {  	s23 =	simm.s32 $0x0;
	s4 =	sshll.u32 s4, $0x1;
	s5 =	sadd.s32 s22, s3  }
0x15: {  	[timem:s23], [sflag:s6] =	dma.local [hbm:s5], s4  }
0x16: {  	_ =	swait.ge [sflag:s6], s4  }
0x17: {  	s4 =	ssub.s32 $0x0, s4;
	[sflag:s6] =	ssyncset.done $0x0  }
0x18: {  	[sflag:s6] =	ssyncadd.s32 s4;
	_ =	sdelay $0x1  }
0x19: {  	s24 =	simm.s32 $0x1B8B  }
0x1a: {  	_ =	swait.ge [sflag:s24], $0x1  }
0x1b: {  	[sflag:s24] =	ssyncset.done $0x0  }
0x1c: {  	[sflag:s24] =	ssyncadd.s32 $0xFFFFFFFF  }
0x1d: {  	s4 =	sld [smem:$0x0]  }
0x1e: {  	s5 =	sand.u32 $0xFFFFFFFE, s1  }
0x1f: {  	p0 =	sne.s32 s1, s5  }
0x20: {  	s5 =	sshll.u32 @p0 s5, $0xE  }
0x21: {  	s5 =	sadd.s32 @p0 $0x11B8D, s5;
	s6 =	sshll.u32 @p0 s4, $0x11  }
0x22: {  	s5 =	sor.u32 @p0 s6, s5  }
0x23: {  	[sflag:s5] =	ssyncadd.remote.s32 @p0 $0x1;
	_ =	sdelay $0x1  }
0x24: {  	s5 =	simm.s32 @p0 $0x1B8D  }
0x25: {  	_ =	swait.eq @p0 [sflag:s5], $0x1  }
0x26: {  	[sflag:s5] =	ssyncadd.s32 @p0 $0xFFFFFFFF  }
0x27: {  	s6 =	sshll.u32 @!p0 s1, $0xE  }
0x28: {  	s6 =	sor.u32 @!p0 $0x4000, s6;
	s5 =	simm.s32 @!p0 $0x1B8D  }
0x29: {  	s4 =	sshll.u32 @!p0 s4, $0x11;
	s6 =	sadd.s32 @!p0 $0x11B8D, s6;
	_ =	swait.eq @!p0 [sflag:s5], $0x1  }
0x2a: {  	s4 =	sor.u32 @!p0 s4, s6;
	[sflag:s5] =	ssyncadd.s32 @!p0 $0xFFFFFFFF  }
0x2b: {  	s26 =	simm.s32 $0x1B8E;
	s25 =	sld [smem:$0x3FFE];
	[sflag:s4] =	ssyncadd.remote.s32 @!p0 $0x1  }
0x2c: {  	s27 =	simm.s32 $execute0_lowered;
	[smem:$0x3FD2] =	sst s26  }
0x2d: {  	s5 =	sshll.u32 s27, $0x1;
	_ =	strace $0x80000049;
	[dreg:$0x1] =	wrdreg $0xFFFFFFFF  }
0x2e: {  	s28 =	simm.s32 $_size_execute0_lowered;
	s3 =	sadd.s32 s3, s5;
	[dreg:$0x0] =	wrdreg $0x0  }
0x2f: {  	s5 =	sshll.u32 s28, $0x1;
	[dreg:$0x2] =	wrdreg s3  }
0x30: {  	[dreg:$0x3] =	wrdreg s5  }
0x31: {  	[dreg:$0x4] =	wrdreg $0xC0  }
0x32: {  	_ =	task [dreg:s23], $0x5FFFF  }
0x33: {  	[dreg:$0x1] =	wrdreg $0xFFFFFFFF  }
0x34: {  	[dreg:$0x0] =	wrdreg $0x60  }
0x35: {  	[dreg:$0x2] =	wrdreg s25  }
0x36: {  	[dreg:$0x3] =	wrdreg $0x9  }
0x37: {  	_ =	task.clear_ibuf [dreg:s23], $0x4FFFF;
	_ =	strace $0x90000049  }
0x38: {  	s29 =	simm.s32 $0x9;
	_ =	strace $0x8000004B  }
0x39: {  	_ =	swait.ge [sflag:s29], $0x1  }
0x3a: {  	[sflag:s29] =	ssyncadd.s32 $0xFFFFFFFF  }
0x3b: {  	_ =	strace $0x9000004B  }
0x3c: {  	_ =	sfence  }
0x3d: {  	s30 =	sld [smem:$0x0];
	_ =	sdelay $0x2  }
0x3e: {  	s31 =	sshll.u32 s1, $0xD;
	s1 =	sshrl.u32 s1, $0x2  }
0x3f: {  	s4 =	sand.u32 $0x4000, s31;
	s1 =	sadd.s32 s1, s30  }
0x40: {  	s0 =	sor.u32 s4, s0;
	s1 =	sshll.u32 s1, $0x11  }
0x41: {  	s0 =	sor.u32 s1, s0  }
0x42: {  	s0 =	sadd.s32 $0x8F2B, s0  }
0x43: {  	[sflag:s0] =	ssyncadd.remote.s32 $0x1  }
0x44: {  	_ =	sfence.sel $0xFFFF  }
0x45: {  	[dreg:$0x0] =	wrdreg $0xFFFFFFFF;
	(pc) =	sbr.abs _section_cstart, $3  }
0x46: {  	[dreg:$0x1] =	wrdreg $0xFFFFFFFF  }
0x47: {  	_ =	task.clear_ibuf [dreg:s23], $0x2FFFF;
	_ =	strace $0x9FFFFFFF  }
0x48: {  	(tm) =	ssettm $0x7FFFFFFF  }
0x49: {  	_ =	shalt  }
tec
execute0_lowered:
.L_overlay_start_1:
0x0: {  	(tag) =	ssettag $0x1  }
0x1: {  	s0 =	srdreg.scid  }
0x2: {  	s5 =	rddreg [dreg:$0x0];
	s1 =	sshll.u32 s0, $0x4  }
0x3: {  	s4 =	simm.s32 $0x1;
	s0 =	stileid.u32;
	s1 =	sand.u32 $0x10, s1  }
0x4: {  	s8 =	simm.s32 $0x2;
	s13 =	simm.s32 $0x0;
	s2 =	sor.u32 s0, s1  }
0x5: {  	s9 =	simm.s32 $0x271000;
	s10 =	simm.s32 $0x0;
	s2 =	sshll.u32 s2, $0x5  }
0x6: {  	s12 =	simm.s32 $0x0;
	s3 =	sadd.s32 $0x16400, s5;
	s6 =	ssub.s32 $0x4E20, s2  }
.Ltmp0:
0x7: {  	s1 =	rddreg [dreg:$0x1];
	s7 =	sand.u32 $0x3E0, s6;
	(pc) =	sbr.rel .LBB1_1-.Ltmp0, $4  }
0x8: {  	_ =	strace $0x8000004A;
	p0 =	sne.s32 s7, $0x0;
	s7 =	simm.s32 $0x1  }
0x9: {  	[sflag:s4] =	ssyncpa.u1 $0x0;
	s6 =	sshrl.u32 s6, $0xA;
	s7 =	simm.s32 @!p0 $0x0  }
0xa: {  	s5 =	sadd.s32 $0x14EC00, s5;
	[sflag:s8] =	ssyncpa.u1 $0x0;
	s6 =	sadd.s32 s7, s6  }
0xb: {  	s8 =	simm.s32 $0x1000;
	s11 =	smov.u32 s2;
	s7 =	sadd.s32 $0x1, s6  }
.LBB1_7:
0xc: {  	s15 =	sadd.s32 $0x400, s11  }
0xd: {  	p1 =	sgt.s32 s15, $0x4E1F  }
0xe: {  	s15 =	smov.u32 @p1 s2;
	p1 =	sne.s32 s12, s7  }
.Ltmp1:
0xf: {  	p0 =	slt.u32 s12, $0x2;
	(pc) =	sbr.rel @!p1 .LBB1_8-.Ltmp1, $4  }
0x10: {  	s14 =	simm.s32 @!p0 $0x2  }
0x11: {  	s16 =	sadd.s32 $0x1, s12;
	_ =	swait.ge @!p0 [sflag:s14], $0x4000  }
0x12: {  	s13 =	smov.u32 s11;
	s10 =	sadd.s32 $0x4000, s10;
	[sflag:s14] =	ssyncset.done @!p0 $0x0  }
0x13: {  	s12 =	smov.u32 s16;
	s11 =	smov.u32 s15;
	[sflag:s14] =	ssyncadd.s32 @!p0 $0xFFFFC000  }
.LBB1_1:
0x14: {  	p0 =	sge.u32 s12, s6  }
0x15: {  	s14 =	sxor.u32 @!p0 $0xFFFFFFFF, s12  }
0x16: {  	s31 =	sadd.s32 $0xFFFFFFFF, s12;
	s15 =	sshll.u32 @!p0 s11, $0x6;
	s14 =	sshll.u32 @!p0 s14, $0xE  }
0x17: {  	s16 =	simm.s32 @!p0 $0x0;
	s15 =	sadd.s32 @!p0 s3, s15;
	s14 =	sand.u32 @!p0 $0x4000, s14  }
0x18: {  	[tilespmem:s14], [sflag:$0x1] =	stream.linear.gather @!p0 [hbm4b:s15+s16], $0x4000, $0x38;
	[tilespmem:$0x10000] =	vst v63  }
0x19: {  	p0 =	sge.u32 s31, s6  }
.Ltmp2:
0x1a: {  	_ = 	snop;
	(pc) =	sbr.rel @p0 .LBB1_7-.Ltmp2, $1  }
0x1b: {  	_ =	sdelay $0x3  }
0x1c: {  	s14 =	sand.u32 $0x4000, s10  }
0x1d: {  	_ =	swait.ge [sflag:s4], $0x4000;
	s17 =	sshll.u32 s12, $0xE;
	s15 =	sor.u32 $0x8040, s14  }
0x1e: {  	s16 =	sor.u32 $0x40, s14;
	[sflag:s4] =	ssyncset.done $0x0;
	s31 =	sand.u32 $0x4000, s17  }
0x1f: {  	s17 =	simm.s32 $0x0;
	[sflag:s4] =	ssyncadd.s32 $0xFFFFC000;
	s14 =	sor.u32 $0x8000, s31  }
.LBB1_3:
0x20: {  	v0 =	vmov s16;
	_ =	sdelay $0x3  }
0x21: {  	s19 =	simm.s32 $0x0  }
0x22: {  	v6 =	vld.idx.msk [tilespmem:v0+s19+$0x30 ss:$0x1], $0xffff  }
0x23: {  	v7 =	vld.idx.msk [tilespmem:v0+s19+$0xFFFFFFC0 ss:$0x1], $0xffff  }
0x24: {  	v5 =	vld.idx.msk [tilespmem:v0+s19+$0xFFFFFFD0 ss:$0x1], $0xffff  }
0x25: {  	v4 =	vld.idx.msk [tilespmem:v0+s19+$0xFFFFFFE0 ss:$0x1], $0xffff  }
0x26: {  	v3 =	vld.idx.msk [tilespmem:v0+s19+$0xFFFFFFF0 ss:$0x1], $0xffff  }
0x27: {  	v1 =	vld.idx.msk [tilespmem:v0+s19+$0x0 ss:$0x1], $0xffff  }
0x28: {  	v2 =	vld.idx.msk [tilespmem:v0+s19+$0x10 ss:$0x1], $0xffff;
	[tilespmem:s15+$0x30] =	vst v6  }
0x29: {  	s18 =	simm.s32 $0x80;
	s20 =	simm.s32 $0x400;
	[tilespmem:s15+$0xFFFFFFC0] =	vst v7;
	v6 =	vld.idx.msk [tilespmem:v0+s19+$0x20 ss:$0x1], $0xffff;
	s19 =	smov.u32 s15  }
.LBB1_4:
0x2a: {  	p0 =	sne.s32 s20, $0x600;
	v7 =	vld.idx.msk [tilespmem:v0+s18+$0x30 ss:$0x1], $0xffff;
	[tilespmem:s19+$0xFFFFFFD0] =	vst v5  }
0x2b: {  	v8 =	vld.idx.msk [tilespmem:v0+s18+$0xFFFFFFC0 ss:$0x1], $0xffff;
	[tilespmem:s19+$0xFFFFFFE0] =	vst v4  }
0x2c: {  	v5 =	vld.idx.msk [tilespmem:v0+s18+$0xFFFFFFD0 ss:$0x1], $0xffff;
	[tilespmem:s19+$0xFFFFFFF0] =	vst v3  }
.Ltmp3:
0x2d: {  	v4 =	vld.idx.msk [tilespmem:v0+s18+$0xFFFFFFE0 ss:$0x1], $0xffff;
	[tilespmem:s19+$0x0] =	vst v1;
	(pc) =	sbr.rel @p0 .LBB1_4-.Ltmp3, $4  }
0x2e: {  	v3 =	vld.idx.msk [tilespmem:v0+s18+$0xFFFFFFF0 ss:$0x1], $0xffff;
	[tilespmem:s19+$0x10] =	vst v2  }
0x2f: {  	v1 =	vld.idx.msk [tilespmem:v0+s18+$0x0 ss:$0x1], $0xffff;
	[tilespmem:s19+$0x20] =	vst v6;
	s19 =	sadd.s32 $0x1000, s19  }
0x30: {  	v2 =	vld.idx.msk [tilespmem:v0+s18+$0x10 ss:$0x1], $0xffff;
	[tilespmem:s19+$0x30] =	vst v7  }
0x31: {  	[tilespmem:s19+$0xFFFFFFC0] =	vst v8;
	v6 =	vld.idx.msk [tilespmem:v0+s18+$0x20 ss:$0x1], $0xffff;
	s18 =	sshra.s32 s20, $0x2;
	s20 =	sadd.s32 $0x200, s20  }
0x32: {  	_ =	sdelay $0x2  }
0x33: {  	[tilespmem:s19+$0xFFFFFFD0] =	vst v5  }
0x34: {  	v56 =	vld.idx.msk [tilespmem:v0+s18+$0x30 ss:$0x1], $0xffff;
	[tilespmem:s19+$0xFFFFFFE0] =	vst v4  }
0x35: {  	v57 =	vld.idx.msk [tilespmem:v0+s18+$0xFFFFFFC0 ss:$0x1], $0xffff;
	[tilespmem:s19+$0xFFFFFFF0] =	vst v3  }
0x36: {  	v58 =	vld.idx.msk [tilespmem:v0+s18+$0xFFFFFFD0 ss:$0x1], $0xffff;
	[tilespmem:s19+$0x0] =	vst v1  }
0x37: {  	v59 =	vld.idx.msk [tilespmem:v0+s18+$0xFFFFFFE0 ss:$0x1], $0xffff;
	[tilespmem:s19+$0x10] =	vst v2  }
0x38: {  	v60 =	vld.idx.msk [tilespmem:v0+s18+$0xFFFFFFF0 ss:$0x1], $0xffff;
	s31 =	sadd.s32 $0x1000, s19;
	[tilespmem:s19+$0x20] =	vst v6  }
0x39: {  	v61 =	vld.idx.msk [tilespmem:v0+s18+$0x0 ss:$0x1], $0xffff;
	[tilespmem:s31+$0x30] =	vst v56  }
0x3a: {  	v62 =	vld.idx.msk [tilespmem:v0+s18+$0x10 ss:$0x1], $0xffff;
	s17 =	sadd.s32 $0x1, s17;
	[tilespmem:s31+$0xFFFFFFC0] =	vst v57  }
0x3b: {  	v63 =	vld.idx.msk [tilespmem:v0+s18+$0x20 ss:$0x1], $0xffff;
	p0 =	sne.s32 s17, $0x20;
	[tilespmem:s31+$0xFFFFFFD0] =	vst v58  }
.Ltmp4:
0x3c: {  	[tilespmem:s31+$0xFFFFFFE0] =	vst v59;
	(pc) =	sbr.rel @p0 .LBB1_3-.Ltmp4, $4  }
0x3d: {  	[tilespmem:s31+$0xFFFFFFF0] =	vst v60  }
0x3e: {  	[tilespmem:s31+$0x0] =	vst v61  }
0x3f: {  	[tilespmem:s31+$0x10] =	vst v62  }
0x40: {  	s15 =	sadd.s32 $0x80, s15;
	s16 =	sadd.s32 $0x200, s16;
	[tilespmem:s31+$0x20] =	vst v63  }
0x41: {  	s13 =	sand.u32 $0x1FFFFFF, s13  }
0x42: {  	s15 =	smulhi.u32 $0x1A36E2F, s13;
	_ =	sdelay $0x1  }
0x43: {  	s15 =	sshrl.u32 s15, $0x7  }
0x44: {  	s15 =	smul.u32 $0x4E20, s15  }
.Ltmp5:
0x45: {  	_ = 	snop;
	(pc) =	sbr.rel .LBB1_7-.Ltmp5, $4  }
0x46: {  	s13 =	ssub.s32 s13, s15  }
0x47: {  	s13 =	sshll.u32 s13, $0x4  }
0x48: {  	s13 =	sadd.s32 s5, s13  }
0x49: {  	[hbm4b:s13+s8] =	stream.strided.scatter [tilespmem:s14], [sflag:$0x2], $0x4000, s9, s8, $0x38;
	[tilespmem:$0x10000] =	vst v63  }
.LBB1_8:
0x4a: {  	_ =	sfence.sel $0x180000  }
0x4b: {  	s2 =	simm.s32 $0x1;
	[bflag:$0x0] =	sbarrier.arrive $0xFFFF  }
0x4c: {  	s31 =	simm.s32 $0x2;
	[sflag:s2] =	ssyncpa.u1 $0x1  }
0x4d: {  	[sflag:s31] =	ssyncpa.u1 $0x1  }
0x4e: {  	p0 =	sne.s32 s0, $0x0;
	_ =	strace $0x9000004A  }
0x4f: {  	s0 =	sadd.s32 @!p0 $0x100000, s1;
	[bflag:$0x2] =	sbarrier.arrive $0xFFFF  }
0x50: {  	[sflag:s0] =	ssyncadd.tile.s32 @!p0 $0x1;
	_ =	shalt  }
.Lfunc_end1:
_tile_overlayer_lowered:
.L_overlay_start_2:
0x51: {  	(tag) =	ssettag $0x2  }
0x52: {  	s0 =	rddreg [dreg:$0x0];
	s2 =	stileid.u32  }
0x53: {  	s1 =	rddreg [dreg:$0x1];
	p0 =	sne.s32 s2, $0x0  }
0x54: {  	s3 =	rddreg [dreg:$0x2];
	[bflag:$0x3] =	sbarrier.arrive $0xFFFF;
	s2 =	simm.s32 @!p0 $0x1C01  }
0x55: {  	[timem:s3], [sflag:s2] =	dma.local @!p0 [hbm:s0], s1  }
0x56: {  	s0 =	simm.s32 @!p0 $0x1  }
0x57: {  	_ =	swait.ge @!p0 [sflag:s0], s1  }
0x58: {  	s1 =	ssub.s32 @!p0 $0x0, s1;
	[sflag:s0] =	ssyncset.done @!p0 $0x0  }
0x59: {  	[sflag:s0] =	ssyncadd.s32 @!p0 s1  }
0x5a: {  	[bflag:$0x3] =	sbarrier.arrive $0xFFFF  }
0x5b: {  	_ =	shalt  }

</sc_bundles>
